<compile_context>
chip_gen: v7x
topology: tpu7x:2x2x1
jax: 0.10.2.dev20260603
libtpu: 0.0.44.dev20260713+nightly
codegen_flags: <defaults>
</compile_context>

<pallas_src>
import functools

import jax
import jax.numpy as jnp
from jax import lax
from jax.experimental import pallas as pl
from jax.experimental.pallas import tpu as pltpu
from jax.experimental.pallas import tpu_sc as plsc

_LANES = 16


def _tc_prep(form, lemma, word2d, n_blocks, n_morph, C):
    n_rows = 8 * ((2 * n_morph + 1 + 7) // 8)

    def body(f_ref, l_ref, w_ref, o_ref):
        o_ref[0, 0:n_morph, :] = jnp.transpose(f_ref[...], (1, 0))
        o_ref[0, n_morph:2 * n_morph, :] = jnp.transpose(l_ref[...], (1, 0))
        o_ref[0, 2 * n_morph:n_rows, :] = jnp.broadcast_to(
            w_ref[0], (n_rows - 2 * n_morph, C))

    return pl.pallas_call(
        body,
        grid=(n_blocks,),
        in_specs=[
            pl.BlockSpec((C, n_morph), lambda b: (b, 0)),
            pl.BlockSpec((C, n_morph), lambda b: (b, 0)),
            pl.BlockSpec((1, 1, C), lambda b: (b, 0, 0)),
        ],
        out_specs=pl.BlockSpec((1, n_rows, C), lambda b: (b, 0, 0)),
        out_shape=jax.ShapeDtypeStruct((n_blocks, n_rows, C), jnp.int32),
    )(form, lemma, word2d)


@functools.lru_cache(maxsize=None)
def _build_sc_kernel(n_tokens, n_rows, n_morph, n_ptab, emb_dim):
    info = plsc.get_sparse_core_info()
    num_cores, num_subcores = info.num_cores, info.num_subcores
    n_workers = num_cores * num_subcores
    tok_per_worker = n_tokens // n_workers
    C = 128
    n_chunks = tok_per_worker // C
    n_col = emb_dim // _LANES
    n_morph2 = 2 * n_morph
    n_grp = n_morph // _LANES
    inv128 = 1.0 / (4 * n_morph)
    inv4 = 0.25

    mesh = plsc.VectorSubcoreMesh(core_axis_name="c", subcore_axis_name="s")

    @functools.partial(
        pl.kernel,
        out_type=jax.ShapeDtypeStruct((n_tokens, emb_dim), jnp.float32),
        mesh=mesh,
        compiler_params=pltpu.CompilerParams(use_tc_tiling_on_sc=False),
        scratch_types=[
            pltpu.VMEM((2, n_rows, C), jnp.int32),
            pltpu.VMEM((C, n_morph), jnp.int32),
            pltpu.VMEM((n_ptab, emb_dim), jnp.float32),
            pltpu.VMEM((tok_per_worker, emb_dim), jnp.float32),
            pltpu.VMEM((tok_per_worker, emb_dim), jnp.float32),
            pltpu.VMEM((C, emb_dim), jnp.float32),
            pltpu.SemaphoreType.DMA,
            pltpu.SemaphoreType.DMA,
        ],
    )
    def sc_kernel(idx_hbm, pidx_hbm, word_hbm, postag_hbm, out_hbm,
                  idx_v, pidx_v, ptab_v, acc_v, wrow_v, outb_v, sem_i, sem_a):
        wid = lax.axis_index("s") * num_cores + lax.axis_index("c")
        base = wid * tok_per_worker
        blk0 = wid * n_chunks

        pltpu.sync_copy(postag_hbm, ptab_v)

        wrow_cps = []
        for ci in range(n_chunks):
            buf = ci % 2
            pltpu.sync_copy(idx_hbm.at[blk0 + ci], idx_v.at[buf])
            pltpu.sync_copy(pidx_hbm.at[pl.ds(base + ci * C, C)], pidx_v)
            tok = ci * C

            def pos_body(t, _):
                pvecs = [pidx_v[t, pl.ds(g * _LANES, _LANES)]
                         for g in range(n_grp)]
                accs = [jnp.zeros((_LANES,), jnp.float32)] * n_col
                for r in range(n_morph):
                    p = pvecs[r // _LANES][r % _LANES]
                    accs = [accs[c] + ptab_v[p, pl.ds(c * _LANES, _LANES)]
                            for c in range(n_col)]
                for c in range(n_col):
                    acc_v[tok + t, pl.ds(c * _LANES, _LANES)] = accs[c]
                return 0

            lax.fori_loop(0, C, pos_body, 0)

            wrow_cps.append(
                pltpu.async_copy(word_hbm.at[idx_v.at[buf, n_morph2]],
                                 wrow_v.at[pl.ds(tok, C)], sem_i))

            def morph_body(r, _):
                pltpu.async_copy(word_hbm.at[idx_v.at[buf, r]],
                                 acc_v.at[pl.ds(tok, C)], sem_a, add=True)
                return 0

            lax.fori_loop(0, n_morph2, morph_body, 0)

        def drain_body(_, __):
            pltpu.make_async_copy(word_hbm.at[idx_v.at[0, 0]],
                                  acc_v.at[pl.ds(0, C)], sem_a).wait()
            return 0

        lax.fori_loop(0, n_chunks * n_morph2, drain_body, 0)
        for cp in wrow_cps:
            cp.wait()

        for ci in range(n_chunks):
            tok = ci * C

            def out_body(t, _):
                for c in range(n_col):
                    sl = pl.ds(c * _LANES, _LANES)
                    outb_v[t, sl] = (acc_v[tok + t, sl] * inv128
                                     + wrow_v[tok + t, sl] * inv4)
                return 0

            lax.fori_loop(0, C, out_body, 0)
            pltpu.sync_copy(outb_v, out_hbm.at[pl.ds(base + tok, C)])

    return sc_kernel


def kernel(word_idx, form_idx, lemma_idx, postag_idx, word_table, postag_table):
    n = word_idx.shape[0]
    n_morph = form_idx.shape[1] * form_idx.shape[2]
    emb_dim = word_table.shape[1]
    C = 128
    n_blocks = n // C
    n_rows = 8 * ((2 * n_morph + 1 + 7) // 8)

    blocks = _tc_prep(form_idx.reshape(n, n_morph).astype(jnp.int32),
                      lemma_idx.reshape(n, n_morph).astype(jnp.int32),
                      word_idx.astype(jnp.int32).reshape(n_blocks, 1, C),
                      n_blocks, n_morph, C)
    pidx = postag_idx.reshape(n, n_morph).astype(jnp.int32)

    sc = _build_sc_kernel(n, n_rows, n_morph, postag_table.shape[0], emb_dim)
    return sc(blocks, pidx, word_table.astype(jnp.float32),
              postag_table.astype(jnp.float32))

# --- scband reference (transcript-rebuilt; emitter-appended) ---
"""Pipeline reference for scband-morph-embedding-model-70686571758316 (READ-ONLY COPY).

The authoritative reference and input builder live on the scoring server;
editing this copy changes nothing except your own understanding.
"""

import jax, jax.numpy as jnp
import numpy as np

NUM_WORDS = 1000000
NUM_POSTAGS = 64
EMB_DIM = 64
N = 16384
A = 8
L = 4


def setup_inputs(seed: int = 0) -> dict:
    key = jax.random.key(seed)
    k1, k2, k3, k4, k5, k6 = jax.random.split(key, 6)
    # Embedding tables with padding row 0 (matches nn.Embedding.from_pretrained with
    # a zero pad_vector concatenated at index 0, padding_idx=0).
    word_table = jax.random.normal(k1, (NUM_WORDS + 1, EMB_DIM), dtype=jnp.float32) * 0.02
    word_table = word_table.at[0].set(0.0)
    postag_table = jax.random.normal(k2, (NUM_POSTAGS + 1, EMB_DIM), dtype=jnp.float32) * 0.02
    postag_table = postag_table.at[0].set(0.0)
    # Pre-tokenized morphological analyses: the original forward builds these index
    # tensors from strings via vocab.get(...); here they are materialized directly.
    word_idx = jax.random.randint(k3, (N,), 0, NUM_WORDS + 1)
    form_idx = jax.random.randint(k4, (N, A, L), 0, NUM_WORDS + 1)
    lemma_idx = jax.random.randint(k5, (N, A, L), 0, NUM_WORDS + 1)
    postag_idx = jax.random.randint(k6, (N, A, L), 0, NUM_POSTAGS + 1)
    return {
        "word_idx": word_idx,
        "form_idx": form_idx,
        "lemma_idx": lemma_idx,
        "postag_idx": postag_idx,
        "word_table": word_table,
        "postag_table": postag_table,
    }


def _embed_morph_values(idx, table):
    # emb_vectors = embedding(emb_input); mean over (analyses, morphemes) dims,
    # including padding rows (faithful to torch.mean(emb_vectors, dim=(1, 2))).
    emb_vectors = jnp.take(table, idx, axis=0)  # [N, A, L, D]
    return jnp.mean(emb_vectors, axis=(1, 2))  # [N, D]


def reference(word_idx, form_idx, lemma_idx, postag_idx, word_table, postag_table):
    word_vectors = jnp.take(word_table, word_idx, axis=0)            # [N, D]
    form_vectors = _embed_morph_values(form_idx, word_table)          # [N, D]
    lemma_vectors = _embed_morph_values(lemma_idx, word_table)        # [N, D]
    postag_vectors = _embed_morph_values(postag_idx, postag_table)    # [N, D]
    stacked = jnp.stack([word_vectors, form_vectors, lemma_vectors, postag_vectors], axis=0)
    return jnp.mean(stacked, axis=0)  # [N, D]

if __name__ == "__main__":
    import jax
    _d = setup_inputs()
    print(jax.jit(kernel)(*tuple(_d.values())))

</pallas_src>

<mosaic_0001>
#map = affine_map<(d0, d1) -> (0, 0, 0)>
#map1 = affine_map<(d0, d1) -> (0, 0)>
module attributes {stable_mosaic.version = 14 : i64} {
  func.func @sc_kernel(%arg0: i32, %arg1: i32, %arg2: memref<128x72x128xi32, #tpu.memory_space<hbm>>, %arg3: memref<16384x32xi32, #tpu.memory_space<hbm>>, %arg4: memref<1000001x64xf32, #tpu.memory_space<hbm>>, %arg5: memref<65x64xf32, #tpu.memory_space<hbm>>, %arg6: memref<16384x64xf32, #tpu.memory_space<hbm>>, %arg7: memref<2x72x128xi32, #tpu.memory_space<vmem>>, %arg8: memref<128x32xi32, #tpu.memory_space<vmem>>, %arg9: memref<65x64xf32, #tpu.memory_space<vmem>>, %arg10: memref<512x64xf32, #tpu.memory_space<vmem>>, %arg11: memref<512x64xf32, #tpu.memory_space<vmem>>, %arg12: memref<128x64xf32, #tpu.memory_space<vmem>>, %arg13: memref<!tpu.dma_semaphore, #tpu.memory_space<semaphore_mem>>, %arg14: memref<!tpu.dma_semaphore, #tpu.memory_space<semaphore_mem>>) attributes {dimension_semantics = [#tpu.dimension_semantics<core_parallel>, #tpu.dimension_semantics<subcore_parallel>], iteration_bounds = array<i64: 2, 16>, scalar_prefetch = 0 : i64, scratch_operands = 8 : i64, tpu.core_type = #tpu.core_type<sc_vector_subcore>, window_params = [{transform_indices = #map}, {transform_indices = #map1}, {transform_indices = #map1}, {transform_indices = #map1}, {transform_indices = #map1}]} {
    %mul3A = arith.constant 2 : i32
    %mul3A_0 = arith.muli %arg1, %mul3A : i32
    %add3A = arith.addi %mul3A_0, %arg0 : i32
    %mul3A_1 = arith.constant 512 : i32
    %mul3A_2 = arith.muli %add3A, %mul3A_1 : i32
    %mul3A_3 = arith.constant 4 : i32
    %mul3A_4 = arith.muli %add3A, %mul3A_3 : i32
    "tpu.region"() ({
      %run_scoped3A_208 = tpu.sem_alloc : memref<!tpu.dma_semaphore, #tpu.memory_space<semaphore_mem>>
      tpu.enqueue_dma source(%arg5 : memref<65x64xf32, #tpu.memory_space<hbm>>) target(%arg9 : memref<65x64xf32, #tpu.memory_space<vmem>>) target_semaphore(%run_scoped3A_208 : memref<!tpu.dma_semaphore, #tpu.memory_space<semaphore_mem>>)
      tpu.wait_dma2 semaphore(%run_scoped3A_208 : memref<!tpu.dma_semaphore, #tpu.memory_space<semaphore_mem>>) src(%arg5 : memref<65x64xf32, #tpu.memory_space<hbm>>) dst(%arg9 : memref<65x64xf32, #tpu.memory_space<vmem>>)
      tpu.yield
    }) : () -> ()
    %add3A_5 = arith.constant 0 : i32
    %add3A_6 = arith.addi %mul3A_4, %add3A_5 : i32
    %run_scoped3A = arith.constant 0 : i32
    "tpu.region"() ({
      %run_scoped3A_208 = tpu.sem_alloc : memref<!tpu.dma_semaphore, #tpu.memory_space<semaphore_mem>>
      %dma_start3A_209 = arith.constant 0 : i32
      %dma_start3A_210 = arith.constant 0 : i32
      %dma_start3A_211 = tpu.memref_slice %arg7[%run_scoped3A, %dma_start3A_209, %dma_start3A_210] : memref<2x72x128xi32, #tpu.memory_space<vmem>> -> memref<1x72x128xi32, #tpu.memory_space<vmem>>
      %dma_start3A_212 = tpu.memref_squeeze %dma_start3A_211 : memref<1x72x128xi32, #tpu.memory_space<vmem>> -> memref<72x128xi32, #tpu.memory_space<vmem>>
      %dma_start3A_213 = arith.constant 0 : i32
      %dma_start3A_214 = arith.constant 0 : i32
      %dma_start3A_215 = tpu.memref_slice %arg2[%add3A_6, %dma_start3A_213, %dma_start3A_214] : memref<128x72x128xi32, #tpu.memory_space<hbm>> -> memref<1x72x128xi32, #tpu.memory_space<hbm>>
      %dma_start3A_216 = tpu.memref_squeeze %dma_start3A_215 : memref<1x72x128xi32, #tpu.memory_space<hbm>> -> memref<72x128xi32, #tpu.memory_space<hbm>>
      %dma_start3A_217 = arith.constant 0 : i32
      %dma_start3A_218 = arith.constant 0 : i32
      %dma_start3A_219 = tpu.memref_slice %arg7[%run_scoped3A, %dma_start3A_217, %dma_start3A_218] : memref<2x72x128xi32, #tpu.memory_space<vmem>> -> memref<1x72x128xi32, #tpu.memory_space<vmem>>
      %dma_start3A_220 = tpu.memref_squeeze %dma_start3A_219 : memref<1x72x128xi32, #tpu.memory_space<vmem>> -> memref<72x128xi32, #tpu.memory_space<vmem>>
      %dma_start3A_221 = arith.constant 0 : i32
      %dma_start3A_222 = arith.constant 0 : i32
      %dma_start3A_223 = tpu.memref_slice %arg2[%add3A_6, %dma_start3A_221, %dma_start3A_222] : memref<128x72x128xi32, #tpu.memory_space<hbm>> -> memref<1x72x128xi32, #tpu.memory_space<hbm>>
      %dma_start3A_224 = tpu.memref_squeeze %dma_start3A_223 : memref<1x72x128xi32, #tpu.memory_space<hbm>> -> memref<72x128xi32, #tpu.memory_space<hbm>>
      tpu.enqueue_dma source(%dma_start3A_224 : memref<72x128xi32, #tpu.memory_space<hbm>>) target(%dma_start3A_220 : memref<72x128xi32, #tpu.memory_space<vmem>>) target_semaphore(%run_scoped3A_208 : memref<!tpu.dma_semaphore, #tpu.memory_space<semaphore_mem>>)
      %dma_wait3A_225 = arith.constant 0 : i32
      %dma_wait3A_226 = arith.constant 0 : i32
      %dma_wait3A_227 = tpu.memref_slice %arg7[%run_scoped3A, %dma_wait3A_225, %dma_wait3A_226] : memref<2x72x128xi32, #tpu.memory_space<vmem>> -> memref<1x72x128xi32, #tpu.memory_space<vmem>>
      %dma_wait3A_228 = tpu.memref_squeeze %dma_wait3A_227 : memref<1x72x128xi32, #tpu.memory_space<vmem>> -> memref<72x128xi32, #tpu.memory_space<vmem>>
      %dma_wait3A_229 = arith.constant 0 : i32
      %dma_wait3A_230 = arith.constant 0 : i32
      %dma_wait3A_231 = tpu.memref_slice %arg2[%add3A_6, %dma_wait3A_229, %dma_wait3A_230] : memref<128x72x128xi32, #tpu.memory_space<hbm>> -> memref<1x72x128xi32, #tpu.memory_space<hbm>>
      %dma_wait3A_232 = tpu.memref_squeeze %dma_wait3A_231 : memref<1x72x128xi32, #tpu.memory_space<hbm>> -> memref<72x128xi32, #tpu.memory_space<hbm>>
      %dma_wait3A_233 = arith.constant 0 : i32
      %dma_wait3A_234 = arith.constant 0 : i32
      %dma_wait3A_235 = tpu.memref_slice %arg7[%run_scoped3A, %dma_wait3A_233, %dma_wait3A_234] : memref<2x72x128xi32, #tpu.memory_space<vmem>> -> memref<1x72x128xi32, #tpu.memory_space<vmem>>
      %dma_wait3A_236 = tpu.memref_squeeze %dma_wait3A_235 : memref<1x72x128xi32, #tpu.memory_space<vmem>> -> memref<72x128xi32, #tpu.memory_space<vmem>>
      %dma_wait3A_237 = arith.constant 0 : i32
      %dma_wait3A_238 = arith.constant 0 : i32
      %dma_wait3A_239 = tpu.memref_slice %arg2[%add3A_6, %dma_wait3A_237, %dma_wait3A_238] : memref<128x72x128xi32, #tpu.memory_space<hbm>> -> memref<1x72x128xi32, #tpu.memory_space<hbm>>
      %dma_wait3A_240 = tpu.memref_squeeze %dma_wait3A_239 : memref<1x72x128xi32, #tpu.memory_space<hbm>> -> memref<72x128xi32, #tpu.memory_space<hbm>>
      tpu.wait_dma2 semaphore(%run_scoped3A_208 : memref<!tpu.dma_semaphore, #tpu.memory_space<semaphore_mem>>) src(%dma_wait3A_240 : memref<72x128xi32, #tpu.memory_space<hbm>>) dst(%dma_wait3A_236 : memref<72x128xi32, #tpu.memory_space<vmem>>)
      tpu.yield
    }) : () -> ()
    %add3A_7 = arith.constant 0 : i32
    %add3A_8 = arith.addi %mul3A_2, %add3A_7 : i32
    "tpu.region"() ({
      %run_scoped3A_208 = tpu.sem_alloc : memref<!tpu.dma_semaphore, #tpu.memory_space<semaphore_mem>>
      %dma_start3A_209 = arith.constant 0 : i32
      %dma_start3A_210 = tpu.memref_slice %arg3[%add3A_8, %dma_start3A_209] : memref<16384x32xi32, #tpu.memory_space<hbm>> -> memref<128x32xi32, #tpu.memory_space<hbm>>
      %dma_start3A_211 = arith.constant 0 : i32
      %dma_start3A_212 = tpu.memref_slice %arg3[%add3A_8, %dma_start3A_211] : memref<16384x32xi32, #tpu.memory_space<hbm>> -> memref<128x32xi32, #tpu.memory_space<hbm>>
      tpu.enqueue_dma source(%dma_start3A_212 : memref<128x32xi32, #tpu.memory_space<hbm>>) target(%arg8 : memref<128x32xi32, #tpu.memory_space<vmem>>) target_semaphore(%run_scoped3A_208 : memref<!tpu.dma_semaphore, #tpu.memory_space<semaphore_mem>>)
      %dma_wait3A_213 = arith.constant 0 : i32
      %dma_wait3A_214 = tpu.memref_slice %arg3[%add3A_8, %dma_wait3A_213] : memref<16384x32xi32, #tpu.memory_space<hbm>> -> memref<128x32xi32, #tpu.memory_space<hbm>>
      %dma_wait3A_215 = arith.constant 0 : i32
      %dma_wait3A_216 = tpu.memref_slice %arg3[%add3A_8, %dma_wait3A_215] : memref<16384x32xi32, #tpu.memory_space<hbm>> -> memref<128x32xi32, #tpu.memory_space<hbm>>
      tpu.wait_dma2 semaphore(%run_scoped3A_208 : memref<!tpu.dma_semaphore, #tpu.memory_space<semaphore_mem>>) src(%dma_wait3A_216 : memref<128x32xi32, #tpu.memory_space<hbm>>) dst(%arg8 : memref<128x32xi32, #tpu.memory_space<vmem>>)
      tpu.yield
    }) : () -> ()
    %scan3A = arith.constant 0 : i32
    %scan3A_9 = arith.constant 0 : i32
    %scan3A_10 = arith.constant 128 : i32
    %scan3A_11 = arith.addi %scan3A_9, %scan3A_10 : i32
    %scan3A_12 = arith.constant 1 : i32
    %scan3A_13 = scf.for %scan3A_208 = %scan3A_9 to %scan3A_11 step %scan3A_12 iter_args(%scan3A_209 = %scan3A) -> (i32)  : i32 {
      %get3A = arith.index_cast %scan3A_208 : i32 to index
      %get3A_210 = arith.constant 0 : index
      %get3A_211 = tpu.vector_load %arg8[%get3A, %get3A_210] {strides = array<i32>} : memref<128x32xi32, #tpu.memory_space<vmem>>, vector<1x16xi32>,
      %get3A_212 = vector.shape_cast %get3A_211 : vector<1x16xi32> to vector<16xi32>
      %get3A_213 = arith.index_cast %scan3A_208 : i32 to index
      %get3A_214 = arith.constant 16 : index
      %get3A_215 = tpu.vector_load %arg8[%get3A_213, %get3A_214] {strides = array<i32>} : memref<128x32xi32, #tpu.memory_space<vmem>>, vector<1x16xi32>,
      %get3A_216 = vector.shape_cast %get3A_215 : vector<1x16xi32> to vector<16xi32>
      %broadcast_in_dim3A = arith.constant 0.000000e+00 : f32
      %broadcast_in_dim3A_217 = vector.broadcast %broadcast_in_dim3A : f32 to vector<16xf32>
      %slice3A = vector.extract_strided_slice %get3A_212 {offsets = [0], sizes = [1], strides = [1]} : vector<16xi32> to vector<1xi32>
      %squeeze3A = vector.extract %slice3A[0] : i32 from vector<1xi32>
      %get3A_218 = arith.index_cast %squeeze3A : i32 to index
      %get3A_219 = arith.constant 0 : index
      %get3A_220 = tpu.vector_load %arg9[%get3A_218, %get3A_219] {strides = array<i32>} : memref<65x64xf32, #tpu.memory_space<vmem>>, vector<1x16xf32>,
      %get3A_221 = vector.shape_cast %get3A_220 : vector<1x16xf32> to vector<16xf32>
      %add3A_222 = arith.addf %broadcast_in_dim3A_217, %get3A_221 : vector<16xf32>
      %get3A_223 = arith.index_cast %squeeze3A : i32 to index
      %get3A_224 = arith.constant 16 : index
      %get3A_225 = tpu.vector_load %arg9[%get3A_223, %get3A_224] {strides = array<i32>} : memref<65x64xf32, #tpu.memory_space<vmem>>, vector<1x16xf32>,
      %get3A_226 = vector.shape_cast %get3A_225 : vector<1x16xf32> to vector<16xf32>
      %add3A_227 = arith.addf %broadcast_in_dim3A_217, %get3A_226 : vector<16xf32>
      %get3A_228 = arith.index_cast %squeeze3A : i32 to index
      %get3A_229 = arith.constant 32 : index
      %get3A_230 = tpu.vector_load %arg9[%get3A_228, %get3A_229] {strides = array<i32>} : memref<65x64xf32, #tpu.memory_space<vmem>>, vector<1x16xf32>,
      %get3A_231 = vector.shape_cast %get3A_230 : vector<1x16xf32> to vector<16xf32>
      %add3A_232 = arith.addf %broadcast_in_dim3A_217, %get3A_231 : vector<16xf32>
      %get3A_233 = arith.index_cast %squeeze3A : i32 to index
      %get3A_234 = arith.constant 48 : index
      %get3A_235 = tpu.vector_load %arg9[%get3A_233, %get3A_234] {strides = array<i32>} : memref<65x64xf32, #tpu.memory_space<vmem>>, vector<1x16xf32>,
      %get3A_236 = vector.shape_cast %get3A_235 : vector<1x16xf32> to vector<16xf32>
      %add3A_237 = arith.addf %broadcast_in_dim3A_217, %get3A_236 : vector<16xf32>
      %slice3A_238 = vector.extract_strided_slice %get3A_212 {offsets = [1], sizes = [1], strides = [1]} : vector<16xi32> to vector<1xi32>
      %squeeze3A_239 = vector.extract %slice3A_238[0] : i32 from vector<1xi32>
      %get3A_240 = arith.index_cast %squeeze3A_239 : i32 to index
      %get3A_241 = arith.constant 0 : index
      %get3A_242 = tpu.vector_load %arg9[%get3A_240, %get3A_241] {strides = array<i32>} : memref<65x64xf32, #tpu.memory_space<vmem>>, vector<1x16xf32>,
      %get3A_243 = vector.shape_cast %get3A_242 : vector<1x16xf32> to vector<16xf32>
      %add3A_244 = arith.addf %add3A_222, %get3A_243 : vector<16xf32>
      %get3A_245 = arith.index_cast %squeeze3A_239 : i32 to index
      %get3A_246 = arith.constant 16 : index
      %get3A_247 = tpu.vector_load %arg9[%get3A_245, %get3A_246] {strides = array<i32>} : memref<65x64xf32, #tpu.memory_space<vmem>>, vector<1x16xf32>,
      %get3A_248 = vector.shape_cast %get3A_247 : vector<1x16xf32> to vector<16xf32>
      %add3A_249 = arith.addf %add3A_227, %get3A_248 : vector<16xf32>
      %get3A_250 = arith.index_cast %squeeze3A_239 : i32 to index
      %get3A_251 = arith.constant 32 : index
      %get3A_252 = tpu.vector_load %arg9[%get3A_250, %get3A_251] {strides = array<i32>} : memref<65x64xf32, #tpu.memory_space<vmem>>, vector<1x16xf32>,
      %get3A_253 = vector.shape_cast %get3A_252 : vector<1x16xf32> to vector<16xf32>
      %add3A_254 = arith.addf %add3A_232, %get3A_253 : vector<16xf32>
      %get3A_255 = arith.index_cast %squeeze3A_239 : i32 to index
      %get3A_256 = arith.constant 48 : index
      %get3A_257 = tpu.vector_load %arg9[%get3A_255, %get3A_256] {strides = array<i32>} : memref<65x64xf32, #tpu.memory_space<vmem>>, vector<1x16xf32>,
      %get3A_258 = vector.shape_cast %get3A_257 : vector<1x16xf32> to vector<16xf32>
      %add3A_259 = arith.addf %add3A_237, %get3A_258 : vector<16xf32>
      %slice3A_260 = vector.extract_strided_slice %get3A_212 {offsets = [2], sizes = [1], strides = [1]} : vector<16xi32> to vector<1xi32>
      %squeeze3A_261 = vector.extract %slice3A_260[0] : i32 from vector<1xi32>
      %get3A_262 = arith.index_cast %squeeze3A_261 : i32 to index
      %get3A_263 = arith.constant 0 : index
      %get3A_264 = tpu.vector_load %arg9[%get3A_262, %get3A_263] {strides = array<i32>} : memref<65x64xf32, #tpu.memory_space<vmem>>, vector<1x16xf32>,
      %get3A_265 = vector.shape_cast %get3A_264 : vector<1x16xf32> to vector<16xf32>
      %add3A_266 = arith.addf %add3A_244, %get3A_265 : vector<16xf32>
      %get3A_267 = arith.index_cast %squeeze3A_261 : i32 to index
      %get3A_268 = arith.constant 16 : index
      %get3A_269 = tpu.vector_load %arg9[%get3A_267, %get3A_268] {strides = array<i32>} : memref<65x64xf32, #tpu.memory_space<vmem>>, vector<1x16xf32>,
      %get3A_270 = vector.shape_cast %get3A_269 : vector<1x16xf32> to vector<16xf32>
      %add3A_271 = arith.addf %add3A_249, %get3A_270 : vector<16xf32>
      %get3A_272 = arith.index_cast %squeeze3A_261 : i32 to index
      %get3A_273 = arith.constant 32 : index
      %get3A_274 = tpu.vector_load %arg9[%get3A_272, %get3A_273] {strides = array<i32>} : memref<65x64xf32, #tpu.memory_space<vmem>>, vector<1x16xf32>,
      %get3A_275 = vector.shape_cast %get3A_274 : vector<1x16xf32> to vector<16xf32>
      %add3A_276 = arith.addf %add3A_254, %get3A_275 : vector<16xf32>
      %get3A_277 = arith.index_cast %squeeze3A_261 : i32 to index
      %get3A_278 = arith.constant 48 : index
      %get3A_279 = tpu.vector_load %arg9[%get3A_277, %get3A_278] {strides = array<i32>} : memref<65x64xf32, #tpu.memory_space<vmem>>, vector<1x16xf32>,
      %get3A_280 = vector.shape_cast %get3A_279 : vector<1x16xf32> to vector<16xf32>
      %add3A_281 = arith.addf %add3A_259, %get3A_280 : vector<16xf32>
      %slice3A_282 = vector.extract_strided_slice %get3A_212 {offsets = [3], sizes = [1], strides = [1]} : vector<16xi32> to vector<1xi32>
      %squeeze3A_283 = vector.extract %slice3A_282[0] : i32 from vector<1xi32>
      %get3A_284 = arith.index_cast %squeeze3A_283 : i32 to index
      %get3A_285 = arith.constant 0 : index
      %get3A_286 = tpu.vector_load %arg9[%get3A_284, %get3A_285] {strides = array<i32>} : memref<65x64xf32, #tpu.memory_space<vmem>>, vector<1x16xf32>,
      %get3A_287 = vector.shape_cast %get3A_286 : vector<1x16xf32> to vector<16xf32>
      %add3A_288 = arith.addf %add3A_266, %get3A_287 : vector<16xf32>
      %get3A_289 = arith.index_cast %squeeze3A_283 : i32 to index
      %get3A_290 = arith.constant 16 : index
      %get3A_291 = tpu.vector_load %arg9[%get3A_289, %get3A_290] {strides = array<i32>} : memref<65x64xf32, #tpu.memory_space<vmem>>, vector<1x16xf32>,
      %get3A_292 = vector.shape_cast %get3A_291 : vector<1x16xf32> to vector<16xf32>
      %add3A_293 = arith.addf %add3A_271, %get3A_292 : vector<16xf32>
      %get3A_294 = arith.index_cast %squeeze3A_283 : i32 to index
      %get3A_295 = arith.constant 32 : index
      %get3A_296 = tpu.vector_load %arg9[%get3A_294, %get3A_295] {strides = array<i32>} : memref<65x64xf32, #tpu.memory_space<vmem>>, vector<1x16xf32>,
      %get3A_297 = vector.shape_cast %get3A_296 : vector<1x16xf32> to vector<16xf32>
      %add3A_298 = arith.addf %add3A_276, %get3A_297 : vector<16xf32>
      %get3A_299 = arith.index_cast %squeeze3A_283 : i32 to index
      %get3A_300 = arith.constant 48 : index
      %get3A_301 = tpu.vector_load %arg9[%get3A_299, %get3A_300] {strides = array<i32>} : memref<65x64xf32, #tpu.memory_space<vmem>>, vector<1x16xf32>,
      %get3A_302 = vector.shape_cast %get3A_301 : vector<1x16xf32> to vector<16xf32>
      %add3A_303 = arith.addf %add3A_281, %get3A_302 : vector<16xf32>
      %slice3A_304 = vector.extract_strided_slice %get3A_212 {offsets = [4], sizes = [1], strides = [1]} : vector<16xi32> to vector<1xi32>
      %squeeze3A_305 = vector.extract %slice3A_304[0] : i32 from vector<1xi32>
      %get3A_306 = arith.index_cast %squeeze3A_305 : i32 to index
      %get3A_307 = arith.constant 0 : index
      %get3A_308 = tpu.vector_load %arg9[%get3A_306, %get3A_307] {strides = array<i32>} : memref<65x64xf32, #tpu.memory_space<vmem>>, vector<1x16xf32>,
      %get3A_309 = vector.shape_cast %get3A_308 : vector<1x16xf32> to vector<16xf32>
      %add3A_310 = arith.addf %add3A_288, %get3A_309 : vector<16xf32>
      %get3A_311 = arith.index_cast %squeeze3A_305 : i32 to index
      %get3A_312 = arith.constant 16 : index
      %get3A_313 = tpu.vector_load %arg9[%get3A_311, %get3A_312] {strides = array<i32>} : memref<65x64xf32, #tpu.memory_space<vmem>>, vector<1x16xf32>,
      %get3A_314 = vector.shape_cast %get3A_313 : vector<1x16xf32> to vector<16xf32>
      %add3A_315 = arith.addf %add3A_293, %get3A_314 : vector<16xf32>
      %get3A_316 = arith.index_cast %squeeze3A_305 : i32 to index
      %get3A_317 = arith.constant 32 : index
      %get3A_318 = tpu.vector_load %arg9[%get3A_316, %get3A_317] {strides = array<i32>} : memref<65x64xf32, #tpu.memory_space<vmem>>, vector<1x16xf32>,
      %get3A_319 = vector.shape_cast %get3A_318 : vector<1x16xf32> to vector<16xf32>
      %add3A_320 = arith.addf %add3A_298, %get3A_319 : vector<16xf32>
      %get3A_321 = arith.index_cast %squeeze3A_305 : i32 to index
      %get3A_322 = arith.constant 48 : index
      %get3A_323 = tpu.vector_load %arg9[%get3A_321, %get3A_322] {strides = array<i32>} : memref<65x64xf32, #tpu.memory_space<vmem>>, vector<1x16xf32>,
      %get3A_324 = vector.shape_cast %get3A_323 : vector<1x16xf32> to vector<16xf32>
      %add3A_325 = arith.addf %add3A_303, %get3A_324 : vector<16xf32>
      %slice3A_326 = vector.extract_strided_slice %get3A_212 {offsets = [5], sizes = [1], strides = [1]} : vector<16xi32> to vector<1xi32>
      %squeeze3A_327 = vector.extract %slice3A_326[0] : i32 from vector<1xi32>
      %get3A_328 = arith.index_cast %squeeze3A_327 : i32 to index
      %get3A_329 = arith.constant 0 : index
      %get3A_330 = tpu.vector_load %arg9[%get3A_328, %get3A_329] {strides = array<i32>} : memref<65x64xf32, #tpu.memory_space<vmem>>, vector<1x16xf32>,
      %get3A_331 = vector.shape_cast %get3A_330 : vector<1x16xf32> to vector<16xf32>
      %add3A_332 = arith.addf %add3A_310, %get3A_331 : vector<16xf32>
      %get3A_333 = arith.index_cast %squeeze3A_327 : i32 to index
      %get3A_334 = arith.constant 16 : index
      %get3A_335 = tpu.vector_load %arg9[%get3A_333, %get3A_334] {strides = array<i32>} : memref<65x64xf32, #tpu.memory_space<vmem>>, vector<1x16xf32>,
      %get3A_336 = vector.shape_cast %get3A_335 : vector<1x16xf32> to vector<16xf32>
      %add3A_337 = arith.addf %add3A_315, %get3A_336 : vector<16xf32>
      %get3A_338 = arith.index_cast %squeeze3A_327 : i32 to index
      %get3A_339 = arith.constant 32 : index
      %get3A_340 = tpu.vector_load %arg9[%get3A_338, %get3A_339] {strides = array<i32>} : memref<65x64xf32, #tpu.memory_space<vmem>>, vector<1x16xf32>,
      %get3A_341 = vector.shape_cast %get3A_340 : vector<1x16xf32> to vector<16xf32>
      %add3A_342 = arith.addf %add3A_320, %get3A_341 : vector<16xf32>
      %get3A_343 = arith.index_cast %squeeze3A_327 : i32 to index
      %get3A_344 = arith.constant 48 : index
      %get3A_345 = tpu.vector_load %arg9[%get3A_343, %get3A_344] {strides = array<i32>} : memref<65x64xf32, #tpu.memory_space<vmem>>, vector<1x16xf32>,
      %get3A_346 = vector.shape_cast %get3A_345 : vector<1x16xf32> to vector<16xf32>
      %add3A_347 = arith.addf %add3A_325, %get3A_346 : vector<16xf32>
      %slice3A_348 = vector.extract_strided_slice %get3A_212 {offsets = [6], sizes = [1], strides = [1]} : vector<16xi32> to vector<1xi32>
      %squeeze3A_349 = vector.extract %slice3A_348[0] : i32 from vector<1xi32>
      %get3A_350 = arith.index_cast %squeeze3A_349 : i32 to index
      %get3A_351 = arith.constant 0 : index
      %get3A_352 = tpu.vector_load %arg9[%get3A_350, %get3A_351] {strides = array<i32>} : memref<65x64xf32, #tpu.memory_space<vmem>>, vector<1x16xf32>,
      %get3A_353 = vector.shape_cast %get3A_352 : vector<1x16xf32> to vector<16xf32>
      %add3A_354 = arith.addf %add3A_332, %get3A_353 : vector<16xf32>
      %get3A_355 = arith.index_cast %squeeze3A_349 : i32 to index
      %get3A_356 = arith.constant 16 : index
      %get3A_357 = tpu.vector_load %arg9[%get3A_355, %get3A_356] {strides = array<i32>} : memref<65x64xf32, #tpu.memory_space<vmem>>, vector<1x16xf32>,
      %get3A_358 = vector.shape_cast %get3A_357 : vector<1x16xf32> to vector<16xf32>
      %add3A_359 = arith.addf %add3A_337, %get3A_358 : vector<16xf32>
      %get3A_360 = arith.index_cast %squeeze3A_349 : i32 to index
      %get3A_361 = arith.constant 32 : index
      %get3A_362 = tpu.vector_load %arg9[%get3A_360, %get3A_361] {strides = array<i32>} : memref<65x64xf32, #tpu.memory_space<vmem>>, vector<1x16xf32>,
      %get3A_363 = vector.shape_cast %get3A_362 : vector<1x16xf32> to vector<16xf32>
      %add3A_364 = arith.addf %add3A_342, %get3A_363 : vector<16xf32>
      %get3A_365 = arith.index_cast %squeeze3A_349 : i32 to index
      %get3A_366 = arith.constant 48 : index
      %get3A_367 = tpu.vector_load %arg9[%get3A_365, %get3A_366] {strides = array<i32>} : memref<65x64xf32, #tpu.memory_space<vmem>>, vector<1x16xf32>,
      %get3A_368 = vector.shape_cast %get3A_367 : vector<1x16xf32> to vector<16xf32>
      %add3A_369 = arith.addf %add3A_347, %get3A_368 : vector<16xf32>
      %slice3A_370 = vector.extract_strided_slice %get3A_212 {offsets = [7], sizes = [1], strides = [1]} : vector<16xi32> to vector<1xi32>
      %squeeze3A_371 = vector.extract %slice3A_370[0] : i32 from vector<1xi32>
      %get3A_372 = arith.index_cast %squeeze3A_371 : i32 to index
      %get3A_373 = arith.constant 0 : index
      %get3A_374 = tpu.vector_load %arg9[%get3A_372, %get3A_373] {strides = array<i32>} : memref<65x64xf32, #tpu.memory_space<vmem>>, vector<1x16xf32>,
      %get3A_375 = vector.shape_cast %get3A_374 : vector<1x16xf32> to vector<16xf32>
      %add3A_376 = arith.addf %add3A_354, %get3A_375 : vector<16xf32>
      %get3A_377 = arith.index_cast %squeeze3A_371 : i32 to index
      %get3A_378 = arith.constant 16 : index
      %get3A_379 = tpu.vector_load %arg9[%get3A_377, %get3A_378] {strides = array<i32>} : memref<65x64xf32, #tpu.memory_space<vmem>>, vector<1x16xf32>,
      %get3A_380 = vector.shape_cast %get3A_379 : vector<1x16xf32> to vector<16xf32>
      %add3A_381 = arith.addf %add3A_359, %get3A_380 : vector<16xf32>
      %get3A_382 = arith.index_cast %squeeze3A_371 : i32 to index
      %get3A_383 = arith.constant 32 : index
      %get3A_384 = tpu.vector_load %arg9[%get3A_382, %get3A_383] {strides = array<i32>} : memref<65x64xf32, #tpu.memory_space<vmem>>, vector<1x16xf32>,
      %get3A_385 = vector.shape_cast %get3A_384 : vector<1x16xf32> to vector<16xf32>
      %add3A_386 = arith.addf %add3A_364, %get3A_385 : vector<16xf32>
      %get3A_387 = arith.index_cast %squeeze3A_371 : i32 to index
      %get3A_388 = arith.constant 48 : index
      %get3A_389 = tpu.vector_load %arg9[%get3A_387, %get3A_388] {strides = array<i32>} : memref<65x64xf32, #tpu.memory_space<vmem>>, vector<1x16xf32>,
      %get3A_390 = vector.shape_cast %get3A_389 : vector<1x16xf32> to vector<16xf32>
      %add3A_391 = arith.addf %add3A_369, %get3A_390 : vector<16xf32>
      %slice3A_392 = vector.extract_strided_slice %get3A_212 {offsets = [8], sizes = [1], strides = [1]} : vector<16xi32> to vector<1xi32>
      %squeeze3A_393 = vector.extract %slice3A_392[0] : i32 from vector<1xi32>
      %get3A_394 = arith.index_cast %squeeze3A_393 : i32 to index
      %get3A_395 = arith.constant 0 : index
      %get3A_396 = tpu.vector_load %arg9[%get3A_394, %get3A_395] {strides = array<i32>} : memref<65x64xf32, #tpu.memory_space<vmem>>, vector<1x16xf32>,
      %get3A_397 = vector.shape_cast %get3A_396 : vector<1x16xf32> to vector<16xf32>
      %add3A_398 = arith.addf %add3A_376, %get3A_397 : vector<16xf32>
      %get3A_399 = arith.index_cast %squeeze3A_393 : i32 to index
      %get3A_400 = arith.constant 16 : index
      %get3A_401 = tpu.vector_load %arg9[%get3A_399, %get3A_400] {strides = array<i32>} : memref<65x64xf32, #tpu.memory_space<vmem>>, vector<1x16xf32>,
      %get3A_402 = vector.shape_cast %get3A_401 : vector<1x16xf32> to vector<16xf32>
      %add3A_403 = arith.addf %add3A_381, %get3A_402 : vector<16xf32>
      %get3A_404 = arith.index_cast %squeeze3A_393 : i32 to index
      %get3A_405 = arith.constant 32 : index
      %get3A_406 = tpu.vector_load %arg9[%get3A_404, %get3A_405] {strides = array<i32>} : memref<65x64xf32, #tpu.memory_space<vmem>>, vector<1x16xf32>,
      %get3A_407 = vector.shape_cast %get3A_406 : vector<1x16xf32> to vector<16xf32>
      %add3A_408 = arith.addf %add3A_386, %get3A_407 : vector<16xf32>
      %get3A_409 = arith.index_cast %squeeze3A_393 : i32 to index
      %get3A_410 = arith.constant 48 : index
      %get3A_411 = tpu.vector_load %arg9[%get3A_409, %get3A_410] {strides = array<i32>} : memref<65x64xf32, #tpu.memory_space<vmem>>, vector<1x16xf32>,
      %get3A_412 = vector.shape_cast %get3A_411 : vector<1x16xf32> to vector<16xf32>
      %add3A_413 = arith.addf %add3A_391, %get3A_412 : vector<16xf32>
      %slice3A_414 = vector.extract_strided_slice %get3A_212 {offsets = [9], sizes = [1], strides = [1]} : vector<16xi32> to vector<1xi32>
      %squeeze3A_415 = vector.extract %slice3A_414[0] : i32 from vector<1xi32>
      %get3A_416 = arith.index_cast %squeeze3A_415 : i32 to index
      %get3A_417 = arith.constant 0 : index
      %get3A_418 = tpu.vector_load %arg9[%get3A_416, %get3A_417] {strides = array<i32>} : memref<65x64xf32, #tpu.memory_space<vmem>>, vector<1x16xf32>,
      %get3A_419 = vector.shape_cast %get3A_418 : vector<1x16xf32> to vector<16xf32>
      %add3A_420 = arith.addf %add3A_398, %get3A_419 : vector<16xf32>
      %get3A_421 = arith.index_cast %squeeze3A_415 : i32 to index
      %get3A_422 = arith.constant 16 : index
      %get3A_423 = tpu.vector_load %arg9[%get3A_421, %get3A_422] {strides = array<i32>} : memref<65x64xf32, #tpu.memory_space<vmem>>, vector<1x16xf32>,
      %get3A_424 = vector.shape_cast %get3A_423 : vector<1x16xf32> to vector<16xf32>
      %add3A_425 = arith.addf %add3A_403, %get3A_424 : vector<16xf32>
      %get3A_426 = arith.index_cast %squeeze3A_415 : i32 to index
      %get3A_427 = arith.constant 32 : index
      %get3A_428 = tpu.vector_load %arg9[%get3A_426, %get3A_427] {strides = array<i32>} : memref<65x64xf32, #tpu.memory_space<vmem>>, vector<1x16xf32>,
      %get3A_429 = vector.shape_cast %get3A_428 : vector<1x16xf32> to vector<16xf32>
      %add3A_430 = arith.addf %add3A_408, %get3A_429 : vector<16xf32>
      %get3A_431 = arith.index_cast %squeeze3A_415 : i32 to index
      %get3A_432 = arith.constant 48 : index
      %get3A_433 = tpu.vector_load %arg9[%get3A_431, %get3A_432] {strides = array<i32>} : memref<65x64xf32, #tpu.memory_space<vmem>>, vector<1x16xf32>,
      %get3A_434 = vector.shape_cast %get3A_433 : vector<1x16xf32> to vector<16xf32>
      %add3A_435 = arith.addf %add3A_413, %get3A_434 : vector<16xf32>
      %slice3A_436 = vector.extract_strided_slice %get3A_212 {offsets = [10], sizes = [1], strides = [1]} : vector<16xi32> to vector<1xi32>
      %squeeze3A_437 = vector.extract %slice3A_436[0] : i32 from vector<1xi32>
      %get3A_438 = arith.index_cast %squeeze3A_437 : i32 to index
      %get3A_439 = arith.constant 0 : index
      %get3A_440 = tpu.vector_load %arg9[%get3A_438, %get3A_439] {strides = array<i32>} : memref<65x64xf32, #tpu.memory_space<vmem>>, vector<1x16xf32>,
      %get3A_441 = vector.shape_cast %get3A_440 : vector<1x16xf32> to vector<16xf32>
      %add3A_442 = arith.addf %add3A_420, %get3A_441 : vector<16xf32>
      %get3A_443 = arith.index_cast %squeeze3A_437 : i32 to index
      %get3A_444 = arith.constant 16 : index
      %get3A_445 = tpu.vector_load %arg9[%get3A_443, %get3A_444] {strides = array<i32>} : memref<65x64xf32, #tpu.memory_space<vmem>>, vector<1x16xf32>,
      %get3A_446 = vector.shape_cast %get3A_445 : vector<1x16xf32> to vector<16xf32>
      %add3A_447 = arith.addf %add3A_425, %get3A_446 : vector<16xf32>
      %get3A_448 = arith.index_cast %squeeze3A_437 : i32 to index
      %get3A_449 = arith.constant 32 : index
      %get3A_450 = tpu.vector_load %arg9[%get3A_448, %get3A_449] {strides = array<i32>} : memref<65x64xf32, #tpu.memory_space<vmem>>, vector<1x16xf32>,
      %get3A_451 = vector.shape_cast %get3A_450 : vector<1x16xf32> to vector<16xf32>
      %add3A_452 = arith.addf %add3A_430, %get3A_451 : vector<16xf32>
      %get3A_453 = arith.index_cast %squeeze3A_437 : i32 to index
      %get3A_454 = arith.constant 48 : index
      %get3A_455 = tpu.vector_load %arg9[%get3A_453, %get3A_454] {strides = array<i32>} : memref<65x64xf32, #tpu.memory_space<vmem>>, vector<1x16xf32>,
      %get3A_456 = vector.shape_cast %get3A_455 : vector<1x16xf32> to vector<16xf32>
      %add3A_457 = arith.addf %add3A_435, %get3A_456 : vector<16xf32>
      %slice3A_458 = vector.extract_strided_slice %get3A_212 {offsets = [11], sizes = [1], strides = [1]} : vector<16xi32> to vector<1xi32>
      %squeeze3A_459 = vector.extract %slice3A_458[0] : i32 from vector<1xi32>
      %get3A_460 = arith.index_cast %squeeze3A_459 : i32 to index
      %get3A_461 = arith.constant 0 : index
      %get3A_462 = tpu.vector_load %arg9[%get3A_460, %get3A_461] {strides = array<i32>} : memref<65x64xf32, #tpu.memory_space<vmem>>, vector<1x16xf32>,
      %get3A_463 = vector.shape_cast %get3A_462 : vector<1x16xf32> to vector<16xf32>
      %add3A_464 = arith.addf %add3A_442, %get3A_463 : vector<16xf32>
      %get3A_465 = arith.index_cast %squeeze3A_459 : i32 to index
      %get3A_466 = arith.constant 16 : index
      %get3A_467 = tpu.vector_load %arg9[%get3A_465, %get3A_466] {strides = array<i32>} : memref<65x64xf32, #tpu.memory_space<vmem>>, vector<1x16xf32>,
      %get3A_468 = vector.shape_cast %get3A_467 : vector<1x16xf32> to vector<16xf32>
      %add3A_469 = arith.addf %add3A_447, %get3A_468 : vector<16xf32>
      %get3A_470 = arith.index_cast %squeeze3A_459 : i32 to index
      %get3A_471 = arith.constant 32 : index
      %get3A_472 = tpu.vector_load %arg9[%get3A_470, %get3A_471] {strides = array<i32>} : memref<65x64xf32, #tpu.memory_space<vmem>>, vector<1x16xf32>,
      %get3A_473 = vector.shape_cast %get3A_472 : vector<1x16xf32> to vector<16xf32>
      %add3A_474 = arith.addf %add3A_452, %get3A_473 : vector<16xf32>
      %get3A_475 = arith.index_cast %squeeze3A_459 : i32 to index
      %get3A_476 = arith.constant 48 : index
      %get3A_477 = tpu.vector_load %arg9[%get3A_475, %get3A_476] {strides = array<i32>} : memref<65x64xf32, #tpu.memory_space<vmem>>, vector<1x16xf32>,
      %get3A_478 = vector.shape_cast %get3A_477 : vector<1x16xf32> to vector<16xf32>
      %add3A_479 = arith.addf %add3A_457, %get3A_478 : vector<16xf32>
      %slice3A_480 = vector.extract_strided_slice %get3A_212 {offsets = [12], sizes = [1], strides = [1]} : vector<16xi32> to vector<1xi32>
      %squeeze3A_481 = vector.extract %slice3A_480[0] : i32 from vector<1xi32>
      %get3A_482 = arith.index_cast %squeeze3A_481 : i32 to index
      %get3A_483 = arith.constant 0 : index
      %get3A_484 = tpu.vector_load %arg9[%get3A_482, %get3A_483] {strides = array<i32>} : memref<65x64xf32, #tpu.memory_space<vmem>>, vector<1x16xf32>,
      %get3A_485 = vector.shape_cast %get3A_484 : vector<1x16xf32> to vector<16xf32>
      %add3A_486 = arith.addf %add3A_464, %get3A_485 : vector<16xf32>
      %get3A_487 = arith.index_cast %squeeze3A_481 : i32 to index
      %get3A_488 = arith.constant 16 : index
      %get3A_489 = tpu.vector_load %arg9[%get3A_487, %get3A_488] {strides = array<i32>} : memref<65x64xf32, #tpu.memory_space<vmem>>, vector<1x16xf32>,
      %get3A_490 = vector.shape_cast %get3A_489 : vector<1x16xf32> to vector<16xf32>
      %add3A_491 = arith.addf %add3A_469, %get3A_490 : vector<16xf32>
      %get3A_492 = arith.index_cast %squeeze3A_481 : i32 to index
      %get3A_493 = arith.constant 32 : index
      %get3A_494 = tpu.vector_load %arg9[%get3A_492, %get3A_493] {strides = array<i32>} : memref<65x64xf32, #tpu.memory_space<vmem>>, vector<1x16xf32>,
      %get3A_495 = vector.shape_cast %get3A_494 : vector<1x16xf32> to vector<16xf32>
      %add3A_496 = arith.addf %add3A_474, %get3A_495 : vector<16xf32>
      %get3A_497 = arith.index_cast %squeeze3A_481 : i32 to index
      %get3A_498 = arith.constant 48 : index
      %get3A_499 = tpu.vector_load %arg9[%get3A_497, %get3A_498] {strides = array<i32>} : memref<65x64xf32, #tpu.memory_space<vmem>>, vector<1x16xf32>,
      %get3A_500 = vector.shape_cast %get3A_499 : vector<1x16xf32> to vector<16xf32>
      %add3A_501 = arith.addf %add3A_479, %get3A_500 : vector<16xf32>
      %slice3A_502 = vector.extract_strided_slice %get3A_212 {offsets = [13], sizes = [1], strides = [1]} : vector<16xi32> to vector<1xi32>
      %squeeze3A_503 = vector.extract %slice3A_502[0] : i32 from vector<1xi32>
      %get3A_504 = arith.index_cast %squeeze3A_503 : i32 to index
      %get3A_505 = arith.constant 0 : index
      %get3A_506 = tpu.vector_load %arg9[%get3A_504, %get3A_505] {strides = array<i32>} : memref<65x64xf32, #tpu.memory_space<vmem>>, vector<1x16xf32>,
      %get3A_507 = vector.shape_cast %get3A_506 : vector<1x16xf32> to vector<16xf32>
      %add3A_508 = arith.addf %add3A_486, %get3A_507 : vector<16xf32>
      %get3A_509 = arith.index_cast %squeeze3A_503 : i32 to index
      %get3A_510 = arith.constant 16 : index
      %get3A_511 = tpu.vector_load %arg9[%get3A_509, %get3A_510] {strides = array<i32>} : memref<65x64xf32, #tpu.memory_space<vmem>>, vector<1x16xf32>,
      %get3A_512 = vector.shape_cast %get3A_511 : vector<1x16xf32> to vector<16xf32>
      %add3A_513 = arith.addf %add3A_491, %get3A_512 : vector<16xf32>
      %get3A_514 = arith.index_cast %squeeze3A_503 : i32 to index
      %get3A_515 = arith.constant 32 : index
      %get3A_516 = tpu.vector_load %arg9[%get3A_514, %get3A_515] {strides = array<i32>} : memref<65x64xf32, #tpu.memory_space<vmem>>, vector<1x16xf32>,
      %get3A_517 = vector.shape_cast %get3A_516 : vector<1x16xf32> to vector<16xf32>
      %add3A_518 = arith.addf %add3A_496, %get3A_517 : vector<16xf32>
      %get3A_519 = arith.index_cast %squeeze3A_503 : i32 to index
      %get3A_520 = arith.constant 48 : index
      %get3A_521 = tpu.vector_load %arg9[%get3A_519, %get3A_520] {strides = array<i32>} : memref<65x64xf32, #tpu.memory_space<vmem>>, vector<1x16xf32>,
      %get3A_522 = vector.shape_cast %get3A_521 : vector<1x16xf32> to vector<16xf32>
      %add3A_523 = arith.addf %add3A_501, %get3A_522 : vector<16xf32>
      %slice3A_524 = vector.extract_strided_slice %get3A_212 {offsets = [14], sizes = [1], strides = [1]} : vector<16xi32> to vector<1xi32>
      %squeeze3A_525 = vector.extract %slice3A_524[0] : i32 from vector<1xi32>
      %get3A_526 = arith.index_cast %squeeze3A_525 : i32 to index
      %get3A_527 = arith.constant 0 : index
      %get3A_528 = tpu.vector_load %arg9[%get3A_526, %get3A_527] {strides = array<i32>} : memref<65x64xf32, #tpu.memory_space<vmem>>, vector<1x16xf32>,
      %get3A_529 = vector.shape_cast %get3A_528 : vector<1x16xf32> to vector<16xf32>
      %add3A_530 = arith.addf %add3A_508, %get3A_529 : vector<16xf32>
      %get3A_531 = arith.index_cast %squeeze3A_525 : i32 to index
      %get3A_532 = arith.constant 16 : index
      %get3A_533 = tpu.vector_load %arg9[%get3A_531, %get3A_532] {strides = array<i32>} : memref<65x64xf32, #tpu.memory_space<vmem>>, vector<1x16xf32>,
      %get3A_534 = vector.shape_cast %get3A_533 : vector<1x16xf32> to vector<16xf32>
      %add3A_535 = arith.addf %add3A_513, %get3A_534 : vector<16xf32>
      %get3A_536 = arith.index_cast %squeeze3A_525 : i32 to index
      %get3A_537 = arith.constant 32 : index
      %get3A_538 = tpu.vector_load %arg9[%get3A_536, %get3A_537] {strides = array<i32>} : memref<65x64xf32, #tpu.memory_space<vmem>>, vector<1x16xf32>,
      %get3A_539 = vector.shape_cast %get3A_538 : vector<1x16xf32> to vector<16xf32>
      %add3A_540 = arith.addf %add3A_518, %get3A_539 : vector<16xf32>
      %get3A_541 = arith.index_cast %squeeze3A_525 : i32 to index
      %get3A_542 = arith.constant 48 : index
      %get3A_543 = tpu.vector_load %arg9[%get3A_541, %get3A_542] {strides = array<i32>} : memref<65x64xf32, #tpu.memory_space<vmem>>, vector<1x16xf32>,
      %get3A_544 = vector.shape_cast %get3A_543 : vector<1x16xf32> to vector<16xf32>
      %add3A_545 = arith.addf %add3A_523, %get3A_544 : vector<16xf32>
      %slice3A_546 = vector.extract_strided_slice %get3A_212 {offsets = [15], sizes = [1], strides = [1]} : vector<16xi32> to vector<1xi32>
      %squeeze3A_547 = vector.extract %slice3A_546[0] : i32 from vector<1xi32>
      %get3A_548 = arith.index_cast %squeeze3A_547 : i32 to index
      %get3A_549 = arith.constant 0 : index
      %get3A_550 = tpu.vector_load %arg9[%get3A_548, %get3A_549] {strides = array<i32>} : memref<65x64xf32, #tpu.memory_space<vmem>>, vector<1x16xf32>,
      %get3A_551 = vector.shape_cast %get3A_550 : vector<1x16xf32> to vector<16xf32>
      %add3A_552 = arith.addf %add3A_530, %get3A_551 : vector<16xf32>
      %get3A_553 = arith.index_cast %squeeze3A_547 : i32 to index
      %get3A_554 = arith.constant 16 : index
      %get3A_555 = tpu.vector_load %arg9[%get3A_553, %get3A_554] {strides = array<i32>} : memref<65x64xf32, #tpu.memory_space<vmem>>, vector<1x16xf32>,
      %get3A_556 = vector.shape_cast %get3A_555 : vector<1x16xf32> to vector<16xf32>
      %add3A_557 = arith.addf %add3A_535, %get3A_556 : vector<16xf32>
      %get3A_558 = arith.index_cast %squeeze3A_547 : i32 to index
      %get3A_559 = arith.constant 32 : index
      %get3A_560 = tpu.vector_load %arg9[%get3A_558, %get3A_559] {strides = array<i32>} : memref<65x64xf32, #tpu.memory_space<vmem>>, vector<1x16xf32>,
      %get3A_561 = vector.shape_cast %get3A_560 : vector<1x16xf32> to vector<16xf32>
      %add3A_562 = arith.addf %add3A_540, %get3A_561 : vector<16xf32>
      %get3A_563 = arith.index_cast %squeeze3A_547 : i32 to index
      %get3A_564 = arith.constant 48 : index
      %get3A_565 = tpu.vector_load %arg9[%get3A_563, %get3A_564] {strides = array<i32>} : memref<65x64xf32, #tpu.memory_space<vmem>>, vector<1x16xf32>,
      %get3A_566 = vector.shape_cast %get3A_565 : vector<1x16xf32> to vector<16xf32>
      %add3A_567 = arith.addf %add3A_545, %get3A_566 : vector<16xf32>
      %slice3A_568 = vector.extract_strided_slice %get3A_216 {offsets = [0], sizes = [1], strides = [1]} : vector<16xi32> to vector<1xi32>
      %squeeze3A_569 = vector.extract %slice3A_568[0] : i32 from vector<1xi32>
      %get3A_570 = arith.index_cast %squeeze3A_569 : i32 to index
      %get3A_571 = arith.constant 0 : index
      %get3A_572 = tpu.vector_load %arg9[%get3A_570, %get3A_571] {strides = array<i32>} : memref<65x64xf32, #tpu.memory_space<vmem>>, vector<1x16xf32>,
      %get3A_573 = vector.shape_cast %get3A_572 : vector<1x16xf32> to vector<16xf32>
      %add3A_574 = arith.addf %add3A_552, %get3A_573 : vector<16xf32>
      %get3A_575 = arith.index_cast %squeeze3A_569 : i32 to index
      %get3A_576 = arith.constant 16 : index
      %get3A_577 = tpu.vector_load %arg9[%get3A_575, %get3A_576] {strides = array<i32>} : memref<65x64xf32, #tpu.memory_space<vmem>>, vector<1x16xf32>,
      %get3A_578 = vector.shape_cast %get3A_577 : vector<1x16xf32> to vector<16xf32>
      %add3A_579 = arith.addf %add3A_557, %get3A_578 : vector<16xf32>
      %get3A_580 = arith.index_cast %squeeze3A_569 : i32 to index
      %get3A_581 = arith.constant 32 : index
      %get3A_582 = tpu.vector_load %arg9[%get3A_580, %get3A_581] {strides = array<i32>} : memref<65x64xf32, #tpu.memory_space<vmem>>, vector<1x16xf32>,
      %get3A_583 = vector.shape_cast %get3A_582 : vector<1x16xf32> to vector<16xf32>
      %add3A_584 = arith.addf %add3A_562, %get3A_583 : vector<16xf32>
      %get3A_585 = arith.index_cast %squeeze3A_569 : i32 to index
      %get3A_586 = arith.constant 48 : index
      %get3A_587 = tpu.vector_load %arg9[%get3A_585, %get3A_586] {strides = array<i32>} : memref<65x64xf32, #tpu.memory_space<vmem>>, vector<1x16xf32>,
      %get3A_588 = vector.shape_cast %get3A_587 : vector<1x16xf32> to vector<16xf32>
      %add3A_589 = arith.addf %add3A_567, %get3A_588 : vector<16xf32>
      %slice3A_590 = vector.extract_strided_slice %get3A_216 {offsets = [1], sizes = [1], strides = [1]} : vector<16xi32> to vector<1xi32>
      %squeeze3A_591 = vector.extract %slice3A_590[0] : i32 from vector<1xi32>
      %get3A_592 = arith.index_cast %squeeze3A_591 : i32 to index
      %get3A_593 = arith.constant 0 : index
      %get3A_594 = tpu.vector_load %arg9[%get3A_592, %get3A_593] {strides = array<i32>} : memref<65x64xf32, #tpu.memory_space<vmem>>, vector<1x16xf32>,
      %get3A_595 = vector.shape_cast %get3A_594 : vector<1x16xf32> to vector<16xf32>
      %add3A_596 = arith.addf %add3A_574, %get3A_595 : vector<16xf32>
      %get3A_597 = arith.index_cast %squeeze3A_591 : i32 to index
      %get3A_598 = arith.constant 16 : index
      %get3A_599 = tpu.vector_load %arg9[%get3A_597, %get3A_598] {strides = array<i32>} : memref<65x64xf32, #tpu.memory_space<vmem>>, vector<1x16xf32>,
      %get3A_600 = vector.shape_cast %get3A_599 : vector<1x16xf32> to vector<16xf32>
      %add3A_601 = arith.addf %add3A_579, %get3A_600 : vector<16xf32>
      %get3A_602 = arith.index_cast %squeeze3A_591 : i32 to index
      %get3A_603 = arith.constant 32 : index
      %get3A_604 = tpu.vector_load %arg9[%get3A_602, %get3A_603] {strides = array<i32>} : memref<65x64xf32, #tpu.memory_space<vmem>>, vector<1x16xf32>,
      %get3A_605 = vector.shape_cast %get3A_604 : vector<1x16xf32> to vector<16xf32>
      %add3A_606 = arith.addf %add3A_584, %get3A_605 : vector<16xf32>
      %get3A_607 = arith.index_cast %squeeze3A_591 : i32 to index
      %get3A_608 = arith.constant 48 : index
      %get3A_609 = tpu.vector_load %arg9[%get3A_607, %get3A_608] {strides = array<i32>} : memref<65x64xf32, #tpu.memory_space<vmem>>, vector<1x16xf32>,
      %get3A_610 = vector.shape_cast %get3A_609 : vector<1x16xf32> to vector<16xf32>
      %add3A_611 = arith.addf %add3A_589, %get3A_610 : vector<16xf32>
      %slice3A_612 = vector.extract_strided_slice %get3A_216 {offsets = [2], sizes = [1], strides = [1]} : vector<16xi32> to vector<1xi32>
      %squeeze3A_613 = vector.extract %slice3A_612[0] : i32 from vector<1xi32>
      %get3A_614 = arith.index_cast %squeeze3A_613 : i32 to index
      %get3A_615 = arith.constant 0 : index
      %get3A_616 = tpu.vector_load %arg9[%get3A_614, %get3A_615] {strides = array<i32>} : memref<65x64xf32, #tpu.memory_space<vmem>>, vector<1x16xf32>,
      %get3A_617 = vector.shape_cast %get3A_616 : vector<1x16xf32> to vector<16xf32>
      %add3A_618 = arith.addf %add3A_596, %get3A_617 : vector<16xf32>
      %get3A_619 = arith.index_cast %squeeze3A_613 : i32 to index
      %get3A_620 = arith.constant 16 : index
      %get3A_621 = tpu.vector_load %arg9[%get3A_619, %get3A_620] {strides = array<i32>} : memref<65x64xf32, #tpu.memory_space<vmem>>, vector<1x16xf32>,
      %get3A_622 = vector.shape_cast %get3A_621 : vector<1x16xf32> to vector<16xf32>
      %add3A_623 = arith.addf %add3A_601, %get3A_622 : vector<16xf32>
      %get3A_624 = arith.index_cast %squeeze3A_613 : i32 to index
      %get3A_625 = arith.constant 32 : index
      %get3A_626 = tpu.vector_load %arg9[%get3A_624, %get3A_625] {strides = array<i32>} : memref<65x64xf32, #tpu.memory_space<vmem>>, vector<1x16xf32>,
      %get3A_627 = vector.shape_cast %get3A_626 : vector<1x16xf32> to vector<16xf32>
      %add3A_628 = arith.addf %add3A_606, %get3A_627 : vector<16xf32>
      %get3A_629 = arith.index_cast %squeeze3A_613 : i32 to index
      %get3A_630 = arith.constant 48 : index
      %get3A_631 = tpu.vector_load %arg9[%get3A_629, %get3A_630] {strides = array<i32>} : memref<65x64xf32, #tpu.memory_space<vmem>>, vector<1x16xf32>,
      %get3A_632 = vector.shape_cast %get3A_631 : vector<1x16xf32> to vector<16xf32>
      %add3A_633 = arith.addf %add3A_611, %get3A_632 : vector<16xf32>
      %slice3A_634 = vector.extract_strided_slice %get3A_216 {offsets = [3], sizes = [1], strides = [1]} : vector<16xi32> to vector<1xi32>
      %squeeze3A_635 = vector.extract %slice3A_634[0] : i32 from vector<1xi32>
      %get3A_636 = arith.index_cast %squeeze3A_635 : i32 to index
      %get3A_637 = arith.constant 0 : index
      %get3A_638 = tpu.vector_load %arg9[%get3A_636, %get3A_637] {strides = array<i32>} : memref<65x64xf32, #tpu.memory_space<vmem>>, vector<1x16xf32>,
      %get3A_639 = vector.shape_cast %get3A_638 : vector<1x16xf32> to vector<16xf32>
      %add3A_640 = arith.addf %add3A_618, %get3A_639 : vector<16xf32>
      %get3A_641 = arith.index_cast %squeeze3A_635 : i32 to index
      %get3A_642 = arith.constant 16 : index
      %get3A_643 = tpu.vector_load %arg9[%get3A_641, %get3A_642] {strides = array<i32>} : memref<65x64xf32, #tpu.memory_space<vmem>>, vector<1x16xf32>,
      %get3A_644 = vector.shape_cast %get3A_643 : vector<1x16xf32> to vector<16xf32>
      %add3A_645 = arith.addf %add3A_623, %get3A_644 : vector<16xf32>
      %get3A_646 = arith.index_cast %squeeze3A_635 : i32 to index
      %get3A_647 = arith.constant 32 : index
      %get3A_648 = tpu.vector_load %arg9[%get3A_646, %get3A_647] {strides = array<i32>} : memref<65x64xf32, #tpu.memory_space<vmem>>, vector<1x16xf32>,
      %get3A_649 = vector.shape_cast %get3A_648 : vector<1x16xf32> to vector<16xf32>
      %add3A_650 = arith.addf %add3A_628, %get3A_649 : vector<16xf32>
      %get3A_651 = arith.index_cast %squeeze3A_635 : i32 to index
      %get3A_652 = arith.constant 48 : index
      %get3A_653 = tpu.vector_load %arg9[%get3A_651, %get3A_652] {strides = array<i32>} : memref<65x64xf32, #tpu.memory_space<vmem>>, vector<1x16xf32>,
      %get3A_654 = vector.shape_cast %get3A_653 : vector<1x16xf32> to vector<16xf32>
      %add3A_655 = arith.addf %add3A_633, %get3A_654 : vector<16xf32>
      %slice3A_656 = vector.extract_strided_slice %get3A_216 {offsets = [4], sizes = [1], strides = [1]} : vector<16xi32> to vector<1xi32>
      %squeeze3A_657 = vector.extract %slice3A_656[0] : i32 from vector<1xi32>
      %get3A_658 = arith.index_cast %squeeze3A_657 : i32 to index
      %get3A_659 = arith.constant 0 : index
      %get3A_660 = tpu.vector_load %arg9[%get3A_658, %get3A_659] {strides = array<i32>} : memref<65x64xf32, #tpu.memory_space<vmem>>, vector<1x16xf32>,
      %get3A_661 = vector.shape_cast %get3A_660 : vector<1x16xf32> to vector<16xf32>
      %add3A_662 = arith.addf %add3A_640, %get3A_661 : vector<16xf32>
      %get3A_663 = arith.index_cast %squeeze3A_657 : i32 to index
      %get3A_664 = arith.constant 16 : index
      %get3A_665 = tpu.vector_load %arg9[%get3A_663, %get3A_664] {strides = array<i32>} : memref<65x64xf32, #tpu.memory_space<vmem>>, vector<1x16xf32>,
      %get3A_666 = vector.shape_cast %get3A_665 : vector<1x16xf32> to vector<16xf32>
      %add3A_667 = arith.addf %add3A_645, %get3A_666 : vector<16xf32>
      %get3A_668 = arith.index_cast %squeeze3A_657 : i32 to index
      %get3A_669 = arith.constant 32 : index
      %get3A_670 = tpu.vector_load %arg9[%get3A_668, %get3A_669] {strides = array<i32>} : memref<65x64xf32, #tpu.memory_space<vmem>>, vector<1x16xf32>,
      %get3A_671 = vector.shape_cast %get3A_670 : vector<1x16xf32> to vector<16xf32>
      %add3A_672 = arith.addf %add3A_650, %get3A_671 : vector<16xf32>
      %get3A_673 = arith.index_cast %squeeze3A_657 : i32 to index
      %get3A_674 = arith.constant 48 : index
      %get3A_675 = tpu.vector_load %arg9[%get3A_673, %get3A_674] {strides = array<i32>} : memref<65x64xf32, #tpu.memory_space<vmem>>, vector<1x16xf32>,
      %get3A_676 = vector.shape_cast %get3A_675 : vector<1x16xf32> to vector<16xf32>
      %add3A_677 = arith.addf %add3A_655, %get3A_676 : vector<16xf32>
      %slice3A_678 = vector.extract_strided_slice %get3A_216 {offsets = [5], sizes = [1], strides = [1]} : vector<16xi32> to vector<1xi32>
      %squeeze3A_679 = vector.extract %slice3A_678[0] : i32 from vector<1xi32>
      %get3A_680 = arith.index_cast %squeeze3A_679 : i32 to index
      %get3A_681 = arith.constant 0 : index
      %get3A_682 = tpu.vector_load %arg9[%get3A_680, %get3A_681] {strides = array<i32>} : memref<65x64xf32, #tpu.memory_space<vmem>>, vector<1x16xf32>,
      %get3A_683 = vector.shape_cast %get3A_682 : vector<1x16xf32> to vector<16xf32>
      %add3A_684 = arith.addf %add3A_662, %get3A_683 : vector<16xf32>
      %get3A_685 = arith.index_cast %squeeze3A_679 : i32 to index
      %get3A_686 = arith.constant 16 : index
      %get3A_687 = tpu.vector_load %arg9[%get3A_685, %get3A_686] {strides = array<i32>} : memref<65x64xf32, #tpu.memory_space<vmem>>, vector<1x16xf32>,
      %get3A_688 = vector.shape_cast %get3A_687 : vector<1x16xf32> to vector<16xf32>
      %add3A_689 = arith.addf %add3A_667, %get3A_688 : vector<16xf32>
      %get3A_690 = arith.index_cast %squeeze3A_679 : i32 to index
      %get3A_691 = arith.constant 32 : index
      %get3A_692 = tpu.vector_load %arg9[%get3A_690, %get3A_691] {strides = array<i32>} : memref<65x64xf32, #tpu.memory_space<vmem>>, vector<1x16xf32>,
      %get3A_693 = vector.shape_cast %get3A_692 : vector<1x16xf32> to vector<16xf32>
      %add3A_694 = arith.addf %add3A_672, %get3A_693 : vector<16xf32>
      %get3A_695 = arith.index_cast %squeeze3A_679 : i32 to index
      %get3A_696 = arith.constant 48 : index
      %get3A_697 = tpu.vector_load %arg9[%get3A_695, %get3A_696] {strides = array<i32>} : memref<65x64xf32, #tpu.memory_space<vmem>>, vector<1x16xf32>,
      %get3A_698 = vector.shape_cast %get3A_697 : vector<1x16xf32> to vector<16xf32>
      %add3A_699 = arith.addf %add3A_677, %get3A_698 : vector<16xf32>
      %slice3A_700 = vector.extract_strided_slice %get3A_216 {offsets = [6], sizes = [1], strides = [1]} : vector<16xi32> to vector<1xi32>
      %squeeze3A_701 = vector.extract %slice3A_700[0] : i32 from vector<1xi32>
      %get3A_702 = arith.index_cast %squeeze3A_701 : i32 to index
      %get3A_703 = arith.constant 0 : index
      %get3A_704 = tpu.vector_load %arg9[%get3A_702, %get3A_703] {strides = array<i32>} : memref<65x64xf32, #tpu.memory_space<vmem>>, vector<1x16xf32>,
      %get3A_705 = vector.shape_cast %get3A_704 : vector<1x16xf32> to vector<16xf32>
      %add3A_706 = arith.addf %add3A_684, %get3A_705 : vector<16xf32>
      %get3A_707 = arith.index_cast %squeeze3A_701 : i32 to index
      %get3A_708 = arith.constant 16 : index
      %get3A_709 = tpu.vector_load %arg9[%get3A_707, %get3A_708] {strides = array<i32>} : memref<65x64xf32, #tpu.memory_space<vmem>>, vector<1x16xf32>,
      %get3A_710 = vector.shape_cast %get3A_709 : vector<1x16xf32> to vector<16xf32>
      %add3A_711 = arith.addf %add3A_689, %get3A_710 : vector<16xf32>
      %get3A_712 = arith.index_cast %squeeze3A_701 : i32 to index
      %get3A_713 = arith.constant 32 : index
      %get3A_714 = tpu.vector_load %arg9[%get3A_712, %get3A_713] {strides = array<i32>} : memref<65x64xf32, #tpu.memory_space<vmem>>, vector<1x16xf32>,
      %get3A_715 = vector.shape_cast %get3A_714 : vector<1x16xf32> to vector<16xf32>
      %add3A_716 = arith.addf %add3A_694, %get3A_715 : vector<16xf32>
      %get3A_717 = arith.index_cast %squeeze3A_701 : i32 to index
      %get3A_718 = arith.constant 48 : index
      %get3A_719 = tpu.vector_load %arg9[%get3A_717, %get3A_718] {strides = array<i32>} : memref<65x64xf32, #tpu.memory_space<vmem>>, vector<1x16xf32>,
      %get3A_720 = vector.shape_cast %get3A_719 : vector<1x16xf32> to vector<16xf32>
      %add3A_721 = arith.addf %add3A_699, %get3A_720 : vector<16xf32>
      %slice3A_722 = vector.extract_strided_slice %get3A_216 {offsets = [7], sizes = [1], strides = [1]} : vector<16xi32> to vector<1xi32>
      %squeeze3A_723 = vector.extract %slice3A_722[0] : i32 from vector<1xi32>
      %get3A_724 = arith.index_cast %squeeze3A_723 : i32 to index
      %get3A_725 = arith.constant 0 : index
      %get3A_726 = tpu.vector_load %arg9[%get3A_724, %get3A_725] {strides = array<i32>} : memref<65x64xf32, #tpu.memory_space<vmem>>, vector<1x16xf32>,
      %get3A_727 = vector.shape_cast %get3A_726 : vector<1x16xf32> to vector<16xf32>
      %add3A_728 = arith.addf %add3A_706, %get3A_727 : vector<16xf32>
      %get3A_729 = arith.index_cast %squeeze3A_723 : i32 to index
      %get3A_730 = arith.constant 16 : index
      %get3A_731 = tpu.vector_load %arg9[%get3A_729, %get3A_730] {strides = array<i32>} : memref<65x64xf32, #tpu.memory_space<vmem>>, vector<1x16xf32>,
      %get3A_732 = vector.shape_cast %get3A_731 : vector<1x16xf32> to vector<16xf32>
      %add3A_733 = arith.addf %add3A_711, %get3A_732 : vector<16xf32>
      %get3A_734 = arith.index_cast %squeeze3A_723 : i32 to index
      %get3A_735 = arith.constant 32 : index
      %get3A_736 = tpu.vector_load %arg9[%get3A_734, %get3A_735] {strides = array<i32>} : memref<65x64xf32, #tpu.memory_space<vmem>>, vector<1x16xf32>,
      %get3A_737 = vector.shape_cast %get3A_736 : vector<1x16xf32> to vector<16xf32>
      %add3A_738 = arith.addf %add3A_716, %get3A_737 : vector<16xf32>
      %get3A_739 = arith.index_cast %squeeze3A_723 : i32 to index
      %get3A_740 = arith.constant 48 : index
      %get3A_741 = tpu.vector_load %arg9[%get3A_739, %get3A_740] {strides = array<i32>} : memref<65x64xf32, #tpu.memory_space<vmem>>, vector<1x16xf32>,
      %get3A_742 = vector.shape_cast %get3A_741 : vector<1x16xf32> to vector<16xf32>
      %add3A_743 = arith.addf %add3A_721, %get3A_742 : vector<16xf32>
      %slice3A_744 = vector.extract_strided_slice %get3A_216 {offsets = [8], sizes = [1], strides = [1]} : vector<16xi32> to vector<1xi32>
      %squeeze3A_745 = vector.extract %slice3A_744[0] : i32 from vector<1xi32>
      %get3A_746 = arith.index_cast %squeeze3A_745 : i32 to index
      %get3A_747 = arith.constant 0 : index
      %get3A_748 = tpu.vector_load %arg9[%get3A_746, %get3A_747] {strides = array<i32>} : memref<65x64xf32, #tpu.memory_space<vmem>>, vector<1x16xf32>,
      %get3A_749 = vector.shape_cast %get3A_748 : vector<1x16xf32> to vector<16xf32>
      %add3A_750 = arith.addf %add3A_728, %get3A_749 : vector<16xf32>
      %get3A_751 = arith.index_cast %squeeze3A_745 : i32 to index
      %get3A_752 = arith.constant 16 : index
      %get3A_753 = tpu.vector_load %arg9[%get3A_751, %get3A_752] {strides = array<i32>} : memref<65x64xf32, #tpu.memory_space<vmem>>, vector<1x16xf32>,
      %get3A_754 = vector.shape_cast %get3A_753 : vector<1x16xf32> to vector<16xf32>
      %add3A_755 = arith.addf %add3A_733, %get3A_754 : vector<16xf32>
      %get3A_756 = arith.index_cast %squeeze3A_745 : i32 to index
      %get3A_757 = arith.constant 32 : index
      %get3A_758 = tpu.vector_load %arg9[%get3A_756, %get3A_757] {strides = array<i32>} : memref<65x64xf32, #tpu.memory_space<vmem>>, vector<1x16xf32>,
      %get3A_759 = vector.shape_cast %get3A_758 : vector<1x16xf32> to vector<16xf32>
      %add3A_760 = arith.addf %add3A_738, %get3A_759 : vector<16xf32>
      %get3A_761 = arith.index_cast %squeeze3A_745 : i32 to index
      %get3A_762 = arith.constant 48 : index
      %get3A_763 = tpu.vector_load %arg9[%get3A_761, %get3A_762] {strides = array<i32>} : memref<65x64xf32, #tpu.memory_space<vmem>>, vector<1x16xf32>,
      %get3A_764 = vector.shape_cast %get3A_763 : vector<1x16xf32> to vector<16xf32>
      %add3A_765 = arith.addf %add3A_743, %get3A_764 : vector<16xf32>
      %slice3A_766 = vector.extract_strided_slice %get3A_216 {offsets = [9], sizes = [1], strides = [1]} : vector<16xi32> to vector<1xi32>
      %squeeze3A_767 = vector.extract %slice3A_766[0] : i32 from vector<1xi32>
      %get3A_768 = arith.index_cast %squeeze3A_767 : i32 to index
      %get3A_769 = arith.constant 0 : index
      %get3A_770 = tpu.vector_load %arg9[%get3A_768, %get3A_769] {strides = array<i32>} : memref<65x64xf32, #tpu.memory_space<vmem>>, vector<1x16xf32>,
      %get3A_771 = vector.shape_cast %get3A_770 : vector<1x16xf32> to vector<16xf32>
      %add3A_772 = arith.addf %add3A_750, %get3A_771 : vector<16xf32>
      %get3A_773 = arith.index_cast %squeeze3A_767 : i32 to index
      %get3A_774 = arith.constant 16 : index
      %get3A_775 = tpu.vector_load %arg9[%get3A_773, %get3A_774] {strides = array<i32>} : memref<65x64xf32, #tpu.memory_space<vmem>>, vector<1x16xf32>,
      %get3A_776 = vector.shape_cast %get3A_775 : vector<1x16xf32> to vector<16xf32>
      %add3A_777 = arith.addf %add3A_755, %get3A_776 : vector<16xf32>
      %get3A_778 = arith.index_cast %squeeze3A_767 : i32 to index
      %get3A_779 = arith.constant 32 : index
      %get3A_780 = tpu.vector_load %arg9[%get3A_778, %get3A_779] {strides = array<i32>} : memref<65x64xf32, #tpu.memory_space<vmem>>, vector<1x16xf32>,
      %get3A_781 = vector.shape_cast %get3A_780 : vector<1x16xf32> to vector<16xf32>
      %add3A_782 = arith.addf %add3A_760, %get3A_781 : vector<16xf32>
      %get3A_783 = arith.index_cast %squeeze3A_767 : i32 to index
      %get3A_784 = arith.constant 48 : index
      %get3A_785 = tpu.vector_load %arg9[%get3A_783, %get3A_784] {strides = array<i32>} : memref<65x64xf32, #tpu.memory_space<vmem>>, vector<1x16xf32>,
      %get3A_786 = vector.shape_cast %get3A_785 : vector<1x16xf32> to vector<16xf32>
      %add3A_787 = arith.addf %add3A_765, %get3A_786 : vector<16xf32>
      %slice3A_788 = vector.extract_strided_slice %get3A_216 {offsets = [10], sizes = [1], strides = [1]} : vector<16xi32> to vector<1xi32>
      %squeeze3A_789 = vector.extract %slice3A_788[0] : i32 from vector<1xi32>
      %get3A_790 = arith.index_cast %squeeze3A_789 : i32 to index
      %get3A_791 = arith.constant 0 : index
      %get3A_792 = tpu.vector_load %arg9[%get3A_790, %get3A_791] {strides = array<i32>} : memref<65x64xf32, #tpu.memory_space<vmem>>, vector<1x16xf32>,
      %get3A_793 = vector.shape_cast %get3A_792 : vector<1x16xf32> to vector<16xf32>
      %add3A_794 = arith.addf %add3A_772, %get3A_793 : vector<16xf32>
      %get3A_795 = arith.index_cast %squeeze3A_789 : i32 to index
      %get3A_796 = arith.constant 16 : index
      %get3A_797 = tpu.vector_load %arg9[%get3A_795, %get3A_796] {strides = array<i32>} : memref<65x64xf32, #tpu.memory_space<vmem>>, vector<1x16xf32>,
      %get3A_798 = vector.shape_cast %get3A_797 : vector<1x16xf32> to vector<16xf32>
      %add3A_799 = arith.addf %add3A_777, %get3A_798 : vector<16xf32>
      %get3A_800 = arith.index_cast %squeeze3A_789 : i32 to index
      %get3A_801 = arith.constant 32 : index
      %get3A_802 = tpu.vector_load %arg9[%get3A_800, %get3A_801] {strides = array<i32>} : memref<65x64xf32, #tpu.memory_space<vmem>>, vector<1x16xf32>,
      %get3A_803 = vector.shape_cast %get3A_802 : vector<1x16xf32> to vector<16xf32>
      %add3A_804 = arith.addf %add3A_782, %get3A_803 : vector<16xf32>
      %get3A_805 = arith.index_cast %squeeze3A_789 : i32 to index
      %get3A_806 = arith.constant 48 : index
      %get3A_807 = tpu.vector_load %arg9[%get3A_805, %get3A_806] {strides = array<i32>} : memref<65x64xf32, #tpu.memory_space<vmem>>, vector<1x16xf32>,
      %get3A_808 = vector.shape_cast %get3A_807 : vector<1x16xf32> to vector<16xf32>
      %add3A_809 = arith.addf %add3A_787, %get3A_808 : vector<16xf32>
      %slice3A_810 = vector.extract_strided_slice %get3A_216 {offsets = [11], sizes = [1], strides = [1]} : vector<16xi32> to vector<1xi32>
      %squeeze3A_811 = vector.extract %slice3A_810[0] : i32 from vector<1xi32>
      %get3A_812 = arith.index_cast %squeeze3A_811 : i32 to index
      %get3A_813 = arith.constant 0 : index
      %get3A_814 = tpu.vector_load %arg9[%get3A_812, %get3A_813] {strides = array<i32>} : memref<65x64xf32, #tpu.memory_space<vmem>>, vector<1x16xf32>,
      %get3A_815 = vector.shape_cast %get3A_814 : vector<1x16xf32> to vector<16xf32>
      %add3A_816 = arith.addf %add3A_794, %get3A_815 : vector<16xf32>
      %get3A_817 = arith.index_cast %squeeze3A_811 : i32 to index
      %get3A_818 = arith.constant 16 : index
      %get3A_819 = tpu.vector_load %arg9[%get3A_817, %get3A_818] {strides = array<i32>} : memref<65x64xf32, #tpu.memory_space<vmem>>, vector<1x16xf32>,
      %get3A_820 = vector.shape_cast %get3A_819 : vector<1x16xf32> to vector<16xf32>
      %add3A_821 = arith.addf %add3A_799, %get3A_820 : vector<16xf32>
      %get3A_822 = arith.index_cast %squeeze3A_811 : i32 to index
      %get3A_823 = arith.constant 32 : index
      %get3A_824 = tpu.vector_load %arg9[%get3A_822, %get3A_823] {strides = array<i32>} : memref<65x64xf32, #tpu.memory_space<vmem>>, vector<1x16xf32>,
      %get3A_825 = vector.shape_cast %get3A_824 : vector<1x16xf32> to vector<16xf32>
      %add3A_826 = arith.addf %add3A_804, %get3A_825 : vector<16xf32>
      %get3A_827 = arith.index_cast %squeeze3A_811 : i32 to index
      %get3A_828 = arith.constant 48 : index
      %get3A_829 = tpu.vector_load %arg9[%get3A_827, %get3A_828] {strides = array<i32>} : memref<65x64xf32, #tpu.memory_space<vmem>>, vector<1x16xf32>,
      %get3A_830 = vector.shape_cast %get3A_829 : vector<1x16xf32> to vector<16xf32>
      %add3A_831 = arith.addf %add3A_809, %get3A_830 : vector<16xf32>
      %slice3A_832 = vector.extract_strided_slice %get3A_216 {offsets = [12], sizes = [1], strides = [1]} : vector<16xi32> to vector<1xi32>
      %squeeze3A_833 = vector.extract %slice3A_832[0] : i32 from vector<1xi32>
      %get3A_834 = arith.index_cast %squeeze3A_833 : i32 to index
      %get3A_835 = arith.constant 0 : index
      %get3A_836 = tpu.vector_load %arg9[%get3A_834, %get3A_835] {strides = array<i32>} : memref<65x64xf32, #tpu.memory_space<vmem>>, vector<1x16xf32>,
      %get3A_837 = vector.shape_cast %get3A_836 : vector<1x16xf32> to vector<16xf32>
      %add3A_838 = arith.addf %add3A_816, %get3A_837 : vector<16xf32>
      %get3A_839 = arith.index_cast %squeeze3A_833 : i32 to index
      %get3A_840 = arith.constant 16 : index
      %get3A_841 = tpu.vector_load %arg9[%get3A_839, %get3A_840] {strides = array<i32>} : memref<65x64xf32, #tpu.memory_space<vmem>>, vector<1x16xf32>,
      %get3A_842 = vector.shape_cast %get3A_841 : vector<1x16xf32> to vector<16xf32>
      %add3A_843 = arith.addf %add3A_821, %get3A_842 : vector<16xf32>
      %get3A_844 = arith.index_cast %squeeze3A_833 : i32 to index
      %get3A_845 = arith.constant 32 : index
      %get3A_846 = tpu.vector_load %arg9[%get3A_844, %get3A_845] {strides = array<i32>} : memref<65x64xf32, #tpu.memory_space<vmem>>, vector<1x16xf32>,
      %get3A_847 = vector.shape_cast %get3A_846 : vector<1x16xf32> to vector<16xf32>
      %add3A_848 = arith.addf %add3A_826, %get3A_847 : vector<16xf32>
      %get3A_849 = arith.index_cast %squeeze3A_833 : i32 to index
      %get3A_850 = arith.constant 48 : index
      %get3A_851 = tpu.vector_load %arg9[%get3A_849, %get3A_850] {strides = array<i32>} : memref<65x64xf32, #tpu.memory_space<vmem>>, vector<1x16xf32>,
      %get3A_852 = vector.shape_cast %get3A_851 : vector<1x16xf32> to vector<16xf32>
      %add3A_853 = arith.addf %add3A_831, %get3A_852 : vector<16xf32>
      %slice3A_854 = vector.extract_strided_slice %get3A_216 {offsets = [13], sizes = [1], strides = [1]} : vector<16xi32> to vector<1xi32>
      %squeeze3A_855 = vector.extract %slice3A_854[0] : i32 from vector<1xi32>
      %get3A_856 = arith.index_cast %squeeze3A_855 : i32 to index
      %get3A_857 = arith.constant 0 : index
      %get3A_858 = tpu.vector_load %arg9[%get3A_856, %get3A_857] {strides = array<i32>} : memref<65x64xf32, #tpu.memory_space<vmem>>, vector<1x16xf32>,
      %get3A_859 = vector.shape_cast %get3A_858 : vector<1x16xf32> to vector<16xf32>
      %add3A_860 = arith.addf %add3A_838, %get3A_859 : vector<16xf32>
      %get3A_861 = arith.index_cast %squeeze3A_855 : i32 to index
      %get3A_862 = arith.constant 16 : index
      %get3A_863 = tpu.vector_load %arg9[%get3A_861, %get3A_862] {strides = array<i32>} : memref<65x64xf32, #tpu.memory_space<vmem>>, vector<1x16xf32>,
      %get3A_864 = vector.shape_cast %get3A_863 : vector<1x16xf32> to vector<16xf32>
      %add3A_865 = arith.addf %add3A_843, %get3A_864 : vector<16xf32>
      %get3A_866 = arith.index_cast %squeeze3A_855 : i32 to index
      %get3A_867 = arith.constant 32 : index
      %get3A_868 = tpu.vector_load %arg9[%get3A_866, %get3A_867] {strides = array<i32>} : memref<65x64xf32, #tpu.memory_space<vmem>>, vector<1x16xf32>,
      %get3A_869 = vector.shape_cast %get3A_868 : vector<1x16xf32> to vector<16xf32>
      %add3A_870 = arith.addf %add3A_848, %get3A_869 : vector<16xf32>
      %get3A_871 = arith.index_cast %squeeze3A_855 : i32 to index
      %get3A_872 = arith.constant 48 : index
      %get3A_873 = tpu.vector_load %arg9[%get3A_871, %get3A_872] {strides = array<i32>} : memref<65x64xf32, #tpu.memory_space<vmem>>, vector<1x16xf32>,
      %get3A_874 = vector.shape_cast %get3A_873 : vector<1x16xf32> to vector<16xf32>
      %add3A_875 = arith.addf %add3A_853, %get3A_874 : vector<16xf32>
      %slice3A_876 = vector.extract_strided_slice %get3A_216 {offsets = [14], sizes = [1], strides = [1]} : vector<16xi32> to vector<1xi32>
      %squeeze3A_877 = vector.extract %slice3A_876[0] : i32 from vector<1xi32>
      %get3A_878 = arith.index_cast %squeeze3A_877 : i32 to index
      %get3A_879 = arith.constant 0 : index
      %get3A_880 = tpu.vector_load %arg9[%get3A_878, %get3A_879] {strides = array<i32>} : memref<65x64xf32, #tpu.memory_space<vmem>>, vector<1x16xf32>,
      %get3A_881 = vector.shape_cast %get3A_880 : vector<1x16xf32> to vector<16xf32>
      %add3A_882 = arith.addf %add3A_860, %get3A_881 : vector<16xf32>
      %get3A_883 = arith.index_cast %squeeze3A_877 : i32 to index
      %get3A_884 = arith.constant 16 : index
      %get3A_885 = tpu.vector_load %arg9[%get3A_883, %get3A_884] {strides = array<i32>} : memref<65x64xf32, #tpu.memory_space<vmem>>, vector<1x16xf32>,
      %get3A_886 = vector.shape_cast %get3A_885 : vector<1x16xf32> to vector<16xf32>
      %add3A_887 = arith.addf %add3A_865, %get3A_886 : vector<16xf32>
      %get3A_888 = arith.index_cast %squeeze3A_877 : i32 to index
      %get3A_889 = arith.constant 32 : index
      %get3A_890 = tpu.vector_load %arg9[%get3A_888, %get3A_889] {strides = array<i32>} : memref<65x64xf32, #tpu.memory_space<vmem>>, vector<1x16xf32>,
      %get3A_891 = vector.shape_cast %get3A_890 : vector<1x16xf32> to vector<16xf32>
      %add3A_892 = arith.addf %add3A_870, %get3A_891 : vector<16xf32>
      %get3A_893 = arith.index_cast %squeeze3A_877 : i32 to index
      %get3A_894 = arith.constant 48 : index
      %get3A_895 = tpu.vector_load %arg9[%get3A_893, %get3A_894] {strides = array<i32>} : memref<65x64xf32, #tpu.memory_space<vmem>>, vector<1x16xf32>,
      %get3A_896 = vector.shape_cast %get3A_895 : vector<1x16xf32> to vector<16xf32>
      %add3A_897 = arith.addf %add3A_875, %get3A_896 : vector<16xf32>
      %slice3A_898 = vector.extract_strided_slice %get3A_216 {offsets = [15], sizes = [1], strides = [1]} : vector<16xi32> to vector<1xi32>
      %squeeze3A_899 = vector.extract %slice3A_898[0] : i32 from vector<1xi32>
      %get3A_900 = arith.index_cast %squeeze3A_899 : i32 to index
      %get3A_901 = arith.constant 0 : index
      %get3A_902 = tpu.vector_load %arg9[%get3A_900, %get3A_901] {strides = array<i32>} : memref<65x64xf32, #tpu.memory_space<vmem>>, vector<1x16xf32>,
      %get3A_903 = vector.shape_cast %get3A_902 : vector<1x16xf32> to vector<16xf32>
      %add3A_904 = arith.addf %add3A_882, %get3A_903 : vector<16xf32>
      %get3A_905 = arith.index_cast %squeeze3A_899 : i32 to index
      %get3A_906 = arith.constant 16 : index
      %get3A_907 = tpu.vector_load %arg9[%get3A_905, %get3A_906] {strides = array<i32>} : memref<65x64xf32, #tpu.memory_space<vmem>>, vector<1x16xf32>,
      %get3A_908 = vector.shape_cast %get3A_907 : vector<1x16xf32> to vector<16xf32>
      %add3A_909 = arith.addf %add3A_887, %get3A_908 : vector<16xf32>
      %get3A_910 = arith.index_cast %squeeze3A_899 : i32 to index
      %get3A_911 = arith.constant 32 : index
      %get3A_912 = tpu.vector_load %arg9[%get3A_910, %get3A_911] {strides = array<i32>} : memref<65x64xf32, #tpu.memory_space<vmem>>, vector<1x16xf32>,
      %get3A_913 = vector.shape_cast %get3A_912 : vector<1x16xf32> to vector<16xf32>
      %add3A_914 = arith.addf %add3A_892, %get3A_913 : vector<16xf32>
      %get3A_915 = arith.index_cast %squeeze3A_899 : i32 to index
      %get3A_916 = arith.constant 48 : index
      %get3A_917 = tpu.vector_load %arg9[%get3A_915, %get3A_916] {strides = array<i32>} : memref<65x64xf32, #tpu.memory_space<vmem>>, vector<1x16xf32>,
      %get3A_918 = vector.shape_cast %get3A_917 : vector<1x16xf32> to vector<16xf32>
      %add3A_919 = arith.addf %add3A_897, %get3A_918 : vector<16xf32>
      %add3A_920 = arith.constant 0 : i32
      %add3A_921 = arith.addi %add3A_920, %scan3A_208 : i32
      %swap3A = arith.index_cast %add3A_921 : i32 to index
      %swap3A_922 = arith.constant 0 : index
      %swap3A_923 = tpu.vector_load %arg10[%swap3A, %swap3A_922] {strides = array<i32>} : memref<512x64xf32, #tpu.memory_space<vmem>>, vector<1x16xf32>,
      %swap3A_924 = vector.shape_cast %swap3A_923 : vector<1x16xf32> to vector<16xf32>
      %swap3A_925 = vector.shape_cast %add3A_904 : vector<16xf32> to vector<1x16xf32>
      tpu.vector_store %arg10[%swap3A, %swap3A_922], %swap3A_925 {strides = array<i32>} : memref<512x64xf32, #tpu.memory_space<vmem>>, vector<1x16xf32>,
      %add3A_926 = arith.constant 0 : i32
      %add3A_927 = arith.addi %add3A_926, %scan3A_208 : i32
      %swap3A_928 = arith.index_cast %add3A_927 : i32 to index
      %swap3A_929 = arith.constant 16 : index
      %swap3A_930 = tpu.vector_load %arg10[%swap3A_928, %swap3A_929] {strides = array<i32>} : memref<512x64xf32, #tpu.memory_space<vmem>>, vector<1x16xf32>,
      %swap3A_931 = vector.shape_cast %swap3A_930 : vector<1x16xf32> to vector<16xf32>
      %swap3A_932 = vector.shape_cast %add3A_909 : vector<16xf32> to vector<1x16xf32>
      tpu.vector_store %arg10[%swap3A_928, %swap3A_929], %swap3A_932 {strides = array<i32>} : memref<512x64xf32, #tpu.memory_space<vmem>>, vector<1x16xf32>,
      %add3A_933 = arith.constant 0 : i32
      %add3A_934 = arith.addi %add3A_933, %scan3A_208 : i32
      %swap3A_935 = arith.index_cast %add3A_934 : i32 to index
      %swap3A_936 = arith.constant 32 : index
      %swap3A_937 = tpu.vector_load %arg10[%swap3A_935, %swap3A_936] {strides = array<i32>} : memref<512x64xf32, #tpu.memory_space<vmem>>, vector<1x16xf32>,
      %swap3A_938 = vector.shape_cast %swap3A_937 : vector<1x16xf32> to vector<16xf32>
      %swap3A_939 = vector.shape_cast %add3A_914 : vector<16xf32> to vector<1x16xf32>
      tpu.vector_store %arg10[%swap3A_935, %swap3A_936], %swap3A_939 {strides = array<i32>} : memref<512x64xf32, #tpu.memory_space<vmem>>, vector<1x16xf32>,
      %add3A_940 = arith.constant 0 : i32
      %add3A_941 = arith.addi %add3A_940, %scan3A_208 : i32
      %swap3A_942 = arith.index_cast %add3A_941 : i32 to index
      %swap3A_943 = arith.constant 48 : index
      %swap3A_944 = tpu.vector_load %arg10[%swap3A_942, %swap3A_943] {strides = array<i32>} : memref<512x64xf32, #tpu.memory_space<vmem>>, vector<1x16xf32>,
      %swap3A_945 = vector.shape_cast %swap3A_944 : vector<1x16xf32> to vector<16xf32>
      %swap3A_946 = vector.shape_cast %add3A_919 : vector<16xf32> to vector<1x16xf32>
      tpu.vector_store %arg10[%swap3A_942, %swap3A_943], %swap3A_946 {strides = array<i32>} : memref<512x64xf32, #tpu.memory_space<vmem>>, vector<1x16xf32>,
      %scan3A_947 = arith.constant 0 : i32
      scf.yield %scan3A_947 : i32
    }
    %scan3A_14 = arith.constant 128 : i32
    %dma_start3A = arith.constant 0 : i32
    %dma_start3A_15 = arith.constant 64 : i32
    %dma_start3A_16 = arith.constant 0 : i32
    %dma_start3A_17 = arith.constant 0 : i32
    %dma_start3A_18 = tpu.memref_slice %arg11[%dma_start3A_16, %dma_start3A_17] : memref<512x64xf32, #tpu.memory_space<vmem>> -> memref<128x64xf32, #tpu.memory_space<vmem>>
    %dma_start3A_19 = arith.constant 0 : i32
    %dma_start3A_20 = tpu.memref_slice %arg7[%dma_start3A, %dma_start3A_15, %dma_start3A_19] : memref<2x72x128xi32, #tpu.memory_space<vmem>> -> memref<1x1x128xi32, #tpu.memory_space<vmem>>
    %dma_start3A_21 = tpu.memref_squeeze %dma_start3A_20 : memref<1x1x128xi32, #tpu.memory_space<vmem>> -> memref<128xi32, #tpu.memory_space<vmem>>
    %dma_start3A_22 = arith.constant 0 : i32
    %dma_start3A_23 = arith.constant 0 : i32
    %dma_start3A_24 = tpu.memref_slice %arg4[%dma_start3A_22, %dma_start3A_23] : memref<1000001x64xf32, #tpu.memory_space<hbm>> -> memref<1000001x64xf32, #tpu.memory_space<hbm>>
    tpu.enqueue_indirect_dma source(%dma_start3A_24 : memref<1000001x64xf32, #tpu.memory_space<hbm>>) target(%dma_start3A_18 : memref<128x64xf32, #tpu.memory_space<vmem>>) offsets(%dma_start3A_21 : memref<128xi32, #tpu.memory_space<vmem>>) semaphore(%arg13 : memref<!tpu.dma_semaphore, #tpu.memory_space<semaphore_mem>>)
    %scan3A_25 = arith.constant 0 : i32
    %scan3A_26 = arith.constant 0 : i32
    %scan3A_27 = arith.constant 64 : i32
    %scan3A_28 = arith.addi %scan3A_26, %scan3A_27 : i32
    %scan3A_29 = arith.constant 1 : i32
    %scan3A_30 = scf.for %scan3A_208 = %scan3A_26 to %scan3A_28 step %scan3A_29 iter_args(%scan3A_209 = %scan3A_25) -> (i32)  : i32 {
      %dma_start3A_210 = arith.constant 0 : i32
      %dma_start3A_211 = arith.constant 0 : i32
      %dma_start3A_212 = arith.constant 0 : i32
      %dma_start3A_213 = tpu.memref_slice %arg10[%dma_start3A_211, %dma_start3A_212] : memref<512x64xf32, #tpu.memory_space<vmem>> -> memref<128x64xf32, #tpu.memory_space<vmem>>
      %dma_start3A_214 = arith.constant 0 : i32
      %dma_start3A_215 = tpu.memref_slice %arg7[%dma_start3A_210, %scan3A_208, %dma_start3A_214] : memref<2x72x128xi32, #tpu.memory_space<vmem>> -> memref<1x1x128xi32, #tpu.memory_space<vmem>>
      %dma_start3A_216 = tpu.memref_squeeze %dma_start3A_215 : memref<1x1x128xi32, #tpu.memory_space<vmem>> -> memref<128xi32, #tpu.memory_space<vmem>>
      %dma_start3A_217 = arith.constant 0 : i32
      %dma_start3A_218 = arith.constant 0 : i32
      %dma_start3A_219 = tpu.memref_slice %arg4[%dma_start3A_217, %dma_start3A_218] : memref<1000001x64xf32, #tpu.memory_space<hbm>> -> memref<1000001x64xf32, #tpu.memory_space<hbm>>
      tpu.enqueue_indirect_dma source(%dma_start3A_219 : memref<1000001x64xf32, #tpu.memory_space<hbm>>) target(%dma_start3A_213 : memref<128x64xf32, #tpu.memory_space<vmem>>) offsets(%dma_start3A_216 : memref<128xi32, #tpu.memory_space<vmem>>) semaphore(%arg14 : memref<!tpu.dma_semaphore, #tpu.memory_space<semaphore_mem>>) {add = true}
      %scan3A_220 = arith.constant 0 : i32
      scf.yield %scan3A_220 : i32
    }
    %scan3A_31 = arith.constant 64 : i32
    %add3A_32 = arith.constant 1 : i32
    %add3A_33 = arith.addi %mul3A_4, %add3A_32 : i32
    %run_scoped3A_34 = arith.constant 1 : i32
    "tpu.region"() ({
      %run_scoped3A_208 = tpu.sem_alloc : memref<!tpu.dma_semaphore, #tpu.memory_space<semaphore_mem>>
      %dma_start3A_209 = arith.constant 0 : i32
      %dma_start3A_210 = arith.constant 0 : i32
      %dma_start3A_211 = tpu.memref_slice %arg7[%run_scoped3A_34, %dma_start3A_209, %dma_start3A_210] : memref<2x72x128xi32, #tpu.memory_space<vmem>> -> memref<1x72x128xi32, #tpu.memory_space<vmem>>
      %dma_start3A_212 = tpu.memref_squeeze %dma_start3A_211 : memref<1x72x128xi32, #tpu.memory_space<vmem>> -> memref<72x128xi32, #tpu.memory_space<vmem>>
      %dma_start3A_213 = arith.constant 0 : i32
      %dma_start3A_214 = arith.constant 0 : i32
      %dma_start3A_215 = tpu.memref_slice %arg2[%add3A_33, %dma_start3A_213, %dma_start3A_214] : memref<128x72x128xi32, #tpu.memory_space<hbm>> -> memref<1x72x128xi32, #tpu.memory_space<hbm>>
      %dma_start3A_216 = tpu.memref_squeeze %dma_start3A_215 : memref<1x72x128xi32, #tpu.memory_space<hbm>> -> memref<72x128xi32, #tpu.memory_space<hbm>>
      %dma_start3A_217 = arith.constant 0 : i32
      %dma_start3A_218 = arith.constant 0 : i32
      %dma_start3A_219 = tpu.memref_slice %arg7[%run_scoped3A_34, %dma_start3A_217, %dma_start3A_218] : memref<2x72x128xi32, #tpu.memory_space<vmem>> -> memref<1x72x128xi32, #tpu.memory_space<vmem>>
      %dma_start3A_220 = tpu.memref_squeeze %dma_start3A_219 : memref<1x72x128xi32, #tpu.memory_space<vmem>> -> memref<72x128xi32, #tpu.memory_space<vmem>>
      %dma_start3A_221 = arith.constant 0 : i32
      %dma_start3A_222 = arith.constant 0 : i32
      %dma_start3A_223 = tpu.memref_slice %arg2[%add3A_33, %dma_start3A_221, %dma_start3A_222] : memref<128x72x128xi32, #tpu.memory_space<hbm>> -> memref<1x72x128xi32, #tpu.memory_space<hbm>>
      %dma_start3A_224 = tpu.memref_squeeze %dma_start3A_223 : memref<1x72x128xi32, #tpu.memory_space<hbm>> -> memref<72x128xi32, #tpu.memory_space<hbm>>
      tpu.enqueue_dma source(%dma_start3A_224 : memref<72x128xi32, #tpu.memory_space<hbm>>) target(%dma_start3A_220 : memref<72x128xi32, #tpu.memory_space<vmem>>) target_semaphore(%run_scoped3A_208 : memref<!tpu.dma_semaphore, #tpu.memory_space<semaphore_mem>>)
      %dma_wait3A_225 = arith.constant 0 : i32
      %dma_wait3A_226 = arith.constant 0 : i32
      %dma_wait3A_227 = tpu.memref_slice %arg7[%run_scoped3A_34, %dma_wait3A_225, %dma_wait3A_226] : memref<2x72x128xi32, #tpu.memory_space<vmem>> -> memref<1x72x128xi32, #tpu.memory_space<vmem>>
      %dma_wait3A_228 = tpu.memref_squeeze %dma_wait3A_227 : memref<1x72x128xi32, #tpu.memory_space<vmem>> -> memref<72x128xi32, #tpu.memory_space<vmem>>
      %dma_wait3A_229 = arith.constant 0 : i32
      %dma_wait3A_230 = arith.constant 0 : i32
      %dma_wait3A_231 = tpu.memref_slice %arg2[%add3A_33, %dma_wait3A_229, %dma_wait3A_230] : memref<128x72x128xi32, #tpu.memory_space<hbm>> -> memref<1x72x128xi32, #tpu.memory_space<hbm>>
      %dma_wait3A_232 = tpu.memref_squeeze %dma_wait3A_231 : memref<1x72x128xi32, #tpu.memory_space<hbm>> -> memref<72x128xi32, #tpu.memory_space<hbm>>
      %dma_wait3A_233 = arith.constant 0 : i32
      %dma_wait3A_234 = arith.constant 0 : i32
      %dma_wait3A_235 = tpu.memref_slice %arg7[%run_scoped3A_34, %dma_wait3A_233, %dma_wait3A_234] : memref<2x72x128xi32, #tpu.memory_space<vmem>> -> memref<1x72x128xi32, #tpu.memory_space<vmem>>
      %dma_wait3A_236 = tpu.memref_squeeze %dma_wait3A_235 : memref<1x72x128xi32, #tpu.memory_space<vmem>> -> memref<72x128xi32, #tpu.memory_space<vmem>>
      %dma_wait3A_237 = arith.constant 0 : i32
      %dma_wait3A_238 = arith.constant 0 : i32
      %dma_wait3A_239 = tpu.memref_slice %arg2[%add3A_33, %dma_wait3A_237, %dma_wait3A_238] : memref<128x72x128xi32, #tpu.memory_space<hbm>> -> memref<1x72x128xi32, #tpu.memory_space<hbm>>
      %dma_wait3A_240 = tpu.memref_squeeze %dma_wait3A_239 : memref<1x72x128xi32, #tpu.memory_space<hbm>> -> memref<72x128xi32, #tpu.memory_space<hbm>>
      tpu.wait_dma2 semaphore(%run_scoped3A_208 : memref<!tpu.dma_semaphore, #tpu.memory_space<semaphore_mem>>) src(%dma_wait3A_240 : memref<72x128xi32, #tpu.memory_space<hbm>>) dst(%dma_wait3A_236 : memref<72x128xi32, #tpu.memory_space<vmem>>)
      tpu.yield
    }) : () -> ()
    %add3A_35 = arith.constant 128 : i32
    %add3A_36 = arith.addi %mul3A_2, %add3A_35 : i32
    "tpu.region"() ({
      %run_scoped3A_208 = tpu.sem_alloc : memref<!tpu.dma_semaphore, #tpu.memory_space<semaphore_mem>>
      %dma_start3A_209 = arith.constant 0 : i32
      %dma_start3A_210 = tpu.memref_slice %arg3[%add3A_36, %dma_start3A_209] : memref<16384x32xi32, #tpu.memory_space<hbm>> -> memref<128x32xi32, #tpu.memory_space<hbm>>
      %dma_start3A_211 = arith.constant 0 : i32
      %dma_start3A_212 = tpu.memref_slice %arg3[%add3A_36, %dma_start3A_211] : memref<16384x32xi32, #tpu.memory_space<hbm>> -> memref<128x32xi32, #tpu.memory_space<hbm>>
      tpu.enqueue_dma source(%dma_start3A_212 : memref<128x32xi32, #tpu.memory_space<hbm>>) target(%arg8 : memref<128x32xi32, #tpu.memory_space<vmem>>) target_semaphore(%run_scoped3A_208 : memref<!tpu.dma_semaphore, #tpu.memory_space<semaphore_mem>>)
      %dma_wait3A_213 = arith.constant 0 : i32
      %dma_wait3A_214 = tpu.memref_slice %arg3[%add3A_36, %dma_wait3A_213] : memref<16384x32xi32, #tpu.memory_space<hbm>> -> memref<128x32xi32, #tpu.memory_space<hbm>>
      %dma_wait3A_215 = arith.constant 0 : i32
      %dma_wait3A_216 = tpu.memref_slice %arg3[%add3A_36, %dma_wait3A_215] : memref<16384x32xi32, #tpu.memory_space<hbm>> -> memref<128x32xi32, #tpu.memory_space<hbm>>
      tpu.wait_dma2 semaphore(%run_scoped3A_208 : memref<!tpu.dma_semaphore, #tpu.memory_space<semaphore_mem>>) src(%dma_wait3A_216 : memref<128x32xi32, #tpu.memory_space<hbm>>) dst(%arg8 : memref<128x32xi32, #tpu.memory_space<vmem>>)
      tpu.yield
    }) : () -> ()
    %scan3A_37 = arith.constant 0 : i32
    %scan3A_38 = arith.constant 0 : i32
    %scan3A_39 = arith.constant 128 : i32
    %scan3A_40 = arith.addi %scan3A_38, %scan3A_39 : i32
    %scan3A_41 = arith.constant 1 : i32
    %scan3A_42 = scf.for %scan3A_208 = %scan3A_38 to %scan3A_40 step %scan3A_41 iter_args(%scan3A_209 = %scan3A_37) -> (i32)  : i32 {
      %get3A = arith.index_cast %scan3A_208 : i32 to index
      %get3A_210 = arith.constant 0 : index
      %get3A_211 = tpu.vector_load %arg8[%get3A, %get3A_210] {strides = array<i32>} : memref<128x32xi32, #tpu.memory_space<vmem>>, vector<1x16xi32>,
      %get3A_212 = vector.shape_cast %get3A_211 : vector<1x16xi32> to vector<16xi32>
      %get3A_213 = arith.index_cast %scan3A_208 : i32 to index
      %get3A_214 = arith.constant 16 : index
      %get3A_215 = tpu.vector_load %arg8[%get3A_213, %get3A_214] {strides = array<i32>} : memref<128x32xi32, #tpu.memory_space<vmem>>, vector<1x16xi32>,
      %get3A_216 = vector.shape_cast %get3A_215 : vector<1x16xi32> to vector<16xi32>
      %broadcast_in_dim3A = arith.constant 0.000000e+00 : f32
      %broadcast_in_dim3A_217 = vector.broadcast %broadcast_in_dim3A : f32 to vector<16xf32>
      %slice3A = vector.extract_strided_slice %get3A_212 {offsets = [0], sizes = [1], strides = [1]} : vector<16xi32> to vector<1xi32>
      %squeeze3A = vector.extract %slice3A[0] : i32 from vector<1xi32>
      %get3A_218 = arith.index_cast %squeeze3A : i32 to index
      %get3A_219 = arith.constant 0 : index
      %get3A_220 = tpu.vector_load %arg9[%get3A_218, %get3A_219] {strides = array<i32>} : memref<65x64xf32, #tpu.memory_space<vmem>>, vector<1x16xf32>,
      %get3A_221 = vector.shape_cast %get3A_220 : vector<1x16xf32> to vector<16xf32>
      %add3A_222 = arith.addf %broadcast_in_dim3A_217, %get3A_221 : vector<16xf32>
      %get3A_223 = arith.index_cast %squeeze3A : i32 to index
      %get3A_224 = arith.constant 16 : index
      %get3A_225 = tpu.vector_load %arg9[%get3A_223, %get3A_224] {strides = array<i32>} : memref<65x64xf32, #tpu.memory_space<vmem>>, vector<1x16xf32>,
      %get3A_226 = vector.shape_cast %get3A_225 : vector<1x16xf32> to vector<16xf32>
      %add3A_227 = arith.addf %broadcast_in_dim3A_217, %get3A_226 : vector<16xf32>
      %get3A_228 = arith.index_cast %squeeze3A : i32 to index
      %get3A_229 = arith.constant 32 : index
      %get3A_230 = tpu.vector_load %arg9[%get3A_228, %get3A_229] {strides = array<i32>} : memref<65x64xf32, #tpu.memory_space<vmem>>, vector<1x16xf32>,
      %get3A_231 = vector.shape_cast %get3A_230 : vector<1x16xf32> to vector<16xf32>
      %add3A_232 = arith.addf %broadcast_in_dim3A_217, %get3A_231 : vector<16xf32>
      %get3A_233 = arith.index_cast %squeeze3A : i32 to index
      %get3A_234 = arith.constant 48 : index
      %get3A_235 = tpu.vector_load %arg9[%get3A_233, %get3A_234] {strides = array<i32>} : memref<65x64xf32, #tpu.memory_space<vmem>>, vector<1x16xf32>,
      %get3A_236 = vector.shape_cast %get3A_235 : vector<1x16xf32> to vector<16xf32>
      %add3A_237 = arith.addf %broadcast_in_dim3A_217, %get3A_236 : vector<16xf32>
      %slice3A_238 = vector.extract_strided_slice %get3A_212 {offsets = [1], sizes = [1], strides = [1]} : vector<16xi32> to vector<1xi32>
      %squeeze3A_239 = vector.extract %slice3A_238[0] : i32 from vector<1xi32>
      %get3A_240 = arith.index_cast %squeeze3A_239 : i32 to index
      %get3A_241 = arith.constant 0 : index
      %get3A_242 = tpu.vector_load %arg9[%get3A_240, %get3A_241] {strides = array<i32>} : memref<65x64xf32, #tpu.memory_space<vmem>>, vector<1x16xf32>,
      %get3A_243 = vector.shape_cast %get3A_242 : vector<1x16xf32> to vector<16xf32>
      %add3A_244 = arith.addf %add3A_222, %get3A_243 : vector<16xf32>
      %get3A_245 = arith.index_cast %squeeze3A_239 : i32 to index
      %get3A_246 = arith.constant 16 : index
      %get3A_247 = tpu.vector_load %arg9[%get3A_245, %get3A_246] {strides = array<i32>} : memref<65x64xf32, #tpu.memory_space<vmem>>, vector<1x16xf32>,
      %get3A_248 = vector.shape_cast %get3A_247 : vector<1x16xf32> to vector<16xf32>
      %add3A_249 = arith.addf %add3A_227, %get3A_248 : vector<16xf32>
      %get3A_250 = arith.index_cast %squeeze3A_239 : i32 to index
      %get3A_251 = arith.constant 32 : index
      %get3A_252 = tpu.vector_load %arg9[%get3A_250, %get3A_251] {strides = array<i32>} : memref<65x64xf32, #tpu.memory_space<vmem>>, vector<1x16xf32>,
      %get3A_253 = vector.shape_cast %get3A_252 : vector<1x16xf32> to vector<16xf32>
      %add3A_254 = arith.addf %add3A_232, %get3A_253 : vector<16xf32>
      %get3A_255 = arith.index_cast %squeeze3A_239 : i32 to index
      %get3A_256 = arith.constant 48 : index
      %get3A_257 = tpu.vector_load %arg9[%get3A_255, %get3A_256] {strides = array<i32>} : memref<65x64xf32, #tpu.memory_space<vmem>>, vector<1x16xf32>,
      %get3A_258 = vector.shape_cast %get3A_257 : vector<1x16xf32> to vector<16xf32>
      %add3A_259 = arith.addf %add3A_237, %get3A_258 : vector<16xf32>
      %slice3A_260 = vector.extract_strided_slice %get3A_212 {offsets = [2], sizes = [1], strides = [1]} : vector<16xi32> to vector<1xi32>
      %squeeze3A_261 = vector.extract %slice3A_260[0] : i32 from vector<1xi32>
      %get3A_262 = arith.index_cast %squeeze3A_261 : i32 to index
      %get3A_263 = arith.constant 0 : index
      %get3A_264 = tpu.vector_load %arg9[%get3A_262, %get3A_263] {strides = array<i32>} : memref<65x64xf32, #tpu.memory_space<vmem>>, vector<1x16xf32>,
      %get3A_265 = vector.shape_cast %get3A_264 : vector<1x16xf32> to vector<16xf32>
      %add3A_266 = arith.addf %add3A_244, %get3A_265 : vector<16xf32>
      %get3A_267 = arith.index_cast %squeeze3A_261 : i32 to index
      %get3A_268 = arith.constant 16 : index
      %get3A_269 = tpu.vector_load %arg9[%get3A_267, %get3A_268] {strides = array<i32>} : memref<65x64xf32, #tpu.memory_space<vmem>>, vector<1x16xf32>,
      %get3A_270 = vector.shape_cast %get3A_269 : vector<1x16xf32> to vector<16xf32>
      %add3A_271 = arith.addf %add3A_249, %get3A_270 : vector<16xf32>
      %get3A_272 = arith.index_cast %squeeze3A_261 : i32 to index
      %get3A_273 = arith.constant 32 : index
      %get3A_274 = tpu.vector_load %arg9[%get3A_272, %get3A_273] {strides = array<i32>} : memref<65x64xf32, #tpu.memory_space<vmem>>, vector<1x16xf32>,
      %get3A_275 = vector.shape_cast %get3A_274 : vector<1x16xf32> to vector<16xf32>
      %add3A_276 = arith.addf %add3A_254, %get3A_275 : vector<16xf32>
      %get3A_277 = arith.index_cast %squeeze3A_261 : i32 to index
      %get3A_278 = arith.constant 48 : index
      %get3A_279 = tpu.vector_load %arg9[%get3A_277, %get3A_278] {strides = array<i32>} : memref<65x64xf32, #tpu.memory_space<vmem>>, vector<1x16xf32>,
      %get3A_280 = vector.shape_cast %get3A_279 : vector<1x16xf32> to vector<16xf32>
      %add3A_281 = arith.addf %add3A_259, %get3A_280 : vector<16xf32>
      %slice3A_282 = vector.extract_strided_slice %get3A_212 {offsets = [3], sizes = [1], strides = [1]} : vector<16xi32> to vector<1xi32>
      %squeeze3A_283 = vector.extract %slice3A_282[0] : i32 from vector<1xi32>
      %get3A_284 = arith.index_cast %squeeze3A_283 : i32 to index
      %get3A_285 = arith.constant 0 : index
      %get3A_286 = tpu.vector_load %arg9[%get3A_284, %get3A_285] {strides = array<i32>} : memref<65x64xf32, #tpu.memory_space<vmem>>, vector<1x16xf32>,
      %get3A_287 = vector.shape_cast %get3A_286 : vector<1x16xf32> to vector<16xf32>
      %add3A_288 = arith.addf %add3A_266, %get3A_287 : vector<16xf32>
      %get3A_289 = arith.index_cast %squeeze3A_283 : i32 to index
      %get3A_290 = arith.constant 16 : index
      %get3A_291 = tpu.vector_load %arg9[%get3A_289, %get3A_290] {strides = array<i32>} : memref<65x64xf32, #tpu.memory_space<vmem>>, vector<1x16xf32>,
      %get3A_292 = vector.shape_cast %get3A_291 : vector<1x16xf32> to vector<16xf32>
      %add3A_293 = arith.addf %add3A_271, %get3A_292 : vector<16xf32>
      %get3A_294 = arith.index_cast %squeeze3A_283 : i32 to index
      %get3A_295 = arith.constant 32 : index
      %get3A_296 = tpu.vector_load %arg9[%get3A_294, %get3A_295] {strides = array<i32>} : memref<65x64xf32, #tpu.memory_space<vmem>>, vector<1x16xf32>,
      %get3A_297 = vector.shape_cast %get3A_296 : vector<1x16xf32> to vector<16xf32>
      %add3A_298 = arith.addf %add3A_276, %get3A_297 : vector<16xf32>
      %get3A_299 = arith.index_cast %squeeze3A_283 : i32 to index
      %get3A_300 = arith.constant 48 : index
      %get3A_301 = tpu.vector_load %arg9[%get3A_299, %get3A_300] {strides = array<i32>} : memref<65x64xf32, #tpu.memory_space<vmem>>, vector<1x16xf32>,
      %get3A_302 = vector.shape_cast %get3A_301 : vector<1x16xf32> to vector<16xf32>
      %add3A_303 = arith.addf %add3A_281, %get3A_302 : vector<16xf32>
      %slice3A_304 = vector.extract_strided_slice %get3A_212 {offsets = [4], sizes = [1], strides = [1]} : vector<16xi32> to vector<1xi32>
      %squeeze3A_305 = vector.extract %slice3A_304[0] : i32 from vector<1xi32>
      %get3A_306 = arith.index_cast %squeeze3A_305 : i32 to index
      %get3A_307 = arith.constant 0 : index
      %get3A_308 = tpu.vector_load %arg9[%get3A_306, %get3A_307] {strides = array<i32>} : memref<65x64xf32, #tpu.memory_space<vmem>>, vector<1x16xf32>,
      %get3A_309 = vector.shape_cast %get3A_308 : vector<1x16xf32> to vector<16xf32>
      %add3A_310 = arith.addf %add3A_288, %get3A_309 : vector<16xf32>
      %get3A_311 = arith.index_cast %squeeze3A_305 : i32 to index
      %get3A_312 = arith.constant 16 : index
      %get3A_313 = tpu.vector_load %arg9[%get3A_311, %get3A_312] {strides = array<i32>} : memref<65x64xf32, #tpu.memory_space<vmem>>, vector<1x16xf32>,
      %get3A_314 = vector.shape_cast %get3A_313 : vector<1x16xf32> to vector<16xf32>
      %add3A_315 = arith.addf %add3A_293, %get3A_314 : vector<16xf32>
      %get3A_316 = arith.index_cast %squeeze3A_305 : i32 to index
      %get3A_317 = arith.constant 32 : index
      %get3A_318 = tpu.vector_load %arg9[%get3A_316, %get3A_317] {strides = array<i32>} : memref<65x64xf32, #tpu.memory_space<vmem>>, vector<1x16xf32>,
      %get3A_319 = vector.shape_cast %get3A_318 : vector<1x16xf32> to vector<16xf32>
      %add3A_320 = arith.addf %add3A_298, %get3A_319 : vector<16xf32>
      %get3A_321 = arith.index_cast %squeeze3A_305 : i32 to index
      %get3A_322 = arith.constant 48 : index
      %get3A_323 = tpu.vector_load %arg9[%get3A_321, %get3A_322] {strides = array<i32>} : memref<65x64xf32, #tpu.memory_space<vmem>>, vector<1x16xf32>,
      %get3A_324 = vector.shape_cast %get3A_323 : vector<1x16xf32> to vector<16xf32>
      %add3A_325 = arith.addf %add3A_303, %get3A_324 : vector<16xf32>
      %slice3A_326 = vector.extract_strided_slice %get3A_212 {offsets = [5], sizes = [1], strides = [1]} : vector<16xi32> to vector<1xi32>
      %squeeze3A_327 = vector.extract %slice3A_326[0] : i32 from vector<1xi32>
      %get3A_328 = arith.index_cast %squeeze3A_327 : i32 to index
      %get3A_329 = arith.constant 0 : index
      %get3A_330 = tpu.vector_load %arg9[%get3A_328, %get3A_329] {strides = array<i32>} : memref<65x64xf32, #tpu.memory_space<vmem>>, vector<1x16xf32>,
      %get3A_331 = vector.shape_cast %get3A_330 : vector<1x16xf32> to vector<16xf32>
      %add3A_332 = arith.addf %add3A_310, %get3A_331 : vector<16xf32>
      %get3A_333 = arith.index_cast %squeeze3A_327 : i32 to index
      %get3A_334 = arith.constant 16 : index
      %get3A_335 = tpu.vector_load %arg9[%get3A_333, %get3A_334] {strides = array<i32>} : memref<65x64xf32, #tpu.memory_space<vmem>>, vector<1x16xf32>,
      %get3A_336 = vector.shape_cast %get3A_335 : vector<1x16xf32> to vector<16xf32>
      %add3A_337 = arith.addf %add3A_315, %get3A_336 : vector<16xf32>
      %get3A_338 = arith.index_cast %squeeze3A_327 : i32 to index
      %get3A_339 = arith.constant 32 : index
      %get3A_340 = tpu.vector_load %arg9[%get3A_338, %get3A_339] {strides = array<i32>} : memref<65x64xf32, #tpu.memory_space<vmem>>, vector<1x16xf32>,
      %get3A_341 = vector.shape_cast %get3A_340 : vector<1x16xf32> to vector<16xf32>
      %add3A_342 = arith.addf %add3A_320, %get3A_341 : vector<16xf32>
      %get3A_343 = arith.index_cast %squeeze3A_327 : i32 to index
      %get3A_344 = arith.constant 48 : index
      %get3A_345 = tpu.vector_load %arg9[%get3A_343, %get3A_344] {strides = array<i32>} : memref<65x64xf32, #tpu.memory_space<vmem>>, vector<1x16xf32>,
      %get3A_346 = vector.shape_cast %get3A_345 : vector<1x16xf32> to vector<16xf32>
      %add3A_347 = arith.addf %add3A_325, %get3A_346 : vector<16xf32>
      %slice3A_348 = vector.extract_strided_slice %get3A_212 {offsets = [6], sizes = [1], strides = [1]} : vector<16xi32> to vector<1xi32>
      %squeeze3A_349 = vector.extract %slice3A_348[0] : i32 from vector<1xi32>
      %get3A_350 = arith.index_cast %squeeze3A_349 : i32 to index
      %get3A_351 = arith.constant 0 : index
      %get3A_352 = tpu.vector_load %arg9[%get3A_350, %get3A_351] {strides = array<i32>} : memref<65x64xf32, #tpu.memory_space<vmem>>, vector<1x16xf32>,
      %get3A_353 = vector.shape_cast %get3A_352 : vector<1x16xf32> to vector<16xf32>
      %add3A_354 = arith.addf %add3A_332, %get3A_353 : vector<16xf32>
      %get3A_355 = arith.index_cast %squeeze3A_349 : i32 to index
      %get3A_356 = arith.constant 16 : index
      %get3A_357 = tpu.vector_load %arg9[%get3A_355, %get3A_356] {strides = array<i32>} : memref<65x64xf32, #tpu.memory_space<vmem>>, vector<1x16xf32>,
      %get3A_358 = vector.shape_cast %get3A_357 : vector<1x16xf32> to vector<16xf32>
      %add3A_359 = arith.addf %add3A_337, %get3A_358 : vector<16xf32>
      %get3A_360 = arith.index_cast %squeeze3A_349 : i32 to index
      %get3A_361 = arith.constant 32 : index
      %get3A_362 = tpu.vector_load %arg9[%get3A_360, %get3A_361] {strides = array<i32>} : memref<65x64xf32, #tpu.memory_space<vmem>>, vector<1x16xf32>,
      %get3A_363 = vector.shape_cast %get3A_362 : vector<1x16xf32> to vector<16xf32>
      %add3A_364 = arith.addf %add3A_342, %get3A_363 : vector<16xf32>
      %get3A_365 = arith.index_cast %squeeze3A_349 : i32 to index
      %get3A_366 = arith.constant 48 : index
      %get3A_367 = tpu.vector_load %arg9[%get3A_365, %get3A_366] {strides = array<i32>} : memref<65x64xf32, #tpu.memory_space<vmem>>, vector<1x16xf32>,
      %get3A_368 = vector.shape_cast %get3A_367 : vector<1x16xf32> to vector<16xf32>
      %add3A_369 = arith.addf %add3A_347, %get3A_368 : vector<16xf32>
      %slice3A_370 = vector.extract_strided_slice %get3A_212 {offsets = [7], sizes = [1], strides = [1]} : vector<16xi32> to vector<1xi32>
      %squeeze3A_371 = vector.extract %slice3A_370[0] : i32 from vector<1xi32>
      %get3A_372 = arith.index_cast %squeeze3A_371 : i32 to index
      %get3A_373 = arith.constant 0 : index
      %get3A_374 = tpu.vector_load %arg9[%get3A_372, %get3A_373] {strides = array<i32>} : memref<65x64xf32, #tpu.memory_space<vmem>>, vector<1x16xf32>,
      %get3A_375 = vector.shape_cast %get3A_374 : vector<1x16xf32> to vector<16xf32>
      %add3A_376 = arith.addf %add3A_354, %get3A_375 : vector<16xf32>
      %get3A_377 = arith.index_cast %squeeze3A_371 : i32 to index
      %get3A_378 = arith.constant 16 : index
      %get3A_379 = tpu.vector_load %arg9[%get3A_377, %get3A_378] {strides = array<i32>} : memref<65x64xf32, #tpu.memory_space<vmem>>, vector<1x16xf32>,
      %get3A_380 = vector.shape_cast %get3A_379 : vector<1x16xf32> to vector<16xf32>
      %add3A_381 = arith.addf %add3A_359, %get3A_380 : vector<16xf32>
      %get3A_382 = arith.index_cast %squeeze3A_371 : i32 to index
      %get3A_383 = arith.constant 32 : index
      %get3A_384 = tpu.vector_load %arg9[%get3A_382, %get3A_383] {strides = array<i32>} : memref<65x64xf32, #tpu.memory_space<vmem>>, vector<1x16xf32>,
      %get3A_385 = vector.shape_cast %get3A_384 : vector<1x16xf32> to vector<16xf32>
      %add3A_386 = arith.addf %add3A_364, %get3A_385 : vector<16xf32>
      %get3A_387 = arith.index_cast %squeeze3A_371 : i32 to index
      %get3A_388 = arith.constant 48 : index
      %get3A_389 = tpu.vector_load %arg9[%get3A_387, %get3A_388] {strides = array<i32>} : memref<65x64xf32, #tpu.memory_space<vmem>>, vector<1x16xf32>,
      %get3A_390 = vector.shape_cast %get3A_389 : vector<1x16xf32> to vector<16xf32>
      %add3A_391 = arith.addf %add3A_369, %get3A_390 : vector<16xf32>
      %slice3A_392 = vector.extract_strided_slice %get3A_212 {offsets = [8], sizes = [1], strides = [1]} : vector<16xi32> to vector<1xi32>
      %squeeze3A_393 = vector.extract %slice3A_392[0] : i32 from vector<1xi32>
      %get3A_394 = arith.index_cast %squeeze3A_393 : i32 to index
      %get3A_395 = arith.constant 0 : index
      %get3A_396 = tpu.vector_load %arg9[%get3A_394, %get3A_395] {strides = array<i32>} : memref<65x64xf32, #tpu.memory_space<vmem>>, vector<1x16xf32>,
      %get3A_397 = vector.shape_cast %get3A_396 : vector<1x16xf32> to vector<16xf32>
      %add3A_398 = arith.addf %add3A_376, %get3A_397 : vector<16xf32>
      %get3A_399 = arith.index_cast %squeeze3A_393 : i32 to index
      %get3A_400 = arith.constant 16 : index
      %get3A_401 = tpu.vector_load %arg9[%get3A_399, %get3A_400] {strides = array<i32>} : memref<65x64xf32, #tpu.memory_space<vmem>>, vector<1x16xf32>,
      %get3A_402 = vector.shape_cast %get3A_401 : vector<1x16xf32> to vector<16xf32>
      %add3A_403 = arith.addf %add3A_381, %get3A_402 : vector<16xf32>
      %get3A_404 = arith.index_cast %squeeze3A_393 : i32 to index
      %get3A_405 = arith.constant 32 : index
      %get3A_406 = tpu.vector_load %arg9[%get3A_404, %get3A_405] {strides = array<i32>} : memref<65x64xf32, #tpu.memory_space<vmem>>, vector<1x16xf32>,
      %get3A_407 = vector.shape_cast %get3A_406 : vector<1x16xf32> to vector<16xf32>
      %add3A_408 = arith.addf %add3A_386, %get3A_407 : vector<16xf32>
      %get3A_409 = arith.index_cast %squeeze3A_393 : i32 to index
      %get3A_410 = arith.constant 48 : index
      %get3A_411 = tpu.vector_load %arg9[%get3A_409, %get3A_410] {strides = array<i32>} : memref<65x64xf32, #tpu.memory_space<vmem>>, vector<1x16xf32>,
      %get3A_412 = vector.shape_cast %get3A_411 : vector<1x16xf32> to vector<16xf32>
      %add3A_413 = arith.addf %add3A_391, %get3A_412 : vector<16xf32>
      %slice3A_414 = vector.extract_strided_slice %get3A_212 {offsets = [9], sizes = [1], strides = [1]} : vector<16xi32> to vector<1xi32>
      %squeeze3A_415 = vector.extract %slice3A_414[0] : i32 from vector<1xi32>
      %get3A_416 = arith.index_cast %squeeze3A_415 : i32 to index
      %get3A_417 = arith.constant 0 : index
      %get3A_418 = tpu.vector_load %arg9[%get3A_416, %get3A_417] {strides = array<i32>} : memref<65x64xf32, #tpu.memory_space<vmem>>, vector<1x16xf32>,
      %get3A_419 = vector.shape_cast %get3A_418 : vector<1x16xf32> to vector<16xf32>
      %add3A_420 = arith.addf %add3A_398, %get3A_419 : vector<16xf32>
      %get3A_421 = arith.index_cast %squeeze3A_415 : i32 to index
      %get3A_422 = arith.constant 16 : index
      %get3A_423 = tpu.vector_load %arg9[%get3A_421, %get3A_422] {strides = array<i32>} : memref<65x64xf32, #tpu.memory_space<vmem>>, vector<1x16xf32>,
      %get3A_424 = vector.shape_cast %get3A_423 : vector<1x16xf32> to vector<16xf32>
      %add3A_425 = arith.addf %add3A_403, %get3A_424 : vector<16xf32>
      %get3A_426 = arith.index_cast %squeeze3A_415 : i32 to index
      %get3A_427 = arith.constant 32 : index
      %get3A_428 = tpu.vector_load %arg9[%get3A_426, %get3A_427] {strides = array<i32>} : memref<65x64xf32, #tpu.memory_space<vmem>>, vector<1x16xf32>,
      %get3A_429 = vector.shape_cast %get3A_428 : vector<1x16xf32> to vector<16xf32>
      %add3A_430 = arith.addf %add3A_408, %get3A_429 : vector<16xf32>
      %get3A_431 = arith.index_cast %squeeze3A_415 : i32 to index
      %get3A_432 = arith.constant 48 : index
      %get3A_433 = tpu.vector_load %arg9[%get3A_431, %get3A_432] {strides = array<i32>} : memref<65x64xf32, #tpu.memory_space<vmem>>, vector<1x16xf32>,
      %get3A_434 = vector.shape_cast %get3A_433 : vector<1x16xf32> to vector<16xf32>
      %add3A_435 = arith.addf %add3A_413, %get3A_434 : vector<16xf32>
      %slice3A_436 = vector.extract_strided_slice %get3A_212 {offsets = [10], sizes = [1], strides = [1]} : vector<16xi32> to vector<1xi32>
      %squeeze3A_437 = vector.extract %slice3A_436[0] : i32 from vector<1xi32>
      %get3A_438 = arith.index_cast %squeeze3A_437 : i32 to index
      %get3A_439 = arith.constant 0 : index
      %get3A_440 = tpu.vector_load %arg9[%get3A_438, %get3A_439] {strides = array<i32>} : memref<65x64xf32, #tpu.memory_space<vmem>>, vector<1x16xf32>,
      %get3A_441 = vector.shape_cast %get3A_440 : vector<1x16xf32> to vector<16xf32>
      %add3A_442 = arith.addf %add3A_420, %get3A_441 : vector<16xf32>
      %get3A_443 = arith.index_cast %squeeze3A_437 : i32 to index
      %get3A_444 = arith.constant 16 : index
      %get3A_445 = tpu.vector_load %arg9[%get3A_443, %get3A_444] {strides = array<i32>} : memref<65x64xf32, #tpu.memory_space<vmem>>, vector<1x16xf32>,
      %get3A_446 = vector.shape_cast %get3A_445 : vector<1x16xf32> to vector<16xf32>
      %add3A_447 = arith.addf %add3A_425, %get3A_446 : vector<16xf32>
      %get3A_448 = arith.index_cast %squeeze3A_437 : i32 to index
      %get3A_449 = arith.constant 32 : index
      %get3A_450 = tpu.vector_load %arg9[%get3A_448, %get3A_449] {strides = array<i32>} : memref<65x64xf32, #tpu.memory_space<vmem>>, vector<1x16xf32>,
      %get3A_451 = vector.shape_cast %get3A_450 : vector<1x16xf32> to vector<16xf32>
      %add3A_452 = arith.addf %add3A_430, %get3A_451 : vector<16xf32>
      %get3A_453 = arith.index_cast %squeeze3A_437 : i32 to index
      %get3A_454 = arith.constant 48 : index
      %get3A_455 = tpu.vector_load %arg9[%get3A_453, %get3A_454] {strides = array<i32>} : memref<65x64xf32, #tpu.memory_space<vmem>>, vector<1x16xf32>,
      %get3A_456 = vector.shape_cast %get3A_455 : vector<1x16xf32> to vector<16xf32>
      %add3A_457 = arith.addf %add3A_435, %get3A_456 : vector<16xf32>
      %slice3A_458 = vector.extract_strided_slice %get3A_212 {offsets = [11], sizes = [1], strides = [1]} : vector<16xi32> to vector<1xi32>
      %squeeze3A_459 = vector.extract %slice3A_458[0] : i32 from vector<1xi32>
      %get3A_460 = arith.index_cast %squeeze3A_459 : i32 to index
      %get3A_461 = arith.constant 0 : index
      %get3A_462 = tpu.vector_load %arg9[%get3A_460, %get3A_461] {strides = array<i32>} : memref<65x64xf32, #tpu.memory_space<vmem>>, vector<1x16xf32>,
      %get3A_463 = vector.shape_cast %get3A_462 : vector<1x16xf32> to vector<16xf32>
      %add3A_464 = arith.addf %add3A_442, %get3A_463 : vector<16xf32>
      %get3A_465 = arith.index_cast %squeeze3A_459 : i32 to index
      %get3A_466 = arith.constant 16 : index
      %get3A_467 = tpu.vector_load %arg9[%get3A_465, %get3A_466] {strides = array<i32>} : memref<65x64xf32, #tpu.memory_space<vmem>>, vector<1x16xf32>,
      %get3A_468 = vector.shape_cast %get3A_467 : vector<1x16xf32> to vector<16xf32>
      %add3A_469 = arith.addf %add3A_447, %get3A_468 : vector<16xf32>
      %get3A_470 = arith.index_cast %squeeze3A_459 : i32 to index
      %get3A_471 = arith.constant 32 : index
      %get3A_472 = tpu.vector_load %arg9[%get3A_470, %get3A_471] {strides = array<i32>} : memref<65x64xf32, #tpu.memory_space<vmem>>, vector<1x16xf32>,
      %get3A_473 = vector.shape_cast %get3A_472 : vector<1x16xf32> to vector<16xf32>
      %add3A_474 = arith.addf %add3A_452, %get3A_473 : vector<16xf32>
      %get3A_475 = arith.index_cast %squeeze3A_459 : i32 to index
      %get3A_476 = arith.constant 48 : index
      %get3A_477 = tpu.vector_load %arg9[%get3A_475, %get3A_476] {strides = array<i32>} : memref<65x64xf32, #tpu.memory_space<vmem>>, vector<1x16xf32>,
      %get3A_478 = vector.shape_cast %get3A_477 : vector<1x16xf32> to vector<16xf32>
      %add3A_479 = arith.addf %add3A_457, %get3A_478 : vector<16xf32>
      %slice3A_480 = vector.extract_strided_slice %get3A_212 {offsets = [12], sizes = [1], strides = [1]} : vector<16xi32> to vector<1xi32>
      %squeeze3A_481 = vector.extract %slice3A_480[0] : i32 from vector<1xi32>
      %get3A_482 = arith.index_cast %squeeze3A_481 : i32 to index
      %get3A_483 = arith.constant 0 : index
      %get3A_484 = tpu.vector_load %arg9[%get3A_482, %get3A_483] {strides = array<i32>} : memref<65x64xf32, #tpu.memory_space<vmem>>, vector<1x16xf32>,
      %get3A_485 = vector.shape_cast %get3A_484 : vector<1x16xf32> to vector<16xf32>
      %add3A_486 = arith.addf %add3A_464, %get3A_485 : vector<16xf32>
      %get3A_487 = arith.index_cast %squeeze3A_481 : i32 to index
      %get3A_488 = arith.constant 16 : index
      %get3A_489 = tpu.vector_load %arg9[%get3A_487, %get3A_488] {strides = array<i32>} : memref<65x64xf32, #tpu.memory_space<vmem>>, vector<1x16xf32>,
      %get3A_490 = vector.shape_cast %get3A_489 : vector<1x16xf32> to vector<16xf32>
      %add3A_491 = arith.addf %add3A_469, %get3A_490 : vector<16xf32>
      %get3A_492 = arith.index_cast %squeeze3A_481 : i32 to index
      %get3A_493 = arith.constant 32 : index
      %get3A_494 = tpu.vector_load %arg9[%get3A_492, %get3A_493] {strides = array<i32>} : memref<65x64xf32, #tpu.memory_space<vmem>>, vector<1x16xf32>,
      %get3A_495 = vector.shape_cast %get3A_494 : vector<1x16xf32> to vector<16xf32>
      %add3A_496 = arith.addf %add3A_474, %get3A_495 : vector<16xf32>
      %get3A_497 = arith.index_cast %squeeze3A_481 : i32 to index
      %get3A_498 = arith.constant 48 : index
      %get3A_499 = tpu.vector_load %arg9[%get3A_497, %get3A_498] {strides = array<i32>} : memref<65x64xf32, #tpu.memory_space<vmem>>, vector<1x16xf32>,
      %get3A_500 = vector.shape_cast %get3A_499 : vector<1x16xf32> to vector<16xf32>
      %add3A_501 = arith.addf %add3A_479, %get3A_500 : vector<16xf32>
      %slice3A_502 = vector.extract_strided_slice %get3A_212 {offsets = [13], sizes = [1], strides = [1]} : vector<16xi32> to vector<1xi32>
      %squeeze3A_503 = vector.extract %slice3A_502[0] : i32 from vector<1xi32>
      %get3A_504 = arith.index_cast %squeeze3A_503 : i32 to index
      %get3A_505 = arith.constant 0 : index
      %get3A_506 = tpu.vector_load %arg9[%get3A_504, %get3A_505] {strides = array<i32>} : memref<65x64xf32, #tpu.memory_space<vmem>>, vector<1x16xf32>,
      %get3A_507 = vector.shape_cast %get3A_506 : vector<1x16xf32> to vector<16xf32>
      %add3A_508 = arith.addf %add3A_486, %get3A_507 : vector<16xf32>
      %get3A_509 = arith.index_cast %squeeze3A_503 : i32 to index
      %get3A_510 = arith.constant 16 : index
      %get3A_511 = tpu.vector_load %arg9[%get3A_509, %get3A_510] {strides = array<i32>} : memref<65x64xf32, #tpu.memory_space<vmem>>, vector<1x16xf32>,
      %get3A_512 = vector.shape_cast %get3A_511 : vector<1x16xf32> to vector<16xf32>
      %add3A_513 = arith.addf %add3A_491, %get3A_512 : vector<16xf32>
      %get3A_514 = arith.index_cast %squeeze3A_503 : i32 to index
      %get3A_515 = arith.constant 32 : index
      %get3A_516 = tpu.vector_load %arg9[%get3A_514, %get3A_515] {strides = array<i32>} : memref<65x64xf32, #tpu.memory_space<vmem>>, vector<1x16xf32>,
      %get3A_517 = vector.shape_cast %get3A_516 : vector<1x16xf32> to vector<16xf32>
      %add3A_518 = arith.addf %add3A_496, %get3A_517 : vector<16xf32>
      %get3A_519 = arith.index_cast %squeeze3A_503 : i32 to index
      %get3A_520 = arith.constant 48 : index
      %get3A_521 = tpu.vector_load %arg9[%get3A_519, %get3A_520] {strides = array<i32>} : memref<65x64xf32, #tpu.memory_space<vmem>>, vector<1x16xf32>,
      %get3A_522 = vector.shape_cast %get3A_521 : vector<1x16xf32> to vector<16xf32>
      %add3A_523 = arith.addf %add3A_501, %get3A_522 : vector<16xf32>
      %slice3A_524 = vector.extract_strided_slice %get3A_212 {offsets = [14], sizes = [1], strides = [1]} : vector<16xi32> to vector<1xi32>
      %squeeze3A_525 = vector.extract %slice3A_524[0] : i32 from vector<1xi32>
      %get3A_526 = arith.index_cast %squeeze3A_525 : i32 to index
      %get3A_527 = arith.constant 0 : index
      %get3A_528 = tpu.vector_load %arg9[%get3A_526, %get3A_527] {strides = array<i32>} : memref<65x64xf32, #tpu.memory_space<vmem>>, vector<1x16xf32>,
      %get3A_529 = vector.shape_cast %get3A_528 : vector<1x16xf32> to vector<16xf32>
      %add3A_530 = arith.addf %add3A_508, %get3A_529 : vector<16xf32>
      %get3A_531 = arith.index_cast %squeeze3A_525 : i32 to index
      %get3A_532 = arith.constant 16 : index
      %get3A_533 = tpu.vector_load %arg9[%get3A_531, %get3A_532] {strides = array<i32>} : memref<65x64xf32, #tpu.memory_space<vmem>>, vector<1x16xf32>,
      %get3A_534 = vector.shape_cast %get3A_533 : vector<1x16xf32> to vector<16xf32>
      %add3A_535 = arith.addf %add3A_513, %get3A_534 : vector<16xf32>
      %get3A_536 = arith.index_cast %squeeze3A_525 : i32 to index
      %get3A_537 = arith.constant 32 : index
      %get3A_538 = tpu.vector_load %arg9[%get3A_536, %get3A_537] {strides = array<i32>} : memref<65x64xf32, #tpu.memory_space<vmem>>, vector<1x16xf32>,
      %get3A_539 = vector.shape_cast %get3A_538 : vector<1x16xf32> to vector<16xf32>
      %add3A_540 = arith.addf %add3A_518, %get3A_539 : vector<16xf32>
      %get3A_541 = arith.index_cast %squeeze3A_525 : i32 to index
      %get3A_542 = arith.constant 48 : index
      %get3A_543 = tpu.vector_load %arg9[%get3A_541, %get3A_542] {strides = array<i32>} : memref<65x64xf32, #tpu.memory_space<vmem>>, vector<1x16xf32>,
      %get3A_544 = vector.shape_cast %get3A_543 : vector<1x16xf32> to vector<16xf32>
      %add3A_545 = arith.addf %add3A_523, %get3A_544 : vector<16xf32>
      %slice3A_546 = vector.extract_strided_slice %get3A_212 {offsets = [15], sizes = [1], strides = [1]} : vector<16xi32> to vector<1xi32>
      %squeeze3A_547 = vector.extract %slice3A_546[0] : i32 from vector<1xi32>
      %get3A_548 = arith.index_cast %squeeze3A_547 : i32 to index
      %get3A_549 = arith.constant 0 : index
      %get3A_550 = tpu.vector_load %arg9[%get3A_548, %get3A_549] {strides = array<i32>} : memref<65x64xf32, #tpu.memory_space<vmem>>, vector<1x16xf32>,
      %get3A_551 = vector.shape_cast %get3A_550 : vector<1x16xf32> to vector<16xf32>
      %add3A_552 = arith.addf %add3A_530, %get3A_551 : vector<16xf32>
      %get3A_553 = arith.index_cast %squeeze3A_547 : i32 to index
      %get3A_554 = arith.constant 16 : index
      %get3A_555 = tpu.vector_load %arg9[%get3A_553, %get3A_554] {strides = array<i32>} : memref<65x64xf32, #tpu.memory_space<vmem>>, vector<1x16xf32>,
      %get3A_556 = vector.shape_cast %get3A_555 : vector<1x16xf32> to vector<16xf32>
      %add3A_557 = arith.addf %add3A_535, %get3A_556 : vector<16xf32>
      %get3A_558 = arith.index_cast %squeeze3A_547 : i32 to index
      %get3A_559 = arith.constant 32 : index
      %get3A_560 = tpu.vector_load %arg9[%get3A_558, %get3A_559] {strides = array<i32>} : memref<65x64xf32, #tpu.memory_space<vmem>>, vector<1x16xf32>,
      %get3A_561 = vector.shape_cast %get3A_560 : vector<1x16xf32> to vector<16xf32>
      %add3A_562 = arith.addf %add3A_540, %get3A_561 : vector<16xf32>
      %get3A_563 = arith.index_cast %squeeze3A_547 : i32 to index
      %get3A_564 = arith.constant 48 : index
      %get3A_565 = tpu.vector_load %arg9[%get3A_563, %get3A_564] {strides = array<i32>} : memref<65x64xf32, #tpu.memory_space<vmem>>, vector<1x16xf32>,
      %get3A_566 = vector.shape_cast %get3A_565 : vector<1x16xf32> to vector<16xf32>
      %add3A_567 = arith.addf %add3A_545, %get3A_566 : vector<16xf32>
      %slice3A_568 = vector.extract_strided_slice %get3A_216 {offsets = [0], sizes = [1], strides = [1]} : vector<16xi32> to vector<1xi32>
      %squeeze3A_569 = vector.extract %slice3A_568[0] : i32 from vector<1xi32>
      %get3A_570 = arith.index_cast %squeeze3A_569 : i32 to index
      %get3A_571 = arith.constant 0 : index
      %get3A_572 = tpu.vector_load %arg9[%get3A_570, %get3A_571] {strides = array<i32>} : memref<65x64xf32, #tpu.memory_space<vmem>>, vector<1x16xf32>,
      %get3A_573 = vector.shape_cast %get3A_572 : vector<1x16xf32> to vector<16xf32>
      %add3A_574 = arith.addf %add3A_552, %get3A_573 : vector<16xf32>
      %get3A_575 = arith.index_cast %squeeze3A_569 : i32 to index
      %get3A_576 = arith.constant 16 : index
      %get3A_577 = tpu.vector_load %arg9[%get3A_575, %get3A_576] {strides = array<i32>} : memref<65x64xf32, #tpu.memory_space<vmem>>, vector<1x16xf32>,
      %get3A_578 = vector.shape_cast %get3A_577 : vector<1x16xf32> to vector<16xf32>
      %add3A_579 = arith.addf %add3A_557, %get3A_578 : vector<16xf32>
      %get3A_580 = arith.index_cast %squeeze3A_569 : i32 to index
      %get3A_581 = arith.constant 32 : index
      %get3A_582 = tpu.vector_load %arg9[%get3A_580, %get3A_581] {strides = array<i32>} : memref<65x64xf32, #tpu.memory_space<vmem>>, vector<1x16xf32>,
      %get3A_583 = vector.shape_cast %get3A_582 : vector<1x16xf32> to vector<16xf32>
      %add3A_584 = arith.addf %add3A_562, %get3A_583 : vector<16xf32>
      %get3A_585 = arith.index_cast %squeeze3A_569 : i32 to index
      %get3A_586 = arith.constant 48 : index
      %get3A_587 = tpu.vector_load %arg9[%get3A_585, %get3A_586] {strides = array<i32>} : memref<65x64xf32, #tpu.memory_space<vmem>>, vector<1x16xf32>,
      %get3A_588 = vector.shape_cast %get3A_587 : vector<1x16xf32> to vector<16xf32>
      %add3A_589 = arith.addf %add3A_567, %get3A_588 : vector<16xf32>
      %slice3A_590 = vector.extract_strided_slice %get3A_216 {offsets = [1], sizes = [1], strides = [1]} : vector<16xi32> to vector<1xi32>
      %squeeze3A_591 = vector.extract %slice3A_590[0] : i32 from vector<1xi32>
      %get3A_592 = arith.index_cast %squeeze3A_591 : i32 to index
      %get3A_593 = arith.constant 0 : index
      %get3A_594 = tpu.vector_load %arg9[%get3A_592, %get3A_593] {strides = array<i32>} : memref<65x64xf32, #tpu.memory_space<vmem>>, vector<1x16xf32>,
      %get3A_595 = vector.shape_cast %get3A_594 : vector<1x16xf32> to vector<16xf32>
      %add3A_596 = arith.addf %add3A_574, %get3A_595 : vector<16xf32>
      %get3A_597 = arith.index_cast %squeeze3A_591 : i32 to index
      %get3A_598 = arith.constant 16 : index
      %get3A_599 = tpu.vector_load %arg9[%get3A_597, %get3A_598] {strides = array<i32>} : memref<65x64xf32, #tpu.memory_space<vmem>>, vector<1x16xf32>,
      %get3A_600 = vector.shape_cast %get3A_599 : vector<1x16xf32> to vector<16xf32>
      %add3A_601 = arith.addf %add3A_579, %get3A_600 : vector<16xf32>
      %get3A_602 = arith.index_cast %squeeze3A_591 : i32 to index
      %get3A_603 = arith.constant 32 : index
      %get3A_604 = tpu.vector_load %arg9[%get3A_602, %get3A_603] {strides = array<i32>} : memref<65x64xf32, #tpu.memory_space<vmem>>, vector<1x16xf32>,
      %get3A_605 = vector.shape_cast %get3A_604 : vector<1x16xf32> to vector<16xf32>
      %add3A_606 = arith.addf %add3A_584, %get3A_605 : vector<16xf32>
      %get3A_607 = arith.index_cast %squeeze3A_591 : i32 to index
      %get3A_608 = arith.constant 48 : index
      %get3A_609 = tpu.vector_load %arg9[%get3A_607, %get3A_608] {strides = array<i32>} : memref<65x64xf32, #tpu.memory_space<vmem>>, vector<1x16xf32>,
      %get3A_610 = vector.shape_cast %get3A_609 : vector<1x16xf32> to vector<16xf32>
      %add3A_611 = arith.addf %add3A_589, %get3A_610 : vector<16xf32>
      %slice3A_612 = vector.extract_strided_slice %get3A_216 {offsets = [2], sizes = [1], strides = [1]} : vector<16xi32> to vector<1xi32>
      %squeeze3A_613 = vector.extract %slice3A_612[0] : i32 from vector<1xi32>
      %get3A_614 = arith.index_cast %squeeze3A_613 : i32 to index
      %get3A_615 = arith.constant 0 : index
      %get3A_616 = tpu.vector_load %arg9[%get3A_614, %get3A_615] {strides = array<i32>} : memref<65x64xf32, #tpu.memory_space<vmem>>, vector<1x16xf32>,
      %get3A_617 = vector.shape_cast %get3A_616 : vector<1x16xf32> to vector<16xf32>
      %add3A_618 = arith.addf %add3A_596, %get3A_617 : vector<16xf32>
      %get3A_619 = arith.index_cast %squeeze3A_613 : i32 to index
      %get3A_620 = arith.constant 16 : index
      %get3A_621 = tpu.vector_load %arg9[%get3A_619, %get3A_620] {strides = array<i32>} : memref<65x64xf32, #tpu.memory_space<vmem>>, vector<1x16xf32>,
      %get3A_622 = vector.shape_cast %get3A_621 : vector<1x16xf32> to vector<16xf32>
      %add3A_623 = arith.addf %add3A_601, %get3A_622 : vector<16xf32>
      %get3A_624 = arith.index_cast %squeeze3A_613 : i32 to index
      %get3A_625 = arith.constant 32 : index
      %get3A_626 = tpu.vector_load %arg9[%get3A_624, %get3A_625] {strides = array<i32>} : memref<65x64xf32, #tpu.memory_space<vmem>>, vector<1x16xf32>,
      %get3A_627 = vector.shape_cast %get3A_626 : vector<1x16xf32> to vector<16xf32>
      %add3A_628 = arith.addf %add3A_606, %get3A_627 : vector<16xf32>
      %get3A_629 = arith.index_cast %squeeze3A_613 : i32 to index
      %get3A_630 = arith.constant 48 : index
      %get3A_631 = tpu.vector_load %arg9[%get3A_629, %get3A_630] {strides = array<i32>} : memref<65x64xf32, #tpu.memory_space<vmem>>, vector<1x16xf32>,
      %get3A_632 = vector.shape_cast %get3A_631 : vector<1x16xf32> to vector<16xf32>
      %add3A_633 = arith.addf %add3A_611, %get3A_632 : vector<16xf32>
      %slice3A_634 = vector.extract_strided_slice %get3A_216 {offsets = [3], sizes = [1], strides = [1]} : vector<16xi32> to vector<1xi32>
      %squeeze3A_635 = vector.extract %slice3A_634[0] : i32 from vector<1xi32>
      %get3A_636 = arith.index_cast %squeeze3A_635 : i32 to index
      %get3A_637 = arith.constant 0 : index
      %get3A_638 = tpu.vector_load %arg9[%get3A_636, %get3A_637] {strides = array<i32>} : memref<65x64xf32, #tpu.memory_space<vmem>>, vector<1x16xf32>,
      %get3A_639 = vector.shape_cast %get3A_638 : vector<1x16xf32> to vector<16xf32>
      %add3A_640 = arith.addf %add3A_618, %get3A_639 : vector<16xf32>
      %get3A_641 = arith.index_cast %squeeze3A_635 : i32 to index
      %get3A_642 = arith.constant 16 : index
      %get3A_643 = tpu.vector_load %arg9[%get3A_641, %get3A_642] {strides = array<i32>} : memref<65x64xf32, #tpu.memory_space<vmem>>, vector<1x16xf32>,
      %get3A_644 = vector.shape_cast %get3A_643 : vector<1x16xf32> to vector<16xf32>
      %add3A_645 = arith.addf %add3A_623, %get3A_644 : vector<16xf32>
      %get3A_646 = arith.index_cast %squeeze3A_635 : i32 to index
      %get3A_647 = arith.constant 32 : index
      %get3A_648 = tpu.vector_load %arg9[%get3A_646, %get3A_647] {strides = array<i32>} : memref<65x64xf32, #tpu.memory_space<vmem>>, vector<1x16xf32>,
      %get3A_649 = vector.shape_cast %get3A_648 : vector<1x16xf32> to vector<16xf32>
      %add3A_650 = arith.addf %add3A_628, %get3A_649 : vector<16xf32>
      %get3A_651 = arith.index_cast %squeeze3A_635 : i32 to index
      %get3A_652 = arith.constant 48 : index
      %get3A_653 = tpu.vector_load %arg9[%get3A_651, %get3A_652] {strides = array<i32>} : memref<65x64xf32, #tpu.memory_space<vmem>>, vector<1x16xf32>,
      %get3A_654 = vector.shape_cast %get3A_653 : vector<1x16xf32> to vector<16xf32>
      %add3A_655 = arith.addf %add3A_633, %get3A_654 : vector<16xf32>
      %slice3A_656 = vector.extract_strided_slice %get3A_216 {offsets = [4], sizes = [1], strides = [1]} : vector<16xi32> to vector<1xi32>
      %squeeze3A_657 = vector.extract %slice3A_656[0] : i32 from vector<1xi32>
      %get3A_658 = arith.index_cast %squeeze3A_657 : i32 to index
      %get3A_659 = arith.constant 0 : index
      %get3A_660 = tpu.vector_load %arg9[%get3A_658, %get3A_659] {strides = array<i32>} : memref<65x64xf32, #tpu.memory_space<vmem>>, vector<1x16xf32>,
      %get3A_661 = vector.shape_cast %get3A_660 : vector<1x16xf32> to vector<16xf32>
      %add3A_662 = arith.addf %add3A_640, %get3A_661 : vector<16xf32>
      %get3A_663 = arith.index_cast %squeeze3A_657 : i32 to index
      %get3A_664 = arith.constant 16 : index
      %get3A_665 = tpu.vector_load %arg9[%get3A_663, %get3A_664] {strides = array<i32>} : memref<65x64xf32, #tpu.memory_space<vmem>>, vector<1x16xf32>,
      %get3A_666 = vector.shape_cast %get3A_665 : vector<1x16xf32> to vector<16xf32>
      %add3A_667 = arith.addf %add3A_645, %get3A_666 : vector<16xf32>
      %get3A_668 = arith.index_cast %squeeze3A_657 : i32 to index
      %get3A_669 = arith.constant 32 : index
      %get3A_670 = tpu.vector_load %arg9[%get3A_668, %get3A_669] {strides = array<i32>} : memref<65x64xf32, #tpu.memory_space<vmem>>, vector<1x16xf32>,
      %get3A_671 = vector.shape_cast %get3A_670 : vector<1x16xf32> to vector<16xf32>
      %add3A_672 = arith.addf %add3A_650, %get3A_671 : vector<16xf32>
      %get3A_673 = arith.index_cast %squeeze3A_657 : i32 to index
      %get3A_674 = arith.constant 48 : index
      %get3A_675 = tpu.vector_load %arg9[%get3A_673, %get3A_674] {strides = array<i32>} : memref<65x64xf32, #tpu.memory_space<vmem>>, vector<1x16xf32>,
      %get3A_676 = vector.shape_cast %get3A_675 : vector<1x16xf32> to vector<16xf32>
      %add3A_677 = arith.addf %add3A_655, %get3A_676 : vector<16xf32>
      %slice3A_678 = vector.extract_strided_slice %get3A_216 {offsets = [5], sizes = [1], strides = [1]} : vector<16xi32> to vector<1xi32>
      %squeeze3A_679 = vector.extract %slice3A_678[0] : i32 from vector<1xi32>
      %get3A_680 = arith.index_cast %squeeze3A_679 : i32 to index
      %get3A_681 = arith.constant 0 : index
      %get3A_682 = tpu.vector_load %arg9[%get3A_680, %get3A_681] {strides = array<i32>} : memref<65x64xf32, #tpu.memory_space<vmem>>, vector<1x16xf32>,
      %get3A_683 = vector.shape_cast %get3A_682 : vector<1x16xf32> to vector<16xf32>
      %add3A_684 = arith.addf %add3A_662, %get3A_683 : vector<16xf32>
      %get3A_685 = arith.index_cast %squeeze3A_679 : i32 to index
      %get3A_686 = arith.constant 16 : index
      %get3A_687 = tpu.vector_load %arg9[%get3A_685, %get3A_686] {strides = array<i32>} : memref<65x64xf32, #tpu.memory_space<vmem>>, vector<1x16xf32>,
      %get3A_688 = vector.shape_cast %get3A_687 : vector<1x16xf32> to vector<16xf32>
      %add3A_689 = arith.addf %add3A_667, %get3A_688 : vector<16xf32>
      %get3A_690 = arith.index_cast %squeeze3A_679 : i32 to index
      %get3A_691 = arith.constant 32 : index
      %get3A_692 = tpu.vector_load %arg9[%get3A_690, %get3A_691] {strides = array<i32>} : memref<65x64xf32, #tpu.memory_space<vmem>>, vector<1x16xf32>,
      %get3A_693 = vector.shape_cast %get3A_692 : vector<1x16xf32> to vector<16xf32>
      %add3A_694 = arith.addf %add3A_672, %get3A_693 : vector<16xf32>
      %get3A_695 = arith.index_cast %squeeze3A_679 : i32 to index
      %get3A_696 = arith.constant 48 : index
      %get3A_697 = tpu.vector_load %arg9[%get3A_695, %get3A_696] {strides = array<i32>} : memref<65x64xf32, #tpu.memory_space<vmem>>, vector<1x16xf32>,
      %get3A_698 = vector.shape_cast %get3A_697 : vector<1x16xf32> to vector<16xf32>
      %add3A_699 = arith.addf %add3A_677, %get3A_698 : vector<16xf32>
      %slice3A_700 = vector.extract_strided_slice %get3A_216 {offsets = [6], sizes = [1], strides = [1]} : vector<16xi32> to vector<1xi32>
      %squeeze3A_701 = vector.extract %slice3A_700[0] : i32 from vector<1xi32>
      %get3A_702 = arith.index_cast %squeeze3A_701 : i32 to index
      %get3A_703 = arith.constant 0 : index
      %get3A_704 = tpu.vector_load %arg9[%get3A_702, %get3A_703] {strides = array<i32>} : memref<65x64xf32, #tpu.memory_space<vmem>>, vector<1x16xf32>,
      %get3A_705 = vector.shape_cast %get3A_704 : vector<1x16xf32> to vector<16xf32>
      %add3A_706 = arith.addf %add3A_684, %get3A_705 : vector<16xf32>
      %get3A_707 = arith.index_cast %squeeze3A_701 : i32 to index
      %get3A_708 = arith.constant 16 : index
      %get3A_709 = tpu.vector_load %arg9[%get3A_707, %get3A_708] {strides = array<i32>} : memref<65x64xf32, #tpu.memory_space<vmem>>, vector<1x16xf32>,
      %get3A_710 = vector.shape_cast %get3A_709 : vector<1x16xf32> to vector<16xf32>
      %add3A_711 = arith.addf %add3A_689, %get3A_710 : vector<16xf32>
      %get3A_712 = arith.index_cast %squeeze3A_701 : i32 to index
      %get3A_713 = arith.constant 32 : index
      %get3A_714 = tpu.vector_load %arg9[%get3A_712, %get3A_713] {strides = array<i32>} : memref<65x64xf32, #tpu.memory_space<vmem>>, vector<1x16xf32>,
      %get3A_715 = vector.shape_cast %get3A_714 : vector<1x16xf32> to vector<16xf32>
      %add3A_716 = arith.addf %add3A_694, %get3A_715 : vector<16xf32>
      %get3A_717 = arith.index_cast %squeeze3A_701 : i32 to index
      %get3A_718 = arith.constant 48 : index
      %get3A_719 = tpu.vector_load %arg9[%get3A_717, %get3A_718] {strides = array<i32>} : memref<65x64xf32, #tpu.memory_space<vmem>>, vector<1x16xf32>,
      %get3A_720 = vector.shape_cast %get3A_719 : vector<1x16xf32> to vector<16xf32>
      %add3A_721 = arith.addf %add3A_699, %get3A_720 : vector<16xf32>
      %slice3A_722 = vector.extract_strided_slice %get3A_216 {offsets = [7], sizes = [1], strides = [1]} : vector<16xi32> to vector<1xi32>
      %squeeze3A_723 = vector.extract %slice3A_722[0] : i32 from vector<1xi32>
      %get3A_724 = arith.index_cast %squeeze3A_723 : i32 to index
      %get3A_725 = arith.constant 0 : index
      %get3A_726 = tpu.vector_load %arg9[%get3A_724, %get3A_725] {strides = array<i32>} : memref<65x64xf32, #tpu.memory_space<vmem>>, vector<1x16xf32>,
      %get3A_727 = vector.shape_cast %get3A_726 : vector<1x16xf32> to vector<16xf32>
      %add3A_728 = arith.addf %add3A_706, %get3A_727 : vector<16xf32>
      %get3A_729 = arith.index_cast %squeeze3A_723 : i32 to index
      %get3A_730 = arith.constant 16 : index
      %get3A_731 = tpu.vector_load %arg9[%get3A_729, %get3A_730] {strides = array<i32>} : memref<65x64xf32, #tpu.memory_space<vmem>>, vector<1x16xf32>,
      %get3A_732 = vector.shape_cast %get3A_731 : vector<1x16xf32> to vector<16xf32>
      %add3A_733 = arith.addf %add3A_711, %get3A_732 : vector<16xf32>
      %get3A_734 = arith.index_cast %squeeze3A_723 : i32 to index
      %get3A_735 = arith.constant 32 : index
      %get3A_736 = tpu.vector_load %arg9[%get3A_734, %get3A_735] {strides = array<i32>} : memref<65x64xf32, #tpu.memory_space<vmem>>, vector<1x16xf32>,
      %get3A_737 = vector.shape_cast %get3A_736 : vector<1x16xf32> to vector<16xf32>
      %add3A_738 = arith.addf %add3A_716, %get3A_737 : vector<16xf32>
      %get3A_739 = arith.index_cast %squeeze3A_723 : i32 to index
      %get3A_740 = arith.constant 48 : index
      %get3A_741 = tpu.vector_load %arg9[%get3A_739, %get3A_740] {strides = array<i32>} : memref<65x64xf32, #tpu.memory_space<vmem>>, vector<1x16xf32>,
      %get3A_742 = vector.shape_cast %get3A_741 : vector<1x16xf32> to vector<16xf32>
      %add3A_743 = arith.addf %add3A_721, %get3A_742 : vector<16xf32>
      %slice3A_744 = vector.extract_strided_slice %get3A_216 {offsets = [8], sizes = [1], strides = [1]} : vector<16xi32> to vector<1xi32>
      %squeeze3A_745 = vector.extract %slice3A_744[0] : i32 from vector<1xi32>
      %get3A_746 = arith.index_cast %squeeze3A_745 : i32 to index
      %get3A_747 = arith.constant 0 : index
      %get3A_748 = tpu.vector_load %arg9[%get3A_746, %get3A_747] {strides = array<i32>} : memref<65x64xf32, #tpu.memory_space<vmem>>, vector<1x16xf32>,
      %get3A_749 = vector.shape_cast %get3A_748 : vector<1x16xf32> to vector<16xf32>
      %add3A_750 = arith.addf %add3A_728, %get3A_749 : vector<16xf32>
      %get3A_751 = arith.index_cast %squeeze3A_745 : i32 to index
      %get3A_752 = arith.constant 16 : index
      %get3A_753 = tpu.vector_load %arg9[%get3A_751, %get3A_752] {strides = array<i32>} : memref<65x64xf32, #tpu.memory_space<vmem>>, vector<1x16xf32>,
      %get3A_754 = vector.shape_cast %get3A_753 : vector<1x16xf32> to vector<16xf32>
      %add3A_755 = arith.addf %add3A_733, %get3A_754 : vector<16xf32>
      %get3A_756 = arith.index_cast %squeeze3A_745 : i32 to index
      %get3A_757 = arith.constant 32 : index
      %get3A_758 = tpu.vector_load %arg9[%get3A_756, %get3A_757] {strides = array<i32>} : memref<65x64xf32, #tpu.memory_space<vmem>>, vector<1x16xf32>,
      %get3A_759 = vector.shape_cast %get3A_758 : vector<1x16xf32> to vector<16xf32>
      %add3A_760 = arith.addf %add3A_738, %get3A_759 : vector<16xf32>
      %get3A_761 = arith.index_cast %squeeze3A_745 : i32 to index
      %get3A_762 = arith.constant 48 : index
      %get3A_763 = tpu.vector_load %arg9[%get3A_761, %get3A_762] {strides = array<i32>} : memref<65x64xf32, #tpu.memory_space<vmem>>, vector<1x16xf32>,
      %get3A_764 = vector.shape_cast %get3A_763 : vector<1x16xf32> to vector<16xf32>
      %add3A_765 = arith.addf %add3A_743, %get3A_764 : vector<16xf32>
      %slice3A_766 = vector.extract_strided_slice %get3A_216 {offsets = [9], sizes = [1], strides = [1]} : vector<16xi32> to vector<1xi32>
      %squeeze3A_767 = vector.extract %slice3A_766[0] : i32 from vector<1xi32>
      %get3A_768 = arith.index_cast %squeeze3A_767 : i32 to index
      %get3A_769 = arith.constant 0 : index
      %get3A_770 = tpu.vector_load %arg9[%get3A_768, %get3A_769] {strides = array<i32>} : memref<65x64xf32, #tpu.memory_space<vmem>>, vector<1x16xf32>,
      %get3A_771 = vector.shape_cast %get3A_770 : vector<1x16xf32> to vector<16xf32>
      %add3A_772 = arith.addf %add3A_750, %get3A_771 : vector<16xf32>
      %get3A_773 = arith.index_cast %squeeze3A_767 : i32 to index
      %get3A_774 = arith.constant 16 : index
      %get3A_775 = tpu.vector_load %arg9[%get3A_773, %get3A_774] {strides = array<i32>} : memref<65x64xf32, #tpu.memory_space<vmem>>, vector<1x16xf32>,
      %get3A_776 = vector.shape_cast %get3A_775 : vector<1x16xf32> to vector<16xf32>
      %add3A_777 = arith.addf %add3A_755, %get3A_776 : vector<16xf32>
      %get3A_778 = arith.index_cast %squeeze3A_767 : i32 to index
      %get3A_779 = arith.constant 32 : index
      %get3A_780 = tpu.vector_load %arg9[%get3A_778, %get3A_779] {strides = array<i32>} : memref<65x64xf32, #tpu.memory_space<vmem>>, vector<1x16xf32>,
      %get3A_781 = vector.shape_cast %get3A_780 : vector<1x16xf32> to vector<16xf32>
      %add3A_782 = arith.addf %add3A_760, %get3A_781 : vector<16xf32>
      %get3A_783 = arith.index_cast %squeeze3A_767 : i32 to index
      %get3A_784 = arith.constant 48 : index
      %get3A_785 = tpu.vector_load %arg9[%get3A_783, %get3A_784] {strides = array<i32>} : memref<65x64xf32, #tpu.memory_space<vmem>>, vector<1x16xf32>,
      %get3A_786 = vector.shape_cast %get3A_785 : vector<1x16xf32> to vector<16xf32>
      %add3A_787 = arith.addf %add3A_765, %get3A_786 : vector<16xf32>
      %slice3A_788 = vector.extract_strided_slice %get3A_216 {offsets = [10], sizes = [1], strides = [1]} : vector<16xi32> to vector<1xi32>
      %squeeze3A_789 = vector.extract %slice3A_788[0] : i32 from vector<1xi32>
      %get3A_790 = arith.index_cast %squeeze3A_789 : i32 to index
      %get3A_791 = arith.constant 0 : index
      %get3A_792 = tpu.vector_load %arg9[%get3A_790, %get3A_791] {strides = array<i32>} : memref<65x64xf32, #tpu.memory_space<vmem>>, vector<1x16xf32>,
      %get3A_793 = vector.shape_cast %get3A_792 : vector<1x16xf32> to vector<16xf32>
      %add3A_794 = arith.addf %add3A_772, %get3A_793 : vector<16xf32>
      %get3A_795 = arith.index_cast %squeeze3A_789 : i32 to index
      %get3A_796 = arith.constant 16 : index
      %get3A_797 = tpu.vector_load %arg9[%get3A_795, %get3A_796] {strides = array<i32>} : memref<65x64xf32, #tpu.memory_space<vmem>>, vector<1x16xf32>,
      %get3A_798 = vector.shape_cast %get3A_797 : vector<1x16xf32> to vector<16xf32>
      %add3A_799 = arith.addf %add3A_777, %get3A_798 : vector<16xf32>
      %get3A_800 = arith.index_cast %squeeze3A_789 : i32 to index
      %get3A_801 = arith.constant 32 : index
      %get3A_802 = tpu.vector_load %arg9[%get3A_800, %get3A_801] {strides = array<i32>} : memref<65x64xf32, #tpu.memory_space<vmem>>, vector<1x16xf32>,
      %get3A_803 = vector.shape_cast %get3A_802 : vector<1x16xf32> to vector<16xf32>
      %add3A_804 = arith.addf %add3A_782, %get3A_803 : vector<16xf32>
      %get3A_805 = arith.index_cast %squeeze3A_789 : i32 to index
      %get3A_806 = arith.constant 48 : index
      %get3A_807 = tpu.vector_load %arg9[%get3A_805, %get3A_806] {strides = array<i32>} : memref<65x64xf32, #tpu.memory_space<vmem>>, vector<1x16xf32>,
      %get3A_808 = vector.shape_cast %get3A_807 : vector<1x16xf32> to vector<16xf32>
      %add3A_809 = arith.addf %add3A_787, %get3A_808 : vector<16xf32>
      %slice3A_810 = vector.extract_strided_slice %get3A_216 {offsets = [11], sizes = [1], strides = [1]} : vector<16xi32> to vector<1xi32>
      %squeeze3A_811 = vector.extract %slice3A_810[0] : i32 from vector<1xi32>
      %get3A_812 = arith.index_cast %squeeze3A_811 : i32 to index
      %get3A_813 = arith.constant 0 : index
      %get3A_814 = tpu.vector_load %arg9[%get3A_812, %get3A_813] {strides = array<i32>} : memref<65x64xf32, #tpu.memory_space<vmem>>, vector<1x16xf32>,
      %get3A_815 = vector.shape_cast %get3A_814 : vector<1x16xf32> to vector<16xf32>
      %add3A_816 = arith.addf %add3A_794, %get3A_815 : vector<16xf32>
      %get3A_817 = arith.index_cast %squeeze3A_811 : i32 to index
      %get3A_818 = arith.constant 16 : index
      %get3A_819 = tpu.vector_load %arg9[%get3A_817, %get3A_818] {strides = array<i32>} : memref<65x64xf32, #tpu.memory_space<vmem>>, vector<1x16xf32>,
      %get3A_820 = vector.shape_cast %get3A_819 : vector<1x16xf32> to vector<16xf32>
      %add3A_821 = arith.addf %add3A_799, %get3A_820 : vector<16xf32>
      %get3A_822 = arith.index_cast %squeeze3A_811 : i32 to index
      %get3A_823 = arith.constant 32 : index
      %get3A_824 = tpu.vector_load %arg9[%get3A_822, %get3A_823] {strides = array<i32>} : memref<65x64xf32, #tpu.memory_space<vmem>>, vector<1x16xf32>,
      %get3A_825 = vector.shape_cast %get3A_824 : vector<1x16xf32> to vector<16xf32>
      %add3A_826 = arith.addf %add3A_804, %get3A_825 : vector<16xf32>
      %get3A_827 = arith.index_cast %squeeze3A_811 : i32 to index
      %get3A_828 = arith.constant 48 : index
      %get3A_829 = tpu.vector_load %arg9[%get3A_827, %get3A_828] {strides = array<i32>} : memref<65x64xf32, #tpu.memory_space<vmem>>, vector<1x16xf32>,
      %get3A_830 = vector.shape_cast %get3A_829 : vector<1x16xf32> to vector<16xf32>
      %add3A_831 = arith.addf %add3A_809, %get3A_830 : vector<16xf32>
      %slice3A_832 = vector.extract_strided_slice %get3A_216 {offsets = [12], sizes = [1], strides = [1]} : vector<16xi32> to vector<1xi32>
      %squeeze3A_833 = vector.extract %slice3A_832[0] : i32 from vector<1xi32>
      %get3A_834 = arith.index_cast %squeeze3A_833 : i32 to index
      %get3A_835 = arith.constant 0 : index
      %get3A_836 = tpu.vector_load %arg9[%get3A_834, %get3A_835] {strides = array<i32>} : memref<65x64xf32, #tpu.memory_space<vmem>>, vector<1x16xf32>,
      %get3A_837 = vector.shape_cast %get3A_836 : vector<1x16xf32> to vector<16xf32>
      %add3A_838 = arith.addf %add3A_816, %get3A_837 : vector<16xf32>
      %get3A_839 = arith.index_cast %squeeze3A_833 : i32 to index
      %get3A_840 = arith.constant 16 : index
      %get3A_841 = tpu.vector_load %arg9[%get3A_839, %get3A_840] {strides = array<i32>} : memref<65x64xf32, #tpu.memory_space<vmem>>, vector<1x16xf32>,
      %get3A_842 = vector.shape_cast %get3A_841 : vector<1x16xf32> to vector<16xf32>
      %add3A_843 = arith.addf %add3A_821, %get3A_842 : vector<16xf32>
      %get3A_844 = arith.index_cast %squeeze3A_833 : i32 to index
      %get3A_845 = arith.constant 32 : index
      %get3A_846 = tpu.vector_load %arg9[%get3A_844, %get3A_845] {strides = array<i32>} : memref<65x64xf32, #tpu.memory_space<vmem>>, vector<1x16xf32>,
      %get3A_847 = vector.shape_cast %get3A_846 : vector<1x16xf32> to vector<16xf32>
      %add3A_848 = arith.addf %add3A_826, %get3A_847 : vector<16xf32>
      %get3A_849 = arith.index_cast %squeeze3A_833 : i32 to index
      %get3A_850 = arith.constant 48 : index
      %get3A_851 = tpu.vector_load %arg9[%get3A_849, %get3A_850] {strides = array<i32>} : memref<65x64xf32, #tpu.memory_space<vmem>>, vector<1x16xf32>,
      %get3A_852 = vector.shape_cast %get3A_851 : vector<1x16xf32> to vector<16xf32>
      %add3A_853 = arith.addf %add3A_831, %get3A_852 : vector<16xf32>
      %slice3A_854 = vector.extract_strided_slice %get3A_216 {offsets = [13], sizes = [1], strides = [1]} : vector<16xi32> to vector<1xi32>
      %squeeze3A_855 = vector.extract %slice3A_854[0] : i32 from vector<1xi32>
      %get3A_856 = arith.index_cast %squeeze3A_855 : i32 to index
      %get3A_857 = arith.constant 0 : index
      %get3A_858 = tpu.vector_load %arg9[%get3A_856, %get3A_857] {strides = array<i32>} : memref<65x64xf32, #tpu.memory_space<vmem>>, vector<1x16xf32>,
      %get3A_859 = vector.shape_cast %get3A_858 : vector<1x16xf32> to vector<16xf32>
      %add3A_860 = arith.addf %add3A_838, %get3A_859 : vector<16xf32>
      %get3A_861 = arith.index_cast %squeeze3A_855 : i32 to index
      %get3A_862 = arith.constant 16 : index
      %get3A_863 = tpu.vector_load %arg9[%get3A_861, %get3A_862] {strides = array<i32>} : memref<65x64xf32, #tpu.memory_space<vmem>>, vector<1x16xf32>,
      %get3A_864 = vector.shape_cast %get3A_863 : vector<1x16xf32> to vector<16xf32>
      %add3A_865 = arith.addf %add3A_843, %get3A_864 : vector<16xf32>
      %get3A_866 = arith.index_cast %squeeze3A_855 : i32 to index
      %get3A_867 = arith.constant 32 : index
      %get3A_868 = tpu.vector_load %arg9[%get3A_866, %get3A_867] {strides = array<i32>} : memref<65x64xf32, #tpu.memory_space<vmem>>, vector<1x16xf32>,
      %get3A_869 = vector.shape_cast %get3A_868 : vector<1x16xf32> to vector<16xf32>
      %add3A_870 = arith.addf %add3A_848, %get3A_869 : vector<16xf32>
      %get3A_871 = arith.index_cast %squeeze3A_855 : i32 to index
      %get3A_872 = arith.constant 48 : index
      %get3A_873 = tpu.vector_load %arg9[%get3A_871, %get3A_872] {strides = array<i32>} : memref<65x64xf32, #tpu.memory_space<vmem>>, vector<1x16xf32>,
      %get3A_874 = vector.shape_cast %get3A_873 : vector<1x16xf32> to vector<16xf32>
      %add3A_875 = arith.addf %add3A_853, %get3A_874 : vector<16xf32>
      %slice3A_876 = vector.extract_strided_slice %get3A_216 {offsets = [14], sizes = [1], strides = [1]} : vector<16xi32> to vector<1xi32>
      %squeeze3A_877 = vector.extract %slice3A_876[0] : i32 from vector<1xi32>
      %get3A_878 = arith.index_cast %squeeze3A_877 : i32 to index
      %get3A_879 = arith.constant 0 : index
      %get3A_880 = tpu.vector_load %arg9[%get3A_878, %get3A_879] {strides = array<i32>} : memref<65x64xf32, #tpu.memory_space<vmem>>, vector<1x16xf32>,
      %get3A_881 = vector.shape_cast %get3A_880 : vector<1x16xf32> to vector<16xf32>
      %add3A_882 = arith.addf %add3A_860, %get3A_881 : vector<16xf32>
      %get3A_883 = arith.index_cast %squeeze3A_877 : i32 to index
      %get3A_884 = arith.constant 16 : index
      %get3A_885 = tpu.vector_load %arg9[%get3A_883, %get3A_884] {strides = array<i32>} : memref<65x64xf32, #tpu.memory_space<vmem>>, vector<1x16xf32>,
      %get3A_886 = vector.shape_cast %get3A_885 : vector<1x16xf32> to vector<16xf32>
      %add3A_887 = arith.addf %add3A_865, %get3A_886 : vector<16xf32>
      %get3A_888 = arith.index_cast %squeeze3A_877 : i32 to index
      %get3A_889 = arith.constant 32 : index
      %get3A_890 = tpu.vector_load %arg9[%get3A_888, %get3A_889] {strides = array<i32>} : memref<65x64xf32, #tpu.memory_space<vmem>>, vector<1x16xf32>,
      %get3A_891 = vector.shape_cast %get3A_890 : vector<1x16xf32> to vector<16xf32>
      %add3A_892 = arith.addf %add3A_870, %get3A_891 : vector<16xf32>
      %get3A_893 = arith.index_cast %squeeze3A_877 : i32 to index
      %get3A_894 = arith.constant 48 : index
      %get3A_895 = tpu.vector_load %arg9[%get3A_893, %get3A_894] {strides = array<i32>} : memref<65x64xf32, #tpu.memory_space<vmem>>, vector<1x16xf32>,
      %get3A_896 = vector.shape_cast %get3A_895 : vector<1x16xf32> to vector<16xf32>
      %add3A_897 = arith.addf %add3A_875, %get3A_896 : vector<16xf32>
      %slice3A_898 = vector.extract_strided_slice %get3A_216 {offsets = [15], sizes = [1], strides = [1]} : vector<16xi32> to vector<1xi32>
      %squeeze3A_899 = vector.extract %slice3A_898[0] : i32 from vector<1xi32>
      %get3A_900 = arith.index_cast %squeeze3A_899 : i32 to index
      %get3A_901 = arith.constant 0 : index
      %get3A_902 = tpu.vector_load %arg9[%get3A_900, %get3A_901] {strides = array<i32>} : memref<65x64xf32, #tpu.memory_space<vmem>>, vector<1x16xf32>,
      %get3A_903 = vector.shape_cast %get3A_902 : vector<1x16xf32> to vector<16xf32>
      %add3A_904 = arith.addf %add3A_882, %get3A_903 : vector<16xf32>
      %get3A_905 = arith.index_cast %squeeze3A_899 : i32 to index
      %get3A_906 = arith.constant 16 : index
      %get3A_907 = tpu.vector_load %arg9[%get3A_905, %get3A_906] {strides = array<i32>} : memref<65x64xf32, #tpu.memory_space<vmem>>, vector<1x16xf32>,
      %get3A_908 = vector.shape_cast %get3A_907 : vector<1x16xf32> to vector<16xf32>
      %add3A_909 = arith.addf %add3A_887, %get3A_908 : vector<16xf32>
      %get3A_910 = arith.index_cast %squeeze3A_899 : i32 to index
      %get3A_911 = arith.constant 32 : index
      %get3A_912 = tpu.vector_load %arg9[%get3A_910, %get3A_911] {strides = array<i32>} : memref<65x64xf32, #tpu.memory_space<vmem>>, vector<1x16xf32>,
      %get3A_913 = vector.shape_cast %get3A_912 : vector<1x16xf32> to vector<16xf32>
      %add3A_914 = arith.addf %add3A_892, %get3A_913 : vector<16xf32>
      %get3A_915 = arith.index_cast %squeeze3A_899 : i32 to index
      %get3A_916 = arith.constant 48 : index
      %get3A_917 = tpu.vector_load %arg9[%get3A_915, %get3A_916] {strides = array<i32>} : memref<65x64xf32, #tpu.memory_space<vmem>>, vector<1x16xf32>,
      %get3A_918 = vector.shape_cast %get3A_917 : vector<1x16xf32> to vector<16xf32>
      %add3A_919 = arith.addf %add3A_897, %get3A_918 : vector<16xf32>
      %add3A_920 = arith.constant 128 : i32
      %add3A_921 = arith.addi %add3A_920, %scan3A_208 : i32
      %swap3A = arith.index_cast %add3A_921 : i32 to index
      %swap3A_922 = arith.constant 0 : index
      %swap3A_923 = tpu.vector_load %arg10[%swap3A, %swap3A_922] {strides = array<i32>} : memref<512x64xf32, #tpu.memory_space<vmem>>, vector<1x16xf32>,
      %swap3A_924 = vector.shape_cast %swap3A_923 : vector<1x16xf32> to vector<16xf32>
      %swap3A_925 = vector.shape_cast %add3A_904 : vector<16xf32> to vector<1x16xf32>
      tpu.vector_store %arg10[%swap3A, %swap3A_922], %swap3A_925 {strides = array<i32>} : memref<512x64xf32, #tpu.memory_space<vmem>>, vector<1x16xf32>,
      %add3A_926 = arith.constant 128 : i32
      %add3A_927 = arith.addi %add3A_926, %scan3A_208 : i32
      %swap3A_928 = arith.index_cast %add3A_927 : i32 to index
      %swap3A_929 = arith.constant 16 : index
      %swap3A_930 = tpu.vector_load %arg10[%swap3A_928, %swap3A_929] {strides = array<i32>} : memref<512x64xf32, #tpu.memory_space<vmem>>, vector<1x16xf32>,
      %swap3A_931 = vector.shape_cast %swap3A_930 : vector<1x16xf32> to vector<16xf32>
      %swap3A_932 = vector.shape_cast %add3A_909 : vector<16xf32> to vector<1x16xf32>
      tpu.vector_store %arg10[%swap3A_928, %swap3A_929], %swap3A_932 {strides = array<i32>} : memref<512x64xf32, #tpu.memory_space<vmem>>, vector<1x16xf32>,
      %add3A_933 = arith.constant 128 : i32
      %add3A_934 = arith.addi %add3A_933, %scan3A_208 : i32
      %swap3A_935 = arith.index_cast %add3A_934 : i32 to index
      %swap3A_936 = arith.constant 32 : index
      %swap3A_937 = tpu.vector_load %arg10[%swap3A_935, %swap3A_936] {strides = array<i32>} : memref<512x64xf32, #tpu.memory_space<vmem>>, vector<1x16xf32>,
      %swap3A_938 = vector.shape_cast %swap3A_937 : vector<1x16xf32> to vector<16xf32>
      %swap3A_939 = vector.shape_cast %add3A_914 : vector<16xf32> to vector<1x16xf32>
      tpu.vector_store %arg10[%swap3A_935, %swap3A_936], %swap3A_939 {strides = array<i32>} : memref<512x64xf32, #tpu.memory_space<vmem>>, vector<1x16xf32>,
      %add3A_940 = arith.constant 128 : i32
      %add3A_941 = arith.addi %add3A_940, %scan3A_208 : i32
      %swap3A_942 = arith.index_cast %add3A_941 : i32 to index
      %swap3A_943 = arith.constant 48 : index
      %swap3A_944 = tpu.vector_load %arg10[%swap3A_942, %swap3A_943] {strides = array<i32>} : memref<512x64xf32, #tpu.memory_space<vmem>>, vector<1x16xf32>,
      %swap3A_945 = vector.shape_cast %swap3A_944 : vector<1x16xf32> to vector<16xf32>
      %swap3A_946 = vector.shape_cast %add3A_919 : vector<16xf32> to vector<1x16xf32>
      tpu.vector_store %arg10[%swap3A_942, %swap3A_943], %swap3A_946 {strides = array<i32>} : memref<512x64xf32, #tpu.memory_space<vmem>>, vector<1x16xf32>,
      %scan3A_947 = arith.constant 0 : i32
      scf.yield %scan3A_947 : i32
    }
    %scan3A_43 = arith.constant 128 : i32
    %dma_start3A_44 = arith.constant 1 : i32
    %dma_start3A_45 = arith.constant 64 : i32
    %dma_start3A_46 = arith.constant 128 : i32
    %dma_start3A_47 = arith.constant 0 : i32
    %dma_start3A_48 = tpu.memref_slice %arg11[%dma_start3A_46, %dma_start3A_47] : memref<512x64xf32, #tpu.memory_space<vmem>> -> memref<128x64xf32, #tpu.memory_space<vmem>>
    %dma_start3A_49 = arith.constant 0 : i32
    %dma_start3A_50 = tpu.memref_slice %arg7[%dma_start3A_44, %dma_start3A_45, %dma_start3A_49] : memref<2x72x128xi32, #tpu.memory_space<vmem>> -> memref<1x1x128xi32, #tpu.memory_space<vmem>>
    %dma_start3A_51 = tpu.memref_squeeze %dma_start3A_50 : memref<1x1x128xi32, #tpu.memory_space<vmem>> -> memref<128xi32, #tpu.memory_space<vmem>>
    %dma_start3A_52 = arith.constant 0 : i32
    %dma_start3A_53 = arith.constant 0 : i32
    %dma_start3A_54 = tpu.memref_slice %arg4[%dma_start3A_52, %dma_start3A_53] : memref<1000001x64xf32, #tpu.memory_space<hbm>> -> memref<1000001x64xf32, #tpu.memory_space<hbm>>
    tpu.enqueue_indirect_dma source(%dma_start3A_54 : memref<1000001x64xf32, #tpu.memory_space<hbm>>) target(%dma_start3A_48 : memref<128x64xf32, #tpu.memory_space<vmem>>) offsets(%dma_start3A_51 : memref<128xi32, #tpu.memory_space<vmem>>) semaphore(%arg13 : memref<!tpu.dma_semaphore, #tpu.memory_space<semaphore_mem>>)
    %scan3A_55 = arith.constant 0 : i32
    %scan3A_56 = arith.constant 0 : i32
    %scan3A_57 = arith.constant 64 : i32
    %scan3A_58 = arith.addi %scan3A_56, %scan3A_57 : i32
    %scan3A_59 = arith.constant 1 : i32
    %scan3A_60 = scf.for %scan3A_208 = %scan3A_56 to %scan3A_58 step %scan3A_59 iter_args(%scan3A_209 = %scan3A_55) -> (i32)  : i32 {
      %dma_start3A_210 = arith.constant 1 : i32
      %dma_start3A_211 = arith.constant 128 : i32
      %dma_start3A_212 = arith.constant 0 : i32
      %dma_start3A_213 = tpu.memref_slice %arg10[%dma_start3A_211, %dma_start3A_212] : memref<512x64xf32, #tpu.memory_space<vmem>> -> memref<128x64xf32, #tpu.memory_space<vmem>>
      %dma_start3A_214 = arith.constant 0 : i32
      %dma_start3A_215 = tpu.memref_slice %arg7[%dma_start3A_210, %scan3A_208, %dma_start3A_214] : memref<2x72x128xi32, #tpu.memory_space<vmem>> -> memref<1x1x128xi32, #tpu.memory_space<vmem>>
      %dma_start3A_216 = tpu.memref_squeeze %dma_start3A_215 : memref<1x1x128xi32, #tpu.memory_space<vmem>> -> memref<128xi32, #tpu.memory_space<vmem>>
      %dma_start3A_217 = arith.constant 0 : i32
      %dma_start3A_218 = arith.constant 0 : i32
      %dma_start3A_219 = tpu.memref_slice %arg4[%dma_start3A_217, %dma_start3A_218] : memref<1000001x64xf32, #tpu.memory_space<hbm>> -> memref<1000001x64xf32, #tpu.memory_space<hbm>>
      tpu.enqueue_indirect_dma source(%dma_start3A_219 : memref<1000001x64xf32, #tpu.memory_space<hbm>>) target(%dma_start3A_213 : memref<128x64xf32, #tpu.memory_space<vmem>>) offsets(%dma_start3A_216 : memref<128xi32, #tpu.memory_space<vmem>>) semaphore(%arg14 : memref<!tpu.dma_semaphore, #tpu.memory_space<semaphore_mem>>) {add = true}
      %scan3A_220 = arith.constant 0 : i32
      scf.yield %scan3A_220 : i32
    }
    %scan3A_61 = arith.constant 64 : i32
    %add3A_62 = arith.constant 2 : i32
    %add3A_63 = arith.addi %mul3A_4, %add3A_62 : i32
    %run_scoped3A_64 = arith.constant 0 : i32
    "tpu.region"() ({
      %run_scoped3A_208 = tpu.sem_alloc : memref<!tpu.dma_semaphore, #tpu.memory_space<semaphore_mem>>
      %dma_start3A_209 = arith.constant 0 : i32
      %dma_start3A_210 = arith.constant 0 : i32
      %dma_start3A_211 = tpu.memref_slice %arg7[%run_scoped3A_64, %dma_start3A_209, %dma_start3A_210] : memref<2x72x128xi32, #tpu.memory_space<vmem>> -> memref<1x72x128xi32, #tpu.memory_space<vmem>>
      %dma_start3A_212 = tpu.memref_squeeze %dma_start3A_211 : memref<1x72x128xi32, #tpu.memory_space<vmem>> -> memref<72x128xi32, #tpu.memory_space<vmem>>
      %dma_start3A_213 = arith.constant 0 : i32
      %dma_start3A_214 = arith.constant 0 : i32
      %dma_start3A_215 = tpu.memref_slice %arg2[%add3A_63, %dma_start3A_213, %dma_start3A_214] : memref<128x72x128xi32, #tpu.memory_space<hbm>> -> memref<1x72x128xi32, #tpu.memory_space<hbm>>
      %dma_start3A_216 = tpu.memref_squeeze %dma_start3A_215 : memref<1x72x128xi32, #tpu.memory_space<hbm>> -> memref<72x128xi32, #tpu.memory_space<hbm>>
      %dma_start3A_217 = arith.constant 0 : i32
      %dma_start3A_218 = arith.constant 0 : i32
      %dma_start3A_219 = tpu.memref_slice %arg7[%run_scoped3A_64, %dma_start3A_217, %dma_start3A_218] : memref<2x72x128xi32, #tpu.memory_space<vmem>> -> memref<1x72x128xi32, #tpu.memory_space<vmem>>
      %dma_start3A_220 = tpu.memref_squeeze %dma_start3A_219 : memref<1x72x128xi32, #tpu.memory_space<vmem>> -> memref<72x128xi32, #tpu.memory_space<vmem>>
      %dma_start3A_221 = arith.constant 0 : i32
      %dma_start3A_222 = arith.constant 0 : i32
      %dma_start3A_223 = tpu.memref_slice %arg2[%add3A_63, %dma_start3A_221, %dma_start3A_222] : memref<128x72x128xi32, #tpu.memory_space<hbm>> -> memref<1x72x128xi32, #tpu.memory_space<hbm>>
      %dma_start3A_224 = tpu.memref_squeeze %dma_start3A_223 : memref<1x72x128xi32, #tpu.memory_space<hbm>> -> memref<72x128xi32, #tpu.memory_space<hbm>>
      tpu.enqueue_dma source(%dma_start3A_224 : memref<72x128xi32, #tpu.memory_space<hbm>>) target(%dma_start3A_220 : memref<72x128xi32, #tpu.memory_space<vmem>>) target_semaphore(%run_scoped3A_208 : memref<!tpu.dma_semaphore, #tpu.memory_space<semaphore_mem>>)
      %dma_wait3A_225 = arith.constant 0 : i32
      %dma_wait3A_226 = arith.constant 0 : i32
      %dma_wait3A_227 = tpu.memref_slice %arg7[%run_scoped3A_64, %dma_wait3A_225, %dma_wait3A_226] : memref<2x72x128xi32, #tpu.memory_space<vmem>> -> memref<1x72x128xi32, #tpu.memory_space<vmem>>
      %dma_wait3A_228 = tpu.memref_squeeze %dma_wait3A_227 : memref<1x72x128xi32, #tpu.memory_space<vmem>> -> memref<72x128xi32, #tpu.memory_space<vmem>>
      %dma_wait3A_229 = arith.constant 0 : i32
      %dma_wait3A_230 = arith.constant 0 : i32
      %dma_wait3A_231 = tpu.memref_slice %arg2[%add3A_63, %dma_wait3A_229, %dma_wait3A_230] : memref<128x72x128xi32, #tpu.memory_space<hbm>> -> memref<1x72x128xi32, #tpu.memory_space<hbm>>
      %dma_wait3A_232 = tpu.memref_squeeze %dma_wait3A_231 : memref<1x72x128xi32, #tpu.memory_space<hbm>> -> memref<72x128xi32, #tpu.memory_space<hbm>>
      %dma_wait3A_233 = arith.constant 0 : i32
      %dma_wait3A_234 = arith.constant 0 : i32
      %dma_wait3A_235 = tpu.memref_slice %arg7[%run_scoped3A_64, %dma_wait3A_233, %dma_wait3A_234] : memref<2x72x128xi32, #tpu.memory_space<vmem>> -> memref<1x72x128xi32, #tpu.memory_space<vmem>>
      %dma_wait3A_236 = tpu.memref_squeeze %dma_wait3A_235 : memref<1x72x128xi32, #tpu.memory_space<vmem>> -> memref<72x128xi32, #tpu.memory_space<vmem>>
      %dma_wait3A_237 = arith.constant 0 : i32
      %dma_wait3A_238 = arith.constant 0 : i32
      %dma_wait3A_239 = tpu.memref_slice %arg2[%add3A_63, %dma_wait3A_237, %dma_wait3A_238] : memref<128x72x128xi32, #tpu.memory_space<hbm>> -> memref<1x72x128xi32, #tpu.memory_space<hbm>>
      %dma_wait3A_240 = tpu.memref_squeeze %dma_wait3A_239 : memref<1x72x128xi32, #tpu.memory_space<hbm>> -> memref<72x128xi32, #tpu.memory_space<hbm>>
      tpu.wait_dma2 semaphore(%run_scoped3A_208 : memref<!tpu.dma_semaphore, #tpu.memory_space<semaphore_mem>>) src(%dma_wait3A_240 : memref<72x128xi32, #tpu.memory_space<hbm>>) dst(%dma_wait3A_236 : memref<72x128xi32, #tpu.memory_space<vmem>>)
      tpu.yield
    }) : () -> ()
    %add3A_65 = arith.constant 256 : i32
    %add3A_66 = arith.addi %mul3A_2, %add3A_65 : i32
    "tpu.region"() ({
      %run_scoped3A_208 = tpu.sem_alloc : memref<!tpu.dma_semaphore, #tpu.memory_space<semaphore_mem>>
      %dma_start3A_209 = arith.constant 0 : i32
      %dma_start3A_210 = tpu.memref_slice %arg3[%add3A_66, %dma_start3A_209] : memref<16384x32xi32, #tpu.memory_space<hbm>> -> memref<128x32xi32, #tpu.memory_space<hbm>>
      %dma_start3A_211 = arith.constant 0 : i32
      %dma_start3A_212 = tpu.memref_slice %arg3[%add3A_66, %dma_start3A_211] : memref<16384x32xi32, #tpu.memory_space<hbm>> -> memref<128x32xi32, #tpu.memory_space<hbm>>
      tpu.enqueue_dma source(%dma_start3A_212 : memref<128x32xi32, #tpu.memory_space<hbm>>) target(%arg8 : memref<128x32xi32, #tpu.memory_space<vmem>>) target_semaphore(%run_scoped3A_208 : memref<!tpu.dma_semaphore, #tpu.memory_space<semaphore_mem>>)
      %dma_wait3A_213 = arith.constant 0 : i32
      %dma_wait3A_214 = tpu.memref_slice %arg3[%add3A_66, %dma_wait3A_213] : memref<16384x32xi32, #tpu.memory_space<hbm>> -> memref<128x32xi32, #tpu.memory_space<hbm>>
      %dma_wait3A_215 = arith.constant 0 : i32
      %dma_wait3A_216 = tpu.memref_slice %arg3[%add3A_66, %dma_wait3A_215] : memref<16384x32xi32, #tpu.memory_space<hbm>> -> memref<128x32xi32, #tpu.memory_space<hbm>>
      tpu.wait_dma2 semaphore(%run_scoped3A_208 : memref<!tpu.dma_semaphore, #tpu.memory_space<semaphore_mem>>) src(%dma_wait3A_216 : memref<128x32xi32, #tpu.memory_space<hbm>>) dst(%arg8 : memref<128x32xi32, #tpu.memory_space<vmem>>)
      tpu.yield
    }) : () -> ()
    %scan3A_67 = arith.constant 0 : i32
    %scan3A_68 = arith.constant 0 : i32
    %scan3A_69 = arith.constant 128 : i32
    %scan3A_70 = arith.addi %scan3A_68, %scan3A_69 : i32
    %scan3A_71 = arith.constant 1 : i32
    %scan3A_72 = scf.for %scan3A_208 = %scan3A_68 to %scan3A_70 step %scan3A_71 iter_args(%scan3A_209 = %scan3A_67) -> (i32)  : i32 {
      %get3A = arith.index_cast %scan3A_208 : i32 to index
      %get3A_210 = arith.constant 0 : index
      %get3A_211 = tpu.vector_load %arg8[%get3A, %get3A_210] {strides = array<i32>} : memref<128x32xi32, #tpu.memory_space<vmem>>, vector<1x16xi32>,
      %get3A_212 = vector.shape_cast %get3A_211 : vector<1x16xi32> to vector<16xi32>
      %get3A_213 = arith.index_cast %scan3A_208 : i32 to index
      %get3A_214 = arith.constant 16 : index
      %get3A_215 = tpu.vector_load %arg8[%get3A_213, %get3A_214] {strides = array<i32>} : memref<128x32xi32, #tpu.memory_space<vmem>>, vector<1x16xi32>,
      %get3A_216 = vector.shape_cast %get3A_215 : vector<1x16xi32> to vector<16xi32>
      %broadcast_in_dim3A = arith.constant 0.000000e+00 : f32
      %broadcast_in_dim3A_217 = vector.broadcast %broadcast_in_dim3A : f32 to vector<16xf32>
      %slice3A = vector.extract_strided_slice %get3A_212 {offsets = [0], sizes = [1], strides = [1]} : vector<16xi32> to vector<1xi32>
      %squeeze3A = vector.extract %slice3A[0] : i32 from vector<1xi32>
      %get3A_218 = arith.index_cast %squeeze3A : i32 to index
      %get3A_219 = arith.constant 0 : index
      %get3A_220 = tpu.vector_load %arg9[%get3A_218, %get3A_219] {strides = array<i32>} : memref<65x64xf32, #tpu.memory_space<vmem>>, vector<1x16xf32>,
      %get3A_221 = vector.shape_cast %get3A_220 : vector<1x16xf32> to vector<16xf32>
      %add3A_222 = arith.addf %broadcast_in_dim3A_217, %get3A_221 : vector<16xf32>
      %get3A_223 = arith.index_cast %squeeze3A : i32 to index
      %get3A_224 = arith.constant 16 : index
      %get3A_225 = tpu.vector_load %arg9[%get3A_223, %get3A_224] {strides = array<i32>} : memref<65x64xf32, #tpu.memory_space<vmem>>, vector<1x16xf32>,
      %get3A_226 = vector.shape_cast %get3A_225 : vector<1x16xf32> to vector<16xf32>
      %add3A_227 = arith.addf %broadcast_in_dim3A_217, %get3A_226 : vector<16xf32>
      %get3A_228 = arith.index_cast %squeeze3A : i32 to index
      %get3A_229 = arith.constant 32 : index
      %get3A_230 = tpu.vector_load %arg9[%get3A_228, %get3A_229] {strides = array<i32>} : memref<65x64xf32, #tpu.memory_space<vmem>>, vector<1x16xf32>,
      %get3A_231 = vector.shape_cast %get3A_230 : vector<1x16xf32> to vector<16xf32>
      %add3A_232 = arith.addf %broadcast_in_dim3A_217, %get3A_231 : vector<16xf32>
      %get3A_233 = arith.index_cast %squeeze3A : i32 to index
      %get3A_234 = arith.constant 48 : index
      %get3A_235 = tpu.vector_load %arg9[%get3A_233, %get3A_234] {strides = array<i32>} : memref<65x64xf32, #tpu.memory_space<vmem>>, vector<1x16xf32>,
      %get3A_236 = vector.shape_cast %get3A_235 : vector<1x16xf32> to vector<16xf32>
      %add3A_237 = arith.addf %broadcast_in_dim3A_217, %get3A_236 : vector<16xf32>
      %slice3A_238 = vector.extract_strided_slice %get3A_212 {offsets = [1], sizes = [1], strides = [1]} : vector<16xi32> to vector<1xi32>
      %squeeze3A_239 = vector.extract %slice3A_238[0] : i32 from vector<1xi32>
      %get3A_240 = arith.index_cast %squeeze3A_239 : i32 to index
      %get3A_241 = arith.constant 0 : index
      %get3A_242 = tpu.vector_load %arg9[%get3A_240, %get3A_241] {strides = array<i32>} : memref<65x64xf32, #tpu.memory_space<vmem>>, vector<1x16xf32>,
      %get3A_243 = vector.shape_cast %get3A_242 : vector<1x16xf32> to vector<16xf32>
      %add3A_244 = arith.addf %add3A_222, %get3A_243 : vector<16xf32>
      %get3A_245 = arith.index_cast %squeeze3A_239 : i32 to index
      %get3A_246 = arith.constant 16 : index
      %get3A_247 = tpu.vector_load %arg9[%get3A_245, %get3A_246] {strides = array<i32>} : memref<65x64xf32, #tpu.memory_space<vmem>>, vector<1x16xf32>,
      %get3A_248 = vector.shape_cast %get3A_247 : vector<1x16xf32> to vector<16xf32>
      %add3A_249 = arith.addf %add3A_227, %get3A_248 : vector<16xf32>
      %get3A_250 = arith.index_cast %squeeze3A_239 : i32 to index
      %get3A_251 = arith.constant 32 : index
      %get3A_252 = tpu.vector_load %arg9[%get3A_250, %get3A_251] {strides = array<i32>} : memref<65x64xf32, #tpu.memory_space<vmem>>, vector<1x16xf32>,
      %get3A_253 = vector.shape_cast %get3A_252 : vector<1x16xf32> to vector<16xf32>
      %add3A_254 = arith.addf %add3A_232, %get3A_253 : vector<16xf32>
      %get3A_255 = arith.index_cast %squeeze3A_239 : i32 to index
      %get3A_256 = arith.constant 48 : index
      %get3A_257 = tpu.vector_load %arg9[%get3A_255, %get3A_256] {strides = array<i32>} : memref<65x64xf32, #tpu.memory_space<vmem>>, vector<1x16xf32>,
      %get3A_258 = vector.shape_cast %get3A_257 : vector<1x16xf32> to vector<16xf32>
      %add3A_259 = arith.addf %add3A_237, %get3A_258 : vector<16xf32>
      %slice3A_260 = vector.extract_strided_slice %get3A_212 {offsets = [2], sizes = [1], strides = [1]} : vector<16xi32> to vector<1xi32>
      %squeeze3A_261 = vector.extract %slice3A_260[0] : i32 from vector<1xi32>
      %get3A_262 = arith.index_cast %squeeze3A_261 : i32 to index
      %get3A_263 = arith.constant 0 : index
      %get3A_264 = tpu.vector_load %arg9[%get3A_262, %get3A_263] {strides = array<i32>} : memref<65x64xf32, #tpu.memory_space<vmem>>, vector<1x16xf32>,
      %get3A_265 = vector.shape_cast %get3A_264 : vector<1x16xf32> to vector<16xf32>
      %add3A_266 = arith.addf %add3A_244, %get3A_265 : vector<16xf32>
      %get3A_267 = arith.index_cast %squeeze3A_261 : i32 to index
      %get3A_268 = arith.constant 16 : index
      %get3A_269 = tpu.vector_load %arg9[%get3A_267, %get3A_268] {strides = array<i32>} : memref<65x64xf32, #tpu.memory_space<vmem>>, vector<1x16xf32>,
      %get3A_270 = vector.shape_cast %get3A_269 : vector<1x16xf32> to vector<16xf32>
      %add3A_271 = arith.addf %add3A_249, %get3A_270 : vector<16xf32>
      %get3A_272 = arith.index_cast %squeeze3A_261 : i32 to index
      %get3A_273 = arith.constant 32 : index
      %get3A_274 = tpu.vector_load %arg9[%get3A_272, %get3A_273] {strides = array<i32>} : memref<65x64xf32, #tpu.memory_space<vmem>>, vector<1x16xf32>,
      %get3A_275 = vector.shape_cast %get3A_274 : vector<1x16xf32> to vector<16xf32>
      %add3A_276 = arith.addf %add3A_254, %get3A_275 : vector<16xf32>
      %get3A_277 = arith.index_cast %squeeze3A_261 : i32 to index
      %get3A_278 = arith.constant 48 : index
      %get3A_279 = tpu.vector_load %arg9[%get3A_277, %get3A_278] {strides = array<i32>} : memref<65x64xf32, #tpu.memory_space<vmem>>, vector<1x16xf32>,
      %get3A_280 = vector.shape_cast %get3A_279 : vector<1x16xf32> to vector<16xf32>
      %add3A_281 = arith.addf %add3A_259, %get3A_280 : vector<16xf32>
      %slice3A_282 = vector.extract_strided_slice %get3A_212 {offsets = [3], sizes = [1], strides = [1]} : vector<16xi32> to vector<1xi32>
      %squeeze3A_283 = vector.extract %slice3A_282[0] : i32 from vector<1xi32>
      %get3A_284 = arith.index_cast %squeeze3A_283 : i32 to index
      %get3A_285 = arith.constant 0 : index
      %get3A_286 = tpu.vector_load %arg9[%get3A_284, %get3A_285] {strides = array<i32>} : memref<65x64xf32, #tpu.memory_space<vmem>>, vector<1x16xf32>,
      %get3A_287 = vector.shape_cast %get3A_286 : vector<1x16xf32> to vector<16xf32>
      %add3A_288 = arith.addf %add3A_266, %get3A_287 : vector<16xf32>
      %get3A_289 = arith.index_cast %squeeze3A_283 : i32 to index
      %get3A_290 = arith.constant 16 : index
      %get3A_291 = tpu.vector_load %arg9[%get3A_289, %get3A_290] {strides = array<i32>} : memref<65x64xf32, #tpu.memory_space<vmem>>, vector<1x16xf32>,
      %get3A_292 = vector.shape_cast %get3A_291 : vector<1x16xf32> to vector<16xf32>
      %add3A_293 = arith.addf %add3A_271, %get3A_292 : vector<16xf32>
      %get3A_294 = arith.index_cast %squeeze3A_283 : i32 to index
      %get3A_295 = arith.constant 32 : index
      %get3A_296 = tpu.vector_load %arg9[%get3A_294, %get3A_295] {strides = array<i32>} : memref<65x64xf32, #tpu.memory_space<vmem>>, vector<1x16xf32>,
      %get3A_297 = vector.shape_cast %get3A_296 : vector<1x16xf32> to vector<16xf32>
      %add3A_298 = arith.addf %add3A_276, %get3A_297 : vector<16xf32>
      %get3A_299 = arith.index_cast %squeeze3A_283 : i32 to index
      %get3A_300 = arith.constant 48 : index
      %get3A_301 = tpu.vector_load %arg9[%get3A_299, %get3A_300] {strides = array<i32>} : memref<65x64xf32, #tpu.memory_space<vmem>>, vector<1x16xf32>,
      %get3A_302 = vector.shape_cast %get3A_301 : vector<1x16xf32> to vector<16xf32>
      %add3A_303 = arith.addf %add3A_281, %get3A_302 : vector<16xf32>
      %slice3A_304 = vector.extract_strided_slice %get3A_212 {offsets = [4], sizes = [1], strides = [1]} : vector<16xi32> to vector<1xi32>
      %squeeze3A_305 = vector.extract %slice3A_304[0] : i32 from vector<1xi32>
      %get3A_306 = arith.index_cast %squeeze3A_305 : i32 to index
      %get3A_307 = arith.constant 0 : index
      %get3A_308 = tpu.vector_load %arg9[%get3A_306, %get3A_307] {strides = array<i32>} : memref<65x64xf32, #tpu.memory_space<vmem>>, vector<1x16xf32>,
      %get3A_309 = vector.shape_cast %get3A_308 : vector<1x16xf32> to vector<16xf32>
      %add3A_310 = arith.addf %add3A_288, %get3A_309 : vector<16xf32>
      %get3A_311 = arith.index_cast %squeeze3A_305 : i32 to index
      %get3A_312 = arith.constant 16 : index
      %get3A_313 = tpu.vector_load %arg9[%get3A_311, %get3A_312] {strides = array<i32>} : memref<65x64xf32, #tpu.memory_space<vmem>>, vector<1x16xf32>,
      %get3A_314 = vector.shape_cast %get3A_313 : vector<1x16xf32> to vector<16xf32>
      %add3A_315 = arith.addf %add3A_293, %get3A_314 : vector<16xf32>
      %get3A_316 = arith.index_cast %squeeze3A_305 : i32 to index
      %get3A_317 = arith.constant 32 : index
      %get3A_318 = tpu.vector_load %arg9[%get3A_316, %get3A_317] {strides = array<i32>} : memref<65x64xf32, #tpu.memory_space<vmem>>, vector<1x16xf32>,
      %get3A_319 = vector.shape_cast %get3A_318 : vector<1x16xf32> to vector<16xf32>
      %add3A_320 = arith.addf %add3A_298, %get3A_319 : vector<16xf32>
      %get3A_321 = arith.index_cast %squeeze3A_305 : i32 to index
      %get3A_322 = arith.constant 48 : index
      %get3A_323 = tpu.vector_load %arg9[%get3A_321, %get3A_322] {strides = array<i32>} : memref<65x64xf32, #tpu.memory_space<vmem>>, vector<1x16xf32>,
      %get3A_324 = vector.shape_cast %get3A_323 : vector<1x16xf32> to vector<16xf32>
      %add3A_325 = arith.addf %add3A_303, %get3A_324 : vector<16xf32>
      %slice3A_326 = vector.extract_strided_slice %get3A_212 {offsets = [5], sizes = [1], strides = [1]} : vector<16xi32> to vector<1xi32>
      %squeeze3A_327 = vector.extract %slice3A_326[0] : i32 from vector<1xi32>
      %get3A_328 = arith.index_cast %squeeze3A_327 : i32 to index
      %get3A_329 = arith.constant 0 : index
      %get3A_330 = tpu.vector_load %arg9[%get3A_328, %get3A_329] {strides = array<i32>} : memref<65x64xf32, #tpu.memory_space<vmem>>, vector<1x16xf32>,
      %get3A_331 = vector.shape_cast %get3A_330 : vector<1x16xf32> to vector<16xf32>
      %add3A_332 = arith.addf %add3A_310, %get3A_331 : vector<16xf32>
      %get3A_333 = arith.index_cast %squeeze3A_327 : i32 to index
      %get3A_334 = arith.constant 16 : index
      %get3A_335 = tpu.vector_load %arg9[%get3A_333, %get3A_334] {strides = array<i32>} : memref<65x64xf32, #tpu.memory_space<vmem>>, vector<1x16xf32>,
      %get3A_336 = vector.shape_cast %get3A_335 : vector<1x16xf32> to vector<16xf32>
      %add3A_337 = arith.addf %add3A_315, %get3A_336 : vector<16xf32>
      %get3A_338 = arith.index_cast %squeeze3A_327 : i32 to index
      %get3A_339 = arith.constant 32 : index
      %get3A_340 = tpu.vector_load %arg9[%get3A_338, %get3A_339] {strides = array<i32>} : memref<65x64xf32, #tpu.memory_space<vmem>>, vector<1x16xf32>,
      %get3A_341 = vector.shape_cast %get3A_340 : vector<1x16xf32> to vector<16xf32>
      %add3A_342 = arith.addf %add3A_320, %get3A_341 : vector<16xf32>
      %get3A_343 = arith.index_cast %squeeze3A_327 : i32 to index
      %get3A_344 = arith.constant 48 : index
      %get3A_345 = tpu.vector_load %arg9[%get3A_343, %get3A_344] {strides = array<i32>} : memref<65x64xf32, #tpu.memory_space<vmem>>, vector<1x16xf32>,
      %get3A_346 = vector.shape_cast %get3A_345 : vector<1x16xf32> to vector<16xf32>
      %add3A_347 = arith.addf %add3A_325, %get3A_346 : vector<16xf32>
      %slice3A_348 = vector.extract_strided_slice %get3A_212 {offsets = [6], sizes = [1], strides = [1]} : vector<16xi32> to vector<1xi32>
      %squeeze3A_349 = vector.extract %slice3A_348[0] : i32 from vector<1xi32>
      %get3A_350 = arith.index_cast %squeeze3A_349 : i32 to index
      %get3A_351 = arith.constant 0 : index
      %get3A_352 = tpu.vector_load %arg9[%get3A_350, %get3A_351] {strides = array<i32>} : memref<65x64xf32, #tpu.memory_space<vmem>>, vector<1x16xf32>,
      %get3A_353 = vector.shape_cast %get3A_352 : vector<1x16xf32> to vector<16xf32>
      %add3A_354 = arith.addf %add3A_332, %get3A_353 : vector<16xf32>
      %get3A_355 = arith.index_cast %squeeze3A_349 : i32 to index
      %get3A_356 = arith.constant 16 : index
      %get3A_357 = tpu.vector_load %arg9[%get3A_355, %get3A_356] {strides = array<i32>} : memref<65x64xf32, #tpu.memory_space<vmem>>, vector<1x16xf32>,
      %get3A_358 = vector.shape_cast %get3A_357 : vector<1x16xf32> to vector<16xf32>
      %add3A_359 = arith.addf %add3A_337, %get3A_358 : vector<16xf32>
      %get3A_360 = arith.index_cast %squeeze3A_349 : i32 to index
      %get3A_361 = arith.constant 32 : index
      %get3A_362 = tpu.vector_load %arg9[%get3A_360, %get3A_361] {strides = array<i32>} : memref<65x64xf32, #tpu.memory_space<vmem>>, vector<1x16xf32>,
      %get3A_363 = vector.shape_cast %get3A_362 : vector<1x16xf32> to vector<16xf32>
      %add3A_364 = arith.addf %add3A_342, %get3A_363 : vector<16xf32>
      %get3A_365 = arith.index_cast %squeeze3A_349 : i32 to index
      %get3A_366 = arith.constant 48 : index
      %get3A_367 = tpu.vector_load %arg9[%get3A_365, %get3A_366] {strides = array<i32>} : memref<65x64xf32, #tpu.memory_space<vmem>>, vector<1x16xf32>,
      %get3A_368 = vector.shape_cast %get3A_367 : vector<1x16xf32> to vector<16xf32>
      %add3A_369 = arith.addf %add3A_347, %get3A_368 : vector<16xf32>
      %slice3A_370 = vector.extract_strided_slice %get3A_212 {offsets = [7], sizes = [1], strides = [1]} : vector<16xi32> to vector<1xi32>
      %squeeze3A_371 = vector.extract %slice3A_370[0] : i32 from vector<1xi32>
      %get3A_372 = arith.index_cast %squeeze3A_371 : i32 to index
      %get3A_373 = arith.constant 0 : index
      %get3A_374 = tpu.vector_load %arg9[%get3A_372, %get3A_373] {strides = array<i32>} : memref<65x64xf32, #tpu.memory_space<vmem>>, vector<1x16xf32>,
      %get3A_375 = vector.shape_cast %get3A_374 : vector<1x16xf32> to vector<16xf32>
      %add3A_376 = arith.addf %add3A_354, %get3A_375 : vector<16xf32>
      %get3A_377 = arith.index_cast %squeeze3A_371 : i32 to index
      %get3A_378 = arith.constant 16 : index
      %get3A_379 = tpu.vector_load %arg9[%get3A_377, %get3A_378] {strides = array<i32>} : memref<65x64xf32, #tpu.memory_space<vmem>>, vector<1x16xf32>,
      %get3A_380 = vector.shape_cast %get3A_379 : vector<1x16xf32> to vector<16xf32>
      %add3A_381 = arith.addf %add3A_359, %get3A_380 : vector<16xf32>
      %get3A_382 = arith.index_cast %squeeze3A_371 : i32 to index
      %get3A_383 = arith.constant 32 : index
      %get3A_384 = tpu.vector_load %arg9[%get3A_382, %get3A_383] {strides = array<i32>} : memref<65x64xf32, #tpu.memory_space<vmem>>, vector<1x16xf32>,
      %get3A_385 = vector.shape_cast %get3A_384 : vector<1x16xf32> to vector<16xf32>
      %add3A_386 = arith.addf %add3A_364, %get3A_385 : vector<16xf32>
      %get3A_387 = arith.index_cast %squeeze3A_371 : i32 to index
      %get3A_388 = arith.constant 48 : index
      %get3A_389 = tpu.vector_load %arg9[%get3A_387, %get3A_388] {strides = array<i32>} : memref<65x64xf32, #tpu.memory_space<vmem>>, vector<1x16xf32>,
      %get3A_390 = vector.shape_cast %get3A_389 : vector<1x16xf32> to vector<16xf32>
      %add3A_391 = arith.addf %add3A_369, %get3A_390 : vector<16xf32>
      %slice3A_392 = vector.extract_strided_slice %get3A_212 {offsets = [8], sizes = [1], strides = [1]} : vector<16xi32> to vector<1xi32>
      %squeeze3A_393 = vector.extract %slice3A_392[0] : i32 from vector<1xi32>
      %get3A_394 = arith.index_cast %squeeze3A_393 : i32 to index
      %get3A_395 = arith.constant 0 : index
      %get3A_396 = tpu.vector_load %arg9[%get3A_394, %get3A_395] {strides = array<i32>} : memref<65x64xf32, #tpu.memory_space<vmem>>, vector<1x16xf32>,
      %get3A_397 = vector.shape_cast %get3A_396 : vector<1x16xf32> to vector<16xf32>
      %add3A_398 = arith.addf %add3A_376, %get3A_397 : vector<16xf32>
      %get3A_399 = arith.index_cast %squeeze3A_393 : i32 to index
      %get3A_400 = arith.constant 16 : index
      %get3A_401 = tpu.vector_load %arg9[%get3A_399, %get3A_400] {strides = array<i32>} : memref<65x64xf32, #tpu.memory_space<vmem>>, vector<1x16xf32>,
      %get3A_402 = vector.shape_cast %get3A_401 : vector<1x16xf32> to vector<16xf32>
      %add3A_403 = arith.addf %add3A_381, %get3A_402 : vector<16xf32>
      %get3A_404 = arith.index_cast %squeeze3A_393 : i32 to index
      %get3A_405 = arith.constant 32 : index
      %get3A_406 = tpu.vector_load %arg9[%get3A_404, %get3A_405] {strides = array<i32>} : memref<65x64xf32, #tpu.memory_space<vmem>>, vector<1x16xf32>,
      %get3A_407 = vector.shape_cast %get3A_406 : vector<1x16xf32> to vector<16xf32>
      %add3A_408 = arith.addf %add3A_386, %get3A_407 : vector<16xf32>
      %get3A_409 = arith.index_cast %squeeze3A_393 : i32 to index
      %get3A_410 = arith.constant 48 : index
      %get3A_411 = tpu.vector_load %arg9[%get3A_409, %get3A_410] {strides = array<i32>} : memref<65x64xf32, #tpu.memory_space<vmem>>, vector<1x16xf32>,
      %get3A_412 = vector.shape_cast %get3A_411 : vector<1x16xf32> to vector<16xf32>
      %add3A_413 = arith.addf %add3A_391, %get3A_412 : vector<16xf32>
      %slice3A_414 = vector.extract_strided_slice %get3A_212 {offsets = [9], sizes = [1], strides = [1]} : vector<16xi32> to vector<1xi32>
      %squeeze3A_415 = vector.extract %slice3A_414[0] : i32 from vector<1xi32>
      %get3A_416 = arith.index_cast %squeeze3A_415 : i32 to index
      %get3A_417 = arith.constant 0 : index
      %get3A_418 = tpu.vector_load %arg9[%get3A_416, %get3A_417] {strides = array<i32>} : memref<65x64xf32, #tpu.memory_space<vmem>>, vector<1x16xf32>,
      %get3A_419 = vector.shape_cast %get3A_418 : vector<1x16xf32> to vector<16xf32>
      %add3A_420 = arith.addf %add3A_398, %get3A_419 : vector<16xf32>
      %get3A_421 = arith.index_cast %squeeze3A_415 : i32 to index
      %get3A_422 = arith.constant 16 : index
      %get3A_423 = tpu.vector_load %arg9[%get3A_421, %get3A_422] {strides = array<i32>} : memref<65x64xf32, #tpu.memory_space<vmem>>, vector<1x16xf32>,
      %get3A_424 = vector.shape_cast %get3A_423 : vector<1x16xf32> to vector<16xf32>
      %add3A_425 = arith.addf %add3A_403, %get3A_424 : vector<16xf32>
      %get3A_426 = arith.index_cast %squeeze3A_415 : i32 to index
      %get3A_427 = arith.constant 32 : index
      %get3A_428 = tpu.vector_load %arg9[%get3A_426, %get3A_427] {strides = array<i32>} : memref<65x64xf32, #tpu.memory_space<vmem>>, vector<1x16xf32>,
      %get3A_429 = vector.shape_cast %get3A_428 : vector<1x16xf32> to vector<16xf32>
      %add3A_430 = arith.addf %add3A_408, %get3A_429 : vector<16xf32>
      %get3A_431 = arith.index_cast %squeeze3A_415 : i32 to index
      %get3A_432 = arith.constant 48 : index
      %get3A_433 = tpu.vector_load %arg9[%get3A_431, %get3A_432] {strides = array<i32>} : memref<65x64xf32, #tpu.memory_space<vmem>>, vector<1x16xf32>,
      %get3A_434 = vector.shape_cast %get3A_433 : vector<1x16xf32> to vector<16xf32>
      %add3A_435 = arith.addf %add3A_413, %get3A_434 : vector<16xf32>
      %slice3A_436 = vector.extract_strided_slice %get3A_212 {offsets = [10], sizes = [1], strides = [1]} : vector<16xi32> to vector<1xi32>
      %squeeze3A_437 = vector.extract %slice3A_436[0] : i32 from vector<1xi32>
      %get3A_438 = arith.index_cast %squeeze3A_437 : i32 to index
      %get3A_439 = arith.constant 0 : index
      %get3A_440 = tpu.vector_load %arg9[%get3A_438, %get3A_439] {strides = array<i32>} : memref<65x64xf32, #tpu.memory_space<vmem>>, vector<1x16xf32>,
      %get3A_441 = vector.shape_cast %get3A_440 : vector<1x16xf32> to vector<16xf32>
      %add3A_442 = arith.addf %add3A_420, %get3A_441 : vector<16xf32>
      %get3A_443 = arith.index_cast %squeeze3A_437 : i32 to index
      %get3A_444 = arith.constant 16 : index
      %get3A_445 = tpu.vector_load %arg9[%get3A_443, %get3A_444] {strides = array<i32>} : memref<65x64xf32, #tpu.memory_space<vmem>>, vector<1x16xf32>,
      %get3A_446 = vector.shape_cast %get3A_445 : vector<1x16xf32> to vector<16xf32>
      %add3A_447 = arith.addf %add3A_425, %get3A_446 : vector<16xf32>
      %get3A_448 = arith.index_cast %squeeze3A_437 : i32 to index
      %get3A_449 = arith.constant 32 : index
      %get3A_450 = tpu.vector_load %arg9[%get3A_448, %get3A_449] {strides = array<i32>} : memref<65x64xf32, #tpu.memory_space<vmem>>, vector<1x16xf32>,
      %get3A_451 = vector.shape_cast %get3A_450 : vector<1x16xf32> to vector<16xf32>
      %add3A_452 = arith.addf %add3A_430, %get3A_451 : vector<16xf32>
      %get3A_453 = arith.index_cast %squeeze3A_437 : i32 to index
      %get3A_454 = arith.constant 48 : index
      %get3A_455 = tpu.vector_load %arg9[%get3A_453, %get3A_454] {strides = array<i32>} : memref<65x64xf32, #tpu.memory_space<vmem>>, vector<1x16xf32>,
      %get3A_456 = vector.shape_cast %get3A_455 : vector<1x16xf32> to vector<16xf32>
      %add3A_457 = arith.addf %add3A_435, %get3A_456 : vector<16xf32>
      %slice3A_458 = vector.extract_strided_slice %get3A_212 {offsets = [11], sizes = [1], strides = [1]} : vector<16xi32> to vector<1xi32>
      %squeeze3A_459 = vector.extract %slice3A_458[0] : i32 from vector<1xi32>
      %get3A_460 = arith.index_cast %squeeze3A_459 : i32 to index
      %get3A_461 = arith.constant 0 : index
      %get3A_462 = tpu.vector_load %arg9[%get3A_460, %get3A_461] {strides = array<i32>} : memref<65x64xf32, #tpu.memory_space<vmem>>, vector<1x16xf32>,
      %get3A_463 = vector.shape_cast %get3A_462 : vector<1x16xf32> to vector<16xf32>
      %add3A_464 = arith.addf %add3A_442, %get3A_463 : vector<16xf32>
      %get3A_465 = arith.index_cast %squeeze3A_459 : i32 to index
      %get3A_466 = arith.constant 16 : index
      %get3A_467 = tpu.vector_load %arg9[%get3A_465, %get3A_466] {strides = array<i32>} : memref<65x64xf32, #tpu.memory_space<vmem>>, vector<1x16xf32>,
      %get3A_468 = vector.shape_cast %get3A_467 : vector<1x16xf32> to vector<16xf32>
      %add3A_469 = arith.addf %add3A_447, %get3A_468 : vector<16xf32>
      %get3A_470 = arith.index_cast %squeeze3A_459 : i32 to index
      %get3A_471 = arith.constant 32 : index
      %get3A_472 = tpu.vector_load %arg9[%get3A_470, %get3A_471] {strides = array<i32>} : memref<65x64xf32, #tpu.memory_space<vmem>>, vector<1x16xf32>,
      %get3A_473 = vector.shape_cast %get3A_472 : vector<1x16xf32> to vector<16xf32>
      %add3A_474 = arith.addf %add3A_452, %get3A_473 : vector<16xf32>
      %get3A_475 = arith.index_cast %squeeze3A_459 : i32 to index
      %get3A_476 = arith.constant 48 : index
      %get3A_477 = tpu.vector_load %arg9[%get3A_475, %get3A_476] {strides = array<i32>} : memref<65x64xf32, #tpu.memory_space<vmem>>, vector<1x16xf32>,
      %get3A_478 = vector.shape_cast %get3A_477 : vector<1x16xf32> to vector<16xf32>
      %add3A_479 = arith.addf %add3A_457, %get3A_478 : vector<16xf32>
      %slice3A_480 = vector.extract_strided_slice %get3A_212 {offsets = [12], sizes = [1], strides = [1]} : vector<16xi32> to vector<1xi32>
      %squeeze3A_481 = vector.extract %slice3A_480[0] : i32 from vector<1xi32>
      %get3A_482 = arith.index_cast %squeeze3A_481 : i32 to index
      %get3A_483 = arith.constant 0 : index
      %get3A_484 = tpu.vector_load %arg9[%get3A_482, %get3A_483] {strides = array<i32>} : memref<65x64xf32, #tpu.memory_space<vmem>>, vector<1x16xf32>,
      %get3A_485 = vector.shape_cast %get3A_484 : vector<1x16xf32> to vector<16xf32>
      %add3A_486 = arith.addf %add3A_464, %get3A_485 : vector<16xf32>
      %get3A_487 = arith.index_cast %squeeze3A_481 : i32 to index
      %get3A_488 = arith.constant 16 : index
      %get3A_489 = tpu.vector_load %arg9[%get3A_487, %get3A_488] {strides = array<i32>} : memref<65x64xf32, #tpu.memory_space<vmem>>, vector<1x16xf32>,
      %get3A_490 = vector.shape_cast %get3A_489 : vector<1x16xf32> to vector<16xf32>
      %add3A_491 = arith.addf %add3A_469, %get3A_490 : vector<16xf32>
      %get3A_492 = arith.index_cast %squeeze3A_481 : i32 to index
      %get3A_493 = arith.constant 32 : index
      %get3A_494 = tpu.vector_load %arg9[%get3A_492, %get3A_493] {strides = array<i32>} : memref<65x64xf32, #tpu.memory_space<vmem>>, vector<1x16xf32>,
      %get3A_495 = vector.shape_cast %get3A_494 : vector<1x16xf32> to vector<16xf32>
      %add3A_496 = arith.addf %add3A_474, %get3A_495 : vector<16xf32>
      %get3A_497 = arith.index_cast %squeeze3A_481 : i32 to index
      %get3A_498 = arith.constant 48 : index
      %get3A_499 = tpu.vector_load %arg9[%get3A_497, %get3A_498] {strides = array<i32>} : memref<65x64xf32, #tpu.memory_space<vmem>>, vector<1x16xf32>,
      %get3A_500 = vector.shape_cast %get3A_499 : vector<1x16xf32> to vector<16xf32>
      %add3A_501 = arith.addf %add3A_479, %get3A_500 : vector<16xf32>
      %slice3A_502 = vector.extract_strided_slice %get3A_212 {offsets = [13], sizes = [1], strides = [1]} : vector<16xi32> to vector<1xi32>
      %squeeze3A_503 = vector.extract %slice3A_502[0] : i32 from vector<1xi32>
      %get3A_504 = arith.index_cast %squeeze3A_503 : i32 to index
      %get3A_505 = arith.constant 0 : index
      %get3A_506 = tpu.vector_load %arg9[%get3A_504, %get3A_505] {strides = array<i32>} : memref<65x64xf32, #tpu.memory_space<vmem>>, vector<1x16xf32>,
      %get3A_507 = vector.shape_cast %get3A_506 : vector<1x16xf32> to vector<16xf32>
      %add3A_508 = arith.addf %add3A_486, %get3A_507 : vector<16xf32>
      %get3A_509 = arith.index_cast %squeeze3A_503 : i32 to index
      %get3A_510 = arith.constant 16 : index
      %get3A_511 = tpu.vector_load %arg9[%get3A_509, %get3A_510] {strides = array<i32>} : memref<65x64xf32, #tpu.memory_space<vmem>>, vector<1x16xf32>,
      %get3A_512 = vector.shape_cast %get3A_511 : vector<1x16xf32> to vector<16xf32>
      %add3A_513 = arith.addf %add3A_491, %get3A_512 : vector<16xf32>
      %get3A_514 = arith.index_cast %squeeze3A_503 : i32 to index
      %get3A_515 = arith.constant 32 : index
      %get3A_516 = tpu.vector_load %arg9[%get3A_514, %get3A_515] {strides = array<i32>} : memref<65x64xf32, #tpu.memory_space<vmem>>, vector<1x16xf32>,
      %get3A_517 = vector.shape_cast %get3A_516 : vector<1x16xf32> to vector<16xf32>
      %add3A_518 = arith.addf %add3A_496, %get3A_517 : vector<16xf32>
      %get3A_519 = arith.index_cast %squeeze3A_503 : i32 to index
      %get3A_520 = arith.constant 48 : index
      %get3A_521 = tpu.vector_load %arg9[%get3A_519, %get3A_520] {strides = array<i32>} : memref<65x64xf32, #tpu.memory_space<vmem>>, vector<1x16xf32>,
      %get3A_522 = vector.shape_cast %get3A_521 : vector<1x16xf32> to vector<16xf32>
      %add3A_523 = arith.addf %add3A_501, %get3A_522 : vector<16xf32>
      %slice3A_524 = vector.extract_strided_slice %get3A_212 {offsets = [14], sizes = [1], strides = [1]} : vector<16xi32> to vector<1xi32>
      %squeeze3A_525 = vector.extract %slice3A_524[0] : i32 from vector<1xi32>
      %get3A_526 = arith.index_cast %squeeze3A_525 : i32 to index
      %get3A_527 = arith.constant 0 : index
      %get3A_528 = tpu.vector_load %arg9[%get3A_526, %get3A_527] {strides = array<i32>} : memref<65x64xf32, #tpu.memory_space<vmem>>, vector<1x16xf32>,
      %get3A_529 = vector.shape_cast %get3A_528 : vector<1x16xf32> to vector<16xf32>
      %add3A_530 = arith.addf %add3A_508, %get3A_529 : vector<16xf32>
      %get3A_531 = arith.index_cast %squeeze3A_525 : i32 to index
      %get3A_532 = arith.constant 16 : index
      %get3A_533 = tpu.vector_load %arg9[%get3A_531, %get3A_532] {strides = array<i32>} : memref<65x64xf32, #tpu.memory_space<vmem>>, vector<1x16xf32>,
      %get3A_534 = vector.shape_cast %get3A_533 : vector<1x16xf32> to vector<16xf32>
      %add3A_535 = arith.addf %add3A_513, %get3A_534 : vector<16xf32>
      %get3A_536 = arith.index_cast %squeeze3A_525 : i32 to index
      %get3A_537 = arith.constant 32 : index
      %get3A_538 = tpu.vector_load %arg9[%get3A_536, %get3A_537] {strides = array<i32>} : memref<65x64xf32, #tpu.memory_space<vmem>>, vector<1x16xf32>,
      %get3A_539 = vector.shape_cast %get3A_538 : vector<1x16xf32> to vector<16xf32>
      %add3A_540 = arith.addf %add3A_518, %get3A_539 : vector<16xf32>
      %get3A_541 = arith.index_cast %squeeze3A_525 : i32 to index
      %get3A_542 = arith.constant 48 : index
      %get3A_543 = tpu.vector_load %arg9[%get3A_541, %get3A_542] {strides = array<i32>} : memref<65x64xf32, #tpu.memory_space<vmem>>, vector<1x16xf32>,
      %get3A_544 = vector.shape_cast %get3A_543 : vector<1x16xf32> to vector<16xf32>
      %add3A_545 = arith.addf %add3A_523, %get3A_544 : vector<16xf32>
      %slice3A_546 = vector.extract_strided_slice %get3A_212 {offsets = [15], sizes = [1], strides = [1]} : vector<16xi32> to vector<1xi32>
      %squeeze3A_547 = vector.extract %slice3A_546[0] : i32 from vector<1xi32>
      %get3A_548 = arith.index_cast %squeeze3A_547 : i32 to index
      %get3A_549 = arith.constant 0 : index
      %get3A_550 = tpu.vector_load %arg9[%get3A_548, %get3A_549] {strides = array<i32>} : memref<65x64xf32, #tpu.memory_space<vmem>>, vector<1x16xf32>,
      %get3A_551 = vector.shape_cast %get3A_550 : vector<1x16xf32> to vector<16xf32>
      %add3A_552 = arith.addf %add3A_530, %get3A_551 : vector<16xf32>
      %get3A_553 = arith.index_cast %squeeze3A_547 : i32 to index
      %get3A_554 = arith.constant 16 : index
      %get3A_555 = tpu.vector_load %arg9[%get3A_553, %get3A_554] {strides = array<i32>} : memref<65x64xf32, #tpu.memory_space<vmem>>, vector<1x16xf32>,
      %get3A_556 = vector.shape_cast %get3A_555 : vector<1x16xf32> to vector<16xf32>
      %add3A_557 = arith.addf %add3A_535, %get3A_556 : vector<16xf32>
      %get3A_558 = arith.index_cast %squeeze3A_547 : i32 to index
      %get3A_559 = arith.constant 32 : index
      %get3A_560 = tpu.vector_load %arg9[%get3A_558, %get3A_559] {strides = array<i32>} : memref<65x64xf32, #tpu.memory_space<vmem>>, vector<1x16xf32>,
      %get3A_561 = vector.shape_cast %get3A_560 : vector<1x16xf32> to vector<16xf32>
      %add3A_562 = arith.addf %add3A_540, %get3A_561 : vector<16xf32>
      %get3A_563 = arith.index_cast %squeeze3A_547 : i32 to index
      %get3A_564 = arith.constant 48 : index
      %get3A_565 = tpu.vector_load %arg9[%get3A_563, %get3A_564] {strides = array<i32>} : memref<65x64xf32, #tpu.memory_space<vmem>>, vector<1x16xf32>,
      %get3A_566 = vector.shape_cast %get3A_565 : vector<1x16xf32> to vector<16xf32>
      %add3A_567 = arith.addf %add3A_545, %get3A_566 : vector<16xf32>
      %slice3A_568 = vector.extract_strided_slice %get3A_216 {offsets = [0], sizes = [1], strides = [1]} : vector<16xi32> to vector<1xi32>
      %squeeze3A_569 = vector.extract %slice3A_568[0] : i32 from vector<1xi32>
      %get3A_570 = arith.index_cast %squeeze3A_569 : i32 to index
      %get3A_571 = arith.constant 0 : index
      %get3A_572 = tpu.vector_load %arg9[%get3A_570, %get3A_571] {strides = array<i32>} : memref<65x64xf32, #tpu.memory_space<vmem>>, vector<1x16xf32>,
      %get3A_573 = vector.shape_cast %get3A_572 : vector<1x16xf32> to vector<16xf32>
      %add3A_574 = arith.addf %add3A_552, %get3A_573 : vector<16xf32>
      %get3A_575 = arith.index_cast %squeeze3A_569 : i32 to index
      %get3A_576 = arith.constant 16 : index
      %get3A_577 = tpu.vector_load %arg9[%get3A_575, %get3A_576] {strides = array<i32>} : memref<65x64xf32, #tpu.memory_space<vmem>>, vector<1x16xf32>,
      %get3A_578 = vector.shape_cast %get3A_577 : vector<1x16xf32> to vector<16xf32>
      %add3A_579 = arith.addf %add3A_557, %get3A_578 : vector<16xf32>
      %get3A_580 = arith.index_cast %squeeze3A_569 : i32 to index
      %get3A_581 = arith.constant 32 : index
      %get3A_582 = tpu.vector_load %arg9[%get3A_580, %get3A_581] {strides = array<i32>} : memref<65x64xf32, #tpu.memory_space<vmem>>, vector<1x16xf32>,
      %get3A_583 = vector.shape_cast %get3A_582 : vector<1x16xf32> to vector<16xf32>
      %add3A_584 = arith.addf %add3A_562, %get3A_583 : vector<16xf32>
      %get3A_585 = arith.index_cast %squeeze3A_569 : i32 to index
      %get3A_586 = arith.constant 48 : index
      %get3A_587 = tpu.vector_load %arg9[%get3A_585, %get3A_586] {strides = array<i32>} : memref<65x64xf32, #tpu.memory_space<vmem>>, vector<1x16xf32>,
      %get3A_588 = vector.shape_cast %get3A_587 : vector<1x16xf32> to vector<16xf32>
      %add3A_589 = arith.addf %add3A_567, %get3A_588 : vector<16xf32>
      %slice3A_590 = vector.extract_strided_slice %get3A_216 {offsets = [1], sizes = [1], strides = [1]} : vector<16xi32> to vector<1xi32>
      %squeeze3A_591 = vector.extract %slice3A_590[0] : i32 from vector<1xi32>
      %get3A_592 = arith.index_cast %squeeze3A_591 : i32 to index
      %get3A_593 = arith.constant 0 : index
      %get3A_594 = tpu.vector_load %arg9[%get3A_592, %get3A_593] {strides = array<i32>} : memref<65x64xf32, #tpu.memory_space<vmem>>, vector<1x16xf32>,
      %get3A_595 = vector.shape_cast %get3A_594 : vector<1x16xf32> to vector<16xf32>
      %add3A_596 = arith.addf %add3A_574, %get3A_595 : vector<16xf32>
      %get3A_597 = arith.index_cast %squeeze3A_591 : i32 to index
      %get3A_598 = arith.constant 16 : index
      %get3A_599 = tpu.vector_load %arg9[%get3A_597, %get3A_598] {strides = array<i32>} : memref<65x64xf32, #tpu.memory_space<vmem>>, vector<1x16xf32>,
      %get3A_600 = vector.shape_cast %get3A_599 : vector<1x16xf32> to vector<16xf32>
      %add3A_601 = arith.addf %add3A_579, %get3A_600 : vector<16xf32>
      %get3A_602 = arith.index_cast %squeeze3A_591 : i32 to index
      %get3A_603 = arith.constant 32 : index
      %get3A_604 = tpu.vector_load %arg9[%get3A_602, %get3A_603] {strides = array<i32>} : memref<65x64xf32, #tpu.memory_space<vmem>>, vector<1x16xf32>,
      %get3A_605 = vector.shape_cast %get3A_604 : vector<1x16xf32> to vector<16xf32>
      %add3A_606 = arith.addf %add3A_584, %get3A_605 : vector<16xf32>
      %get3A_607 = arith.index_cast %squeeze3A_591 : i32 to index
      %get3A_608 = arith.constant 48 : index
      %get3A_609 = tpu.vector_load %arg9[%get3A_607, %get3A_608] {strides = array<i32>} : memref<65x64xf32, #tpu.memory_space<vmem>>, vector<1x16xf32>,
      %get3A_610 = vector.shape_cast %get3A_609 : vector<1x16xf32> to vector<16xf32>
      %add3A_611 = arith.addf %add3A_589, %get3A_610 : vector<16xf32>
      %slice3A_612 = vector.extract_strided_slice %get3A_216 {offsets = [2], sizes = [1], strides = [1]} : vector<16xi32> to vector<1xi32>
      %squeeze3A_613 = vector.extract %slice3A_612[0] : i32 from vector<1xi32>
      %get3A_614 = arith.index_cast %squeeze3A_613 : i32 to index
      %get3A_615 = arith.constant 0 : index
      %get3A_616 = tpu.vector_load %arg9[%get3A_614, %get3A_615] {strides = array<i32>} : memref<65x64xf32, #tpu.memory_space<vmem>>, vector<1x16xf32>,
      %get3A_617 = vector.shape_cast %get3A_616 : vector<1x16xf32> to vector<16xf32>
      %add3A_618 = arith.addf %add3A_596, %get3A_617 : vector<16xf32>
      %get3A_619 = arith.index_cast %squeeze3A_613 : i32 to index
      %get3A_620 = arith.constant 16 : index
      %get3A_621 = tpu.vector_load %arg9[%get3A_619, %get3A_620] {strides = array<i32>} : memref<65x64xf32, #tpu.memory_space<vmem>>, vector<1x16xf32>,
      %get3A_622 = vector.shape_cast %get3A_621 : vector<1x16xf32> to vector<16xf32>
      %add3A_623 = arith.addf %add3A_601, %get3A_622 : vector<16xf32>
      %get3A_624 = arith.index_cast %squeeze3A_613 : i32 to index
      %get3A_625 = arith.constant 32 : index
      %get3A_626 = tpu.vector_load %arg9[%get3A_624, %get3A_625] {strides = array<i32>} : memref<65x64xf32, #tpu.memory_space<vmem>>, vector<1x16xf32>,
      %get3A_627 = vector.shape_cast %get3A_626 : vector<1x16xf32> to vector<16xf32>
      %add3A_628 = arith.addf %add3A_606, %get3A_627 : vector<16xf32>
      %get3A_629 = arith.index_cast %squeeze3A_613 : i32 to index
      %get3A_630 = arith.constant 48 : index
      %get3A_631 = tpu.vector_load %arg9[%get3A_629, %get3A_630] {strides = array<i32>} : memref<65x64xf32, #tpu.memory_space<vmem>>, vector<1x16xf32>,
      %get3A_632 = vector.shape_cast %get3A_631 : vector<1x16xf32> to vector<16xf32>
      %add3A_633 = arith.addf %add3A_611, %get3A_632 : vector<16xf32>
      %slice3A_634 = vector.extract_strided_slice %get3A_216 {offsets = [3], sizes = [1], strides = [1]} : vector<16xi32> to vector<1xi32>
      %squeeze3A_635 = vector.extract %slice3A_634[0] : i32 from vector<1xi32>
      %get3A_636 = arith.index_cast %squeeze3A_635 : i32 to index
      %get3A_637 = arith.constant 0 : index
      %get3A_638 = tpu.vector_load %arg9[%get3A_636, %get3A_637] {strides = array<i32>} : memref<65x64xf32, #tpu.memory_space<vmem>>, vector<1x16xf32>,
      %get3A_639 = vector.shape_cast %get3A_638 : vector<1x16xf32> to vector<16xf32>
      %add3A_640 = arith.addf %add3A_618, %get3A_639 : vector<16xf32>
      %get3A_641 = arith.index_cast %squeeze3A_635 : i32 to index
      %get3A_642 = arith.constant 16 : index
      %get3A_643 = tpu.vector_load %arg9[%get3A_641, %get3A_642] {strides = array<i32>} : memref<65x64xf32, #tpu.memory_space<vmem>>, vector<1x16xf32>,
      %get3A_644 = vector.shape_cast %get3A_643 : vector<1x16xf32> to vector<16xf32>
      %add3A_645 = arith.addf %add3A_623, %get3A_644 : vector<16xf32>
      %get3A_646 = arith.index_cast %squeeze3A_635 : i32 to index
      %get3A_647 = arith.constant 32 : index
      %get3A_648 = tpu.vector_load %arg9[%get3A_646, %get3A_647] {strides = array<i32>} : memref<65x64xf32, #tpu.memory_space<vmem>>, vector<1x16xf32>,
      %get3A_649 = vector.shape_cast %get3A_648 : vector<1x16xf32> to vector<16xf32>
      %add3A_650 = arith.addf %add3A_628, %get3A_649 : vector<16xf32>
      %get3A_651 = arith.index_cast %squeeze3A_635 : i32 to index
      %get3A_652 = arith.constant 48 : index
      %get3A_653 = tpu.vector_load %arg9[%get3A_651, %get3A_652] {strides = array<i32>} : memref<65x64xf32, #tpu.memory_space<vmem>>, vector<1x16xf32>,
      %get3A_654 = vector.shape_cast %get3A_653 : vector<1x16xf32> to vector<16xf32>
      %add3A_655 = arith.addf %add3A_633, %get3A_654 : vector<16xf32>
      %slice3A_656 = vector.extract_strided_slice %get3A_216 {offsets = [4], sizes = [1], strides = [1]} : vector<16xi32> to vector<1xi32>
      %squeeze3A_657 = vector.extract %slice3A_656[0] : i32 from vector<1xi32>
      %get3A_658 = arith.index_cast %squeeze3A_657 : i32 to index
      %get3A_659 = arith.constant 0 : index
      %get3A_660 = tpu.vector_load %arg9[%get3A_658, %get3A_659] {strides = array<i32>} : memref<65x64xf32, #tpu.memory_space<vmem>>, vector<1x16xf32>,
      %get3A_661 = vector.shape_cast %get3A_660 : vector<1x16xf32> to vector<16xf32>
      %add3A_662 = arith.addf %add3A_640, %get3A_661 : vector<16xf32>
      %get3A_663 = arith.index_cast %squeeze3A_657 : i32 to index
      %get3A_664 = arith.constant 16 : index
      %get3A_665 = tpu.vector_load %arg9[%get3A_663, %get3A_664] {strides = array<i32>} : memref<65x64xf32, #tpu.memory_space<vmem>>, vector<1x16xf32>,
      %get3A_666 = vector.shape_cast %get3A_665 : vector<1x16xf32> to vector<16xf32>
      %add3A_667 = arith.addf %add3A_645, %get3A_666 : vector<16xf32>
      %get3A_668 = arith.index_cast %squeeze3A_657 : i32 to index
      %get3A_669 = arith.constant 32 : index
      %get3A_670 = tpu.vector_load %arg9[%get3A_668, %get3A_669] {strides = array<i32>} : memref<65x64xf32, #tpu.memory_space<vmem>>, vector<1x16xf32>,
      %get3A_671 = vector.shape_cast %get3A_670 : vector<1x16xf32> to vector<16xf32>
      %add3A_672 = arith.addf %add3A_650, %get3A_671 : vector<16xf32>
      %get3A_673 = arith.index_cast %squeeze3A_657 : i32 to index
      %get3A_674 = arith.constant 48 : index
      %get3A_675 = tpu.vector_load %arg9[%get3A_673, %get3A_674] {strides = array<i32>} : memref<65x64xf32, #tpu.memory_space<vmem>>, vector<1x16xf32>,
      %get3A_676 = vector.shape_cast %get3A_675 : vector<1x16xf32> to vector<16xf32>
      %add3A_677 = arith.addf %add3A_655, %get3A_676 : vector<16xf32>
      %slice3A_678 = vector.extract_strided_slice %get3A_216 {offsets = [5], sizes = [1], strides = [1]} : vector<16xi32> to vector<1xi32>
      %squeeze3A_679 = vector.extract %slice3A_678[0] : i32 from vector<1xi32>
      %get3A_680 = arith.index_cast %squeeze3A_679 : i32 to index
      %get3A_681 = arith.constant 0 : index
      %get3A_682 = tpu.vector_load %arg9[%get3A_680, %get3A_681] {strides = array<i32>} : memref<65x64xf32, #tpu.memory_space<vmem>>, vector<1x16xf32>,
      %get3A_683 = vector.shape_cast %get3A_682 : vector<1x16xf32> to vector<16xf32>
      %add3A_684 = arith.addf %add3A_662, %get3A_683 : vector<16xf32>
      %get3A_685 = arith.index_cast %squeeze3A_679 : i32 to index
      %get3A_686 = arith.constant 16 : index
      %get3A_687 = tpu.vector_load %arg9[%get3A_685, %get3A_686] {strides = array<i32>} : memref<65x64xf32, #tpu.memory_space<vmem>>, vector<1x16xf32>,
      %get3A_688 = vector.shape_cast %get3A_687 : vector<1x16xf32> to vector<16xf32>
      %add3A_689 = arith.addf %add3A_667, %get3A_688 : vector<16xf32>
      %get3A_690 = arith.index_cast %squeeze3A_679 : i32 to index
      %get3A_691 = arith.constant 32 : index
      %get3A_692 = tpu.vector_load %arg9[%get3A_690, %get3A_691] {strides = array<i32>} : memref<65x64xf32, #tpu.memory_space<vmem>>, vector<1x16xf32>,
      %get3A_693 = vector.shape_cast %get3A_692 : vector<1x16xf32> to vector<16xf32>
      %add3A_694 = arith.addf %add3A_672, %get3A_693 : vector<16xf32>
      %get3A_695 = arith.index_cast %squeeze3A_679 : i32 to index
      %get3A_696 = arith.constant 48 : index
      %get3A_697 = tpu.vector_load %arg9[%get3A_695, %get3A_696] {strides = array<i32>} : memref<65x64xf32, #tpu.memory_space<vmem>>, vector<1x16xf32>,
      %get3A_698 = vector.shape_cast %get3A_697 : vector<1x16xf32> to vector<16xf32>
      %add3A_699 = arith.addf %add3A_677, %get3A_698 : vector<16xf32>
      %slice3A_700 = vector.extract_strided_slice %get3A_216 {offsets = [6], sizes = [1], strides = [1]} : vector<16xi32> to vector<1xi32>
      %squeeze3A_701 = vector.extract %slice3A_700[0] : i32 from vector<1xi32>
      %get3A_702 = arith.index_cast %squeeze3A_701 : i32 to index
      %get3A_703 = arith.constant 0 : index
      %get3A_704 = tpu.vector_load %arg9[%get3A_702, %get3A_703] {strides = array<i32>} : memref<65x64xf32, #tpu.memory_space<vmem>>, vector<1x16xf32>,
      %get3A_705 = vector.shape_cast %get3A_704 : vector<1x16xf32> to vector<16xf32>
      %add3A_706 = arith.addf %add3A_684, %get3A_705 : vector<16xf32>
      %get3A_707 = arith.index_cast %squeeze3A_701 : i32 to index
      %get3A_708 = arith.constant 16 : index
      %get3A_709 = tpu.vector_load %arg9[%get3A_707, %get3A_708] {strides = array<i32>} : memref<65x64xf32, #tpu.memory_space<vmem>>, vector<1x16xf32>,
      %get3A_710 = vector.shape_cast %get3A_709 : vector<1x16xf32> to vector<16xf32>
      %add3A_711 = arith.addf %add3A_689, %get3A_710 : vector<16xf32>
      %get3A_712 = arith.index_cast %squeeze3A_701 : i32 to index
      %get3A_713 = arith.constant 32 : index
      %get3A_714 = tpu.vector_load %arg9[%get3A_712, %get3A_713] {strides = array<i32>} : memref<65x64xf32, #tpu.memory_space<vmem>>, vector<1x16xf32>,
      %get3A_715 = vector.shape_cast %get3A_714 : vector<1x16xf32> to vector<16xf32>
      %add3A_716 = arith.addf %add3A_694, %get3A_715 : vector<16xf32>
      %get3A_717 = arith.index_cast %squeeze3A_701 : i32 to index
      %get3A_718 = arith.constant 48 : index
      %get3A_719 = tpu.vector_load %arg9[%get3A_717, %get3A_718] {strides = array<i32>} : memref<65x64xf32, #tpu.memory_space<vmem>>, vector<1x16xf32>,
      %get3A_720 = vector.shape_cast %get3A_719 : vector<1x16xf32> to vector<16xf32>
      %add3A_721 = arith.addf %add3A_699, %get3A_720 : vector<16xf32>
      %slice3A_722 = vector.extract_strided_slice %get3A_216 {offsets = [7], sizes = [1], strides = [1]} : vector<16xi32> to vector<1xi32>
      %squeeze3A_723 = vector.extract %slice3A_722[0] : i32 from vector<1xi32>
      %get3A_724 = arith.index_cast %squeeze3A_723 : i32 to index
      %get3A_725 = arith.constant 0 : index
      %get3A_726 = tpu.vector_load %arg9[%get3A_724, %get3A_725] {strides = array<i32>} : memref<65x64xf32, #tpu.memory_space<vmem>>, vector<1x16xf32>,
      %get3A_727 = vector.shape_cast %get3A_726 : vector<1x16xf32> to vector<16xf32>
      %add3A_728 = arith.addf %add3A_706, %get3A_727 : vector<16xf32>
      %get3A_729 = arith.index_cast %squeeze3A_723 : i32 to index
      %get3A_730 = arith.constant 16 : index
      %get3A_731 = tpu.vector_load %arg9[%get3A_729, %get3A_730] {strides = array<i32>} : memref<65x64xf32, #tpu.memory_space<vmem>>, vector<1x16xf32>,
      %get3A_732 = vector.shape_cast %get3A_731 : vector<1x16xf32> to vector<16xf32>
      %add3A_733 = arith.addf %add3A_711, %get3A_732 : vector<16xf32>
      %get3A_734 = arith.index_cast %squeeze3A_723 : i32 to index
      %get3A_735 = arith.constant 32 : index
      %get3A_736 = tpu.vector_load %arg9[%get3A_734, %get3A_735] {strides = array<i32>} : memref<65x64xf32, #tpu.memory_space<vmem>>, vector<1x16xf32>,
      %get3A_737 = vector.shape_cast %get3A_736 : vector<1x16xf32> to vector<16xf32>
      %add3A_738 = arith.addf %add3A_716, %get3A_737 : vector<16xf32>
      %get3A_739 = arith.index_cast %squeeze3A_723 : i32 to index
      %get3A_740 = arith.constant 48 : index
      %get3A_741 = tpu.vector_load %arg9[%get3A_739, %get3A_740] {strides = array<i32>} : memref<65x64xf32, #tpu.memory_space<vmem>>, vector<1x16xf32>,
      %get3A_742 = vector.shape_cast %get3A_741 : vector<1x16xf32> to vector<16xf32>
      %add3A_743 = arith.addf %add3A_721, %get3A_742 : vector<16xf32>
      %slice3A_744 = vector.extract_strided_slice %get3A_216 {offsets = [8], sizes = [1], strides = [1]} : vector<16xi32> to vector<1xi32>
      %squeeze3A_745 = vector.extract %slice3A_744[0] : i32 from vector<1xi32>
      %get3A_746 = arith.index_cast %squeeze3A_745 : i32 to index
      %get3A_747 = arith.constant 0 : index
      %get3A_748 = tpu.vector_load %arg9[%get3A_746, %get3A_747] {strides = array<i32>} : memref<65x64xf32, #tpu.memory_space<vmem>>, vector<1x16xf32>,
      %get3A_749 = vector.shape_cast %get3A_748 : vector<1x16xf32> to vector<16xf32>
      %add3A_750 = arith.addf %add3A_728, %get3A_749 : vector<16xf32>
      %get3A_751 = arith.index_cast %squeeze3A_745 : i32 to index
      %get3A_752 = arith.constant 16 : index
      %get3A_753 = tpu.vector_load %arg9[%get3A_751, %get3A_752] {strides = array<i32>} : memref<65x64xf32, #tpu.memory_space<vmem>>, vector<1x16xf32>,
      %get3A_754 = vector.shape_cast %get3A_753 : vector<1x16xf32> to vector<16xf32>
      %add3A_755 = arith.addf %add3A_733, %get3A_754 : vector<16xf32>
      %get3A_756 = arith.index_cast %squeeze3A_745 : i32 to index
      %get3A_757 = arith.constant 32 : index
      %get3A_758 = tpu.vector_load %arg9[%get3A_756, %get3A_757] {strides = array<i32>} : memref<65x64xf32, #tpu.memory_space<vmem>>, vector<1x16xf32>,
      %get3A_759 = vector.shape_cast %get3A_758 : vector<1x16xf32> to vector<16xf32>
      %add3A_760 = arith.addf %add3A_738, %get3A_759 : vector<16xf32>
      %get3A_761 = arith.index_cast %squeeze3A_745 : i32 to index
      %get3A_762 = arith.constant 48 : index
      %get3A_763 = tpu.vector_load %arg9[%get3A_761, %get3A_762] {strides = array<i32>} : memref<65x64xf32, #tpu.memory_space<vmem>>, vector<1x16xf32>,
      %get3A_764 = vector.shape_cast %get3A_763 : vector<1x16xf32> to vector<16xf32>
      %add3A_765 = arith.addf %add3A_743, %get3A_764 : vector<16xf32>
      %slice3A_766 = vector.extract_strided_slice %get3A_216 {offsets = [9], sizes = [1], strides = [1]} : vector<16xi32> to vector<1xi32>
      %squeeze3A_767 = vector.extract %slice3A_766[0] : i32 from vector<1xi32>
      %get3A_768 = arith.index_cast %squeeze3A_767 : i32 to index
      %get3A_769 = arith.constant 0 : index
      %get3A_770 = tpu.vector_load %arg9[%get3A_768, %get3A_769] {strides = array<i32>} : memref<65x64xf32, #tpu.memory_space<vmem>>, vector<1x16xf32>,
      %get3A_771 = vector.shape_cast %get3A_770 : vector<1x16xf32> to vector<16xf32>
      %add3A_772 = arith.addf %add3A_750, %get3A_771 : vector<16xf32>
      %get3A_773 = arith.index_cast %squeeze3A_767 : i32 to index
      %get3A_774 = arith.constant 16 : index
      %get3A_775 = tpu.vector_load %arg9[%get3A_773, %get3A_774] {strides = array<i32>} : memref<65x64xf32, #tpu.memory_space<vmem>>, vector<1x16xf32>,
      %get3A_776 = vector.shape_cast %get3A_775 : vector<1x16xf32> to vector<16xf32>
      %add3A_777 = arith.addf %add3A_755, %get3A_776 : vector<16xf32>
      %get3A_778 = arith.index_cast %squeeze3A_767 : i32 to index
      %get3A_779 = arith.constant 32 : index
      %get3A_780 = tpu.vector_load %arg9[%get3A_778, %get3A_779] {strides = array<i32>} : memref<65x64xf32, #tpu.memory_space<vmem>>, vector<1x16xf32>,
      %get3A_781 = vector.shape_cast %get3A_780 : vector<1x16xf32> to vector<16xf32>
      %add3A_782 = arith.addf %add3A_760, %get3A_781 : vector<16xf32>
      %get3A_783 = arith.index_cast %squeeze3A_767 : i32 to index
      %get3A_784 = arith.constant 48 : index
      %get3A_785 = tpu.vector_load %arg9[%get3A_783, %get3A_784] {strides = array<i32>} : memref<65x64xf32, #tpu.memory_space<vmem>>, vector<1x16xf32>,
      %get3A_786 = vector.shape_cast %get3A_785 : vector<1x16xf32> to vector<16xf32>
      %add3A_787 = arith.addf %add3A_765, %get3A_786 : vector<16xf32>
      %slice3A_788 = vector.extract_strided_slice %get3A_216 {offsets = [10], sizes = [1], strides = [1]} : vector<16xi32> to vector<1xi32>
      %squeeze3A_789 = vector.extract %slice3A_788[0] : i32 from vector<1xi32>
      %get3A_790 = arith.index_cast %squeeze3A_789 : i32 to index
      %get3A_791 = arith.constant 0 : index
      %get3A_792 = tpu.vector_load %arg9[%get3A_790, %get3A_791] {strides = array<i32>} : memref<65x64xf32, #tpu.memory_space<vmem>>, vector<1x16xf32>,
      %get3A_793 = vector.shape_cast %get3A_792 : vector<1x16xf32> to vector<16xf32>
      %add3A_794 = arith.addf %add3A_772, %get3A_793 : vector<16xf32>
      %get3A_795 = arith.index_cast %squeeze3A_789 : i32 to index
      %get3A_796 = arith.constant 16 : index
      %get3A_797 = tpu.vector_load %arg9[%get3A_795, %get3A_796] {strides = array<i32>} : memref<65x64xf32, #tpu.memory_space<vmem>>, vector<1x16xf32>,
      %get3A_798 = vector.shape_cast %get3A_797 : vector<1x16xf32> to vector<16xf32>
      %add3A_799 = arith.addf %add3A_777, %get3A_798 : vector<16xf32>
      %get3A_800 = arith.index_cast %squeeze3A_789 : i32 to index
      %get3A_801 = arith.constant 32 : index
      %get3A_802 = tpu.vector_load %arg9[%get3A_800, %get3A_801] {strides = array<i32>} : memref<65x64xf32, #tpu.memory_space<vmem>>, vector<1x16xf32>,
      %get3A_803 = vector.shape_cast %get3A_802 : vector<1x16xf32> to vector<16xf32>
      %add3A_804 = arith.addf %add3A_782, %get3A_803 : vector<16xf32>
      %get3A_805 = arith.index_cast %squeeze3A_789 : i32 to index
      %get3A_806 = arith.constant 48 : index
      %get3A_807 = tpu.vector_load %arg9[%get3A_805, %get3A_806] {strides = array<i32>} : memref<65x64xf32, #tpu.memory_space<vmem>>, vector<1x16xf32>,
      %get3A_808 = vector.shape_cast %get3A_807 : vector<1x16xf32> to vector<16xf32>
      %add3A_809 = arith.addf %add3A_787, %get3A_808 : vector<16xf32>
      %slice3A_810 = vector.extract_strided_slice %get3A_216 {offsets = [11], sizes = [1], strides = [1]} : vector<16xi32> to vector<1xi32>
      %squeeze3A_811 = vector.extract %slice3A_810[0] : i32 from vector<1xi32>
      %get3A_812 = arith.index_cast %squeeze3A_811 : i32 to index
      %get3A_813 = arith.constant 0 : index
      %get3A_814 = tpu.vector_load %arg9[%get3A_812, %get3A_813] {strides = array<i32>} : memref<65x64xf32, #tpu.memory_space<vmem>>, vector<1x16xf32>,
      %get3A_815 = vector.shape_cast %get3A_814 : vector<1x16xf32> to vector<16xf32>
      %add3A_816 = arith.addf %add3A_794, %get3A_815 : vector<16xf32>
      %get3A_817 = arith.index_cast %squeeze3A_811 : i32 to index
      %get3A_818 = arith.constant 16 : index
      %get3A_819 = tpu.vector_load %arg9[%get3A_817, %get3A_818] {strides = array<i32>} : memref<65x64xf32, #tpu.memory_space<vmem>>, vector<1x16xf32>,
      %get3A_820 = vector.shape_cast %get3A_819 : vector<1x16xf32> to vector<16xf32>
      %add3A_821 = arith.addf %add3A_799, %get3A_820 : vector<16xf32>
      %get3A_822 = arith.index_cast %squeeze3A_811 : i32 to index
      %get3A_823 = arith.constant 32 : index
      %get3A_824 = tpu.vector_load %arg9[%get3A_822, %get3A_823] {strides = array<i32>} : memref<65x64xf32, #tpu.memory_space<vmem>>, vector<1x16xf32>,
      %get3A_825 = vector.shape_cast %get3A_824 : vector<1x16xf32> to vector<16xf32>
      %add3A_826 = arith.addf %add3A_804, %get3A_825 : vector<16xf32>
      %get3A_827 = arith.index_cast %squeeze3A_811 : i32 to index
      %get3A_828 = arith.constant 48 : index
      %get3A_829 = tpu.vector_load %arg9[%get3A_827, %get3A_828] {strides = array<i32>} : memref<65x64xf32, #tpu.memory_space<vmem>>, vector<1x16xf32>,
      %get3A_830 = vector.shape_cast %get3A_829 : vector<1x16xf32> to vector<16xf32>
      %add3A_831 = arith.addf %add3A_809, %get3A_830 : vector<16xf32>
      %slice3A_832 = vector.extract_strided_slice %get3A_216 {offsets = [12], sizes = [1], strides = [1]} : vector<16xi32> to vector<1xi32>
      %squeeze3A_833 = vector.extract %slice3A_832[0] : i32 from vector<1xi32>
      %get3A_834 = arith.index_cast %squeeze3A_833 : i32 to index
      %get3A_835 = arith.constant 0 : index
      %get3A_836 = tpu.vector_load %arg9[%get3A_834, %get3A_835] {strides = array<i32>} : memref<65x64xf32, #tpu.memory_space<vmem>>, vector<1x16xf32>,
      %get3A_837 = vector.shape_cast %get3A_836 : vector<1x16xf32> to vector<16xf32>
      %add3A_838 = arith.addf %add3A_816, %get3A_837 : vector<16xf32>
      %get3A_839 = arith.index_cast %squeeze3A_833 : i32 to index
      %get3A_840 = arith.constant 16 : index
      %get3A_841 = tpu.vector_load %arg9[%get3A_839, %get3A_840] {strides = array<i32>} : memref<65x64xf32, #tpu.memory_space<vmem>>, vector<1x16xf32>,
      %get3A_842 = vector.shape_cast %get3A_841 : vector<1x16xf32> to vector<16xf32>
      %add3A_843 = arith.addf %add3A_821, %get3A_842 : vector<16xf32>
      %get3A_844 = arith.index_cast %squeeze3A_833 : i32 to index
      %get3A_845 = arith.constant 32 : index
      %get3A_846 = tpu.vector_load %arg9[%get3A_844, %get3A_845] {strides = array<i32>} : memref<65x64xf32, #tpu.memory_space<vmem>>, vector<1x16xf32>,
      %get3A_847 = vector.shape_cast %get3A_846 : vector<1x16xf32> to vector<16xf32>
      %add3A_848 = arith.addf %add3A_826, %get3A_847 : vector<16xf32>
      %get3A_849 = arith.index_cast %squeeze3A_833 : i32 to index
      %get3A_850 = arith.constant 48 : index
      %get3A_851 = tpu.vector_load %arg9[%get3A_849, %get3A_850] {strides = array<i32>} : memref<65x64xf32, #tpu.memory_space<vmem>>, vector<1x16xf32>,
      %get3A_852 = vector.shape_cast %get3A_851 : vector<1x16xf32> to vector<16xf32>
      %add3A_853 = arith.addf %add3A_831, %get3A_852 : vector<16xf32>
      %slice3A_854 = vector.extract_strided_slice %get3A_216 {offsets = [13], sizes = [1], strides = [1]} : vector<16xi32> to vector<1xi32>
      %squeeze3A_855 = vector.extract %slice3A_854[0] : i32 from vector<1xi32>
      %get3A_856 = arith.index_cast %squeeze3A_855 : i32 to index
      %get3A_857 = arith.constant 0 : index
      %get3A_858 = tpu.vector_load %arg9[%get3A_856, %get3A_857] {strides = array<i32>} : memref<65x64xf32, #tpu.memory_space<vmem>>, vector<1x16xf32>,
      %get3A_859 = vector.shape_cast %get3A_858 : vector<1x16xf32> to vector<16xf32>
      %add3A_860 = arith.addf %add3A_838, %get3A_859 : vector<16xf32>
      %get3A_861 = arith.index_cast %squeeze3A_855 : i32 to index
      %get3A_862 = arith.constant 16 : index
      %get3A_863 = tpu.vector_load %arg9[%get3A_861, %get3A_862] {strides = array<i32>} : memref<65x64xf32, #tpu.memory_space<vmem>>, vector<1x16xf32>,
      %get3A_864 = vector.shape_cast %get3A_863 : vector<1x16xf32> to vector<16xf32>
      %add3A_865 = arith.addf %add3A_843, %get3A_864 : vector<16xf32>
      %get3A_866 = arith.index_cast %squeeze3A_855 : i32 to index
      %get3A_867 = arith.constant 32 : index
      %get3A_868 = tpu.vector_load %arg9[%get3A_866, %get3A_867] {strides = array<i32>} : memref<65x64xf32, #tpu.memory_space<vmem>>, vector<1x16xf32>,
      %get3A_869 = vector.shape_cast %get3A_868 : vector<1x16xf32> to vector<16xf32>
      %add3A_870 = arith.addf %add3A_848, %get3A_869 : vector<16xf32>
      %get3A_871 = arith.index_cast %squeeze3A_855 : i32 to index
      %get3A_872 = arith.constant 48 : index
      %get3A_873 = tpu.vector_load %arg9[%get3A_871, %get3A_872] {strides = array<i32>} : memref<65x64xf32, #tpu.memory_space<vmem>>, vector<1x16xf32>,
      %get3A_874 = vector.shape_cast %get3A_873 : vector<1x16xf32> to vector<16xf32>
      %add3A_875 = arith.addf %add3A_853, %get3A_874 : vector<16xf32>
      %slice3A_876 = vector.extract_strided_slice %get3A_216 {offsets = [14], sizes = [1], strides = [1]} : vector<16xi32> to vector<1xi32>
      %squeeze3A_877 = vector.extract %slice3A_876[0] : i32 from vector<1xi32>
      %get3A_878 = arith.index_cast %squeeze3A_877 : i32 to index
      %get3A_879 = arith.constant 0 : index
      %get3A_880 = tpu.vector_load %arg9[%get3A_878, %get3A_879] {strides = array<i32>} : memref<65x64xf32, #tpu.memory_space<vmem>>, vector<1x16xf32>,
      %get3A_881 = vector.shape_cast %get3A_880 : vector<1x16xf32> to vector<16xf32>
      %add3A_882 = arith.addf %add3A_860, %get3A_881 : vector<16xf32>
      %get3A_883 = arith.index_cast %squeeze3A_877 : i32 to index
      %get3A_884 = arith.constant 16 : index
      %get3A_885 = tpu.vector_load %arg9[%get3A_883, %get3A_884] {strides = array<i32>} : memref<65x64xf32, #tpu.memory_space<vmem>>, vector<1x16xf32>,
      %get3A_886 = vector.shape_cast %get3A_885 : vector<1x16xf32> to vector<16xf32>
      %add3A_887 = arith.addf %add3A_865, %get3A_886 : vector<16xf32>
      %get3A_888 = arith.index_cast %squeeze3A_877 : i32 to index
      %get3A_889 = arith.constant 32 : index
      %get3A_890 = tpu.vector_load %arg9[%get3A_888, %get3A_889] {strides = array<i32>} : memref<65x64xf32, #tpu.memory_space<vmem>>, vector<1x16xf32>,
      %get3A_891 = vector.shape_cast %get3A_890 : vector<1x16xf32> to vector<16xf32>
      %add3A_892 = arith.addf %add3A_870, %get3A_891 : vector<16xf32>
      %get3A_893 = arith.index_cast %squeeze3A_877 : i32 to index
      %get3A_894 = arith.constant 48 : index
      %get3A_895 = tpu.vector_load %arg9[%get3A_893, %get3A_894] {strides = array<i32>} : memref<65x64xf32, #tpu.memory_space<vmem>>, vector<1x16xf32>,
      %get3A_896 = vector.shape_cast %get3A_895 : vector<1x16xf32> to vector<16xf32>
      %add3A_897 = arith.addf %add3A_875, %get3A_896 : vector<16xf32>
      %slice3A_898 = vector.extract_strided_slice %get3A_216 {offsets = [15], sizes = [1], strides = [1]} : vector<16xi32> to vector<1xi32>
      %squeeze3A_899 = vector.extract %slice3A_898[0] : i32 from vector<1xi32>
      %get3A_900 = arith.index_cast %squeeze3A_899 : i32 to index
      %get3A_901 = arith.constant 0 : index
      %get3A_902 = tpu.vector_load %arg9[%get3A_900, %get3A_901] {strides = array<i32>} : memref<65x64xf32, #tpu.memory_space<vmem>>, vector<1x16xf32>,
      %get3A_903 = vector.shape_cast %get3A_902 : vector<1x16xf32> to vector<16xf32>
      %add3A_904 = arith.addf %add3A_882, %get3A_903 : vector<16xf32>
      %get3A_905 = arith.index_cast %squeeze3A_899 : i32 to index
      %get3A_906 = arith.constant 16 : index
      %get3A_907 = tpu.vector_load %arg9[%get3A_905, %get3A_906] {strides = array<i32>} : memref<65x64xf32, #tpu.memory_space<vmem>>, vector<1x16xf32>,
      %get3A_908 = vector.shape_cast %get3A_907 : vector<1x16xf32> to vector<16xf32>
      %add3A_909 = arith.addf %add3A_887, %get3A_908 : vector<16xf32>
      %get3A_910 = arith.index_cast %squeeze3A_899 : i32 to index
      %get3A_911 = arith.constant 32 : index
      %get3A_912 = tpu.vector_load %arg9[%get3A_910, %get3A_911] {strides = array<i32>} : memref<65x64xf32, #tpu.memory_space<vmem>>, vector<1x16xf32>,
      %get3A_913 = vector.shape_cast %get3A_912 : vector<1x16xf32> to vector<16xf32>
      %add3A_914 = arith.addf %add3A_892, %get3A_913 : vector<16xf32>
      %get3A_915 = arith.index_cast %squeeze3A_899 : i32 to index
      %get3A_916 = arith.constant 48 : index
      %get3A_917 = tpu.vector_load %arg9[%get3A_915, %get3A_916] {strides = array<i32>} : memref<65x64xf32, #tpu.memory_space<vmem>>, vector<1x16xf32>,
      %get3A_918 = vector.shape_cast %get3A_917 : vector<1x16xf32> to vector<16xf32>
      %add3A_919 = arith.addf %add3A_897, %get3A_918 : vector<16xf32>
      %add3A_920 = arith.constant 256 : i32
      %add3A_921 = arith.addi %add3A_920, %scan3A_208 : i32
      %swap3A = arith.index_cast %add3A_921 : i32 to index
      %swap3A_922 = arith.constant 0 : index
      %swap3A_923 = tpu.vector_load %arg10[%swap3A, %swap3A_922] {strides = array<i32>} : memref<512x64xf32, #tpu.memory_space<vmem>>, vector<1x16xf32>,
      %swap3A_924 = vector.shape_cast %swap3A_923 : vector<1x16xf32> to vector<16xf32>
      %swap3A_925 = vector.shape_cast %add3A_904 : vector<16xf32> to vector<1x16xf32>
      tpu.vector_store %arg10[%swap3A, %swap3A_922], %swap3A_925 {strides = array<i32>} : memref<512x64xf32, #tpu.memory_space<vmem>>, vector<1x16xf32>,
      %add3A_926 = arith.constant 256 : i32
      %add3A_927 = arith.addi %add3A_926, %scan3A_208 : i32
      %swap3A_928 = arith.index_cast %add3A_927 : i32 to index
      %swap3A_929 = arith.constant 16 : index
      %swap3A_930 = tpu.vector_load %arg10[%swap3A_928, %swap3A_929] {strides = array<i32>} : memref<512x64xf32, #tpu.memory_space<vmem>>, vector<1x16xf32>,
      %swap3A_931 = vector.shape_cast %swap3A_930 : vector<1x16xf32> to vector<16xf32>
      %swap3A_932 = vector.shape_cast %add3A_909 : vector<16xf32> to vector<1x16xf32>
      tpu.vector_store %arg10[%swap3A_928, %swap3A_929], %swap3A_932 {strides = array<i32>} : memref<512x64xf32, #tpu.memory_space<vmem>>, vector<1x16xf32>,
      %add3A_933 = arith.constant 256 : i32
      %add3A_934 = arith.addi %add3A_933, %scan3A_208 : i32
      %swap3A_935 = arith.index_cast %add3A_934 : i32 to index
      %swap3A_936 = arith.constant 32 : index
      %swap3A_937 = tpu.vector_load %arg10[%swap3A_935, %swap3A_936] {strides = array<i32>} : memref<512x64xf32, #tpu.memory_space<vmem>>, vector<1x16xf32>,
      %swap3A_938 = vector.shape_cast %swap3A_937 : vector<1x16xf32> to vector<16xf32>
      %swap3A_939 = vector.shape_cast %add3A_914 : vector<16xf32> to vector<1x16xf32>
      tpu.vector_store %arg10[%swap3A_935, %swap3A_936], %swap3A_939 {strides = array<i32>} : memref<512x64xf32, #tpu.memory_space<vmem>>, vector<1x16xf32>,
      %add3A_940 = arith.constant 256 : i32
      %add3A_941 = arith.addi %add3A_940, %scan3A_208 : i32
      %swap3A_942 = arith.index_cast %add3A_941 : i32 to index
      %swap3A_943 = arith.constant 48 : index
      %swap3A_944 = tpu.vector_load %arg10[%swap3A_942, %swap3A_943] {strides = array<i32>} : memref<512x64xf32, #tpu.memory_space<vmem>>, vector<1x16xf32>,
      %swap3A_945 = vector.shape_cast %swap3A_944 : vector<1x16xf32> to vector<16xf32>
      %swap3A_946 = vector.shape_cast %add3A_919 : vector<16xf32> to vector<1x16xf32>
      tpu.vector_store %arg10[%swap3A_942, %swap3A_943], %swap3A_946 {strides = array<i32>} : memref<512x64xf32, #tpu.memory_space<vmem>>, vector<1x16xf32>,
      %scan3A_947 = arith.constant 0 : i32
      scf.yield %scan3A_947 : i32
    }
    %scan3A_73 = arith.constant 128 : i32
    %dma_start3A_74 = arith.constant 0 : i32
    %dma_start3A_75 = arith.constant 64 : i32
    %dma_start3A_76 = arith.constant 256 : i32
    %dma_start3A_77 = arith.constant 0 : i32
    %dma_start3A_78 = tpu.memref_slice %arg11[%dma_start3A_76, %dma_start3A_77] : memref<512x64xf32, #tpu.memory_space<vmem>> -> memref<128x64xf32, #tpu.memory_space<vmem>>
    %dma_start3A_79 = arith.constant 0 : i32
    %dma_start3A_80 = tpu.memref_slice %arg7[%dma_start3A_74, %dma_start3A_75, %dma_start3A_79] : memref<2x72x128xi32, #tpu.memory_space<vmem>> -> memref<1x1x128xi32, #tpu.memory_space<vmem>>
    %dma_start3A_81 = tpu.memref_squeeze %dma_start3A_80 : memref<1x1x128xi32, #tpu.memory_space<vmem>> -> memref<128xi32, #tpu.memory_space<vmem>>
    %dma_start3A_82 = arith.constant 0 : i32
    %dma_start3A_83 = arith.constant 0 : i32
    %dma_start3A_84 = tpu.memref_slice %arg4[%dma_start3A_82, %dma_start3A_83] : memref<1000001x64xf32, #tpu.memory_space<hbm>> -> memref<1000001x64xf32, #tpu.memory_space<hbm>>
    tpu.enqueue_indirect_dma source(%dma_start3A_84 : memref<1000001x64xf32, #tpu.memory_space<hbm>>) target(%dma_start3A_78 : memref<128x64xf32, #tpu.memory_space<vmem>>) offsets(%dma_start3A_81 : memref<128xi32, #tpu.memory_space<vmem>>) semaphore(%arg13 : memref<!tpu.dma_semaphore, #tpu.memory_space<semaphore_mem>>)
    %scan3A_85 = arith.constant 0 : i32
    %scan3A_86 = arith.constant 0 : i32
    %scan3A_87 = arith.constant 64 : i32
    %scan3A_88 = arith.addi %scan3A_86, %scan3A_87 : i32
    %scan3A_89 = arith.constant 1 : i32
    %scan3A_90 = scf.for %scan3A_208 = %scan3A_86 to %scan3A_88 step %scan3A_89 iter_args(%scan3A_209 = %scan3A_85) -> (i32)  : i32 {
      %dma_start3A_210 = arith.constant 0 : i32
      %dma_start3A_211 = arith.constant 256 : i32
      %dma_start3A_212 = arith.constant 0 : i32
      %dma_start3A_213 = tpu.memref_slice %arg10[%dma_start3A_211, %dma_start3A_212] : memref<512x64xf32, #tpu.memory_space<vmem>> -> memref<128x64xf32, #tpu.memory_space<vmem>>
      %dma_start3A_214 = arith.constant 0 : i32
      %dma_start3A_215 = tpu.memref_slice %arg7[%dma_start3A_210, %scan3A_208, %dma_start3A_214] : memref<2x72x128xi32, #tpu.memory_space<vmem>> -> memref<1x1x128xi32, #tpu.memory_space<vmem>>
      %dma_start3A_216 = tpu.memref_squeeze %dma_start3A_215 : memref<1x1x128xi32, #tpu.memory_space<vmem>> -> memref<128xi32, #tpu.memory_space<vmem>>
      %dma_start3A_217 = arith.constant 0 : i32
      %dma_start3A_218 = arith.constant 0 : i32
      %dma_start3A_219 = tpu.memref_slice %arg4[%dma_start3A_217, %dma_start3A_218] : memref<1000001x64xf32, #tpu.memory_space<hbm>> -> memref<1000001x64xf32, #tpu.memory_space<hbm>>
      tpu.enqueue_indirect_dma source(%dma_start3A_219 : memref<1000001x64xf32, #tpu.memory_space<hbm>>) target(%dma_start3A_213 : memref<128x64xf32, #tpu.memory_space<vmem>>) offsets(%dma_start3A_216 : memref<128xi32, #tpu.memory_space<vmem>>) semaphore(%arg14 : memref<!tpu.dma_semaphore, #tpu.memory_space<semaphore_mem>>) {add = true}
      %scan3A_220 = arith.constant 0 : i32
      scf.yield %scan3A_220 : i32
    }
    %scan3A_91 = arith.constant 64 : i32
    %add3A_92 = arith.constant 3 : i32
    %add3A_93 = arith.addi %mul3A_4, %add3A_92 : i32
    %run_scoped3A_94 = arith.constant 1 : i32
    "tpu.region"() ({
      %run_scoped3A_208 = tpu.sem_alloc : memref<!tpu.dma_semaphore, #tpu.memory_space<semaphore_mem>>
      %dma_start3A_209 = arith.constant 0 : i32
      %dma_start3A_210 = arith.constant 0 : i32
      %dma_start3A_211 = tpu.memref_slice %arg7[%run_scoped3A_94, %dma_start3A_209, %dma_start3A_210] : memref<2x72x128xi32, #tpu.memory_space<vmem>> -> memref<1x72x128xi32, #tpu.memory_space<vmem>>
      %dma_start3A_212 = tpu.memref_squeeze %dma_start3A_211 : memref<1x72x128xi32, #tpu.memory_space<vmem>> -> memref<72x128xi32, #tpu.memory_space<vmem>>
      %dma_start3A_213 = arith.constant 0 : i32
      %dma_start3A_214 = arith.constant 0 : i32
      %dma_start3A_215 = tpu.memref_slice %arg2[%add3A_93, %dma_start3A_213, %dma_start3A_214] : memref<128x72x128xi32, #tpu.memory_space<hbm>> -> memref<1x72x128xi32, #tpu.memory_space<hbm>>
      %dma_start3A_216 = tpu.memref_squeeze %dma_start3A_215 : memref<1x72x128xi32, #tpu.memory_space<hbm>> -> memref<72x128xi32, #tpu.memory_space<hbm>>
      %dma_start3A_217 = arith.constant 0 : i32
      %dma_start3A_218 = arith.constant 0 : i32
      %dma_start3A_219 = tpu.memref_slice %arg7[%run_scoped3A_94, %dma_start3A_217, %dma_start3A_218] : memref<2x72x128xi32, #tpu.memory_space<vmem>> -> memref<1x72x128xi32, #tpu.memory_space<vmem>>
      %dma_start3A_220 = tpu.memref_squeeze %dma_start3A_219 : memref<1x72x128xi32, #tpu.memory_space<vmem>> -> memref<72x128xi32, #tpu.memory_space<vmem>>
      %dma_start3A_221 = arith.constant 0 : i32
      %dma_start3A_222 = arith.constant 0 : i32
      %dma_start3A_223 = tpu.memref_slice %arg2[%add3A_93, %dma_start3A_221, %dma_start3A_222] : memref<128x72x128xi32, #tpu.memory_space<hbm>> -> memref<1x72x128xi32, #tpu.memory_space<hbm>>
      %dma_start3A_224 = tpu.memref_squeeze %dma_start3A_223 : memref<1x72x128xi32, #tpu.memory_space<hbm>> -> memref<72x128xi32, #tpu.memory_space<hbm>>
      tpu.enqueue_dma source(%dma_start3A_224 : memref<72x128xi32, #tpu.memory_space<hbm>>) target(%dma_start3A_220 : memref<72x128xi32, #tpu.memory_space<vmem>>) target_semaphore(%run_scoped3A_208 : memref<!tpu.dma_semaphore, #tpu.memory_space<semaphore_mem>>)
      %dma_wait3A_225 = arith.constant 0 : i32
      %dma_wait3A_226 = arith.constant 0 : i32
      %dma_wait3A_227 = tpu.memref_slice %arg7[%run_scoped3A_94, %dma_wait3A_225, %dma_wait3A_226] : memref<2x72x128xi32, #tpu.memory_space<vmem>> -> memref<1x72x128xi32, #tpu.memory_space<vmem>>
      %dma_wait3A_228 = tpu.memref_squeeze %dma_wait3A_227 : memref<1x72x128xi32, #tpu.memory_space<vmem>> -> memref<72x128xi32, #tpu.memory_space<vmem>>
      %dma_wait3A_229 = arith.constant 0 : i32
      %dma_wait3A_230 = arith.constant 0 : i32
      %dma_wait3A_231 = tpu.memref_slice %arg2[%add3A_93, %dma_wait3A_229, %dma_wait3A_230] : memref<128x72x128xi32, #tpu.memory_space<hbm>> -> memref<1x72x128xi32, #tpu.memory_space<hbm>>
      %dma_wait3A_232 = tpu.memref_squeeze %dma_wait3A_231 : memref<1x72x128xi32, #tpu.memory_space<hbm>> -> memref<72x128xi32, #tpu.memory_space<hbm>>
      %dma_wait3A_233 = arith.constant 0 : i32
      %dma_wait3A_234 = arith.constant 0 : i32
      %dma_wait3A_235 = tpu.memref_slice %arg7[%run_scoped3A_94, %dma_wait3A_233, %dma_wait3A_234] : memref<2x72x128xi32, #tpu.memory_space<vmem>> -> memref<1x72x128xi32, #tpu.memory_space<vmem>>
      %dma_wait3A_236 = tpu.memref_squeeze %dma_wait3A_235 : memref<1x72x128xi32, #tpu.memory_space<vmem>> -> memref<72x128xi32, #tpu.memory_space<vmem>>
      %dma_wait3A_237 = arith.constant 0 : i32
      %dma_wait3A_238 = arith.constant 0 : i32
      %dma_wait3A_239 = tpu.memref_slice %arg2[%add3A_93, %dma_wait3A_237, %dma_wait3A_238] : memref<128x72x128xi32, #tpu.memory_space<hbm>> -> memref<1x72x128xi32, #tpu.memory_space<hbm>>
      %dma_wait3A_240 = tpu.memref_squeeze %dma_wait3A_239 : memref<1x72x128xi32, #tpu.memory_space<hbm>> -> memref<72x128xi32, #tpu.memory_space<hbm>>
      tpu.wait_dma2 semaphore(%run_scoped3A_208 : memref<!tpu.dma_semaphore, #tpu.memory_space<semaphore_mem>>) src(%dma_wait3A_240 : memref<72x128xi32, #tpu.memory_space<hbm>>) dst(%dma_wait3A_236 : memref<72x128xi32, #tpu.memory_space<vmem>>)
      tpu.yield
    }) : () -> ()
    %add3A_95 = arith.constant 384 : i32
    %add3A_96 = arith.addi %mul3A_2, %add3A_95 : i32
    "tpu.region"() ({
      %run_scoped3A_208 = tpu.sem_alloc : memref<!tpu.dma_semaphore, #tpu.memory_space<semaphore_mem>>
      %dma_start3A_209 = arith.constant 0 : i32
      %dma_start3A_210 = tpu.memref_slice %arg3[%add3A_96, %dma_start3A_209] : memref<16384x32xi32, #tpu.memory_space<hbm>> -> memref<128x32xi32, #tpu.memory_space<hbm>>
      %dma_start3A_211 = arith.constant 0 : i32
      %dma_start3A_212 = tpu.memref_slice %arg3[%add3A_96, %dma_start3A_211] : memref<16384x32xi32, #tpu.memory_space<hbm>> -> memref<128x32xi32, #tpu.memory_space<hbm>>
      tpu.enqueue_dma source(%dma_start3A_212 : memref<128x32xi32, #tpu.memory_space<hbm>>) target(%arg8 : memref<128x32xi32, #tpu.memory_space<vmem>>) target_semaphore(%run_scoped3A_208 : memref<!tpu.dma_semaphore, #tpu.memory_space<semaphore_mem>>)
      %dma_wait3A_213 = arith.constant 0 : i32
      %dma_wait3A_214 = tpu.memref_slice %arg3[%add3A_96, %dma_wait3A_213] : memref<16384x32xi32, #tpu.memory_space<hbm>> -> memref<128x32xi32, #tpu.memory_space<hbm>>
      %dma_wait3A_215 = arith.constant 0 : i32
      %dma_wait3A_216 = tpu.memref_slice %arg3[%add3A_96, %dma_wait3A_215] : memref<16384x32xi32, #tpu.memory_space<hbm>> -> memref<128x32xi32, #tpu.memory_space<hbm>>
      tpu.wait_dma2 semaphore(%run_scoped3A_208 : memref<!tpu.dma_semaphore, #tpu.memory_space<semaphore_mem>>) src(%dma_wait3A_216 : memref<128x32xi32, #tpu.memory_space<hbm>>) dst(%arg8 : memref<128x32xi32, #tpu.memory_space<vmem>>)
      tpu.yield
    }) : () -> ()
    %scan3A_97 = arith.constant 0 : i32
    %scan3A_98 = arith.constant 0 : i32
    %scan3A_99 = arith.constant 128 : i32
    %scan3A_100 = arith.addi %scan3A_98, %scan3A_99 : i32
    %scan3A_101 = arith.constant 1 : i32
    %scan3A_102 = scf.for %scan3A_208 = %scan3A_98 to %scan3A_100 step %scan3A_101 iter_args(%scan3A_209 = %scan3A_97) -> (i32)  : i32 {
      %get3A = arith.index_cast %scan3A_208 : i32 to index
      %get3A_210 = arith.constant 0 : index
      %get3A_211 = tpu.vector_load %arg8[%get3A, %get3A_210] {strides = array<i32>} : memref<128x32xi32, #tpu.memory_space<vmem>>, vector<1x16xi32>,
      %get3A_212 = vector.shape_cast %get3A_211 : vector<1x16xi32> to vector<16xi32>
      %get3A_213 = arith.index_cast %scan3A_208 : i32 to index
      %get3A_214 = arith.constant 16 : index
      %get3A_215 = tpu.vector_load %arg8[%get3A_213, %get3A_214] {strides = array<i32>} : memref<128x32xi32, #tpu.memory_space<vmem>>, vector<1x16xi32>,
      %get3A_216 = vector.shape_cast %get3A_215 : vector<1x16xi32> to vector<16xi32>
      %broadcast_in_dim3A = arith.constant 0.000000e+00 : f32
      %broadcast_in_dim3A_217 = vector.broadcast %broadcast_in_dim3A : f32 to vector<16xf32>
      %slice3A = vector.extract_strided_slice %get3A_212 {offsets = [0], sizes = [1], strides = [1]} : vector<16xi32> to vector<1xi32>
      %squeeze3A = vector.extract %slice3A[0] : i32 from vector<1xi32>
      %get3A_218 = arith.index_cast %squeeze3A : i32 to index
      %get3A_219 = arith.constant 0 : index
      %get3A_220 = tpu.vector_load %arg9[%get3A_218, %get3A_219] {strides = array<i32>} : memref<65x64xf32, #tpu.memory_space<vmem>>, vector<1x16xf32>,
      %get3A_221 = vector.shape_cast %get3A_220 : vector<1x16xf32> to vector<16xf32>
      %add3A_222 = arith.addf %broadcast_in_dim3A_217, %get3A_221 : vector<16xf32>
      %get3A_223 = arith.index_cast %squeeze3A : i32 to index
      %get3A_224 = arith.constant 16 : index
      %get3A_225 = tpu.vector_load %arg9[%get3A_223, %get3A_224] {strides = array<i32>} : memref<65x64xf32, #tpu.memory_space<vmem>>, vector<1x16xf32>,
      %get3A_226 = vector.shape_cast %get3A_225 : vector<1x16xf32> to vector<16xf32>
      %add3A_227 = arith.addf %broadcast_in_dim3A_217, %get3A_226 : vector<16xf32>
      %get3A_228 = arith.index_cast %squeeze3A : i32 to index
      %get3A_229 = arith.constant 32 : index
      %get3A_230 = tpu.vector_load %arg9[%get3A_228, %get3A_229] {strides = array<i32>} : memref<65x64xf32, #tpu.memory_space<vmem>>, vector<1x16xf32>,
      %get3A_231 = vector.shape_cast %get3A_230 : vector<1x16xf32> to vector<16xf32>
      %add3A_232 = arith.addf %broadcast_in_dim3A_217, %get3A_231 : vector<16xf32>
      %get3A_233 = arith.index_cast %squeeze3A : i32 to index
      %get3A_234 = arith.constant 48 : index
      %get3A_235 = tpu.vector_load %arg9[%get3A_233, %get3A_234] {strides = array<i32>} : memref<65x64xf32, #tpu.memory_space<vmem>>, vector<1x16xf32>,
      %get3A_236 = vector.shape_cast %get3A_235 : vector<1x16xf32> to vector<16xf32>
      %add3A_237 = arith.addf %broadcast_in_dim3A_217, %get3A_236 : vector<16xf32>
      %slice3A_238 = vector.extract_strided_slice %get3A_212 {offsets = [1], sizes = [1], strides = [1]} : vector<16xi32> to vector<1xi32>
      %squeeze3A_239 = vector.extract %slice3A_238[0] : i32 from vector<1xi32>
      %get3A_240 = arith.index_cast %squeeze3A_239 : i32 to index
      %get3A_241 = arith.constant 0 : index
      %get3A_242 = tpu.vector_load %arg9[%get3A_240, %get3A_241] {strides = array<i32>} : memref<65x64xf32, #tpu.memory_space<vmem>>, vector<1x16xf32>,
      %get3A_243 = vector.shape_cast %get3A_242 : vector<1x16xf32> to vector<16xf32>
      %add3A_244 = arith.addf %add3A_222, %get3A_243 : vector<16xf32>
      %get3A_245 = arith.index_cast %squeeze3A_239 : i32 to index
      %get3A_246 = arith.constant 16 : index
      %get3A_247 = tpu.vector_load %arg9[%get3A_245, %get3A_246] {strides = array<i32>} : memref<65x64xf32, #tpu.memory_space<vmem>>, vector<1x16xf32>,
      %get3A_248 = vector.shape_cast %get3A_247 : vector<1x16xf32> to vector<16xf32>
      %add3A_249 = arith.addf %add3A_227, %get3A_248 : vector<16xf32>
      %get3A_250 = arith.index_cast %squeeze3A_239 : i32 to index
      %get3A_251 = arith.constant 32 : index
      %get3A_252 = tpu.vector_load %arg9[%get3A_250, %get3A_251] {strides = array<i32>} : memref<65x64xf32, #tpu.memory_space<vmem>>, vector<1x16xf32>,
      %get3A_253 = vector.shape_cast %get3A_252 : vector<1x16xf32> to vector<16xf32>
      %add3A_254 = arith.addf %add3A_232, %get3A_253 : vector<16xf32>
      %get3A_255 = arith.index_cast %squeeze3A_239 : i32 to index
      %get3A_256 = arith.constant 48 : index
      %get3A_257 = tpu.vector_load %arg9[%get3A_255, %get3A_256] {strides = array<i32>} : memref<65x64xf32, #tpu.memory_space<vmem>>, vector<1x16xf32>,
      %get3A_258 = vector.shape_cast %get3A_257 : vector<1x16xf32> to vector<16xf32>
      %add3A_259 = arith.addf %add3A_237, %get3A_258 : vector<16xf32>
      %slice3A_260 = vector.extract_strided_slice %get3A_212 {offsets = [2], sizes = [1], strides = [1]} : vector<16xi32> to vector<1xi32>
      %squeeze3A_261 = vector.extract %slice3A_260[0] : i32 from vector<1xi32>
      %get3A_262 = arith.index_cast %squeeze3A_261 : i32 to index
      %get3A_263 = arith.constant 0 : index
      %get3A_264 = tpu.vector_load %arg9[%get3A_262, %get3A_263] {strides = array<i32>} : memref<65x64xf32, #tpu.memory_space<vmem>>, vector<1x16xf32>,
      %get3A_265 = vector.shape_cast %get3A_264 : vector<1x16xf32> to vector<16xf32>
      %add3A_266 = arith.addf %add3A_244, %get3A_265 : vector<16xf32>
      %get3A_267 = arith.index_cast %squeeze3A_261 : i32 to index
      %get3A_268 = arith.constant 16 : index
      %get3A_269 = tpu.vector_load %arg9[%get3A_267, %get3A_268] {strides = array<i32>} : memref<65x64xf32, #tpu.memory_space<vmem>>, vector<1x16xf32>,
      %get3A_270 = vector.shape_cast %get3A_269 : vector<1x16xf32> to vector<16xf32>
      %add3A_271 = arith.addf %add3A_249, %get3A_270 : vector<16xf32>
      %get3A_272 = arith.index_cast %squeeze3A_261 : i32 to index
      %get3A_273 = arith.constant 32 : index
      %get3A_274 = tpu.vector_load %arg9[%get3A_272, %get3A_273] {strides = array<i32>} : memref<65x64xf32, #tpu.memory_space<vmem>>, vector<1x16xf32>,
      %get3A_275 = vector.shape_cast %get3A_274 : vector<1x16xf32> to vector<16xf32>
      %add3A_276 = arith.addf %add3A_254, %get3A_275 : vector<16xf32>
      %get3A_277 = arith.index_cast %squeeze3A_261 : i32 to index
      %get3A_278 = arith.constant 48 : index
      %get3A_279 = tpu.vector_load %arg9[%get3A_277, %get3A_278] {strides = array<i32>} : memref<65x64xf32, #tpu.memory_space<vmem>>, vector<1x16xf32>,
      %get3A_280 = vector.shape_cast %get3A_279 : vector<1x16xf32> to vector<16xf32>
      %add3A_281 = arith.addf %add3A_259, %get3A_280 : vector<16xf32>
      %slice3A_282 = vector.extract_strided_slice %get3A_212 {offsets = [3], sizes = [1], strides = [1]} : vector<16xi32> to vector<1xi32>
      %squeeze3A_283 = vector.extract %slice3A_282[0] : i32 from vector<1xi32>
      %get3A_284 = arith.index_cast %squeeze3A_283 : i32 to index
      %get3A_285 = arith.constant 0 : index
      %get3A_286 = tpu.vector_load %arg9[%get3A_284, %get3A_285] {strides = array<i32>} : memref<65x64xf32, #tpu.memory_space<vmem>>, vector<1x16xf32>,
      %get3A_287 = vector.shape_cast %get3A_286 : vector<1x16xf32> to vector<16xf32>
      %add3A_288 = arith.addf %add3A_266, %get3A_287 : vector<16xf32>
      %get3A_289 = arith.index_cast %squeeze3A_283 : i32 to index
      %get3A_290 = arith.constant 16 : index
      %get3A_291 = tpu.vector_load %arg9[%get3A_289, %get3A_290] {strides = array<i32>} : memref<65x64xf32, #tpu.memory_space<vmem>>, vector<1x16xf32>,
      %get3A_292 = vector.shape_cast %get3A_291 : vector<1x16xf32> to vector<16xf32>
      %add3A_293 = arith.addf %add3A_271, %get3A_292 : vector<16xf32>
      %get3A_294 = arith.index_cast %squeeze3A_283 : i32 to index
      %get3A_295 = arith.constant 32 : index
      %get3A_296 = tpu.vector_load %arg9[%get3A_294, %get3A_295] {strides = array<i32>} : memref<65x64xf32, #tpu.memory_space<vmem>>, vector<1x16xf32>,
      %get3A_297 = vector.shape_cast %get3A_296 : vector<1x16xf32> to vector<16xf32>
      %add3A_298 = arith.addf %add3A_276, %get3A_297 : vector<16xf32>
      %get3A_299 = arith.index_cast %squeeze3A_283 : i32 to index
      %get3A_300 = arith.constant 48 : index
      %get3A_301 = tpu.vector_load %arg9[%get3A_299, %get3A_300] {strides = array<i32>} : memref<65x64xf32, #tpu.memory_space<vmem>>, vector<1x16xf32>,
      %get3A_302 = vector.shape_cast %get3A_301 : vector<1x16xf32> to vector<16xf32>
      %add3A_303 = arith.addf %add3A_281, %get3A_302 : vector<16xf32>
      %slice3A_304 = vector.extract_strided_slice %get3A_212 {offsets = [4], sizes = [1], strides = [1]} : vector<16xi32> to vector<1xi32>
      %squeeze3A_305 = vector.extract %slice3A_304[0] : i32 from vector<1xi32>
      %get3A_306 = arith.index_cast %squeeze3A_305 : i32 to index
      %get3A_307 = arith.constant 0 : index
      %get3A_308 = tpu.vector_load %arg9[%get3A_306, %get3A_307] {strides = array<i32>} : memref<65x64xf32, #tpu.memory_space<vmem>>, vector<1x16xf32>,
      %get3A_309 = vector.shape_cast %get3A_308 : vector<1x16xf32> to vector<16xf32>
      %add3A_310 = arith.addf %add3A_288, %get3A_309 : vector<16xf32>
      %get3A_311 = arith.index_cast %squeeze3A_305 : i32 to index
      %get3A_312 = arith.constant 16 : index
      %get3A_313 = tpu.vector_load %arg9[%get3A_311, %get3A_312] {strides = array<i32>} : memref<65x64xf32, #tpu.memory_space<vmem>>, vector<1x16xf32>,
      %get3A_314 = vector.shape_cast %get3A_313 : vector<1x16xf32> to vector<16xf32>
      %add3A_315 = arith.addf %add3A_293, %get3A_314 : vector<16xf32>
      %get3A_316 = arith.index_cast %squeeze3A_305 : i32 to index
      %get3A_317 = arith.constant 32 : index
      %get3A_318 = tpu.vector_load %arg9[%get3A_316, %get3A_317] {strides = array<i32>} : memref<65x64xf32, #tpu.memory_space<vmem>>, vector<1x16xf32>,
      %get3A_319 = vector.shape_cast %get3A_318 : vector<1x16xf32> to vector<16xf32>
      %add3A_320 = arith.addf %add3A_298, %get3A_319 : vector<16xf32>
      %get3A_321 = arith.index_cast %squeeze3A_305 : i32 to index
      %get3A_322 = arith.constant 48 : index
      %get3A_323 = tpu.vector_load %arg9[%get3A_321, %get3A_322] {strides = array<i32>} : memref<65x64xf32, #tpu.memory_space<vmem>>, vector<1x16xf32>,
      %get3A_324 = vector.shape_cast %get3A_323 : vector<1x16xf32> to vector<16xf32>
      %add3A_325 = arith.addf %add3A_303, %get3A_324 : vector<16xf32>
      %slice3A_326 = vector.extract_strided_slice %get3A_212 {offsets = [5], sizes = [1], strides = [1]} : vector<16xi32> to vector<1xi32>
      %squeeze3A_327 = vector.extract %slice3A_326[0] : i32 from vector<1xi32>
      %get3A_328 = arith.index_cast %squeeze3A_327 : i32 to index
      %get3A_329 = arith.constant 0 : index
      %get3A_330 = tpu.vector_load %arg9[%get3A_328, %get3A_329] {strides = array<i32>} : memref<65x64xf32, #tpu.memory_space<vmem>>, vector<1x16xf32>,
      %get3A_331 = vector.shape_cast %get3A_330 : vector<1x16xf32> to vector<16xf32>
      %add3A_332 = arith.addf %add3A_310, %get3A_331 : vector<16xf32>
      %get3A_333 = arith.index_cast %squeeze3A_327 : i32 to index
      %get3A_334 = arith.constant 16 : index
      %get3A_335 = tpu.vector_load %arg9[%get3A_333, %get3A_334] {strides = array<i32>} : memref<65x64xf32, #tpu.memory_space<vmem>>, vector<1x16xf32>,
      %get3A_336 = vector.shape_cast %get3A_335 : vector<1x16xf32> to vector<16xf32>
      %add3A_337 = arith.addf %add3A_315, %get3A_336 : vector<16xf32>
      %get3A_338 = arith.index_cast %squeeze3A_327 : i32 to index
      %get3A_339 = arith.constant 32 : index
      %get3A_340 = tpu.vector_load %arg9[%get3A_338, %get3A_339] {strides = array<i32>} : memref<65x64xf32, #tpu.memory_space<vmem>>, vector<1x16xf32>,
      %get3A_341 = vector.shape_cast %get3A_340 : vector<1x16xf32> to vector<16xf32>
      %add3A_342 = arith.addf %add3A_320, %get3A_341 : vector<16xf32>
      %get3A_343 = arith.index_cast %squeeze3A_327 : i32 to index
      %get3A_344 = arith.constant 48 : index
      %get3A_345 = tpu.vector_load %arg9[%get3A_343, %get3A_344] {strides = array<i32>} : memref<65x64xf32, #tpu.memory_space<vmem>>, vector<1x16xf32>,
      %get3A_346 = vector.shape_cast %get3A_345 : vector<1x16xf32> to vector<16xf32>
      %add3A_347 = arith.addf %add3A_325, %get3A_346 : vector<16xf32>
      %slice3A_348 = vector.extract_strided_slice %get3A_212 {offsets = [6], sizes = [1], strides = [1]} : vector<16xi32> to vector<1xi32>
      %squeeze3A_349 = vector.extract %slice3A_348[0] : i32 from vector<1xi32>
      %get3A_350 = arith.index_cast %squeeze3A_349 : i32 to index
      %get3A_351 = arith.constant 0 : index
      %get3A_352 = tpu.vector_load %arg9[%get3A_350, %get3A_351] {strides = array<i32>} : memref<65x64xf32, #tpu.memory_space<vmem>>, vector<1x16xf32>,
      %get3A_353 = vector.shape_cast %get3A_352 : vector<1x16xf32> to vector<16xf32>
      %add3A_354 = arith.addf %add3A_332, %get3A_353 : vector<16xf32>
      %get3A_355 = arith.index_cast %squeeze3A_349 : i32 to index
      %get3A_356 = arith.constant 16 : index
      %get3A_357 = tpu.vector_load %arg9[%get3A_355, %get3A_356] {strides = array<i32>} : memref<65x64xf32, #tpu.memory_space<vmem>>, vector<1x16xf32>,
      %get3A_358 = vector.shape_cast %get3A_357 : vector<1x16xf32> to vector<16xf32>
      %add3A_359 = arith.addf %add3A_337, %get3A_358 : vector<16xf32>
      %get3A_360 = arith.index_cast %squeeze3A_349 : i32 to index
      %get3A_361 = arith.constant 32 : index
      %get3A_362 = tpu.vector_load %arg9[%get3A_360, %get3A_361] {strides = array<i32>} : memref<65x64xf32, #tpu.memory_space<vmem>>, vector<1x16xf32>,
      %get3A_363 = vector.shape_cast %get3A_362 : vector<1x16xf32> to vector<16xf32>
      %add3A_364 = arith.addf %add3A_342, %get3A_363 : vector<16xf32>
      %get3A_365 = arith.index_cast %squeeze3A_349 : i32 to index
      %get3A_366 = arith.constant 48 : index
      %get3A_367 = tpu.vector_load %arg9[%get3A_365, %get3A_366] {strides = array<i32>} : memref<65x64xf32, #tpu.memory_space<vmem>>, vector<1x16xf32>,
      %get3A_368 = vector.shape_cast %get3A_367 : vector<1x16xf32> to vector<16xf32>
      %add3A_369 = arith.addf %add3A_347, %get3A_368 : vector<16xf32>
      %slice3A_370 = vector.extract_strided_slice %get3A_212 {offsets = [7], sizes = [1], strides = [1]} : vector<16xi32> to vector<1xi32>
      %squeeze3A_371 = vector.extract %slice3A_370[0] : i32 from vector<1xi32>
      %get3A_372 = arith.index_cast %squeeze3A_371 : i32 to index
      %get3A_373 = arith.constant 0 : index
      %get3A_374 = tpu.vector_load %arg9[%get3A_372, %get3A_373] {strides = array<i32>} : memref<65x64xf32, #tpu.memory_space<vmem>>, vector<1x16xf32>,
      %get3A_375 = vector.shape_cast %get3A_374 : vector<1x16xf32> to vector<16xf32>
      %add3A_376 = arith.addf %add3A_354, %get3A_375 : vector<16xf32>
      %get3A_377 = arith.index_cast %squeeze3A_371 : i32 to index
      %get3A_378 = arith.constant 16 : index
      %get3A_379 = tpu.vector_load %arg9[%get3A_377, %get3A_378] {strides = array<i32>} : memref<65x64xf32, #tpu.memory_space<vmem>>, vector<1x16xf32>,
      %get3A_380 = vector.shape_cast %get3A_379 : vector<1x16xf32> to vector<16xf32>
      %add3A_381 = arith.addf %add3A_359, %get3A_380 : vector<16xf32>
      %get3A_382 = arith.index_cast %squeeze3A_371 : i32 to index
      %get3A_383 = arith.constant 32 : index
      %get3A_384 = tpu.vector_load %arg9[%get3A_382, %get3A_383] {strides = array<i32>} : memref<65x64xf32, #tpu.memory_space<vmem>>, vector<1x16xf32>,
      %get3A_385 = vector.shape_cast %get3A_384 : vector<1x16xf32> to vector<16xf32>
      %add3A_386 = arith.addf %add3A_364, %get3A_385 : vector<16xf32>
      %get3A_387 = arith.index_cast %squeeze3A_371 : i32 to index
      %get3A_388 = arith.constant 48 : index
      %get3A_389 = tpu.vector_load %arg9[%get3A_387, %get3A_388] {strides = array<i32>} : memref<65x64xf32, #tpu.memory_space<vmem>>, vector<1x16xf32>,
      %get3A_390 = vector.shape_cast %get3A_389 : vector<1x16xf32> to vector<16xf32>
      %add3A_391 = arith.addf %add3A_369, %get3A_390 : vector<16xf32>
      %slice3A_392 = vector.extract_strided_slice %get3A_212 {offsets = [8], sizes = [1], strides = [1]} : vector<16xi32> to vector<1xi32>
      %squeeze3A_393 = vector.extract %slice3A_392[0] : i32 from vector<1xi32>
      %get3A_394 = arith.index_cast %squeeze3A_393 : i32 to index
      %get3A_395 = arith.constant 0 : index
      %get3A_396 = tpu.vector_load %arg9[%get3A_394, %get3A_395] {strides = array<i32>} : memref<65x64xf32, #tpu.memory_space<vmem>>, vector<1x16xf32>,
      %get3A_397 = vector.shape_cast %get3A_396 : vector<1x16xf32> to vector<16xf32>
      %add3A_398 = arith.addf %add3A_376, %get3A_397 : vector<16xf32>
      %get3A_399 = arith.index_cast %squeeze3A_393 : i32 to index
      %get3A_400 = arith.constant 16 : index
      %get3A_401 = tpu.vector_load %arg9[%get3A_399, %get3A_400] {strides = array<i32>} : memref<65x64xf32, #tpu.memory_space<vmem>>, vector<1x16xf32>,
      %get3A_402 = vector.shape_cast %get3A_401 : vector<1x16xf32> to vector<16xf32>
      %add3A_403 = arith.addf %add3A_381, %get3A_402 : vector<16xf32>
      %get3A_404 = arith.index_cast %squeeze3A_393 : i32 to index
      %get3A_405 = arith.constant 32 : index
      %get3A_406 = tpu.vector_load %arg9[%get3A_404, %get3A_405] {strides = array<i32>} : memref<65x64xf32, #tpu.memory_space<vmem>>, vector<1x16xf32>,
      %get3A_407 = vector.shape_cast %get3A_406 : vector<1x16xf32> to vector<16xf32>
      %add3A_408 = arith.addf %add3A_386, %get3A_407 : vector<16xf32>
      %get3A_409 = arith.index_cast %squeeze3A_393 : i32 to index
      %get3A_410 = arith.constant 48 : index
      %get3A_411 = tpu.vector_load %arg9[%get3A_409, %get3A_410] {strides = array<i32>} : memref<65x64xf32, #tpu.memory_space<vmem>>, vector<1x16xf32>,
      %get3A_412 = vector.shape_cast %get3A_411 : vector<1x16xf32> to vector<16xf32>
      %add3A_413 = arith.addf %add3A_391, %get3A_412 : vector<16xf32>
      %slice3A_414 = vector.extract_strided_slice %get3A_212 {offsets = [9], sizes = [1], strides = [1]} : vector<16xi32> to vector<1xi32>
      %squeeze3A_415 = vector.extract %slice3A_414[0] : i32 from vector<1xi32>
      %get3A_416 = arith.index_cast %squeeze3A_415 : i32 to index
      %get3A_417 = arith.constant 0 : index
      %get3A_418 = tpu.vector_load %arg9[%get3A_416, %get3A_417] {strides = array<i32>} : memref<65x64xf32, #tpu.memory_space<vmem>>, vector<1x16xf32>,
      %get3A_419 = vector.shape_cast %get3A_418 : vector<1x16xf32> to vector<16xf32>
      %add3A_420 = arith.addf %add3A_398, %get3A_419 : vector<16xf32>
      %get3A_421 = arith.index_cast %squeeze3A_415 : i32 to index
      %get3A_422 = arith.constant 16 : index
      %get3A_423 = tpu.vector_load %arg9[%get3A_421, %get3A_422] {strides = array<i32>} : memref<65x64xf32, #tpu.memory_space<vmem>>, vector<1x16xf32>,
      %get3A_424 = vector.shape_cast %get3A_423 : vector<1x16xf32> to vector<16xf32>
      %add3A_425 = arith.addf %add3A_403, %get3A_424 : vector<16xf32>
      %get3A_426 = arith.index_cast %squeeze3A_415 : i32 to index
      %get3A_427 = arith.constant 32 : index
      %get3A_428 = tpu.vector_load %arg9[%get3A_426, %get3A_427] {strides = array<i32>} : memref<65x64xf32, #tpu.memory_space<vmem>>, vector<1x16xf32>,
      %get3A_429 = vector.shape_cast %get3A_428 : vector<1x16xf32> to vector<16xf32>
      %add3A_430 = arith.addf %add3A_408, %get3A_429 : vector<16xf32>
      %get3A_431 = arith.index_cast %squeeze3A_415 : i32 to index
      %get3A_432 = arith.constant 48 : index
      %get3A_433 = tpu.vector_load %arg9[%get3A_431, %get3A_432] {strides = array<i32>} : memref<65x64xf32, #tpu.memory_space<vmem>>, vector<1x16xf32>,
      %get3A_434 = vector.shape_cast %get3A_433 : vector<1x16xf32> to vector<16xf32>
      %add3A_435 = arith.addf %add3A_413, %get3A_434 : vector<16xf32>
      %slice3A_436 = vector.extract_strided_slice %get3A_212 {offsets = [10], sizes = [1], strides = [1]} : vector<16xi32> to vector<1xi32>
      %squeeze3A_437 = vector.extract %slice3A_436[0] : i32 from vector<1xi32>
      %get3A_438 = arith.index_cast %squeeze3A_437 : i32 to index
      %get3A_439 = arith.constant 0 : index
      %get3A_440 = tpu.vector_load %arg9[%get3A_438, %get3A_439] {strides = array<i32>} : memref<65x64xf32, #tpu.memory_space<vmem>>, vector<1x16xf32>,
      %get3A_441 = vector.shape_cast %get3A_440 : vector<1x16xf32> to vector<16xf32>
      %add3A_442 = arith.addf %add3A_420, %get3A_441 : vector<16xf32>
      %get3A_443 = arith.index_cast %squeeze3A_437 : i32 to index
      %get3A_444 = arith.constant 16 : index
      %get3A_445 = tpu.vector_load %arg9[%get3A_443, %get3A_444] {strides = array<i32>} : memref<65x64xf32, #tpu.memory_space<vmem>>, vector<1x16xf32>,
      %get3A_446 = vector.shape_cast %get3A_445 : vector<1x16xf32> to vector<16xf32>
      %add3A_447 = arith.addf %add3A_425, %get3A_446 : vector<16xf32>
      %get3A_448 = arith.index_cast %squeeze3A_437 : i32 to index
      %get3A_449 = arith.constant 32 : index
      %get3A_450 = tpu.vector_load %arg9[%get3A_448, %get3A_449] {strides = array<i32>} : memref<65x64xf32, #tpu.memory_space<vmem>>, vector<1x16xf32>,
      %get3A_451 = vector.shape_cast %get3A_450 : vector<1x16xf32> to vector<16xf32>
      %add3A_452 = arith.addf %add3A_430, %get3A_451 : vector<16xf32>
      %get3A_453 = arith.index_cast %squeeze3A_437 : i32 to index
      %get3A_454 = arith.constant 48 : index
      %get3A_455 = tpu.vector_load %arg9[%get3A_453, %get3A_454] {strides = array<i32>} : memref<65x64xf32, #tpu.memory_space<vmem>>, vector<1x16xf32>,
      %get3A_456 = vector.shape_cast %get3A_455 : vector<1x16xf32> to vector<16xf32>
      %add3A_457 = arith.addf %add3A_435, %get3A_456 : vector<16xf32>
      %slice3A_458 = vector.extract_strided_slice %get3A_212 {offsets = [11], sizes = [1], strides = [1]} : vector<16xi32> to vector<1xi32>
      %squeeze3A_459 = vector.extract %slice3A_458[0] : i32 from vector<1xi32>
      %get3A_460 = arith.index_cast %squeeze3A_459 : i32 to index
      %get3A_461 = arith.constant 0 : index
      %get3A_462 = tpu.vector_load %arg9[%get3A_460, %get3A_461] {strides = array<i32>} : memref<65x64xf32, #tpu.memory_space<vmem>>, vector<1x16xf32>,
      %get3A_463 = vector.shape_cast %get3A_462 : vector<1x16xf32> to vector<16xf32>
      %add3A_464 = arith.addf %add3A_442, %get3A_463 : vector<16xf32>
      %get3A_465 = arith.index_cast %squeeze3A_459 : i32 to index
      %get3A_466 = arith.constant 16 : index
      %get3A_467 = tpu.vector_load %arg9[%get3A_465, %get3A_466] {strides = array<i32>} : memref<65x64xf32, #tpu.memory_space<vmem>>, vector<1x16xf32>,
      %get3A_468 = vector.shape_cast %get3A_467 : vector<1x16xf32> to vector<16xf32>
      %add3A_469 = arith.addf %add3A_447, %get3A_468 : vector<16xf32>
      %get3A_470 = arith.index_cast %squeeze3A_459 : i32 to index
      %get3A_471 = arith.constant 32 : index
      %get3A_472 = tpu.vector_load %arg9[%get3A_470, %get3A_471] {strides = array<i32>} : memref<65x64xf32, #tpu.memory_space<vmem>>, vector<1x16xf32>,
      %get3A_473 = vector.shape_cast %get3A_472 : vector<1x16xf32> to vector<16xf32>
      %add3A_474 = arith.addf %add3A_452, %get3A_473 : vector<16xf32>
      %get3A_475 = arith.index_cast %squeeze3A_459 : i32 to index
      %get3A_476 = arith.constant 48 : index
      %get3A_477 = tpu.vector_load %arg9[%get3A_475, %get3A_476] {strides = array<i32>} : memref<65x64xf32, #tpu.memory_space<vmem>>, vector<1x16xf32>,
      %get3A_478 = vector.shape_cast %get3A_477 : vector<1x16xf32> to vector<16xf32>
      %add3A_479 = arith.addf %add3A_457, %get3A_478 : vector<16xf32>
      %slice3A_480 = vector.extract_strided_slice %get3A_212 {offsets = [12], sizes = [1], strides = [1]} : vector<16xi32> to vector<1xi32>
      %squeeze3A_481 = vector.extract %slice3A_480[0] : i32 from vector<1xi32>
      %get3A_482 = arith.index_cast %squeeze3A_481 : i32 to index
      %get3A_483 = arith.constant 0 : index
      %get3A_484 = tpu.vector_load %arg9[%get3A_482, %get3A_483] {strides = array<i32>} : memref<65x64xf32, #tpu.memory_space<vmem>>, vector<1x16xf32>,
      %get3A_485 = vector.shape_cast %get3A_484 : vector<1x16xf32> to vector<16xf32>
      %add3A_486 = arith.addf %add3A_464, %get3A_485 : vector<16xf32>
      %get3A_487 = arith.index_cast %squeeze3A_481 : i32 to index
      %get3A_488 = arith.constant 16 : index
      %get3A_489 = tpu.vector_load %arg9[%get3A_487, %get3A_488] {strides = array<i32>} : memref<65x64xf32, #tpu.memory_space<vmem>>, vector<1x16xf32>,
      %get3A_490 = vector.shape_cast %get3A_489 : vector<1x16xf32> to vector<16xf32>
      %add3A_491 = arith.addf %add3A_469, %get3A_490 : vector<16xf32>
      %get3A_492 = arith.index_cast %squeeze3A_481 : i32 to index
      %get3A_493 = arith.constant 32 : index
      %get3A_494 = tpu.vector_load %arg9[%get3A_492, %get3A_493] {strides = array<i32>} : memref<65x64xf32, #tpu.memory_space<vmem>>, vector<1x16xf32>,
      %get3A_495 = vector.shape_cast %get3A_494 : vector<1x16xf32> to vector<16xf32>
      %add3A_496 = arith.addf %add3A_474, %get3A_495 : vector<16xf32>
      %get3A_497 = arith.index_cast %squeeze3A_481 : i32 to index
      %get3A_498 = arith.constant 48 : index
      %get3A_499 = tpu.vector_load %arg9[%get3A_497, %get3A_498] {strides = array<i32>} : memref<65x64xf32, #tpu.memory_space<vmem>>, vector<1x16xf32>,
      %get3A_500 = vector.shape_cast %get3A_499 : vector<1x16xf32> to vector<16xf32>
      %add3A_501 = arith.addf %add3A_479, %get3A_500 : vector<16xf32>
      %slice3A_502 = vector.extract_strided_slice %get3A_212 {offsets = [13], sizes = [1], strides = [1]} : vector<16xi32> to vector<1xi32>
      %squeeze3A_503 = vector.extract %slice3A_502[0] : i32 from vector<1xi32>
      %get3A_504 = arith.index_cast %squeeze3A_503 : i32 to index
      %get3A_505 = arith.constant 0 : index
      %get3A_506 = tpu.vector_load %arg9[%get3A_504, %get3A_505] {strides = array<i32>} : memref<65x64xf32, #tpu.memory_space<vmem>>, vector<1x16xf32>,
      %get3A_507 = vector.shape_cast %get3A_506 : vector<1x16xf32> to vector<16xf32>
      %add3A_508 = arith.addf %add3A_486, %get3A_507 : vector<16xf32>
      %get3A_509 = arith.index_cast %squeeze3A_503 : i32 to index
      %get3A_510 = arith.constant 16 : index
      %get3A_511 = tpu.vector_load %arg9[%get3A_509, %get3A_510] {strides = array<i32>} : memref<65x64xf32, #tpu.memory_space<vmem>>, vector<1x16xf32>,
      %get3A_512 = vector.shape_cast %get3A_511 : vector<1x16xf32> to vector<16xf32>
      %add3A_513 = arith.addf %add3A_491, %get3A_512 : vector<16xf32>
      %get3A_514 = arith.index_cast %squeeze3A_503 : i32 to index
      %get3A_515 = arith.constant 32 : index
      %get3A_516 = tpu.vector_load %arg9[%get3A_514, %get3A_515] {strides = array<i32>} : memref<65x64xf32, #tpu.memory_space<vmem>>, vector<1x16xf32>,
      %get3A_517 = vector.shape_cast %get3A_516 : vector<1x16xf32> to vector<16xf32>
      %add3A_518 = arith.addf %add3A_496, %get3A_517 : vector<16xf32>
      %get3A_519 = arith.index_cast %squeeze3A_503 : i32 to index
      %get3A_520 = arith.constant 48 : index
      %get3A_521 = tpu.vector_load %arg9[%get3A_519, %get3A_520] {strides = array<i32>} : memref<65x64xf32, #tpu.memory_space<vmem>>, vector<1x16xf32>,
      %get3A_522 = vector.shape_cast %get3A_521 : vector<1x16xf32> to vector<16xf32>
      %add3A_523 = arith.addf %add3A_501, %get3A_522 : vector<16xf32>
      %slice3A_524 = vector.extract_strided_slice %get3A_212 {offsets = [14], sizes = [1], strides = [1]} : vector<16xi32> to vector<1xi32>
      %squeeze3A_525 = vector.extract %slice3A_524[0] : i32 from vector<1xi32>
      %get3A_526 = arith.index_cast %squeeze3A_525 : i32 to index
      %get3A_527 = arith.constant 0 : index
      %get3A_528 = tpu.vector_load %arg9[%get3A_526, %get3A_527] {strides = array<i32>} : memref<65x64xf32, #tpu.memory_space<vmem>>, vector<1x16xf32>,
      %get3A_529 = vector.shape_cast %get3A_528 : vector<1x16xf32> to vector<16xf32>
      %add3A_530 = arith.addf %add3A_508, %get3A_529 : vector<16xf32>
      %get3A_531 = arith.index_cast %squeeze3A_525 : i32 to index
      %get3A_532 = arith.constant 16 : index
      %get3A_533 = tpu.vector_load %arg9[%get3A_531, %get3A_532] {strides = array<i32>} : memref<65x64xf32, #tpu.memory_space<vmem>>, vector<1x16xf32>,
      %get3A_534 = vector.shape_cast %get3A_533 : vector<1x16xf32> to vector<16xf32>
      %add3A_535 = arith.addf %add3A_513, %get3A_534 : vector<16xf32>
      %get3A_536 = arith.index_cast %squeeze3A_525 : i32 to index
      %get3A_537 = arith.constant 32 : index
      %get3A_538 = tpu.vector_load %arg9[%get3A_536, %get3A_537] {strides = array<i32>} : memref<65x64xf32, #tpu.memory_space<vmem>>, vector<1x16xf32>,
      %get3A_539 = vector.shape_cast %get3A_538 : vector<1x16xf32> to vector<16xf32>
      %add3A_540 = arith.addf %add3A_518, %get3A_539 : vector<16xf32>
      %get3A_541 = arith.index_cast %squeeze3A_525 : i32 to index
      %get3A_542 = arith.constant 48 : index
      %get3A_543 = tpu.vector_load %arg9[%get3A_541, %get3A_542] {strides = array<i32>} : memref<65x64xf32, #tpu.memory_space<vmem>>, vector<1x16xf32>,
      %get3A_544 = vector.shape_cast %get3A_543 : vector<1x16xf32> to vector<16xf32>
      %add3A_545 = arith.addf %add3A_523, %get3A_544 : vector<16xf32>
      %slice3A_546 = vector.extract_strided_slice %get3A_212 {offsets = [15], sizes = [1], strides = [1]} : vector<16xi32> to vector<1xi32>
      %squeeze3A_547 = vector.extract %slice3A_546[0] : i32 from vector<1xi32>
      %get3A_548 = arith.index_cast %squeeze3A_547 : i32 to index
      %get3A_549 = arith.constant 0 : index
      %get3A_550 = tpu.vector_load %arg9[%get3A_548, %get3A_549] {strides = array<i32>} : memref<65x64xf32, #tpu.memory_space<vmem>>, vector<1x16xf32>,
      %get3A_551 = vector.shape_cast %get3A_550 : vector<1x16xf32> to vector<16xf32>
      %add3A_552 = arith.addf %add3A_530, %get3A_551 : vector<16xf32>
      %get3A_553 = arith.index_cast %squeeze3A_547 : i32 to index
      %get3A_554 = arith.constant 16 : index
      %get3A_555 = tpu.vector_load %arg9[%get3A_553, %get3A_554] {strides = array<i32>} : memref<65x64xf32, #tpu.memory_space<vmem>>, vector<1x16xf32>,
      %get3A_556 = vector.shape_cast %get3A_555 : vector<1x16xf32> to vector<16xf32>
      %add3A_557 = arith.addf %add3A_535, %get3A_556 : vector<16xf32>
      %get3A_558 = arith.index_cast %squeeze3A_547 : i32 to index
      %get3A_559 = arith.constant 32 : index
      %get3A_560 = tpu.vector_load %arg9[%get3A_558, %get3A_559] {strides = array<i32>} : memref<65x64xf32, #tpu.memory_space<vmem>>, vector<1x16xf32>,
      %get3A_561 = vector.shape_cast %get3A_560 : vector<1x16xf32> to vector<16xf32>
      %add3A_562 = arith.addf %add3A_540, %get3A_561 : vector<16xf32>
      %get3A_563 = arith.index_cast %squeeze3A_547 : i32 to index
      %get3A_564 = arith.constant 48 : index
      %get3A_565 = tpu.vector_load %arg9[%get3A_563, %get3A_564] {strides = array<i32>} : memref<65x64xf32, #tpu.memory_space<vmem>>, vector<1x16xf32>,
      %get3A_566 = vector.shape_cast %get3A_565 : vector<1x16xf32> to vector<16xf32>
      %add3A_567 = arith.addf %add3A_545, %get3A_566 : vector<16xf32>
      %slice3A_568 = vector.extract_strided_slice %get3A_216 {offsets = [0], sizes = [1], strides = [1]} : vector<16xi32> to vector<1xi32>
      %squeeze3A_569 = vector.extract %slice3A_568[0] : i32 from vector<1xi32>
      %get3A_570 = arith.index_cast %squeeze3A_569 : i32 to index
      %get3A_571 = arith.constant 0 : index
      %get3A_572 = tpu.vector_load %arg9[%get3A_570, %get3A_571] {strides = array<i32>} : memref<65x64xf32, #tpu.memory_space<vmem>>, vector<1x16xf32>,
      %get3A_573 = vector.shape_cast %get3A_572 : vector<1x16xf32> to vector<16xf32>
      %add3A_574 = arith.addf %add3A_552, %get3A_573 : vector<16xf32>
      %get3A_575 = arith.index_cast %squeeze3A_569 : i32 to index
      %get3A_576 = arith.constant 16 : index
      %get3A_577 = tpu.vector_load %arg9[%get3A_575, %get3A_576] {strides = array<i32>} : memref<65x64xf32, #tpu.memory_space<vmem>>, vector<1x16xf32>,
      %get3A_578 = vector.shape_cast %get3A_577 : vector<1x16xf32> to vector<16xf32>
      %add3A_579 = arith.addf %add3A_557, %get3A_578 : vector<16xf32>
      %get3A_580 = arith.index_cast %squeeze3A_569 : i32 to index
      %get3A_581 = arith.constant 32 : index
      %get3A_582 = tpu.vector_load %arg9[%get3A_580, %get3A_581] {strides = array<i32>} : memref<65x64xf32, #tpu.memory_space<vmem>>, vector<1x16xf32>,
      %get3A_583 = vector.shape_cast %get3A_582 : vector<1x16xf32> to vector<16xf32>
      %add3A_584 = arith.addf %add3A_562, %get3A_583 : vector<16xf32>
      %get3A_585 = arith.index_cast %squeeze3A_569 : i32 to index
      %get3A_586 = arith.constant 48 : index
      %get3A_587 = tpu.vector_load %arg9[%get3A_585, %get3A_586] {strides = array<i32>} : memref<65x64xf32, #tpu.memory_space<vmem>>, vector<1x16xf32>,
      %get3A_588 = vector.shape_cast %get3A_587 : vector<1x16xf32> to vector<16xf32>
      %add3A_589 = arith.addf %add3A_567, %get3A_588 : vector<16xf32>
      %slice3A_590 = vector.extract_strided_slice %get3A_216 {offsets = [1], sizes = [1], strides = [1]} : vector<16xi32> to vector<1xi32>
      %squeeze3A_591 = vector.extract %slice3A_590[0] : i32 from vector<1xi32>
      %get3A_592 = arith.index_cast %squeeze3A_591 : i32 to index
      %get3A_593 = arith.constant 0 : index
      %get3A_594 = tpu.vector_load %arg9[%get3A_592, %get3A_593] {strides = array<i32>} : memref<65x64xf32, #tpu.memory_space<vmem>>, vector<1x16xf32>,
      %get3A_595 = vector.shape_cast %get3A_594 : vector<1x16xf32> to vector<16xf32>
      %add3A_596 = arith.addf %add3A_574, %get3A_595 : vector<16xf32>
      %get3A_597 = arith.index_cast %squeeze3A_591 : i32 to index
      %get3A_598 = arith.constant 16 : index
      %get3A_599 = tpu.vector_load %arg9[%get3A_597, %get3A_598] {strides = array<i32>} : memref<65x64xf32, #tpu.memory_space<vmem>>, vector<1x16xf32>,
      %get3A_600 = vector.shape_cast %get3A_599 : vector<1x16xf32> to vector<16xf32>
      %add3A_601 = arith.addf %add3A_579, %get3A_600 : vector<16xf32>
      %get3A_602 = arith.index_cast %squeeze3A_591 : i32 to index
      %get3A_603 = arith.constant 32 : index
      %get3A_604 = tpu.vector_load %arg9[%get3A_602, %get3A_603] {strides = array<i32>} : memref<65x64xf32, #tpu.memory_space<vmem>>, vector<1x16xf32>,
      %get3A_605 = vector.shape_cast %get3A_604 : vector<1x16xf32> to vector<16xf32>
      %add3A_606 = arith.addf %add3A_584, %get3A_605 : vector<16xf32>
      %get3A_607 = arith.index_cast %squeeze3A_591 : i32 to index
      %get3A_608 = arith.constant 48 : index
      %get3A_609 = tpu.vector_load %arg9[%get3A_607, %get3A_608] {strides = array<i32>} : memref<65x64xf32, #tpu.memory_space<vmem>>, vector<1x16xf32>,
      %get3A_610 = vector.shape_cast %get3A_609 : vector<1x16xf32> to vector<16xf32>
      %add3A_611 = arith.addf %add3A_589, %get3A_610 : vector<16xf32>
      %slice3A_612 = vector.extract_strided_slice %get3A_216 {offsets = [2], sizes = [1], strides = [1]} : vector<16xi32> to vector<1xi32>
      %squeeze3A_613 = vector.extract %slice3A_612[0] : i32 from vector<1xi32>
      %get3A_614 = arith.index_cast %squeeze3A_613 : i32 to index
      %get3A_615 = arith.constant 0 : index
      %get3A_616 = tpu.vector_load %arg9[%get3A_614, %get3A_615] {strides = array<i32>} : memref<65x64xf32, #tpu.memory_space<vmem>>, vector<1x16xf32>,
      %get3A_617 = vector.shape_cast %get3A_616 : vector<1x16xf32> to vector<16xf32>
      %add3A_618 = arith.addf %add3A_596, %get3A_617 : vector<16xf32>
      %get3A_619 = arith.index_cast %squeeze3A_613 : i32 to index
      %get3A_620 = arith.constant 16 : index
      %get3A_621 = tpu.vector_load %arg9[%get3A_619, %get3A_620] {strides = array<i32>} : memref<65x64xf32, #tpu.memory_space<vmem>>, vector<1x16xf32>,
      %get3A_622 = vector.shape_cast %get3A_621 : vector<1x16xf32> to vector<16xf32>
      %add3A_623 = arith.addf %add3A_601, %get3A_622 : vector<16xf32>
      %get3A_624 = arith.index_cast %squeeze3A_613 : i32 to index
      %get3A_625 = arith.constant 32 : index
      %get3A_626 = tpu.vector_load %arg9[%get3A_624, %get3A_625] {strides = array<i32>} : memref<65x64xf32, #tpu.memory_space<vmem>>, vector<1x16xf32>,
      %get3A_627 = vector.shape_cast %get3A_626 : vector<1x16xf32> to vector<16xf32>
      %add3A_628 = arith.addf %add3A_606, %get3A_627 : vector<16xf32>
      %get3A_629 = arith.index_cast %squeeze3A_613 : i32 to index
      %get3A_630 = arith.constant 48 : index
      %get3A_631 = tpu.vector_load %arg9[%get3A_629, %get3A_630] {strides = array<i32>} : memref<65x64xf32, #tpu.memory_space<vmem>>, vector<1x16xf32>,
      %get3A_632 = vector.shape_cast %get3A_631 : vector<1x16xf32> to vector<16xf32>
      %add3A_633 = arith.addf %add3A_611, %get3A_632 : vector<16xf32>
      %slice3A_634 = vector.extract_strided_slice %get3A_216 {offsets = [3], sizes = [1], strides = [1]} : vector<16xi32> to vector<1xi32>
      %squeeze3A_635 = vector.extract %slice3A_634[0] : i32 from vector<1xi32>
      %get3A_636 = arith.index_cast %squeeze3A_635 : i32 to index
      %get3A_637 = arith.constant 0 : index
      %get3A_638 = tpu.vector_load %arg9[%get3A_636, %get3A_637] {strides = array<i32>} : memref<65x64xf32, #tpu.memory_space<vmem>>, vector<1x16xf32>,
      %get3A_639 = vector.shape_cast %get3A_638 : vector<1x16xf32> to vector<16xf32>
      %add3A_640 = arith.addf %add3A_618, %get3A_639 : vector<16xf32>
      %get3A_641 = arith.index_cast %squeeze3A_635 : i32 to index
      %get3A_642 = arith.constant 16 : index
      %get3A_643 = tpu.vector_load %arg9[%get3A_641, %get3A_642] {strides = array<i32>} : memref<65x64xf32, #tpu.memory_space<vmem>>, vector<1x16xf32>,
      %get3A_644 = vector.shape_cast %get3A_643 : vector<1x16xf32> to vector<16xf32>
      %add3A_645 = arith.addf %add3A_623, %get3A_644 : vector<16xf32>
      %get3A_646 = arith.index_cast %squeeze3A_635 : i32 to index
      %get3A_647 = arith.constant 32 : index
      %get3A_648 = tpu.vector_load %arg9[%get3A_646, %get3A_647] {strides = array<i32>} : memref<65x64xf32, #tpu.memory_space<vmem>>, vector<1x16xf32>,
      %get3A_649 = vector.shape_cast %get3A_648 : vector<1x16xf32> to vector<16xf32>
      %add3A_650 = arith.addf %add3A_628, %get3A_649 : vector<16xf32>
      %get3A_651 = arith.index_cast %squeeze3A_635 : i32 to index
      %get3A_652 = arith.constant 48 : index
      %get3A_653 = tpu.vector_load %arg9[%get3A_651, %get3A_652] {strides = array<i32>} : memref<65x64xf32, #tpu.memory_space<vmem>>, vector<1x16xf32>,
      %get3A_654 = vector.shape_cast %get3A_653 : vector<1x16xf32> to vector<16xf32>
      %add3A_655 = arith.addf %add3A_633, %get3A_654 : vector<16xf32>
      %slice3A_656 = vector.extract_strided_slice %get3A_216 {offsets = [4], sizes = [1], strides = [1]} : vector<16xi32> to vector<1xi32>
      %squeeze3A_657 = vector.extract %slice3A_656[0] : i32 from vector<1xi32>
      %get3A_658 = arith.index_cast %squeeze3A_657 : i32 to index
      %get3A_659 = arith.constant 0 : index
      %get3A_660 = tpu.vector_load %arg9[%get3A_658, %get3A_659] {strides = array<i32>} : memref<65x64xf32, #tpu.memory_space<vmem>>, vector<1x16xf32>,
      %get3A_661 = vector.shape_cast %get3A_660 : vector<1x16xf32> to vector<16xf32>
      %add3A_662 = arith.addf %add3A_640, %get3A_661 : vector<16xf32>
      %get3A_663 = arith.index_cast %squeeze3A_657 : i32 to index
      %get3A_664 = arith.constant 16 : index
      %get3A_665 = tpu.vector_load %arg9[%get3A_663, %get3A_664] {strides = array<i32>} : memref<65x64xf32, #tpu.memory_space<vmem>>, vector<1x16xf32>,
      %get3A_666 = vector.shape_cast %get3A_665 : vector<1x16xf32> to vector<16xf32>
      %add3A_667 = arith.addf %add3A_645, %get3A_666 : vector<16xf32>
      %get3A_668 = arith.index_cast %squeeze3A_657 : i32 to index
      %get3A_669 = arith.constant 32 : index
      %get3A_670 = tpu.vector_load %arg9[%get3A_668, %get3A_669] {strides = array<i32>} : memref<65x64xf32, #tpu.memory_space<vmem>>, vector<1x16xf32>,
      %get3A_671 = vector.shape_cast %get3A_670 : vector<1x16xf32> to vector<16xf32>
      %add3A_672 = arith.addf %add3A_650, %get3A_671 : vector<16xf32>
      %get3A_673 = arith.index_cast %squeeze3A_657 : i32 to index
      %get3A_674 = arith.constant 48 : index
      %get3A_675 = tpu.vector_load %arg9[%get3A_673, %get3A_674] {strides = array<i32>} : memref<65x64xf32, #tpu.memory_space<vmem>>, vector<1x16xf32>,
      %get3A_676 = vector.shape_cast %get3A_675 : vector<1x16xf32> to vector<16xf32>
      %add3A_677 = arith.addf %add3A_655, %get3A_676 : vector<16xf32>
      %slice3A_678 = vector.extract_strided_slice %get3A_216 {offsets = [5], sizes = [1], strides = [1]} : vector<16xi32> to vector<1xi32>
      %squeeze3A_679 = vector.extract %slice3A_678[0] : i32 from vector<1xi32>
      %get3A_680 = arith.index_cast %squeeze3A_679 : i32 to index
      %get3A_681 = arith.constant 0 : index
      %get3A_682 = tpu.vector_load %arg9[%get3A_680, %get3A_681] {strides = array<i32>} : memref<65x64xf32, #tpu.memory_space<vmem>>, vector<1x16xf32>,
      %get3A_683 = vector.shape_cast %get3A_682 : vector<1x16xf32> to vector<16xf32>
      %add3A_684 = arith.addf %add3A_662, %get3A_683 : vector<16xf32>
      %get3A_685 = arith.index_cast %squeeze3A_679 : i32 to index
      %get3A_686 = arith.constant 16 : index
      %get3A_687 = tpu.vector_load %arg9[%get3A_685, %get3A_686] {strides = array<i32>} : memref<65x64xf32, #tpu.memory_space<vmem>>, vector<1x16xf32>,
      %get3A_688 = vector.shape_cast %get3A_687 : vector<1x16xf32> to vector<16xf32>
      %add3A_689 = arith.addf %add3A_667, %get3A_688 : vector<16xf32>
      %get3A_690 = arith.index_cast %squeeze3A_679 : i32 to index
      %get3A_691 = arith.constant 32 : index
      %get3A_692 = tpu.vector_load %arg9[%get3A_690, %get3A_691] {strides = array<i32>} : memref<65x64xf32, #tpu.memory_space<vmem>>, vector<1x16xf32>,
      %get3A_693 = vector.shape_cast %get3A_692 : vector<1x16xf32> to vector<16xf32>
      %add3A_694 = arith.addf %add3A_672, %get3A_693 : vector<16xf32>
      %get3A_695 = arith.index_cast %squeeze3A_679 : i32 to index
      %get3A_696 = arith.constant 48 : index
      %get3A_697 = tpu.vector_load %arg9[%get3A_695, %get3A_696] {strides = array<i32>} : memref<65x64xf32, #tpu.memory_space<vmem>>, vector<1x16xf32>,
      %get3A_698 = vector.shape_cast %get3A_697 : vector<1x16xf32> to vector<16xf32>
      %add3A_699 = arith.addf %add3A_677, %get3A_698 : vector<16xf32>
      %slice3A_700 = vector.extract_strided_slice %get3A_216 {offsets = [6], sizes = [1], strides = [1]} : vector<16xi32> to vector<1xi32>
      %squeeze3A_701 = vector.extract %slice3A_700[0] : i32 from vector<1xi32>
      %get3A_702 = arith.index_cast %squeeze3A_701 : i32 to index
      %get3A_703 = arith.constant 0 : index
      %get3A_704 = tpu.vector_load %arg9[%get3A_702, %get3A_703] {strides = array<i32>} : memref<65x64xf32, #tpu.memory_space<vmem>>, vector<1x16xf32>,
      %get3A_705 = vector.shape_cast %get3A_704 : vector<1x16xf32> to vector<16xf32>
      %add3A_706 = arith.addf %add3A_684, %get3A_705 : vector<16xf32>
      %get3A_707 = arith.index_cast %squeeze3A_701 : i32 to index
      %get3A_708 = arith.constant 16 : index
      %get3A_709 = tpu.vector_load %arg9[%get3A_707, %get3A_708] {strides = array<i32>} : memref<65x64xf32, #tpu.memory_space<vmem>>, vector<1x16xf32>,
      %get3A_710 = vector.shape_cast %get3A_709 : vector<1x16xf32> to vector<16xf32>
      %add3A_711 = arith.addf %add3A_689, %get3A_710 : vector<16xf32>
      %get3A_712 = arith.index_cast %squeeze3A_701 : i32 to index
      %get3A_713 = arith.constant 32 : index
      %get3A_714 = tpu.vector_load %arg9[%get3A_712, %get3A_713] {strides = array<i32>} : memref<65x64xf32, #tpu.memory_space<vmem>>, vector<1x16xf32>,
      %get3A_715 = vector.shape_cast %get3A_714 : vector<1x16xf32> to vector<16xf32>
      %add3A_716 = arith.addf %add3A_694, %get3A_715 : vector<16xf32>
      %get3A_717 = arith.index_cast %squeeze3A_701 : i32 to index
      %get3A_718 = arith.constant 48 : index
      %get3A_719 = tpu.vector_load %arg9[%get3A_717, %get3A_718] {strides = array<i32>} : memref<65x64xf32, #tpu.memory_space<vmem>>, vector<1x16xf32>,
      %get3A_720 = vector.shape_cast %get3A_719 : vector<1x16xf32> to vector<16xf32>
      %add3A_721 = arith.addf %add3A_699, %get3A_720 : vector<16xf32>
      %slice3A_722 = vector.extract_strided_slice %get3A_216 {offsets = [7], sizes = [1], strides = [1]} : vector<16xi32> to vector<1xi32>
      %squeeze3A_723 = vector.extract %slice3A_722[0] : i32 from vector<1xi32>
      %get3A_724 = arith.index_cast %squeeze3A_723 : i32 to index
      %get3A_725 = arith.constant 0 : index
      %get3A_726 = tpu.vector_load %arg9[%get3A_724, %get3A_725] {strides = array<i32>} : memref<65x64xf32, #tpu.memory_space<vmem>>, vector<1x16xf32>,
      %get3A_727 = vector.shape_cast %get3A_726 : vector<1x16xf32> to vector<16xf32>
      %add3A_728 = arith.addf %add3A_706, %get3A_727 : vector<16xf32>
      %get3A_729 = arith.index_cast %squeeze3A_723 : i32 to index
      %get3A_730 = arith.constant 16 : index
      %get3A_731 = tpu.vector_load %arg9[%get3A_729, %get3A_730] {strides = array<i32>} : memref<65x64xf32, #tpu.memory_space<vmem>>, vector<1x16xf32>,
      %get3A_732 = vector.shape_cast %get3A_731 : vector<1x16xf32> to vector<16xf32>
      %add3A_733 = arith.addf %add3A_711, %get3A_732 : vector<16xf32>
      %get3A_734 = arith.index_cast %squeeze3A_723 : i32 to index
      %get3A_735 = arith.constant 32 : index
      %get3A_736 = tpu.vector_load %arg9[%get3A_734, %get3A_735] {strides = array<i32>} : memref<65x64xf32, #tpu.memory_space<vmem>>, vector<1x16xf32>,
      %get3A_737 = vector.shape_cast %get3A_736 : vector<1x16xf32> to vector<16xf32>
      %add3A_738 = arith.addf %add3A_716, %get3A_737 : vector<16xf32>
      %get3A_739 = arith.index_cast %squeeze3A_723 : i32 to index
      %get3A_740 = arith.constant 48 : index
      %get3A_741 = tpu.vector_load %arg9[%get3A_739, %get3A_740] {strides = array<i32>} : memref<65x64xf32, #tpu.memory_space<vmem>>, vector<1x16xf32>,
      %get3A_742 = vector.shape_cast %get3A_741 : vector<1x16xf32> to vector<16xf32>
      %add3A_743 = arith.addf %add3A_721, %get3A_742 : vector<16xf32>
      %slice3A_744 = vector.extract_strided_slice %get3A_216 {offsets = [8], sizes = [1], strides = [1]} : vector<16xi32> to vector<1xi32>
      %squeeze3A_745 = vector.extract %slice3A_744[0] : i32 from vector<1xi32>
      %get3A_746 = arith.index_cast %squeeze3A_745 : i32 to index
      %get3A_747 = arith.constant 0 : index
      %get3A_748 = tpu.vector_load %arg9[%get3A_746, %get3A_747] {strides = array<i32>} : memref<65x64xf32, #tpu.memory_space<vmem>>, vector<1x16xf32>,
      %get3A_749 = vector.shape_cast %get3A_748 : vector<1x16xf32> to vector<16xf32>
      %add3A_750 = arith.addf %add3A_728, %get3A_749 : vector<16xf32>
      %get3A_751 = arith.index_cast %squeeze3A_745 : i32 to index
      %get3A_752 = arith.constant 16 : index
      %get3A_753 = tpu.vector_load %arg9[%get3A_751, %get3A_752] {strides = array<i32>} : memref<65x64xf32, #tpu.memory_space<vmem>>, vector<1x16xf32>,
      %get3A_754 = vector.shape_cast %get3A_753 : vector<1x16xf32> to vector<16xf32>
      %add3A_755 = arith.addf %add3A_733, %get3A_754 : vector<16xf32>
      %get3A_756 = arith.index_cast %squeeze3A_745 : i32 to index
      %get3A_757 = arith.constant 32 : index
      %get3A_758 = tpu.vector_load %arg9[%get3A_756, %get3A_757] {strides = array<i32>} : memref<65x64xf32, #tpu.memory_space<vmem>>, vector<1x16xf32>,
      %get3A_759 = vector.shape_cast %get3A_758 : vector<1x16xf32> to vector<16xf32>
      %add3A_760 = arith.addf %add3A_738, %get3A_759 : vector<16xf32>
      %get3A_761 = arith.index_cast %squeeze3A_745 : i32 to index
      %get3A_762 = arith.constant 48 : index
      %get3A_763 = tpu.vector_load %arg9[%get3A_761, %get3A_762] {strides = array<i32>} : memref<65x64xf32, #tpu.memory_space<vmem>>, vector<1x16xf32>,
      %get3A_764 = vector.shape_cast %get3A_763 : vector<1x16xf32> to vector<16xf32>
      %add3A_765 = arith.addf %add3A_743, %get3A_764 : vector<16xf32>
      %slice3A_766 = vector.extract_strided_slice %get3A_216 {offsets = [9], sizes = [1], strides = [1]} : vector<16xi32> to vector<1xi32>
      %squeeze3A_767 = vector.extract %slice3A_766[0] : i32 from vector<1xi32>
      %get3A_768 = arith.index_cast %squeeze3A_767 : i32 to index
      %get3A_769 = arith.constant 0 : index
      %get3A_770 = tpu.vector_load %arg9[%get3A_768, %get3A_769] {strides = array<i32>} : memref<65x64xf32, #tpu.memory_space<vmem>>, vector<1x16xf32>,
      %get3A_771 = vector.shape_cast %get3A_770 : vector<1x16xf32> to vector<16xf32>
      %add3A_772 = arith.addf %add3A_750, %get3A_771 : vector<16xf32>
      %get3A_773 = arith.index_cast %squeeze3A_767 : i32 to index
      %get3A_774 = arith.constant 16 : index
      %get3A_775 = tpu.vector_load %arg9[%get3A_773, %get3A_774] {strides = array<i32>} : memref<65x64xf32, #tpu.memory_space<vmem>>, vector<1x16xf32>,
      %get3A_776 = vector.shape_cast %get3A_775 : vector<1x16xf32> to vector<16xf32>
      %add3A_777 = arith.addf %add3A_755, %get3A_776 : vector<16xf32>
      %get3A_778 = arith.index_cast %squeeze3A_767 : i32 to index
      %get3A_779 = arith.constant 32 : index
      %get3A_780 = tpu.vector_load %arg9[%get3A_778, %get3A_779] {strides = array<i32>} : memref<65x64xf32, #tpu.memory_space<vmem>>, vector<1x16xf32>,
      %get3A_781 = vector.shape_cast %get3A_780 : vector<1x16xf32> to vector<16xf32>
      %add3A_782 = arith.addf %add3A_760, %get3A_781 : vector<16xf32>
      %get3A_783 = arith.index_cast %squeeze3A_767 : i32 to index
      %get3A_784 = arith.constant 48 : index
      %get3A_785 = tpu.vector_load %arg9[%get3A_783, %get3A_784] {strides = array<i32>} : memref<65x64xf32, #tpu.memory_space<vmem>>, vector<1x16xf32>,
      %get3A_786 = vector.shape_cast %get3A_785 : vector<1x16xf32> to vector<16xf32>
      %add3A_787 = arith.addf %add3A_765, %get3A_786 : vector<16xf32>
      %slice3A_788 = vector.extract_strided_slice %get3A_216 {offsets = [10], sizes = [1], strides = [1]} : vector<16xi32> to vector<1xi32>
      %squeeze3A_789 = vector.extract %slice3A_788[0] : i32 from vector<1xi32>
      %get3A_790 = arith.index_cast %squeeze3A_789 : i32 to index
      %get3A_791 = arith.constant 0 : index
      %get3A_792 = tpu.vector_load %arg9[%get3A_790, %get3A_791] {strides = array<i32>} : memref<65x64xf32, #tpu.memory_space<vmem>>, vector<1x16xf32>,
      %get3A_793 = vector.shape_cast %get3A_792 : vector<1x16xf32> to vector<16xf32>
      %add3A_794 = arith.addf %add3A_772, %get3A_793 : vector<16xf32>
      %get3A_795 = arith.index_cast %squeeze3A_789 : i32 to index
      %get3A_796 = arith.constant 16 : index
      %get3A_797 = tpu.vector_load %arg9[%get3A_795, %get3A_796] {strides = array<i32>} : memref<65x64xf32, #tpu.memory_space<vmem>>, vector<1x16xf32>,
      %get3A_798 = vector.shape_cast %get3A_797 : vector<1x16xf32> to vector<16xf32>
      %add3A_799 = arith.addf %add3A_777, %get3A_798 : vector<16xf32>
      %get3A_800 = arith.index_cast %squeeze3A_789 : i32 to index
      %get3A_801 = arith.constant 32 : index
      %get3A_802 = tpu.vector_load %arg9[%get3A_800, %get3A_801] {strides = array<i32>} : memref<65x64xf32, #tpu.memory_space<vmem>>, vector<1x16xf32>,
      %get3A_803 = vector.shape_cast %get3A_802 : vector<1x16xf32> to vector<16xf32>
      %add3A_804 = arith.addf %add3A_782, %get3A_803 : vector<16xf32>
      %get3A_805 = arith.index_cast %squeeze3A_789 : i32 to index
      %get3A_806 = arith.constant 48 : index
      %get3A_807 = tpu.vector_load %arg9[%get3A_805, %get3A_806] {strides = array<i32>} : memref<65x64xf32, #tpu.memory_space<vmem>>, vector<1x16xf32>,
      %get3A_808 = vector.shape_cast %get3A_807 : vector<1x16xf32> to vector<16xf32>
      %add3A_809 = arith.addf %add3A_787, %get3A_808 : vector<16xf32>
      %slice3A_810 = vector.extract_strided_slice %get3A_216 {offsets = [11], sizes = [1], strides = [1]} : vector<16xi32> to vector<1xi32>
      %squeeze3A_811 = vector.extract %slice3A_810[0] : i32 from vector<1xi32>
      %get3A_812 = arith.index_cast %squeeze3A_811 : i32 to index
      %get3A_813 = arith.constant 0 : index
      %get3A_814 = tpu.vector_load %arg9[%get3A_812, %get3A_813] {strides = array<i32>} : memref<65x64xf32, #tpu.memory_space<vmem>>, vector<1x16xf32>,
      %get3A_815 = vector.shape_cast %get3A_814 : vector<1x16xf32> to vector<16xf32>
      %add3A_816 = arith.addf %add3A_794, %get3A_815 : vector<16xf32>
      %get3A_817 = arith.index_cast %squeeze3A_811 : i32 to index
      %get3A_818 = arith.constant 16 : index
      %get3A_819 = tpu.vector_load %arg9[%get3A_817, %get3A_818] {strides = array<i32>} : memref<65x64xf32, #tpu.memory_space<vmem>>, vector<1x16xf32>,
      %get3A_820 = vector.shape_cast %get3A_819 : vector<1x16xf32> to vector<16xf32>
      %add3A_821 = arith.addf %add3A_799, %get3A_820 : vector<16xf32>
      %get3A_822 = arith.index_cast %squeeze3A_811 : i32 to index
      %get3A_823 = arith.constant 32 : index
      %get3A_824 = tpu.vector_load %arg9[%get3A_822, %get3A_823] {strides = array<i32>} : memref<65x64xf32, #tpu.memory_space<vmem>>, vector<1x16xf32>,
      %get3A_825 = vector.shape_cast %get3A_824 : vector<1x16xf32> to vector<16xf32>
      %add3A_826 = arith.addf %add3A_804, %get3A_825 : vector<16xf32>
      %get3A_827 = arith.index_cast %squeeze3A_811 : i32 to index
      %get3A_828 = arith.constant 48 : index
      %get3A_829 = tpu.vector_load %arg9[%get3A_827, %get3A_828] {strides = array<i32>} : memref<65x64xf32, #tpu.memory_space<vmem>>, vector<1x16xf32>,
      %get3A_830 = vector.shape_cast %get3A_829 : vector<1x16xf32> to vector<16xf32>
      %add3A_831 = arith.addf %add3A_809, %get3A_830 : vector<16xf32>
      %slice3A_832 = vector.extract_strided_slice %get3A_216 {offsets = [12], sizes = [1], strides = [1]} : vector<16xi32> to vector<1xi32>
      %squeeze3A_833 = vector.extract %slice3A_832[0] : i32 from vector<1xi32>
      %get3A_834 = arith.index_cast %squeeze3A_833 : i32 to index
      %get3A_835 = arith.constant 0 : index
      %get3A_836 = tpu.vector_load %arg9[%get3A_834, %get3A_835] {strides = array<i32>} : memref<65x64xf32, #tpu.memory_space<vmem>>, vector<1x16xf32>,
      %get3A_837 = vector.shape_cast %get3A_836 : vector<1x16xf32> to vector<16xf32>
      %add3A_838 = arith.addf %add3A_816, %get3A_837 : vector<16xf32>
      %get3A_839 = arith.index_cast %squeeze3A_833 : i32 to index
      %get3A_840 = arith.constant 16 : index
      %get3A_841 = tpu.vector_load %arg9[%get3A_839, %get3A_840] {strides = array<i32>} : memref<65x64xf32, #tpu.memory_space<vmem>>, vector<1x16xf32>,
      %get3A_842 = vector.shape_cast %get3A_841 : vector<1x16xf32> to vector<16xf32>
      %add3A_843 = arith.addf %add3A_821, %get3A_842 : vector<16xf32>
      %get3A_844 = arith.index_cast %squeeze3A_833 : i32 to index
      %get3A_845 = arith.constant 32 : index
      %get3A_846 = tpu.vector_load %arg9[%get3A_844, %get3A_845] {strides = array<i32>} : memref<65x64xf32, #tpu.memory_space<vmem>>, vector<1x16xf32>,
      %get3A_847 = vector.shape_cast %get3A_846 : vector<1x16xf32> to vector<16xf32>
      %add3A_848 = arith.addf %add3A_826, %get3A_847 : vector<16xf32>
      %get3A_849 = arith.index_cast %squeeze3A_833 : i32 to index
      %get3A_850 = arith.constant 48 : index
      %get3A_851 = tpu.vector_load %arg9[%get3A_849, %get3A_850] {strides = array<i32>} : memref<65x64xf32, #tpu.memory_space<vmem>>, vector<1x16xf32>,
      %get3A_852 = vector.shape_cast %get3A_851 : vector<1x16xf32> to vector<16xf32>
      %add3A_853 = arith.addf %add3A_831, %get3A_852 : vector<16xf32>
      %slice3A_854 = vector.extract_strided_slice %get3A_216 {offsets = [13], sizes = [1], strides = [1]} : vector<16xi32> to vector<1xi32>
      %squeeze3A_855 = vector.extract %slice3A_854[0] : i32 from vector<1xi32>
      %get3A_856 = arith.index_cast %squeeze3A_855 : i32 to index
      %get3A_857 = arith.constant 0 : index
      %get3A_858 = tpu.vector_load %arg9[%get3A_856, %get3A_857] {strides = array<i32>} : memref<65x64xf32, #tpu.memory_space<vmem>>, vector<1x16xf32>,
      %get3A_859 = vector.shape_cast %get3A_858 : vector<1x16xf32> to vector<16xf32>
      %add3A_860 = arith.addf %add3A_838, %get3A_859 : vector<16xf32>
      %get3A_861 = arith.index_cast %squeeze3A_855 : i32 to index
      %get3A_862 = arith.constant 16 : index
      %get3A_863 = tpu.vector_load %arg9[%get3A_861, %get3A_862] {strides = array<i32>} : memref<65x64xf32, #tpu.memory_space<vmem>>, vector<1x16xf32>,
      %get3A_864 = vector.shape_cast %get3A_863 : vector<1x16xf32> to vector<16xf32>
      %add3A_865 = arith.addf %add3A_843, %get3A_864 : vector<16xf32>
      %get3A_866 = arith.index_cast %squeeze3A_855 : i32 to index
      %get3A_867 = arith.constant 32 : index
      %get3A_868 = tpu.vector_load %arg9[%get3A_866, %get3A_867] {strides = array<i32>} : memref<65x64xf32, #tpu.memory_space<vmem>>, vector<1x16xf32>,
      %get3A_869 = vector.shape_cast %get3A_868 : vector<1x16xf32> to vector<16xf32>
      %add3A_870 = arith.addf %add3A_848, %get3A_869 : vector<16xf32>
      %get3A_871 = arith.index_cast %squeeze3A_855 : i32 to index
      %get3A_872 = arith.constant 48 : index
      %get3A_873 = tpu.vector_load %arg9[%get3A_871, %get3A_872] {strides = array<i32>} : memref<65x64xf32, #tpu.memory_space<vmem>>, vector<1x16xf32>,
      %get3A_874 = vector.shape_cast %get3A_873 : vector<1x16xf32> to vector<16xf32>
      %add3A_875 = arith.addf %add3A_853, %get3A_874 : vector<16xf32>
      %slice3A_876 = vector.extract_strided_slice %get3A_216 {offsets = [14], sizes = [1], strides = [1]} : vector<16xi32> to vector<1xi32>
      %squeeze3A_877 = vector.extract %slice3A_876[0] : i32 from vector<1xi32>
      %get3A_878 = arith.index_cast %squeeze3A_877 : i32 to index
      %get3A_879 = arith.constant 0 : index
      %get3A_880 = tpu.vector_load %arg9[%get3A_878, %get3A_879] {strides = array<i32>} : memref<65x64xf32, #tpu.memory_space<vmem>>, vector<1x16xf32>,
      %get3A_881 = vector.shape_cast %get3A_880 : vector<1x16xf32> to vector<16xf32>
      %add3A_882 = arith.addf %add3A_860, %get3A_881 : vector<16xf32>
      %get3A_883 = arith.index_cast %squeeze3A_877 : i32 to index
      %get3A_884 = arith.constant 16 : index
      %get3A_885 = tpu.vector_load %arg9[%get3A_883, %get3A_884] {strides = array<i32>} : memref<65x64xf32, #tpu.memory_space<vmem>>, vector<1x16xf32>,
      %get3A_886 = vector.shape_cast %get3A_885 : vector<1x16xf32> to vector<16xf32>
      %add3A_887 = arith.addf %add3A_865, %get3A_886 : vector<16xf32>
      %get3A_888 = arith.index_cast %squeeze3A_877 : i32 to index
      %get3A_889 = arith.constant 32 : index
      %get3A_890 = tpu.vector_load %arg9[%get3A_888, %get3A_889] {strides = array<i32>} : memref<65x64xf32, #tpu.memory_space<vmem>>, vector<1x16xf32>,
      %get3A_891 = vector.shape_cast %get3A_890 : vector<1x16xf32> to vector<16xf32>
      %add3A_892 = arith.addf %add3A_870, %get3A_891 : vector<16xf32>
      %get3A_893 = arith.index_cast %squeeze3A_877 : i32 to index
      %get3A_894 = arith.constant 48 : index
      %get3A_895 = tpu.vector_load %arg9[%get3A_893, %get3A_894] {strides = array<i32>} : memref<65x64xf32, #tpu.memory_space<vmem>>, vector<1x16xf32>,
      %get3A_896 = vector.shape_cast %get3A_895 : vector<1x16xf32> to vector<16xf32>
      %add3A_897 = arith.addf %add3A_875, %get3A_896 : vector<16xf32>
      %slice3A_898 = vector.extract_strided_slice %get3A_216 {offsets = [15], sizes = [1], strides = [1]} : vector<16xi32> to vector<1xi32>
      %squeeze3A_899 = vector.extract %slice3A_898[0] : i32 from vector<1xi32>
      %get3A_900 = arith.index_cast %squeeze3A_899 : i32 to index
      %get3A_901 = arith.constant 0 : index
      %get3A_902 = tpu.vector_load %arg9[%get3A_900, %get3A_901] {strides = array<i32>} : memref<65x64xf32, #tpu.memory_space<vmem>>, vector<1x16xf32>,
      %get3A_903 = vector.shape_cast %get3A_902 : vector<1x16xf32> to vector<16xf32>
      %add3A_904 = arith.addf %add3A_882, %get3A_903 : vector<16xf32>
      %get3A_905 = arith.index_cast %squeeze3A_899 : i32 to index
      %get3A_906 = arith.constant 16 : index
      %get3A_907 = tpu.vector_load %arg9[%get3A_905, %get3A_906] {strides = array<i32>} : memref<65x64xf32, #tpu.memory_space<vmem>>, vector<1x16xf32>,
      %get3A_908 = vector.shape_cast %get3A_907 : vector<1x16xf32> to vector<16xf32>
      %add3A_909 = arith.addf %add3A_887, %get3A_908 : vector<16xf32>
      %get3A_910 = arith.index_cast %squeeze3A_899 : i32 to index
      %get3A_911 = arith.constant 32 : index
      %get3A_912 = tpu.vector_load %arg9[%get3A_910, %get3A_911] {strides = array<i32>} : memref<65x64xf32, #tpu.memory_space<vmem>>, vector<1x16xf32>,
      %get3A_913 = vector.shape_cast %get3A_912 : vector<1x16xf32> to vector<16xf32>
      %add3A_914 = arith.addf %add3A_892, %get3A_913 : vector<16xf32>
      %get3A_915 = arith.index_cast %squeeze3A_899 : i32 to index
      %get3A_916 = arith.constant 48 : index
      %get3A_917 = tpu.vector_load %arg9[%get3A_915, %get3A_916] {strides = array<i32>} : memref<65x64xf32, #tpu.memory_space<vmem>>, vector<1x16xf32>,
      %get3A_918 = vector.shape_cast %get3A_917 : vector<1x16xf32> to vector<16xf32>
      %add3A_919 = arith.addf %add3A_897, %get3A_918 : vector<16xf32>
      %add3A_920 = arith.constant 384 : i32
      %add3A_921 = arith.addi %add3A_920, %scan3A_208 : i32
      %swap3A = arith.index_cast %add3A_921 : i32 to index
      %swap3A_922 = arith.constant 0 : index
      %swap3A_923 = tpu.vector_load %arg10[%swap3A, %swap3A_922] {strides = array<i32>} : memref<512x64xf32, #tpu.memory_space<vmem>>, vector<1x16xf32>,
      %swap3A_924 = vector.shape_cast %swap3A_923 : vector<1x16xf32> to vector<16xf32>
      %swap3A_925 = vector.shape_cast %add3A_904 : vector<16xf32> to vector<1x16xf32>
      tpu.vector_store %arg10[%swap3A, %swap3A_922], %swap3A_925 {strides = array<i32>} : memref<512x64xf32, #tpu.memory_space<vmem>>, vector<1x16xf32>,
      %add3A_926 = arith.constant 384 : i32
      %add3A_927 = arith.addi %add3A_926, %scan3A_208 : i32
      %swap3A_928 = arith.index_cast %add3A_927 : i32 to index
      %swap3A_929 = arith.constant 16 : index
      %swap3A_930 = tpu.vector_load %arg10[%swap3A_928, %swap3A_929] {strides = array<i32>} : memref<512x64xf32, #tpu.memory_space<vmem>>, vector<1x16xf32>,
      %swap3A_931 = vector.shape_cast %swap3A_930 : vector<1x16xf32> to vector<16xf32>
      %swap3A_932 = vector.shape_cast %add3A_909 : vector<16xf32> to vector<1x16xf32>
      tpu.vector_store %arg10[%swap3A_928, %swap3A_929], %swap3A_932 {strides = array<i32>} : memref<512x64xf32, #tpu.memory_space<vmem>>, vector<1x16xf32>,
      %add3A_933 = arith.constant 384 : i32
      %add3A_934 = arith.addi %add3A_933, %scan3A_208 : i32
      %swap3A_935 = arith.index_cast %add3A_934 : i32 to index
      %swap3A_936 = arith.constant 32 : index
      %swap3A_937 = tpu.vector_load %arg10[%swap3A_935, %swap3A_936] {strides = array<i32>} : memref<512x64xf32, #tpu.memory_space<vmem>>, vector<1x16xf32>,
      %swap3A_938 = vector.shape_cast %swap3A_937 : vector<1x16xf32> to vector<16xf32>
      %swap3A_939 = vector.shape_cast %add3A_914 : vector<16xf32> to vector<1x16xf32>
      tpu.vector_store %arg10[%swap3A_935, %swap3A_936], %swap3A_939 {strides = array<i32>} : memref<512x64xf32, #tpu.memory_space<vmem>>, vector<1x16xf32>,
      %add3A_940 = arith.constant 384 : i32
      %add3A_941 = arith.addi %add3A_940, %scan3A_208 : i32
      %swap3A_942 = arith.index_cast %add3A_941 : i32 to index
      %swap3A_943 = arith.constant 48 : index
      %swap3A_944 = tpu.vector_load %arg10[%swap3A_942, %swap3A_943] {strides = array<i32>} : memref<512x64xf32, #tpu.memory_space<vmem>>, vector<1x16xf32>,
      %swap3A_945 = vector.shape_cast %swap3A_944 : vector<1x16xf32> to vector<16xf32>
      %swap3A_946 = vector.shape_cast %add3A_919 : vector<16xf32> to vector<1x16xf32>
      tpu.vector_store %arg10[%swap3A_942, %swap3A_943], %swap3A_946 {strides = array<i32>} : memref<512x64xf32, #tpu.memory_space<vmem>>, vector<1x16xf32>,
      %scan3A_947 = arith.constant 0 : i32
      scf.yield %scan3A_947 : i32
    }
    %scan3A_103 = arith.constant 128 : i32
    %dma_start3A_104 = arith.constant 1 : i32
    %dma_start3A_105 = arith.constant 64 : i32
    %dma_start3A_106 = arith.constant 384 : i32
    %dma_start3A_107 = arith.constant 0 : i32
    %dma_start3A_108 = tpu.memref_slice %arg11[%dma_start3A_106, %dma_start3A_107] : memref<512x64xf32, #tpu.memory_space<vmem>> -> memref<128x64xf32, #tpu.memory_space<vmem>>
    %dma_start3A_109 = arith.constant 0 : i32
    %dma_start3A_110 = tpu.memref_slice %arg7[%dma_start3A_104, %dma_start3A_105, %dma_start3A_109] : memref<2x72x128xi32, #tpu.memory_space<vmem>> -> memref<1x1x128xi32, #tpu.memory_space<vmem>>
    %dma_start3A_111 = tpu.memref_squeeze %dma_start3A_110 : memref<1x1x128xi32, #tpu.memory_space<vmem>> -> memref<128xi32, #tpu.memory_space<vmem>>
    %dma_start3A_112 = arith.constant 0 : i32
    %dma_start3A_113 = arith.constant 0 : i32
    %dma_start3A_114 = tpu.memref_slice %arg4[%dma_start3A_112, %dma_start3A_113] : memref<1000001x64xf32, #tpu.memory_space<hbm>> -> memref<1000001x64xf32, #tpu.memory_space<hbm>>
    tpu.enqueue_indirect_dma source(%dma_start3A_114 : memref<1000001x64xf32, #tpu.memory_space<hbm>>) target(%dma_start3A_108 : memref<128x64xf32, #tpu.memory_space<vmem>>) offsets(%dma_start3A_111 : memref<128xi32, #tpu.memory_space<vmem>>) semaphore(%arg13 : memref<!tpu.dma_semaphore, #tpu.memory_space<semaphore_mem>>)
    %scan3A_115 = arith.constant 0 : i32
    %scan3A_116 = arith.constant 0 : i32
    %scan3A_117 = arith.constant 64 : i32
    %scan3A_118 = arith.addi %scan3A_116, %scan3A_117 : i32
    %scan3A_119 = arith.constant 1 : i32
    %scan3A_120 = scf.for %scan3A_208 = %scan3A_116 to %scan3A_118 step %scan3A_119 iter_args(%scan3A_209 = %scan3A_115) -> (i32)  : i32 {
      %dma_start3A_210 = arith.constant 1 : i32
      %dma_start3A_211 = arith.constant 384 : i32
      %dma_start3A_212 = arith.constant 0 : i32
      %dma_start3A_213 = tpu.memref_slice %arg10[%dma_start3A_211, %dma_start3A_212] : memref<512x64xf32, #tpu.memory_space<vmem>> -> memref<128x64xf32, #tpu.memory_space<vmem>>
      %dma_start3A_214 = arith.constant 0 : i32
      %dma_start3A_215 = tpu.memref_slice %arg7[%dma_start3A_210, %scan3A_208, %dma_start3A_214] : memref<2x72x128xi32, #tpu.memory_space<vmem>> -> memref<1x1x128xi32, #tpu.memory_space<vmem>>
      %dma_start3A_216 = tpu.memref_squeeze %dma_start3A_215 : memref<1x1x128xi32, #tpu.memory_space<vmem>> -> memref<128xi32, #tpu.memory_space<vmem>>
      %dma_start3A_217 = arith.constant 0 : i32
      %dma_start3A_218 = arith.constant 0 : i32
      %dma_start3A_219 = tpu.memref_slice %arg4[%dma_start3A_217, %dma_start3A_218] : memref<1000001x64xf32, #tpu.memory_space<hbm>> -> memref<1000001x64xf32, #tpu.memory_space<hbm>>
      tpu.enqueue_indirect_dma source(%dma_start3A_219 : memref<1000001x64xf32, #tpu.memory_space<hbm>>) target(%dma_start3A_213 : memref<128x64xf32, #tpu.memory_space<vmem>>) offsets(%dma_start3A_216 : memref<128xi32, #tpu.memory_space<vmem>>) semaphore(%arg14 : memref<!tpu.dma_semaphore, #tpu.memory_space<semaphore_mem>>) {add = true}
      %scan3A_220 = arith.constant 0 : i32
      scf.yield %scan3A_220 : i32
    }
    %scan3A_121 = arith.constant 64 : i32
    %scan3A_122 = arith.constant 0 : i32
    %scan3A_123 = arith.constant 0 : i32
    %scan3A_124 = arith.constant 256 : i32
    %scan3A_125 = arith.addi %scan3A_123, %scan3A_124 : i32
    %scan3A_126 = arith.constant 1 : i32
    %scan3A_127 = scf.for %scan3A_208 = %scan3A_123 to %scan3A_125 step %scan3A_126 iter_args(%scan3A_209 = %scan3A_122) -> (i32)  : i32 {
      %dma_wait3A_210 = arith.constant 0 : i32
      %dma_wait3A_211 = arith.constant 0 : i32
      %dma_wait3A_212 = arith.constant 0 : i32
      %dma_wait3A_213 = arith.constant 0 : i32
      %dma_wait3A_214 = tpu.memref_slice %arg10[%dma_wait3A_212, %dma_wait3A_213] : memref<512x64xf32, #tpu.memory_space<vmem>> -> memref<128x64xf32, #tpu.memory_space<vmem>>
      %dma_wait3A_215 = arith.constant 0 : i32
      %dma_wait3A_216 = tpu.memref_slice %arg7[%dma_wait3A_210, %dma_wait3A_211, %dma_wait3A_215] : memref<2x72x128xi32, #tpu.memory_space<vmem>> -> memref<1x1x128xi32, #tpu.memory_space<vmem>>
      %dma_wait3A_217 = tpu.memref_squeeze %dma_wait3A_216 : memref<1x1x128xi32, #tpu.memory_space<vmem>> -> memref<128xi32, #tpu.memory_space<vmem>>
      %dma_wait3A_218 = arith.constant 0 : i32
      %dma_wait3A_219 = arith.constant 0 : i32
      %dma_wait3A_220 = tpu.memref_slice %arg4[%dma_wait3A_218, %dma_wait3A_219] : memref<1000001x64xf32, #tpu.memory_space<hbm>> -> memref<1000001x64xf32, #tpu.memory_space<hbm>>
      tpu.wait_indirect_dma semaphore(%arg14 : memref<!tpu.dma_semaphore, #tpu.memory_space<semaphore_mem>>) src(%dma_wait3A_220 : memref<1000001x64xf32, #tpu.memory_space<hbm>>) dst(%dma_wait3A_214 : memref<128x64xf32, #tpu.memory_space<vmem>>)
      %scan3A_221 = arith.constant 0 : i32
      scf.yield %scan3A_221 : i32
    }
    %scan3A_128 = arith.constant 256 : i32
    %dma_wait3A = arith.constant 0 : i32
    %dma_wait3A_129 = arith.constant 64 : i32
    %dma_wait3A_130 = arith.constant 0 : i32
    %dma_wait3A_131 = arith.constant 0 : i32
    %dma_wait3A_132 = tpu.memref_slice %arg11[%dma_wait3A_130, %dma_wait3A_131] : memref<512x64xf32, #tpu.memory_space<vmem>> -> memref<128x64xf32, #tpu.memory_space<vmem>>
    %dma_wait3A_133 = arith.constant 0 : i32
    %dma_wait3A_134 = tpu.memref_slice %arg7[%dma_wait3A, %dma_wait3A_129, %dma_wait3A_133] : memref<2x72x128xi32, #tpu.memory_space<vmem>> -> memref<1x1x128xi32, #tpu.memory_space<vmem>>
    %dma_wait3A_135 = tpu.memref_squeeze %dma_wait3A_134 : memref<1x1x128xi32, #tpu.memory_space<vmem>> -> memref<128xi32, #tpu.memory_space<vmem>>
    %dma_wait3A_136 = arith.constant 0 : i32
    %dma_wait3A_137 = arith.constant 0 : i32
    %dma_wait3A_138 = tpu.memref_slice %arg4[%dma_wait3A_136, %dma_wait3A_137] : memref<1000001x64xf32, #tpu.memory_space<hbm>> -> memref<1000001x64xf32, #tpu.memory_space<hbm>>
    tpu.wait_indirect_dma semaphore(%arg13 : memref<!tpu.dma_semaphore, #tpu.memory_space<semaphore_mem>>) src(%dma_wait3A_138 : memref<1000001x64xf32, #tpu.memory_space<hbm>>) dst(%dma_wait3A_132 : memref<128x64xf32, #tpu.memory_space<vmem>>)
    %dma_wait3A_139 = arith.constant 1 : i32
    %dma_wait3A_140 = arith.constant 64 : i32
    %dma_wait3A_141 = arith.constant 128 : i32
    %dma_wait3A_142 = arith.constant 0 : i32
    %dma_wait3A_143 = tpu.memref_slice %arg11[%dma_wait3A_141, %dma_wait3A_142] : memref<512x64xf32, #tpu.memory_space<vmem>> -> memref<128x64xf32, #tpu.memory_space<vmem>>
    %dma_wait3A_144 = arith.constant 0 : i32
    %dma_wait3A_145 = tpu.memref_slice %arg7[%dma_wait3A_139, %dma_wait3A_140, %dma_wait3A_144] : memref<2x72x128xi32, #tpu.memory_space<vmem>> -> memref<1x1x128xi32, #tpu.memory_space<vmem>>
    %dma_wait3A_146 = tpu.memref_squeeze %dma_wait3A_145 : memref<1x1x128xi32, #tpu.memory_space<vmem>> -> memref<128xi32, #tpu.memory_space<vmem>>
    %dma_wait3A_147 = arith.constant 0 : i32
    %dma_wait3A_148 = arith.constant 0 : i32
    %dma_wait3A_149 = tpu.memref_slice %arg4[%dma_wait3A_147, %dma_wait3A_148] : memref<1000001x64xf32, #tpu.memory_space<hbm>> -> memref<1000001x64xf32, #tpu.memory_space<hbm>>
    tpu.wait_indirect_dma semaphore(%arg13 : memref<!tpu.dma_semaphore, #tpu.memory_space<semaphore_mem>>) src(%dma_wait3A_149 : memref<1000001x64xf32, #tpu.memory_space<hbm>>) dst(%dma_wait3A_143 : memref<128x64xf32, #tpu.memory_space<vmem>>)
    %dma_wait3A_150 = arith.constant 0 : i32
    %dma_wait3A_151 = arith.constant 64 : i32
    %dma_wait3A_152 = arith.constant 256 : i32
    %dma_wait3A_153 = arith.constant 0 : i32
    %dma_wait3A_154 = tpu.memref_slice %arg11[%dma_wait3A_152, %dma_wait3A_153] : memref<512x64xf32, #tpu.memory_space<vmem>> -> memref<128x64xf32, #tpu.memory_space<vmem>>
    %dma_wait3A_155 = arith.constant 0 : i32
    %dma_wait3A_156 = tpu.memref_slice %arg7[%dma_wait3A_150, %dma_wait3A_151, %dma_wait3A_155] : memref<2x72x128xi32, #tpu.memory_space<vmem>> -> memref<1x1x128xi32, #tpu.memory_space<vmem>>
    %dma_wait3A_157 = tpu.memref_squeeze %dma_wait3A_156 : memref<1x1x128xi32, #tpu.memory_space<vmem>> -> memref<128xi32, #tpu.memory_space<vmem>>
    %dma_wait3A_158 = arith.constant 0 : i32
    %dma_wait3A_159 = arith.constant 0 : i32
    %dma_wait3A_160 = tpu.memref_slice %arg4[%dma_wait3A_158, %dma_wait3A_159] : memref<1000001x64xf32, #tpu.memory_space<hbm>> -> memref<1000001x64xf32, #tpu.memory_space<hbm>>
    tpu.wait_indirect_dma semaphore(%arg13 : memref<!tpu.dma_semaphore, #tpu.memory_space<semaphore_mem>>) src(%dma_wait3A_160 : memref<1000001x64xf32, #tpu.memory_space<hbm>>) dst(%dma_wait3A_154 : memref<128x64xf32, #tpu.memory_space<vmem>>)
    %dma_wait3A_161 = arith.constant 1 : i32
    %dma_wait3A_162 = arith.constant 64 : i32
    %dma_wait3A_163 = arith.constant 384 : i32
    %dma_wait3A_164 = arith.constant 0 : i32
    %dma_wait3A_165 = tpu.memref_slice %arg11[%dma_wait3A_163, %dma_wait3A_164] : memref<512x64xf32, #tpu.memory_space<vmem>> -> memref<128x64xf32, #tpu.memory_space<vmem>>
    %dma_wait3A_166 = arith.constant 0 : i32
    %dma_wait3A_167 = tpu.memref_slice %arg7[%dma_wait3A_161, %dma_wait3A_162, %dma_wait3A_166] : memref<2x72x128xi32, #tpu.memory_space<vmem>> -> memref<1x1x128xi32, #tpu.memory_space<vmem>>
    %dma_wait3A_168 = tpu.memref_squeeze %dma_wait3A_167 : memref<1x1x128xi32, #tpu.memory_space<vmem>> -> memref<128xi32, #tpu.memory_space<vmem>>
    %dma_wait3A_169 = arith.constant 0 : i32
    %dma_wait3A_170 = arith.constant 0 : i32
    %dma_wait3A_171 = tpu.memref_slice %arg4[%dma_wait3A_169, %dma_wait3A_170] : memref<1000001x64xf32, #tpu.memory_space<hbm>> -> memref<1000001x64xf32, #tpu.memory_space<hbm>>
    tpu.wait_indirect_dma semaphore(%arg13 : memref<!tpu.dma_semaphore, #tpu.memory_space<semaphore_mem>>) src(%dma_wait3A_171 : memref<1000001x64xf32, #tpu.memory_space<hbm>>) dst(%dma_wait3A_165 : memref<128x64xf32, #tpu.memory_space<vmem>>)
    %scan3A_172 = arith.constant 0 : i32
    %scan3A_173 = arith.constant 0 : i32
    %scan3A_174 = arith.constant 128 : i32
    %scan3A_175 = arith.addi %scan3A_173, %scan3A_174 : i32
    %scan3A_176 = arith.constant 1 : i32
    %scan3A_177 = scf.for %scan3A_208 = %scan3A_173 to %scan3A_175 step %scan3A_176 iter_args(%scan3A_209 = %scan3A_172) -> (i32)  : i32 {
      %add3A_210 = arith.constant 0 : i32
      %add3A_211 = arith.addi %add3A_210, %scan3A_208 : i32
      %get3A = arith.index_cast %add3A_211 : i32 to index
      %get3A_212 = arith.constant 0 : index
      %get3A_213 = tpu.vector_load %arg10[%get3A, %get3A_212] {strides = array<i32>} : memref<512x64xf32, #tpu.memory_space<vmem>>, vector<1x16xf32>,
      %get3A_214 = vector.shape_cast %get3A_213 : vector<1x16xf32> to vector<16xf32>
      %mul3A_215 = arith.constant 7.812500e-03 : f32
      %mul3A_216 = vector.broadcast %mul3A_215 : f32 to vector<16xf32>
      %mul3A_217 = arith.mulf %get3A_214, %mul3A_216 : vector<16xf32>
      %add3A_218 = arith.constant 0 : i32
      %add3A_219 = arith.addi %add3A_218, %scan3A_208 : i32
      %get3A_220 = arith.index_cast %add3A_219 : i32 to index
      %get3A_221 = arith.constant 0 : index
      %get3A_222 = tpu.vector_load %arg11[%get3A_220, %get3A_221] {strides = array<i32>} : memref<512x64xf32, #tpu.memory_space<vmem>>, vector<1x16xf32>,
      %get3A_223 = vector.shape_cast %get3A_222 : vector<1x16xf32> to vector<16xf32>
      %mul3A_224 = arith.constant 2.500000e-01 : f32
      %mul3A_225 = vector.broadcast %mul3A_224 : f32 to vector<16xf32>
      %mul3A_226 = arith.mulf %get3A_223, %mul3A_225 : vector<16xf32>
      %add3A_227 = arith.addf %mul3A_217, %mul3A_226 : vector<16xf32>
      %swap3A = arith.index_cast %scan3A_208 : i32 to index
      %swap3A_228 = arith.constant 0 : index
      %swap3A_229 = tpu.vector_load %arg12[%swap3A, %swap3A_228] {strides = array<i32>} : memref<128x64xf32, #tpu.memory_space<vmem>>, vector<1x16xf32>,
      %swap3A_230 = vector.shape_cast %swap3A_229 : vector<1x16xf32> to vector<16xf32>
      %swap3A_231 = vector.shape_cast %add3A_227 : vector<16xf32> to vector<1x16xf32>
      tpu.vector_store %arg12[%swap3A, %swap3A_228], %swap3A_231 {strides = array<i32>} : memref<128x64xf32, #tpu.memory_space<vmem>>, vector<1x16xf32>,
      %add3A_232 = arith.constant 0 : i32
      %add3A_233 = arith.addi %add3A_232, %scan3A_208 : i32
      %get3A_234 = arith.index_cast %add3A_233 : i32 to index
      %get3A_235 = arith.constant 16 : index
      %get3A_236 = tpu.vector_load %arg10[%get3A_234, %get3A_235] {strides = array<i32>} : memref<512x64xf32, #tpu.memory_space<vmem>>, vector<1x16xf32>,
      %get3A_237 = vector.shape_cast %get3A_236 : vector<1x16xf32> to vector<16xf32>
      %mul3A_238 = arith.constant 7.812500e-03 : f32
      %mul3A_239 = vector.broadcast %mul3A_238 : f32 to vector<16xf32>
      %mul3A_240 = arith.mulf %get3A_237, %mul3A_239 : vector<16xf32>
      %add3A_241 = arith.constant 0 : i32
      %add3A_242 = arith.addi %add3A_241, %scan3A_208 : i32
      %get3A_243 = arith.index_cast %add3A_242 : i32 to index
      %get3A_244 = arith.constant 16 : index
      %get3A_245 = tpu.vector_load %arg11[%get3A_243, %get3A_244] {strides = array<i32>} : memref<512x64xf32, #tpu.memory_space<vmem>>, vector<1x16xf32>,
      %get3A_246 = vector.shape_cast %get3A_245 : vector<1x16xf32> to vector<16xf32>
      %mul3A_247 = arith.constant 2.500000e-01 : f32
      %mul3A_248 = vector.broadcast %mul3A_247 : f32 to vector<16xf32>
      %mul3A_249 = arith.mulf %get3A_246, %mul3A_248 : vector<16xf32>
      %add3A_250 = arith.addf %mul3A_240, %mul3A_249 : vector<16xf32>
      %swap3A_251 = arith.index_cast %scan3A_208 : i32 to index
      %swap3A_252 = arith.constant 16 : index
      %swap3A_253 = tpu.vector_load %arg12[%swap3A_251, %swap3A_252] {strides = array<i32>} : memref<128x64xf32, #tpu.memory_space<vmem>>, vector<1x16xf32>,
      %swap3A_254 = vector.shape_cast %swap3A_253 : vector<1x16xf32> to vector<16xf32>
      %swap3A_255 = vector.shape_cast %add3A_250 : vector<16xf32> to vector<1x16xf32>
      tpu.vector_store %arg12[%swap3A_251, %swap3A_252], %swap3A_255 {strides = array<i32>} : memref<128x64xf32, #tpu.memory_space<vmem>>, vector<1x16xf32>,
      %add3A_256 = arith.constant 0 : i32
      %add3A_257 = arith.addi %add3A_256, %scan3A_208 : i32
      %get3A_258 = arith.index_cast %add3A_257 : i32 to index
      %get3A_259 = arith.constant 32 : index
      %get3A_260 = tpu.vector_load %arg10[%get3A_258, %get3A_259] {strides = array<i32>} : memref<512x64xf32, #tpu.memory_space<vmem>>, vector<1x16xf32>,
      %get3A_261 = vector.shape_cast %get3A_260 : vector<1x16xf32> to vector<16xf32>
      %mul3A_262 = arith.constant 7.812500e-03 : f32
      %mul3A_263 = vector.broadcast %mul3A_262 : f32 to vector<16xf32>
      %mul3A_264 = arith.mulf %get3A_261, %mul3A_263 : vector<16xf32>
      %add3A_265 = arith.constant 0 : i32
      %add3A_266 = arith.addi %add3A_265, %scan3A_208 : i32
      %get3A_267 = arith.index_cast %add3A_266 : i32 to index
      %get3A_268 = arith.constant 32 : index
      %get3A_269 = tpu.vector_load %arg11[%get3A_267, %get3A_268] {strides = array<i32>} : memref<512x64xf32, #tpu.memory_space<vmem>>, vector<1x16xf32>,
      %get3A_270 = vector.shape_cast %get3A_269 : vector<1x16xf32> to vector<16xf32>
      %mul3A_271 = arith.constant 2.500000e-01 : f32
      %mul3A_272 = vector.broadcast %mul3A_271 : f32 to vector<16xf32>
      %mul3A_273 = arith.mulf %get3A_270, %mul3A_272 : vector<16xf32>
      %add3A_274 = arith.addf %mul3A_264, %mul3A_273 : vector<16xf32>
      %swap3A_275 = arith.index_cast %scan3A_208 : i32 to index
      %swap3A_276 = arith.constant 32 : index
      %swap3A_277 = tpu.vector_load %arg12[%swap3A_275, %swap3A_276] {strides = array<i32>} : memref<128x64xf32, #tpu.memory_space<vmem>>, vector<1x16xf32>,
      %swap3A_278 = vector.shape_cast %swap3A_277 : vector<1x16xf32> to vector<16xf32>
      %swap3A_279 = vector.shape_cast %add3A_274 : vector<16xf32> to vector<1x16xf32>
      tpu.vector_store %arg12[%swap3A_275, %swap3A_276], %swap3A_279 {strides = array<i32>} : memref<128x64xf32, #tpu.memory_space<vmem>>, vector<1x16xf32>,
      %add3A_280 = arith.constant 0 : i32
      %add3A_281 = arith.addi %add3A_280, %scan3A_208 : i32
      %get3A_282 = arith.index_cast %add3A_281 : i32 to index
      %get3A_283 = arith.constant 48 : index
      %get3A_284 = tpu.vector_load %arg10[%get3A_282, %get3A_283] {strides = array<i32>} : memref<512x64xf32, #tpu.memory_space<vmem>>, vector<1x16xf32>,
      %get3A_285 = vector.shape_cast %get3A_284 : vector<1x16xf32> to vector<16xf32>
      %mul3A_286 = arith.constant 7.812500e-03 : f32
      %mul3A_287 = vector.broadcast %mul3A_286 : f32 to vector<16xf32>
      %mul3A_288 = arith.mulf %get3A_285, %mul3A_287 : vector<16xf32>
      %add3A_289 = arith.constant 0 : i32
      %add3A_290 = arith.addi %add3A_289, %scan3A_208 : i32
      %get3A_291 = arith.index_cast %add3A_290 : i32 to index
      %get3A_292 = arith.constant 48 : index
      %get3A_293 = tpu.vector_load %arg11[%get3A_291, %get3A_292] {strides = array<i32>} : memref<512x64xf32, #tpu.memory_space<vmem>>, vector<1x16xf32>,
      %get3A_294 = vector.shape_cast %get3A_293 : vector<1x16xf32> to vector<16xf32>
      %mul3A_295 = arith.constant 2.500000e-01 : f32
      %mul3A_296 = vector.broadcast %mul3A_295 : f32 to vector<16xf32>
      %mul3A_297 = arith.mulf %get3A_294, %mul3A_296 : vector<16xf32>
      %add3A_298 = arith.addf %mul3A_288, %mul3A_297 : vector<16xf32>
      %swap3A_299 = arith.index_cast %scan3A_208 : i32 to index
      %swap3A_300 = arith.constant 48 : index
      %swap3A_301 = tpu.vector_load %arg12[%swap3A_299, %swap3A_300] {strides = array<i32>} : memref<128x64xf32, #tpu.memory_space<vmem>>, vector<1x16xf32>,
      %swap3A_302 = vector.shape_cast %swap3A_301 : vector<1x16xf32> to vector<16xf32>
      %swap3A_303 = vector.shape_cast %add3A_298 : vector<16xf32> to vector<1x16xf32>
      tpu.vector_store %arg12[%swap3A_299, %swap3A_300], %swap3A_303 {strides = array<i32>} : memref<128x64xf32, #tpu.memory_space<vmem>>, vector<1x16xf32>,
      %scan3A_304 = arith.constant 0 : i32
      scf.yield %scan3A_304 : i32
    }
    %scan3A_178 = arith.constant 128 : i32
    %add3A_179 = arith.constant 0 : i32
    %add3A_180 = arith.addi %mul3A_2, %add3A_179 : i32
    "tpu.region"() ({
      %run_scoped3A_208 = tpu.sem_alloc : memref<!tpu.dma_semaphore, #tpu.memory_space<semaphore_mem>>
      %dma_start3A_209 = arith.constant 0 : i32
      %dma_start3A_210 = tpu.memref_slice %arg6[%add3A_180, %dma_start3A_209] : memref<16384x64xf32, #tpu.memory_space<hbm>> -> memref<128x64xf32, #tpu.memory_space<hbm>>
      %dma_start3A_211 = arith.constant 0 : i32
      %dma_start3A_212 = tpu.memref_slice %arg6[%add3A_180, %dma_start3A_211] : memref<16384x64xf32, #tpu.memory_space<hbm>> -> memref<128x64xf32, #tpu.memory_space<hbm>>
      tpu.enqueue_dma source(%arg12 : memref<128x64xf32, #tpu.memory_space<vmem>>) target(%dma_start3A_212 : memref<128x64xf32, #tpu.memory_space<hbm>>) target_semaphore(%run_scoped3A_208 : memref<!tpu.dma_semaphore, #tpu.memory_space<semaphore_mem>>)
      %dma_wait3A_213 = arith.constant 0 : i32
      %dma_wait3A_214 = tpu.memref_slice %arg6[%add3A_180, %dma_wait3A_213] : memref<16384x64xf32, #tpu.memory_space<hbm>> -> memref<128x64xf32, #tpu.memory_space<hbm>>
      %dma_wait3A_215 = arith.constant 0 : i32
      %dma_wait3A_216 = tpu.memref_slice %arg6[%add3A_180, %dma_wait3A_215] : memref<16384x64xf32, #tpu.memory_space<hbm>> -> memref<128x64xf32, #tpu.memory_space<hbm>>
      tpu.wait_dma2 semaphore(%run_scoped3A_208 : memref<!tpu.dma_semaphore, #tpu.memory_space<semaphore_mem>>) src(%arg12 : memref<128x64xf32, #tpu.memory_space<vmem>>) dst(%dma_wait3A_216 : memref<128x64xf32, #tpu.memory_space<hbm>>)
      tpu.yield
    }) : () -> ()
    %scan3A_181 = arith.constant 0 : i32
    %scan3A_182 = arith.constant 0 : i32
    %scan3A_183 = arith.constant 128 : i32
    %scan3A_184 = arith.addi %scan3A_182, %scan3A_183 : i32
    %scan3A_185 = arith.constant 1 : i32
    %scan3A_186 = scf.for %scan3A_208 = %scan3A_182 to %scan3A_184 step %scan3A_185 iter_args(%scan3A_209 = %scan3A_181) -> (i32)  : i32 {
      %add3A_210 = arith.constant 128 : i32
      %add3A_211 = arith.addi %add3A_210, %scan3A_208 : i32
      %get3A = arith.index_cast %add3A_211 : i32 to index
      %get3A_212 = arith.constant 0 : index
      %get3A_213 = tpu.vector_load %arg10[%get3A, %get3A_212] {strides = array<i32>} : memref<512x64xf32, #tpu.memory_space<vmem>>, vector<1x16xf32>,
      %get3A_214 = vector.shape_cast %get3A_213 : vector<1x16xf32> to vector<16xf32>
      %mul3A_215 = arith.constant 7.812500e-03 : f32
      %mul3A_216 = vector.broadcast %mul3A_215 : f32 to vector<16xf32>
      %mul3A_217 = arith.mulf %get3A_214, %mul3A_216 : vector<16xf32>
      %add3A_218 = arith.constant 128 : i32
      %add3A_219 = arith.addi %add3A_218, %scan3A_208 : i32
      %get3A_220 = arith.index_cast %add3A_219 : i32 to index
      %get3A_221 = arith.constant 0 : index
      %get3A_222 = tpu.vector_load %arg11[%get3A_220, %get3A_221] {strides = array<i32>} : memref<512x64xf32, #tpu.memory_space<vmem>>, vector<1x16xf32>,
      %get3A_223 = vector.shape_cast %get3A_222 : vector<1x16xf32> to vector<16xf32>
      %mul3A_224 = arith.constant 2.500000e-01 : f32
      %mul3A_225 = vector.broadcast %mul3A_224 : f32 to vector<16xf32>
      %mul3A_226 = arith.mulf %get3A_223, %mul3A_225 : vector<16xf32>
      %add3A_227 = arith.addf %mul3A_217, %mul3A_226 : vector<16xf32>
      %swap3A = arith.index_cast %scan3A_208 : i32 to index
      %swap3A_228 = arith.constant 0 : index
      %swap3A_229 = tpu.vector_load %arg12[%swap3A, %swap3A_228] {strides = array<i32>} : memref<128x64xf32, #tpu.memory_space<vmem>>, vector<1x16xf32>,
      %swap3A_230 = vector.shape_cast %swap3A_229 : vector<1x16xf32> to vector<16xf32>
      %swap3A_231 = vector.shape_cast %add3A_227 : vector<16xf32> to vector<1x16xf32>
      tpu.vector_store %arg12[%swap3A, %swap3A_228], %swap3A_231 {strides = array<i32>} : memref<128x64xf32, #tpu.memory_space<vmem>>, vector<1x16xf32>,
      %add3A_232 = arith.constant 128 : i32
      %add3A_233 = arith.addi %add3A_232, %scan3A_208 : i32
      %get3A_234 = arith.index_cast %add3A_233 : i32 to index
      %get3A_235 = arith.constant 16 : index
      %get3A_236 = tpu.vector_load %arg10[%get3A_234, %get3A_235] {strides = array<i32>} : memref<512x64xf32, #tpu.memory_space<vmem>>, vector<1x16xf32>,
      %get3A_237 = vector.shape_cast %get3A_236 : vector<1x16xf32> to vector<16xf32>
      %mul3A_238 = arith.constant 7.812500e-03 : f32
      %mul3A_239 = vector.broadcast %mul3A_238 : f32 to vector<16xf32>
      %mul3A_240 = arith.mulf %get3A_237, %mul3A_239 : vector<16xf32>
      %add3A_241 = arith.constant 128 : i32
      %add3A_242 = arith.addi %add3A_241, %scan3A_208 : i32
      %get3A_243 = arith.index_cast %add3A_242 : i32 to index
      %get3A_244 = arith.constant 16 : index
      %get3A_245 = tpu.vector_load %arg11[%get3A_243, %get3A_244] {strides = array<i32>} : memref<512x64xf32, #tpu.memory_space<vmem>>, vector<1x16xf32>,
      %get3A_246 = vector.shape_cast %get3A_245 : vector<1x16xf32> to vector<16xf32>
      %mul3A_247 = arith.constant 2.500000e-01 : f32
      %mul3A_248 = vector.broadcast %mul3A_247 : f32 to vector<16xf32>
      %mul3A_249 = arith.mulf %get3A_246, %mul3A_248 : vector<16xf32>
      %add3A_250 = arith.addf %mul3A_240, %mul3A_249 : vector<16xf32>
      %swap3A_251 = arith.index_cast %scan3A_208 : i32 to index
      %swap3A_252 = arith.constant 16 : index
      %swap3A_253 = tpu.vector_load %arg12[%swap3A_251, %swap3A_252] {strides = array<i32>} : memref<128x64xf32, #tpu.memory_space<vmem>>, vector<1x16xf32>,
      %swap3A_254 = vector.shape_cast %swap3A_253 : vector<1x16xf32> to vector<16xf32>
      %swap3A_255 = vector.shape_cast %add3A_250 : vector<16xf32> to vector<1x16xf32>
      tpu.vector_store %arg12[%swap3A_251, %swap3A_252], %swap3A_255 {strides = array<i32>} : memref<128x64xf32, #tpu.memory_space<vmem>>, vector<1x16xf32>,
      %add3A_256 = arith.constant 128 : i32
      %add3A_257 = arith.addi %add3A_256, %scan3A_208 : i32
      %get3A_258 = arith.index_cast %add3A_257 : i32 to index
      %get3A_259 = arith.constant 32 : index
      %get3A_260 = tpu.vector_load %arg10[%get3A_258, %get3A_259] {strides = array<i32>} : memref<512x64xf32, #tpu.memory_space<vmem>>, vector<1x16xf32>,
      %get3A_261 = vector.shape_cast %get3A_260 : vector<1x16xf32> to vector<16xf32>
      %mul3A_262 = arith.constant 7.812500e-03 : f32
      %mul3A_263 = vector.broadcast %mul3A_262 : f32 to vector<16xf32>
      %mul3A_264 = arith.mulf %get3A_261, %mul3A_263 : vector<16xf32>
      %add3A_265 = arith.constant 128 : i32
      %add3A_266 = arith.addi %add3A_265, %scan3A_208 : i32
      %get3A_267 = arith.index_cast %add3A_266 : i32 to index
      %get3A_268 = arith.constant 32 : index
      %get3A_269 = tpu.vector_load %arg11[%get3A_267, %get3A_268] {strides = array<i32>} : memref<512x64xf32, #tpu.memory_space<vmem>>, vector<1x16xf32>,
      %get3A_270 = vector.shape_cast %get3A_269 : vector<1x16xf32> to vector<16xf32>
      %mul3A_271 = arith.constant 2.500000e-01 : f32
      %mul3A_272 = vector.broadcast %mul3A_271 : f32 to vector<16xf32>
      %mul3A_273 = arith.mulf %get3A_270, %mul3A_272 : vector<16xf32>
      %add3A_274 = arith.addf %mul3A_264, %mul3A_273 : vector<16xf32>
      %swap3A_275 = arith.index_cast %scan3A_208 : i32 to index
      %swap3A_276 = arith.constant 32 : index
      %swap3A_277 = tpu.vector_load %arg12[%swap3A_275, %swap3A_276] {strides = array<i32>} : memref<128x64xf32, #tpu.memory_space<vmem>>, vector<1x16xf32>,
      %swap3A_278 = vector.shape_cast %swap3A_277 : vector<1x16xf32> to vector<16xf32>
      %swap3A_279 = vector.shape_cast %add3A_274 : vector<16xf32> to vector<1x16xf32>
      tpu.vector_store %arg12[%swap3A_275, %swap3A_276], %swap3A_279 {strides = array<i32>} : memref<128x64xf32, #tpu.memory_space<vmem>>, vector<1x16xf32>,
      %add3A_280 = arith.constant 128 : i32
      %add3A_281 = arith.addi %add3A_280, %scan3A_208 : i32
      %get3A_282 = arith.index_cast %add3A_281 : i32 to index
      %get3A_283 = arith.constant 48 : index
      %get3A_284 = tpu.vector_load %arg10[%get3A_282, %get3A_283] {strides = array<i32>} : memref<512x64xf32, #tpu.memory_space<vmem>>, vector<1x16xf32>,
      %get3A_285 = vector.shape_cast %get3A_284 : vector<1x16xf32> to vector<16xf32>
      %mul3A_286 = arith.constant 7.812500e-03 : f32
      %mul3A_287 = vector.broadcast %mul3A_286 : f32 to vector<16xf32>
      %mul3A_288 = arith.mulf %get3A_285, %mul3A_287 : vector<16xf32>
      %add3A_289 = arith.constant 128 : i32
      %add3A_290 = arith.addi %add3A_289, %scan3A_208 : i32
      %get3A_291 = arith.index_cast %add3A_290 : i32 to index
      %get3A_292 = arith.constant 48 : index
      %get3A_293 = tpu.vector_load %arg11[%get3A_291, %get3A_292] {strides = array<i32>} : memref<512x64xf32, #tpu.memory_space<vmem>>, vector<1x16xf32>,
      %get3A_294 = vector.shape_cast %get3A_293 : vector<1x16xf32> to vector<16xf32>
      %mul3A_295 = arith.constant 2.500000e-01 : f32
      %mul3A_296 = vector.broadcast %mul3A_295 : f32 to vector<16xf32>
      %mul3A_297 = arith.mulf %get3A_294, %mul3A_296 : vector<16xf32>
      %add3A_298 = arith.addf %mul3A_288, %mul3A_297 : vector<16xf32>
      %swap3A_299 = arith.index_cast %scan3A_208 : i32 to index
      %swap3A_300 = arith.constant 48 : index
      %swap3A_301 = tpu.vector_load %arg12[%swap3A_299, %swap3A_300] {strides = array<i32>} : memref<128x64xf32, #tpu.memory_space<vmem>>, vector<1x16xf32>,
      %swap3A_302 = vector.shape_cast %swap3A_301 : vector<1x16xf32> to vector<16xf32>
      %swap3A_303 = vector.shape_cast %add3A_298 : vector<16xf32> to vector<1x16xf32>
      tpu.vector_store %arg12[%swap3A_299, %swap3A_300], %swap3A_303 {strides = array<i32>} : memref<128x64xf32, #tpu.memory_space<vmem>>, vector<1x16xf32>,
      %scan3A_304 = arith.constant 0 : i32
      scf.yield %scan3A_304 : i32
    }
    %scan3A_187 = arith.constant 128 : i32
    %add3A_188 = arith.constant 128 : i32
    %add3A_189 = arith.addi %mul3A_2, %add3A_188 : i32
    "tpu.region"() ({
      %run_scoped3A_208 = tpu.sem_alloc : memref<!tpu.dma_semaphore, #tpu.memory_space<semaphore_mem>>
      %dma_start3A_209 = arith.constant 0 : i32
      %dma_start3A_210 = tpu.memref_slice %arg6[%add3A_189, %dma_start3A_209] : memref<16384x64xf32, #tpu.memory_space<hbm>> -> memref<128x64xf32, #tpu.memory_space<hbm>>
      %dma_start3A_211 = arith.constant 0 : i32
      %dma_start3A_212 = tpu.memref_slice %arg6[%add3A_189, %dma_start3A_211] : memref<16384x64xf32, #tpu.memory_space<hbm>> -> memref<128x64xf32, #tpu.memory_space<hbm>>
      tpu.enqueue_dma source(%arg12 : memref<128x64xf32, #tpu.memory_space<vmem>>) target(%dma_start3A_212 : memref<128x64xf32, #tpu.memory_space<hbm>>) target_semaphore(%run_scoped3A_208 : memref<!tpu.dma_semaphore, #tpu.memory_space<semaphore_mem>>)
      %dma_wait3A_213 = arith.constant 0 : i32
      %dma_wait3A_214 = tpu.memref_slice %arg6[%add3A_189, %dma_wait3A_213] : memref<16384x64xf32, #tpu.memory_space<hbm>> -> memref<128x64xf32, #tpu.memory_space<hbm>>
      %dma_wait3A_215 = arith.constant 0 : i32
      %dma_wait3A_216 = tpu.memref_slice %arg6[%add3A_189, %dma_wait3A_215] : memref<16384x64xf32, #tpu.memory_space<hbm>> -> memref<128x64xf32, #tpu.memory_space<hbm>>
      tpu.wait_dma2 semaphore(%run_scoped3A_208 : memref<!tpu.dma_semaphore, #tpu.memory_space<semaphore_mem>>) src(%arg12 : memref<128x64xf32, #tpu.memory_space<vmem>>) dst(%dma_wait3A_216 : memref<128x64xf32, #tpu.memory_space<hbm>>)
      tpu.yield
    }) : () -> ()
    %scan3A_190 = arith.constant 0 : i32
    %scan3A_191 = arith.constant 0 : i32
    %scan3A_192 = arith.constant 128 : i32
    %scan3A_193 = arith.addi %scan3A_191, %scan3A_192 : i32
    %scan3A_194 = arith.constant 1 : i32
    %scan3A_195 = scf.for %scan3A_208 = %scan3A_191 to %scan3A_193 step %scan3A_194 iter_args(%scan3A_209 = %scan3A_190) -> (i32)  : i32 {
      %add3A_210 = arith.constant 256 : i32
      %add3A_211 = arith.addi %add3A_210, %scan3A_208 : i32
      %get3A = arith.index_cast %add3A_211 : i32 to index
      %get3A_212 = arith.constant 0 : index
      %get3A_213 = tpu.vector_load %arg10[%get3A, %get3A_212] {strides = array<i32>} : memref<512x64xf32, #tpu.memory_space<vmem>>, vector<1x16xf32>,
      %get3A_214 = vector.shape_cast %get3A_213 : vector<1x16xf32> to vector<16xf32>
      %mul3A_215 = arith.constant 7.812500e-03 : f32
      %mul3A_216 = vector.broadcast %mul3A_215 : f32 to vector<16xf32>
      %mul3A_217 = arith.mulf %get3A_214, %mul3A_216 : vector<16xf32>
      %add3A_218 = arith.constant 256 : i32
      %add3A_219 = arith.addi %add3A_218, %scan3A_208 : i32
      %get3A_220 = arith.index_cast %add3A_219 : i32 to index
      %get3A_221 = arith.constant 0 : index
      %get3A_222 = tpu.vector_load %arg11[%get3A_220, %get3A_221] {strides = array<i32>} : memref<512x64xf32, #tpu.memory_space<vmem>>, vector<1x16xf32>,
      %get3A_223 = vector.shape_cast %get3A_222 : vector<1x16xf32> to vector<16xf32>
      %mul3A_224 = arith.constant 2.500000e-01 : f32
      %mul3A_225 = vector.broadcast %mul3A_224 : f32 to vector<16xf32>
      %mul3A_226 = arith.mulf %get3A_223, %mul3A_225 : vector<16xf32>
      %add3A_227 = arith.addf %mul3A_217, %mul3A_226 : vector<16xf32>
      %swap3A = arith.index_cast %scan3A_208 : i32 to index
      %swap3A_228 = arith.constant 0 : index
      %swap3A_229 = tpu.vector_load %arg12[%swap3A, %swap3A_228] {strides = array<i32>} : memref<128x64xf32, #tpu.memory_space<vmem>>, vector<1x16xf32>,
      %swap3A_230 = vector.shape_cast %swap3A_229 : vector<1x16xf32> to vector<16xf32>
      %swap3A_231 = vector.shape_cast %add3A_227 : vector<16xf32> to vector<1x16xf32>
      tpu.vector_store %arg12[%swap3A, %swap3A_228], %swap3A_231 {strides = array<i32>} : memref<128x64xf32, #tpu.memory_space<vmem>>, vector<1x16xf32>,
      %add3A_232 = arith.constant 256 : i32
      %add3A_233 = arith.addi %add3A_232, %scan3A_208 : i32
      %get3A_234 = arith.index_cast %add3A_233 : i32 to index
      %get3A_235 = arith.constant 16 : index
      %get3A_236 = tpu.vector_load %arg10[%get3A_234, %get3A_235] {strides = array<i32>} : memref<512x64xf32, #tpu.memory_space<vmem>>, vector<1x16xf32>,
      %get3A_237 = vector.shape_cast %get3A_236 : vector<1x16xf32> to vector<16xf32>
      %mul3A_238 = arith.constant 7.812500e-03 : f32
      %mul3A_239 = vector.broadcast %mul3A_238 : f32 to vector<16xf32>
      %mul3A_240 = arith.mulf %get3A_237, %mul3A_239 : vector<16xf32>
      %add3A_241 = arith.constant 256 : i32
      %add3A_242 = arith.addi %add3A_241, %scan3A_208 : i32
      %get3A_243 = arith.index_cast %add3A_242 : i32 to index
      %get3A_244 = arith.constant 16 : index
      %get3A_245 = tpu.vector_load %arg11[%get3A_243, %get3A_244] {strides = array<i32>} : memref<512x64xf32, #tpu.memory_space<vmem>>, vector<1x16xf32>,
      %get3A_246 = vector.shape_cast %get3A_245 : vector<1x16xf32> to vector<16xf32>
      %mul3A_247 = arith.constant 2.500000e-01 : f32
      %mul3A_248 = vector.broadcast %mul3A_247 : f32 to vector<16xf32>
      %mul3A_249 = arith.mulf %get3A_246, %mul3A_248 : vector<16xf32>
      %add3A_250 = arith.addf %mul3A_240, %mul3A_249 : vector<16xf32>
      %swap3A_251 = arith.index_cast %scan3A_208 : i32 to index
      %swap3A_252 = arith.constant 16 : index
      %swap3A_253 = tpu.vector_load %arg12[%swap3A_251, %swap3A_252] {strides = array<i32>} : memref<128x64xf32, #tpu.memory_space<vmem>>, vector<1x16xf32>,
      %swap3A_254 = vector.shape_cast %swap3A_253 : vector<1x16xf32> to vector<16xf32>
      %swap3A_255 = vector.shape_cast %add3A_250 : vector<16xf32> to vector<1x16xf32>
      tpu.vector_store %arg12[%swap3A_251, %swap3A_252], %swap3A_255 {strides = array<i32>} : memref<128x64xf32, #tpu.memory_space<vmem>>, vector<1x16xf32>,
      %add3A_256 = arith.constant 256 : i32
      %add3A_257 = arith.addi %add3A_256, %scan3A_208 : i32
      %get3A_258 = arith.index_cast %add3A_257 : i32 to index
      %get3A_259 = arith.constant 32 : index
      %get3A_260 = tpu.vector_load %arg10[%get3A_258, %get3A_259] {strides = array<i32>} : memref<512x64xf32, #tpu.memory_space<vmem>>, vector<1x16xf32>,
      %get3A_261 = vector.shape_cast %get3A_260 : vector<1x16xf32> to vector<16xf32>
      %mul3A_262 = arith.constant 7.812500e-03 : f32
      %mul3A_263 = vector.broadcast %mul3A_262 : f32 to vector<16xf32>
      %mul3A_264 = arith.mulf %get3A_261, %mul3A_263 : vector<16xf32>
      %add3A_265 = arith.constant 256 : i32
      %add3A_266 = arith.addi %add3A_265, %scan3A_208 : i32
      %get3A_267 = arith.index_cast %add3A_266 : i32 to index
      %get3A_268 = arith.constant 32 : index
      %get3A_269 = tpu.vector_load %arg11[%get3A_267, %get3A_268] {strides = array<i32>} : memref<512x64xf32, #tpu.memory_space<vmem>>, vector<1x16xf32>,
      %get3A_270 = vector.shape_cast %get3A_269 : vector<1x16xf32> to vector<16xf32>
      %mul3A_271 = arith.constant 2.500000e-01 : f32
      %mul3A_272 = vector.broadcast %mul3A_271 : f32 to vector<16xf32>
      %mul3A_273 = arith.mulf %get3A_270, %mul3A_272 : vector<16xf32>
      %add3A_274 = arith.addf %mul3A_264, %mul3A_273 : vector<16xf32>
      %swap3A_275 = arith.index_cast %scan3A_208 : i32 to index
      %swap3A_276 = arith.constant 32 : index
      %swap3A_277 = tpu.vector_load %arg12[%swap3A_275, %swap3A_276] {strides = array<i32>} : memref<128x64xf32, #tpu.memory_space<vmem>>, vector<1x16xf32>,
      %swap3A_278 = vector.shape_cast %swap3A_277 : vector<1x16xf32> to vector<16xf32>
      %swap3A_279 = vector.shape_cast %add3A_274 : vector<16xf32> to vector<1x16xf32>
      tpu.vector_store %arg12[%swap3A_275, %swap3A_276], %swap3A_279 {strides = array<i32>} : memref<128x64xf32, #tpu.memory_space<vmem>>, vector<1x16xf32>,
      %add3A_280 = arith.constant 256 : i32
      %add3A_281 = arith.addi %add3A_280, %scan3A_208 : i32
      %get3A_282 = arith.index_cast %add3A_281 : i32 to index
      %get3A_283 = arith.constant 48 : index
      %get3A_284 = tpu.vector_load %arg10[%get3A_282, %get3A_283] {strides = array<i32>} : memref<512x64xf32, #tpu.memory_space<vmem>>, vector<1x16xf32>,
      %get3A_285 = vector.shape_cast %get3A_284 : vector<1x16xf32> to vector<16xf32>
      %mul3A_286 = arith.constant 7.812500e-03 : f32
      %mul3A_287 = vector.broadcast %mul3A_286 : f32 to vector<16xf32>
      %mul3A_288 = arith.mulf %get3A_285, %mul3A_287 : vector<16xf32>
      %add3A_289 = arith.constant 256 : i32
      %add3A_290 = arith.addi %add3A_289, %scan3A_208 : i32
      %get3A_291 = arith.index_cast %add3A_290 : i32 to index
      %get3A_292 = arith.constant 48 : index
      %get3A_293 = tpu.vector_load %arg11[%get3A_291, %get3A_292] {strides = array<i32>} : memref<512x64xf32, #tpu.memory_space<vmem>>, vector<1x16xf32>,
      %get3A_294 = vector.shape_cast %get3A_293 : vector<1x16xf32> to vector<16xf32>
      %mul3A_295 = arith.constant 2.500000e-01 : f32
      %mul3A_296 = vector.broadcast %mul3A_295 : f32 to vector<16xf32>
      %mul3A_297 = arith.mulf %get3A_294, %mul3A_296 : vector<16xf32>
      %add3A_298 = arith.addf %mul3A_288, %mul3A_297 : vector<16xf32>
      %swap3A_299 = arith.index_cast %scan3A_208 : i32 to index
      %swap3A_300 = arith.constant 48 : index
      %swap3A_301 = tpu.vector_load %arg12[%swap3A_299, %swap3A_300] {strides = array<i32>} : memref<128x64xf32, #tpu.memory_space<vmem>>, vector<1x16xf32>,
      %swap3A_302 = vector.shape_cast %swap3A_301 : vector<1x16xf32> to vector<16xf32>
      %swap3A_303 = vector.shape_cast %add3A_298 : vector<16xf32> to vector<1x16xf32>
      tpu.vector_store %arg12[%swap3A_299, %swap3A_300], %swap3A_303 {strides = array<i32>} : memref<128x64xf32, #tpu.memory_space<vmem>>, vector<1x16xf32>,
      %scan3A_304 = arith.constant 0 : i32
      scf.yield %scan3A_304 : i32
    }
    %scan3A_196 = arith.constant 128 : i32
    %add3A_197 = arith.constant 256 : i32
    %add3A_198 = arith.addi %mul3A_2, %add3A_197 : i32
    "tpu.region"() ({
      %run_scoped3A_208 = tpu.sem_alloc : memref<!tpu.dma_semaphore, #tpu.memory_space<semaphore_mem>>
      %dma_start3A_209 = arith.constant 0 : i32
      %dma_start3A_210 = tpu.memref_slice %arg6[%add3A_198, %dma_start3A_209] : memref<16384x64xf32, #tpu.memory_space<hbm>> -> memref<128x64xf32, #tpu.memory_space<hbm>>
      %dma_start3A_211 = arith.constant 0 : i32
      %dma_start3A_212 = tpu.memref_slice %arg6[%add3A_198, %dma_start3A_211] : memref<16384x64xf32, #tpu.memory_space<hbm>> -> memref<128x64xf32, #tpu.memory_space<hbm>>
      tpu.enqueue_dma source(%arg12 : memref<128x64xf32, #tpu.memory_space<vmem>>) target(%dma_start3A_212 : memref<128x64xf32, #tpu.memory_space<hbm>>) target_semaphore(%run_scoped3A_208 : memref<!tpu.dma_semaphore, #tpu.memory_space<semaphore_mem>>)
      %dma_wait3A_213 = arith.constant 0 : i32
      %dma_wait3A_214 = tpu.memref_slice %arg6[%add3A_198, %dma_wait3A_213] : memref<16384x64xf32, #tpu.memory_space<hbm>> -> memref<128x64xf32, #tpu.memory_space<hbm>>
      %dma_wait3A_215 = arith.constant 0 : i32
      %dma_wait3A_216 = tpu.memref_slice %arg6[%add3A_198, %dma_wait3A_215] : memref<16384x64xf32, #tpu.memory_space<hbm>> -> memref<128x64xf32, #tpu.memory_space<hbm>>
      tpu.wait_dma2 semaphore(%run_scoped3A_208 : memref<!tpu.dma_semaphore, #tpu.memory_space<semaphore_mem>>) src(%arg12 : memref<128x64xf32, #tpu.memory_space<vmem>>) dst(%dma_wait3A_216 : memref<128x64xf32, #tpu.memory_space<hbm>>)
      tpu.yield
    }) : () -> ()
    %scan3A_199 = arith.constant 0 : i32
    %scan3A_200 = arith.constant 0 : i32
    %scan3A_201 = arith.constant 128 : i32
    %scan3A_202 = arith.addi %scan3A_200, %scan3A_201 : i32
    %scan3A_203 = arith.constant 1 : i32
    %scan3A_204 = scf.for %scan3A_208 = %scan3A_200 to %scan3A_202 step %scan3A_203 iter_args(%scan3A_209 = %scan3A_199) -> (i32)  : i32 {
      %add3A_210 = arith.constant 384 : i32
      %add3A_211 = arith.addi %add3A_210, %scan3A_208 : i32
      %get3A = arith.index_cast %add3A_211 : i32 to index
      %get3A_212 = arith.constant 0 : index
      %get3A_213 = tpu.vector_load %arg10[%get3A, %get3A_212] {strides = array<i32>} : memref<512x64xf32, #tpu.memory_space<vmem>>, vector<1x16xf32>,
      %get3A_214 = vector.shape_cast %get3A_213 : vector<1x16xf32> to vector<16xf32>
      %mul3A_215 = arith.constant 7.812500e-03 : f32
      %mul3A_216 = vector.broadcast %mul3A_215 : f32 to vector<16xf32>
      %mul3A_217 = arith.mulf %get3A_214, %mul3A_216 : vector<16xf32>
      %add3A_218 = arith.constant 384 : i32
      %add3A_219 = arith.addi %add3A_218, %scan3A_208 : i32
      %get3A_220 = arith.index_cast %add3A_219 : i32 to index
      %get3A_221 = arith.constant 0 : index
      %get3A_222 = tpu.vector_load %arg11[%get3A_220, %get3A_221] {strides = array<i32>} : memref<512x64xf32, #tpu.memory_space<vmem>>, vector<1x16xf32>,
      %get3A_223 = vector.shape_cast %get3A_222 : vector<1x16xf32> to vector<16xf32>
      %mul3A_224 = arith.constant 2.500000e-01 : f32
      %mul3A_225 = vector.broadcast %mul3A_224 : f32 to vector<16xf32>
      %mul3A_226 = arith.mulf %get3A_223, %mul3A_225 : vector<16xf32>
      %add3A_227 = arith.addf %mul3A_217, %mul3A_226 : vector<16xf32>
      %swap3A = arith.index_cast %scan3A_208 : i32 to index
      %swap3A_228 = arith.constant 0 : index
      %swap3A_229 = tpu.vector_load %arg12[%swap3A, %swap3A_228] {strides = array<i32>} : memref<128x64xf32, #tpu.memory_space<vmem>>, vector<1x16xf32>,
      %swap3A_230 = vector.shape_cast %swap3A_229 : vector<1x16xf32> to vector<16xf32>
      %swap3A_231 = vector.shape_cast %add3A_227 : vector<16xf32> to vector<1x16xf32>
      tpu.vector_store %arg12[%swap3A, %swap3A_228], %swap3A_231 {strides = array<i32>} : memref<128x64xf32, #tpu.memory_space<vmem>>, vector<1x16xf32>,
      %add3A_232 = arith.constant 384 : i32
      %add3A_233 = arith.addi %add3A_232, %scan3A_208 : i32
      %get3A_234 = arith.index_cast %add3A_233 : i32 to index
      %get3A_235 = arith.constant 16 : index
      %get3A_236 = tpu.vector_load %arg10[%get3A_234, %get3A_235] {strides = array<i32>} : memref<512x64xf32, #tpu.memory_space<vmem>>, vector<1x16xf32>,
      %get3A_237 = vector.shape_cast %get3A_236 : vector<1x16xf32> to vector<16xf32>
      %mul3A_238 = arith.constant 7.812500e-03 : f32
      %mul3A_239 = vector.broadcast %mul3A_238 : f32 to vector<16xf32>
      %mul3A_240 = arith.mulf %get3A_237, %mul3A_239 : vector<16xf32>
      %add3A_241 = arith.constant 384 : i32
      %add3A_242 = arith.addi %add3A_241, %scan3A_208 : i32
      %get3A_243 = arith.index_cast %add3A_242 : i32 to index
      %get3A_244 = arith.constant 16 : index
      %get3A_245 = tpu.vector_load %arg11[%get3A_243, %get3A_244] {strides = array<i32>} : memref<512x64xf32, #tpu.memory_space<vmem>>, vector<1x16xf32>,
      %get3A_246 = vector.shape_cast %get3A_245 : vector<1x16xf32> to vector<16xf32>
      %mul3A_247 = arith.constant 2.500000e-01 : f32
      %mul3A_248 = vector.broadcast %mul3A_247 : f32 to vector<16xf32>
      %mul3A_249 = arith.mulf %get3A_246, %mul3A_248 : vector<16xf32>
      %add3A_250 = arith.addf %mul3A_240, %mul3A_249 : vector<16xf32>
      %swap3A_251 = arith.index_cast %scan3A_208 : i32 to index
      %swap3A_252 = arith.constant 16 : index
      %swap3A_253 = tpu.vector_load %arg12[%swap3A_251, %swap3A_252] {strides = array<i32>} : memref<128x64xf32, #tpu.memory_space<vmem>>, vector<1x16xf32>,
      %swap3A_254 = vector.shape_cast %swap3A_253 : vector<1x16xf32> to vector<16xf32>
      %swap3A_255 = vector.shape_cast %add3A_250 : vector<16xf32> to vector<1x16xf32>
      tpu.vector_store %arg12[%swap3A_251, %swap3A_252], %swap3A_255 {strides = array<i32>} : memref<128x64xf32, #tpu.memory_space<vmem>>, vector<1x16xf32>,
      %add3A_256 = arith.constant 384 : i32
      %add3A_257 = arith.addi %add3A_256, %scan3A_208 : i32
      %get3A_258 = arith.index_cast %add3A_257 : i32 to index
      %get3A_259 = arith.constant 32 : index
      %get3A_260 = tpu.vector_load %arg10[%get3A_258, %get3A_259] {strides = array<i32>} : memref<512x64xf32, #tpu.memory_space<vmem>>, vector<1x16xf32>,
      %get3A_261 = vector.shape_cast %get3A_260 : vector<1x16xf32> to vector<16xf32>
      %mul3A_262 = arith.constant 7.812500e-03 : f32
      %mul3A_263 = vector.broadcast %mul3A_262 : f32 to vector<16xf32>
      %mul3A_264 = arith.mulf %get3A_261, %mul3A_263 : vector<16xf32>
      %add3A_265 = arith.constant 384 : i32
      %add3A_266 = arith.addi %add3A_265, %scan3A_208 : i32
      %get3A_267 = arith.index_cast %add3A_266 : i32 to index
      %get3A_268 = arith.constant 32 : index
      %get3A_269 = tpu.vector_load %arg11[%get3A_267, %get3A_268] {strides = array<i32>} : memref<512x64xf32, #tpu.memory_space<vmem>>, vector<1x16xf32>,
      %get3A_270 = vector.shape_cast %get3A_269 : vector<1x16xf32> to vector<16xf32>
      %mul3A_271 = arith.constant 2.500000e-01 : f32
      %mul3A_272 = vector.broadcast %mul3A_271 : f32 to vector<16xf32>
      %mul3A_273 = arith.mulf %get3A_270, %mul3A_272 : vector<16xf32>
      %add3A_274 = arith.addf %mul3A_264, %mul3A_273 : vector<16xf32>
      %swap3A_275 = arith.index_cast %scan3A_208 : i32 to index
      %swap3A_276 = arith.constant 32 : index
      %swap3A_277 = tpu.vector_load %arg12[%swap3A_275, %swap3A_276] {strides = array<i32>} : memref<128x64xf32, #tpu.memory_space<vmem>>, vector<1x16xf32>,
      %swap3A_278 = vector.shape_cast %swap3A_277 : vector<1x16xf32> to vector<16xf32>
      %swap3A_279 = vector.shape_cast %add3A_274 : vector<16xf32> to vector<1x16xf32>
      tpu.vector_store %arg12[%swap3A_275, %swap3A_276], %swap3A_279 {strides = array<i32>} : memref<128x64xf32, #tpu.memory_space<vmem>>, vector<1x16xf32>,
      %add3A_280 = arith.constant 384 : i32
      %add3A_281 = arith.addi %add3A_280, %scan3A_208 : i32
      %get3A_282 = arith.index_cast %add3A_281 : i32 to index
      %get3A_283 = arith.constant 48 : index
      %get3A_284 = tpu.vector_load %arg10[%get3A_282, %get3A_283] {strides = array<i32>} : memref<512x64xf32, #tpu.memory_space<vmem>>, vector<1x16xf32>,
      %get3A_285 = vector.shape_cast %get3A_284 : vector<1x16xf32> to vector<16xf32>
      %mul3A_286 = arith.constant 7.812500e-03 : f32
      %mul3A_287 = vector.broadcast %mul3A_286 : f32 to vector<16xf32>
      %mul3A_288 = arith.mulf %get3A_285, %mul3A_287 : vector<16xf32>
      %add3A_289 = arith.constant 384 : i32
      %add3A_290 = arith.addi %add3A_289, %scan3A_208 : i32
      %get3A_291 = arith.index_cast %add3A_290 : i32 to index
      %get3A_292 = arith.constant 48 : index
      %get3A_293 = tpu.vector_load %arg11[%get3A_291, %get3A_292] {strides = array<i32>} : memref<512x64xf32, #tpu.memory_space<vmem>>, vector<1x16xf32>,
      %get3A_294 = vector.shape_cast %get3A_293 : vector<1x16xf32> to vector<16xf32>
      %mul3A_295 = arith.constant 2.500000e-01 : f32
      %mul3A_296 = vector.broadcast %mul3A_295 : f32 to vector<16xf32>
      %mul3A_297 = arith.mulf %get3A_294, %mul3A_296 : vector<16xf32>
      %add3A_298 = arith.addf %mul3A_288, %mul3A_297 : vector<16xf32>
      %swap3A_299 = arith.index_cast %scan3A_208 : i32 to index
      %swap3A_300 = arith.constant 48 : index
      %swap3A_301 = tpu.vector_load %arg12[%swap3A_299, %swap3A_300] {strides = array<i32>} : memref<128x64xf32, #tpu.memory_space<vmem>>, vector<1x16xf32>,
      %swap3A_302 = vector.shape_cast %swap3A_301 : vector<1x16xf32> to vector<16xf32>
      %swap3A_303 = vector.shape_cast %add3A_298 : vector<16xf32> to vector<1x16xf32>
      tpu.vector_store %arg12[%swap3A_299, %swap3A_300], %swap3A_303 {strides = array<i32>} : memref<128x64xf32, #tpu.memory_space<vmem>>, vector<1x16xf32>,
      %scan3A_304 = arith.constant 0 : i32
      scf.yield %scan3A_304 : i32
    }
    %scan3A_205 = arith.constant 128 : i32
    %add3A_206 = arith.constant 384 : i32
    %add3A_207 = arith.addi %mul3A_2, %add3A_206 : i32
    "tpu.region"() ({
      %run_scoped3A_208 = tpu.sem_alloc : memref<!tpu.dma_semaphore, #tpu.memory_space<semaphore_mem>>
      %dma_start3A_209 = arith.constant 0 : i32
      %dma_start3A_210 = tpu.memref_slice %arg6[%add3A_207, %dma_start3A_209] : memref<16384x64xf32, #tpu.memory_space<hbm>> -> memref<128x64xf32, #tpu.memory_space<hbm>>
      %dma_start3A_211 = arith.constant 0 : i32
      %dma_start3A_212 = tpu.memref_slice %arg6[%add3A_207, %dma_start3A_211] : memref<16384x64xf32, #tpu.memory_space<hbm>> -> memref<128x64xf32, #tpu.memory_space<hbm>>
      tpu.enqueue_dma source(%arg12 : memref<128x64xf32, #tpu.memory_space<vmem>>) target(%dma_start3A_212 : memref<128x64xf32, #tpu.memory_space<hbm>>) target_semaphore(%run_scoped3A_208 : memref<!tpu.dma_semaphore, #tpu.memory_space<semaphore_mem>>)
      %dma_wait3A_213 = arith.constant 0 : i32
      %dma_wait3A_214 = tpu.memref_slice %arg6[%add3A_207, %dma_wait3A_213] : memref<16384x64xf32, #tpu.memory_space<hbm>> -> memref<128x64xf32, #tpu.memory_space<hbm>>
      %dma_wait3A_215 = arith.constant 0 : i32
      %dma_wait3A_216 = tpu.memref_slice %arg6[%add3A_207, %dma_wait3A_215] : memref<16384x64xf32, #tpu.memory_space<hbm>> -> memref<128x64xf32, #tpu.memory_space<hbm>>
      tpu.wait_dma2 semaphore(%run_scoped3A_208 : memref<!tpu.dma_semaphore, #tpu.memory_space<semaphore_mem>>) src(%arg12 : memref<128x64xf32, #tpu.memory_space<vmem>>) dst(%dma_wait3A_216 : memref<128x64xf32, #tpu.memory_space<hbm>>)
      tpu.yield
    }) : () -> ()
    return
  }
}

module attributes {stable_mosaic.version = 14 : i64} {
  func.func @body(%arg0: i32, %arg1: memref<128x32xi32, #tpu.memory_space<vmem>>, %arg2: memref<128x32xi32, #tpu.memory_space<vmem>>, %arg3: memref<1x1x128xi32, #tpu.memory_space<vmem>>, %arg4: memref<1x72x128xi32, #tpu.memory_space<vmem>>) attributes {dimension_semantics = [#tpu.dimension_semantics<arbitrary>], iteration_bounds = array<i64: 128>, scalar_prefetch = 0 : i64, scratch_operands = 0 : i64, tpu.core_type = #tpu.core_type<tc>, window_params = [{transform_indices = @transform_0, window_bounds = array<i64: 128, 32>}, {transform_indices = @transform_1, window_bounds = array<i64: 128, 32>}, {transform_indices = @transform_2, window_bounds = array<i64: 1, 1, 128>}, {transform_indices = @transform_3, window_bounds = array<i64: 1, 72, 128>}]} {
    %get3A = arith.constant 0 : index
    %get3A_0 = arith.constant 0 : index
    %get3A_1 = vector.load %arg1[%get3A, %get3A_0] : memref<128x32xi32, #tpu.memory_space<vmem>>, vector<128x32xi32>
    %transpose3A = tpu.transpose %get3A_1, [1, 0] : vector<128x32xi32> -> vector<32x128xi32>
    %swap3A = arith.constant 0 : index
    %swap3A_2 = arith.constant 0 : index
    %swap3A_3 = arith.constant 0 : index
    %swap3A_4 = vector.load %arg4[%swap3A, %swap3A_2, %swap3A_3] : memref<1x72x128xi32, #tpu.memory_space<vmem>>, vector<1x32x128xi32>
    %swap3A_5 = vector.shape_cast %swap3A_4 : vector<1x32x128xi32> to vector<32x128xi32>
    %swap3A_6 = vector.shape_cast %transpose3A : vector<32x128xi32> to vector<1x32x128xi32>
    tpu.vector_store %arg4[%swap3A, %swap3A_2, %swap3A_3], %swap3A_6 {strides = array<i32>} : memref<1x72x128xi32, #tpu.memory_space<vmem>>, vector<1x32x128xi32>,
    %get3A_7 = arith.constant 0 : index
    %get3A_8 = arith.constant 0 : index
    %get3A_9 = vector.load %arg2[%get3A_7, %get3A_8] : memref<128x32xi32, #tpu.memory_space<vmem>>, vector<128x32xi32>
    %transpose3A_10 = tpu.transpose %get3A_9, [1, 0] : vector<128x32xi32> -> vector<32x128xi32>
    %swap3A_11 = arith.constant 0 : index
    %swap3A_12 = arith.constant 32 : index
    %swap3A_13 = arith.constant 0 : index
    %swap3A_14 = vector.load %arg4[%swap3A_11, %swap3A_12, %swap3A_13] : memref<1x72x128xi32, #tpu.memory_space<vmem>>, vector<1x32x128xi32>
    %swap3A_15 = vector.shape_cast %swap3A_14 : vector<1x32x128xi32> to vector<32x128xi32>
    %swap3A_16 = vector.shape_cast %transpose3A_10 : vector<32x128xi32> to vector<1x32x128xi32>
    tpu.vector_store %arg4[%swap3A_11, %swap3A_12, %swap3A_13], %swap3A_16 {strides = array<i32>} : memref<1x72x128xi32, #tpu.memory_space<vmem>>, vector<1x32x128xi32>,
    %get3A_17 = arith.constant 0 : index
    %get3A_18 = arith.constant 0 : index
    %get3A_19 = arith.constant 0 : index
    %get3A_20 = vector.load %arg3[%get3A_17, %get3A_18, %get3A_19] : memref<1x1x128xi32, #tpu.memory_space<vmem>>, vector<1x1x128xi32>
    %get3A_21 = vector.shape_cast %get3A_20 : vector<1x1x128xi32> to vector<1x128xi32>
    %broadcast_in_dim3A = vector.shape_cast %get3A_21 : vector<1x128xi32> to vector<1x128xi32>
    %broadcast_in_dim3A_22 = vector.broadcast %broadcast_in_dim3A : vector<1x128xi32> to vector<8x128xi32>
    %swap3A_23 = arith.constant 0 : index
    %swap3A_24 = arith.constant 64 : index
    %swap3A_25 = arith.constant 0 : index
    %swap3A_26 = vector.load %arg4[%swap3A_23, %swap3A_24, %swap3A_25] : memref<1x72x128xi32, #tpu.memory_space<vmem>>, vector<1x8x128xi32>
    %swap3A_27 = vector.shape_cast %swap3A_26 : vector<1x8x128xi32> to vector<8x128xi32>
    %swap3A_28 = vector.shape_cast %broadcast_in_dim3A_22 : vector<8x128xi32> to vector<1x8x128xi32>
    tpu.vector_store %arg4[%swap3A_23, %swap3A_24, %swap3A_25], %swap3A_28 {strides = array<i32>} : memref<1x72x128xi32, #tpu.memory_space<vmem>>, vector<1x8x128xi32>,
    return
  }
  func.func @transform_0(%arg0: i32) -> (i32, i32) {
    %c0_i32 = arith.constant 0 : i32
    %c0_i32_0 = arith.constant 0 : i32
    return %arg0, %c0_i32 : i32, i32
  }
  func.func @transform_1(%arg0: i32) -> (i32, i32) {
    %c0_i32 = arith.constant 0 : i32
    %c0_i32_0 = arith.constant 0 : i32
    return %arg0, %c0_i32 : i32, i32
  }
  func.func @transform_2(%arg0: i32) -> (i32, i32, i32) {
    %c0_i32 = arith.constant 0 : i32
    %c0_i32_0 = arith.constant 0 : i32
    %c0_i32_1 = arith.constant 0 : i32
    return %arg0, %c0_i32, %c0_i32_0 : i32, i32, i32
  }
  func.func @transform_3(%arg0: i32) -> (i32, i32, i32) {
    %c0_i32 = arith.constant 0 : i32
    %c0_i32_0 = arith.constant 0 : i32
    %c0_i32_1 = arith.constant 0 : i32
    return %arg0, %c0_i32, %c0_i32_0 : i32, i32, i32
  }
}

</mosaic_0001>

<sc_bundles>
// kernel: kernel.4.cloned.1.call-start
scs
__scs_entry_jumppad:
0x0: {  	(pc) =	sbr.rel $0x88, $3  }
0x1: {  	(tag) =	ssettag $0x0;
	lr =	simm.s32 $0x1  }
0x2: {  	[smem:$0x3F9B] =	sst lr;
	_ =	strace $0xD0000000  }
0x3: {  	_ = 	snop  }
0x4: {  	_ = 	snop  }
0x5: {  	_ = 	snop  }
0x6: {  	_ = 	snop  }
0x7: {  	_ = 	snop  }
__scs_overlays_trampoline_lowered:
0x8: {  	[smem:$0x3FAA] =	sst s0  }
0x9: {  	[smem:$0x3FAB] =	sst s1  }
0xa: {  	[smem:$0x3FAC] =	sst s2  }
0xb: {  	[smem:$0x3FAD] =	sst s3  }
0xc: {  	[smem:$0x3FAE] =	sst s4  }
0xd: {  	[smem:$0x3FAF] =	sst s5  }
0xe: {  	[smem:$0x3FB0] =	sst s6  }
0xf: {  	[smem:$0x3FB1] =	sst s7  }
0x10: {  	[smem:$0x3FB2] =	sst s8  }
0x11: {  	[smem:$0x3FB3] =	sst s9;
	s0 =	simm.s32 @!p0 $0x0  }
0x12: {  	s1 =	sld [smem:$0x3F99];
	s0 =	simm.s32 @p0 $0x1  }
0x13: {  	[smem:$0x3FB4] =	sst s0;
	s0 =	simm.s32 @!p1 $0x0  }
0x14: {  	s2 =	sld [smem:$0x3F98];
	s0 =	simm.s32 @p1 $0x1  }
0x15: {  	[smem:$0x3FB5] =	sst s0;
	s0 =	simm.s32 @!p2 $0x0  }
0x16: {  	s3 =	sld [smem:$0x3FDB];
	s0 =	simm.s32 @p2 $0x1  }
0x17: {  	s4 =	simm.s32 $0x1BF5;
	[smem:$0x3FB7] =	sst s0  }
0x18: {  	s0 =	sld [smem:$0x3F9A];
	_ =	swait.ge [sflag:s4], $0x0  }
0x19: {  	s7 =	sld [smem:$0x3F9B]  }
0x1a: {  	s8 =	sadd.s32 $0xFFFFE003, lr  }
0x1b: {  	s9 =	sadd.s32 $0xFFFFFEF7, lr;
	s5 =	simm.s32 $0xFFFFFFFF;
	p2 =	slt.u32 s8, $0xFFFFF086  }
0x1c: {  	p1 =	slt.u32 s9, $0xF7A;
	s5 =	simm.s32 @!p2 $0x0  }
0x1d: {  	s5 =	simm.s32 @p1 $0x1;
	p0 =	seq.s32 s7, s2  }
0x1e: {  	s7 =	smul.u32 @!p0 $0xF7A, s2;
	p2 =	seq.s32 @!p0 s5, $0x0  }
0x1f: {  	s9 =	smul.u32 $0xF7A, s1;
	s8 =	simm.s32 @!p0 $0x1BF5;
	p2 =	por !p2, p0  }
0x20: {  	[sflag:s8] =	ssyncset.s32 @!p0 $0xFFFFF086;
	s6 =	sadd.s32 @!p0 s3, s7;
	s7 =	simm.s32 @!p0 $0x108  }
0x21: {  	s3 =	sadd.s32 s3, s9;
	s6 =	sadd.s32 @!p0 $0x88, s6;
	s7 =	simm.s32 @p2 $0x1082  }
0x22: {  	[simem:s7], [sflag:s8] =	dma.local @!p0 [hbm:s6], $0xF7A  }
0x23: {  	s9 =	sor.u32 $0xD0000000, s2;
	s6 =	simm.s32 $0x108;
	_ =	swait.ge @!p0 [sflag:s8], $0x0  }
0x24: {  	s3 =	sadd.s32 $0x88, s3;
	s6 =	simm.s32 @!p1 $0x1082;
	[sflag:s4] =	ssyncset.s32 $0xFFFFF086  }
0x25: {  	[simem:s6], [sflag:s4] =	dma.local [hbm:s3], $0xF7A  }
0x26: {  	[smem:$0x3F9B] =	sst s1;
	(tag) =	ssettag s2;
	_ =	strace s9  }
0x27: {  	s1 =	sld [smem:$0x3FAB]  }
0x28: {  	s2 =	sld [smem:$0x3FAC]  }
0x29: {  	s4 =	sld [smem:$0x3FAE]  }
0x2a: {  	p0 =	seq.s32 s5, $0x0;
	s5 =	sld [smem:$0x3FAF]  }
0x2b: {  	s6 =	sld [smem:$0x3FB0]  }
0x2c: {  	s7 =	sld [smem:$0x3FB1]  }
0x2d: {  	s3 =	simm.s32 $0x108;
	s8 =	sld [smem:$0x3FB2]  }
0x2e: {  	s3 =	simm.s32 @!p0 $0x1082;
	s9 =	sld [smem:$0x3FB3]  }
0x2f: {  	lr =	sadd.s32 s0, s3;
	s0 =	sld [smem:$0x3FAA]  }
0x30: {  	s3 =	sld [smem:$0x3FAD]  }
0x31: {  	[smem:$0x3FB6] =	sst s10  }
0x32: {  	s10 =	sld [smem:$0x3FB4];
	_ =	sdelay $0x3  }
0x33: {  	p0 =	seq.s32 s10, $0x1;
	s10 =	sld [smem:$0x3FB6];
	_ =	sdelay $0x3  }
0x34: {  	[smem:$0x3FB6] =	sst s10  }
0x35: {  	s10 =	sld [smem:$0x3FB5];
	_ =	sdelay $0x3  }
0x36: {  	p1 =	seq.s32 s10, $0x1;
	s10 =	sld [smem:$0x3FB6];
	_ =	sdelay $0x3  }
0x37: {  	[smem:$0x3FB6] =	sst s10  }
0x38: {  	s10 =	sld [smem:$0x3FB7]  }
0x39: {  	_ = 	snop;
	(pc) =	sbr.ind lr, $3  }
0x3a: {  	_ = 	snop  }
0x3b: {  	_ = 	snop  }
0x3c: {  	p2 =	seq.s32 s10, $0x1;
	s10 =	sld [smem:$0x3FB6]  }
0x3d: {  	_ =	shalt  }
0x3e: {  	_ =	shalt  }
0x3f: {  	_ =	shalt  }
0x40: {  	_ =	shalt  }
0x41: {  	_ =	shalt  }
0x42: {  	_ =	shalt  }
0x43: {  	_ =	shalt  }
0x44: {  	_ =	shalt  }
0x45: {  	_ =	shalt  }
0x46: {  	_ =	shalt  }
0x47: {  	_ =	shalt  }
0x48: {  	_ =	shalt  }
0x49: {  	_ =	shalt  }
0x4a: {  	_ =	shalt  }
0x4b: {  	_ =	shalt  }
0x4c: {  	_ =	shalt  }
0x4d: {  	_ =	shalt  }
0x4e: {  	_ =	shalt  }
0x4f: {  	_ =	shalt  }
0x50: {  	_ =	shalt  }
0x51: {  	_ =	shalt  }
0x52: {  	_ =	shalt  }
0x53: {  	_ =	shalt  }
0x54: {  	_ =	shalt  }
0x55: {  	_ =	shalt  }
0x56: {  	_ =	shalt  }
0x57: {  	_ =	shalt  }
0x58: {  	_ =	shalt  }
0x59: {  	_ =	shalt  }
0x5a: {  	_ =	shalt  }
0x5b: {  	_ =	shalt  }
0x5c: {  	_ =	shalt  }
0x5d: {  	_ =	shalt  }
0x5e: {  	_ =	shalt  }
0x5f: {  	_ =	shalt  }
0x60: {  	_ =	shalt  }
0x61: {  	_ =	shalt  }
0x62: {  	_ =	shalt  }
0x63: {  	_ =	shalt  }
0x64: {  	_ =	shalt  }
0x65: {  	_ =	shalt  }
0x66: {  	_ =	shalt  }
0x67: {  	_ =	shalt  }
0x68: {  	_ =	shalt  }
0x69: {  	_ =	shalt  }
0x6a: {  	_ =	shalt  }
0x6b: {  	_ =	shalt  }
0x6c: {  	_ =	shalt  }
0x6d: {  	_ =	shalt  }
0x6e: {  	_ =	shalt  }
0x6f: {  	_ =	shalt  }
0x70: {  	_ =	shalt  }
0x71: {  	_ =	shalt  }
0x72: {  	_ =	shalt  }
0x73: {  	_ =	shalt  }
0x74: {  	_ =	shalt  }
0x75: {  	_ =	shalt  }
0x76: {  	_ =	shalt  }
0x77: {  	_ =	shalt  }
0x78: {  	_ =	shalt  }
0x79: {  	_ =	shalt  }
0x7a: {  	_ =	shalt  }
0x7b: {  	_ =	shalt  }
0x7c: {  	_ =	shalt  }
0x7d: {  	_ =	shalt  }
0x7e: {  	_ =	shalt  }
0x7f: {  	_ =	shalt  }
0x80: {  	_ =	shalt  }
0x81: {  	_ =	shalt  }
0x82: {  	_ =	shalt  }
0x83: {  	_ =	shalt  }
0x84: {  	_ =	shalt  }
0x85: {  	_ =	shalt  }
0x86: {  	_ =	shalt  }
0x87: {  	_ =	shalt  }
.Lfunc_end0:
.L_simem_size_0:
called_computation_lowered:
.L_overlay_start_0:
0x88: {  	s2 =	sld [smem:$0x3FD9]  }
0x89: {  	s3 =	sld [smem:$0x3FFE];
	_ =	sdelay $0x1  }
0x8a: {  	s1 =	srdreg.scid  }
0x8b: {  	s0 =	sand.u32 $0x1, s1  }
0x8c: {  	s17 =	sshll.u32 s0, $0xA;
	s2 =	sadd.s32 s3, s2  }
0x8d: {  	s2 =	sadd.s32 s2, s17  }
0x8e: {  	[smem:$0x3FC2] =	sst s2  }
0x8f: {  	_ = 	snop  }
0x90: {  	s2 =	sld [smem:$0x3FD0];
	(tm) =	ssettm $0x1  }
0x91: {  	s18 =	sld [smem:$0x3FFB];
	_ =	sdelay $0x3  }
0x92: {  	_ =	strace s18  }
0x93: {  	s3 =	sld [smem:$0x3FFC];
	_ =	sdelay $0x3  }
0x94: {  	_ =	strace s3  }
0x95: {  	s3 =	sld [smem:$0x3FFD];
	_ =	sdelay $0x3  }
0x96: {  	_ =	strace s3  }
0x97: {  	_ =	strace $0x8FFFFFFF  }
0x98: {  	s19 =	sld [smem:$0x3FDB];
	_ =	sdelay $0x1  }
0x99: {  	s4 =	simm.s32 $_scs_section_size  }
0x9a: {  	s5 =	simm.s32 $_size__tile_overlayer_lowered;
	s6 =	simm.s32 $_tile_overlayer_lowered  }
0x9b: {  	s22 =	simm.s32 $0x1BFF;
	s21 =	sshll.u32 s6, $0x1;
	s3 =	sadd.s32 s4, s19  }
0x9c: {  	s7 =	simm.s32 $0x0;
	s20 =	sshll.u32 s5, $0x1;
	s5 =	sadd.s32 s21, s3  }
0x9d: {  	[timem:s7], [sflag:s22] =	dma.local [hbm:s5], s20  }
0x9e: {  	_ =	swait.ge [sflag:s22], s20  }
0x9f: {  	s4 =	ssub.s32 $0x0, s20;
	[sflag:s22] =	ssyncset.done $0x0  }
0xa0: {  	[sflag:s22] =	ssyncadd.s32 s4;
	_ =	sdelay $0x1  }
0xa1: {  	s23 =	simm.s32 $0x1B8B  }
0xa2: {  	_ =	swait.ge [sflag:s23], $0x1  }
0xa3: {  	[sflag:s23] =	ssyncset.done $0x0  }
0xa4: {  	s25 =	simm.s32 $0x1B8E;
	s24 =	sld [smem:$0x3FFE];
	[sflag:s23] =	ssyncadd.s32 $0xFFFFFFFF  }
0xa5: {  	s26 =	simm.s32 $execute0_lowered;
	[smem:$0x3FD2] =	sst s25  }
0xa6: {  	s5 =	sshll.u32 s26, $0x1;
	_ =	strace $0x80000046;
	[dreg:$0x1] =	wrdreg $0xFFFFFFFF  }
0xa7: {  	s28 =	simm.s32 $_size_execute0_lowered;
	s3 =	sadd.s32 s3, s5;
	[dreg:$0x0] =	wrdreg $0x0  }
0xa8: {  	s5 =	sshll.u32 s28, $0x1;
	[dreg:$0x2] =	wrdreg s3  }
0xa9: {  	[dreg:$0x3] =	wrdreg s5  }
0xaa: {  	[dreg:$0x4] =	wrdreg $0xC0  }
0xab: {  	_ =	task [dreg:s7], $0x5FFFF  }
0xac: {  	[dreg:$0x1] =	wrdreg $0xFFFFFFFF  }
0xad: {  	[dreg:$0x0] =	wrdreg $0x60  }
0xae: {  	[dreg:$0x2] =	wrdreg s24  }
0xaf: {  	[dreg:$0x3] =	wrdreg s2  }
0xb0: {  	[dreg:$0x4] =	wrdreg $0x9  }
0xb1: {  	_ =	task.clear_ibuf [dreg:s7], $0x5FFFF;
	_ =	strace $0x90000046  }
0xb2: {  	s29 =	simm.s32 $0x9;
	_ =	strace $0x80000048  }
0xb3: {  	_ =	swait.ge [sflag:s29], $0x1  }
0xb4: {  	[sflag:s29] =	ssyncadd.s32 $0xFFFFFFFF  }
0xb5: {  	_ =	strace $0x90000048  }
0xb6: {  	_ =	sfence  }
0xb7: {  	s30 =	sld [smem:$0x0];
	_ =	sdelay $0x2  }
0xb8: {  	s31 =	sshll.u32 s1, $0xD;
	s1 =	sshrl.u32 s1, $0x2  }
0xb9: {  	s3 =	sand.u32 $0x4000, s31;
	s1 =	sadd.s32 s1, s30  }
0xba: {  	s0 =	sor.u32 s3, s0;
	s1 =	sshll.u32 s1, $0x11  }
0xbb: {  	s0 =	sor.u32 s1, s0  }
0xbc: {  	s0 =	sadd.s32 $0x8F2B, s0  }
0xbd: {  	[sflag:s0] =	ssyncadd.remote.s32 $0x1  }
0xbe: {  	_ =	sfence.sel $0xFFFF  }
0xbf: {  	[dreg:$0x0] =	wrdreg $0xFFFFFFFF;
	(pc) =	sbr.abs _section_cstart, $3  }
0xc0: {  	[dreg:$0x1] =	wrdreg $0xFFFFFFFF  }
0xc1: {  	_ =	task.clear_ibuf [dreg:s7], $0x2FFFF;
	_ =	strace $0x9FFFFFFF  }
0xc2: {  	(tm) =	ssettm $0x7FFFFFFF  }
0xc3: {  	_ =	shalt  }
tec
execute0_lowered:
.L_overlay_start_1:
0x0: {  	(tag) =	ssettag $0x1  }
0x1: {  	s0 =	rddreg [dreg:$0x0]  }
0x2: {  	s1 =	rddreg [dreg:$0x1]  }
0x3: {  	s2 =	simm.s32 $0x0;
	s3 =	srdreg.scid;
	s4 =	stileid.u32  }
0x4: {  	s29 =	simm.s32 $0x8840;
	s31 =	simm.s32 $0xA840;
	s18 =	simm.s32 $0x2  }
0x5: {  	s28 =	simm.s32 $0x16840;
	s30 =	simm.s32 $0x0;
	[smem:$0x7FF] =	sst s2  }
0x6: {  	s3 =	sand.u32 $0x1, s3;
	s4 =	sshll.u32 s4, $0x1;
	s5 =	sadd.s32 $0x11400, s0  }
0x7: {  	s12 =	sadd.s32 $0x1000, s0;
	_ =	strace $0x80000047;
	s4 =	sor.u32 s3, s4  }
0x8: {  	s6 =	ssub.s32 $0x2, s3;
	s3 =	sadd.s32 $0xF43600, s0;
	s7 =	smul.u32 $0x1200, s4  }
0x9: {  	s0 =	sadd.s32 $0x11000, s0;
	s8 =	sshrl.u32 s6, $0x1;
	s9 =	smul.u32 $0x9000, s4  }
0xa: {  	[dreg:$0x3] =	wrdreg s0;
	s10 =	sshll.u32 s4, $0x9;
	s21 =	sshll.u32 s4, $0xB  }
0xb: {  	s4 =	sshll.u32 s4, $0xC;
	s19 =	ssub.s32 s6, s8;
	s6 =	sadd.s32 s12, s21  }
0xc: {  	s14 =	sor.u32 $0x80, s10;
	s15 =	sor.u32 $0x100, s10;
	s16 =	sor.u32 $0x180, s10  }
0xd: {  	s21 =	simm.s32 $0x80;
	s20 =	sadd.s32 s5, s7;
	s22 =	sshrl.u32 s9, $0x3  }
0xe: {  	s23 =	sshll.u32 s14, $0x2;
	s11 =	sshll.u32 s15, $0x2;
	s13 =	sshll.u32 s16, $0x2  }
0xf: {  	s24 =	sshll.u32 s14, $0x3;
	s25 =	sshll.u32 s15, $0x3;
	s26 =	sshll.u32 s16, $0x3  }
0x10: {  	s17 =	smax.u32 s19, $0x1;
	s19 =	simm.s32 $0x3;
	[dreg:$0x4] =	wrdreg s20  }
0x11: {  	s5 =	sadd.s32 s5, s22;
	s8 =	sadd.s32 s12, s23;
	s10 =	sadd.s32 s12, s11  }
0x12: {  	s12 =	sadd.s32 s12, s13;
	s13 =	sadd.s32 s1, s4;
	s14 =	sadd.s32 s1, s24  }
0x13: {  	s15 =	sadd.s32 s1, s25;
	s16 =	sadd.s32 s1, s26;
	s20 =	simm.s32 $0x4800  }
0x14: {  	s22 =	simm.s32 $0x2000;
	s24 =	simm.s32 $0x6840;
	s25 =	simm.s32 $0x2400  }
0x15: {  	s26 =	simm.s32 $0x4400;
	s1 =	simm.s32 $0xC840;
	s23 =	simm.s32 $0x1  }
0x16: {  	s7 =	sadd.s32 $0x480, s5;
	s9 =	sadd.s32 $0x900, s5;
	s11 =	sadd.s32 $0xD80, s5  }
.LBB2_1:
0x17: {  	s0 =	rddreg [dreg:$0x3];
	s4 =	simm.s32 $0x5800  }
0x18: {  	[tilespmem:s4], [sflag:$0x3] =	stream.linear.gather [hbm4b:s0+s2], $0x1040, $0x38;
	[tilespmem:$0x18840] =	vst v63  }
0x19: {  	_ =	swait.ge [sflag:s19], $0x1040  }
0x1a: {  	[sflag:s19] =	ssyncset.done $0x0  }
0x1b: {  	s5 =	rddreg [dreg:$0x4];
	[sflag:s19] =	ssyncadd.s32 $0xFFFFEFC0  }
0x1c: {  	[tilespmem:s2], [sflag:$0x3] =	stream.linear.gather [hbm4b:s5+s2], $0x2400, $0x38;
	[tilespmem:$0x18840] =	vst v63  }
0x1d: {  	_ =	swait.ge [sflag:s19], $0x2400  }
0x1e: {  	[sflag:s19] =	ssyncset.done $0x0  }
0x1f: {  	[sflag:s19] =	ssyncadd.s32 $0xFFFFDC00  }
0x20: {  	[tilespmem:s20], [sflag:$0x3] =	stream.linear.gather [hbm4b:s6+s2], $0x1000, $0x38;
	[tilespmem:$0x18840] =	vst v63  }
0x21: {  	_ =	swait.ge [sflag:s19], $0x1000  }
0x22: {  	[sflag:s19] =	ssyncset.done $0x0  }
0x23: {  	s0 =	simm.s32 $0x6860;
	s4 =	simm.s32 $0x0;
	[sflag:s19] =	ssyncadd.s32 $0xFFFFF000  }
.LBB2_2:
0x24: {  	s5 =	sshra.s32 s4, $0x2  }
0x25: {  	v0 =	vld [tilespmem:s5+$0x4800];
	_ =	sdelay $0x4  }
0x26: {  	v0 =	vshll.u32 v0, $0x8  }
0x27: {  	v0 =	vshra.s32 v0, $0x2  }
0x28: {  	(v2sf) =	vpush v0, $0x0;
	_ =	sdelay $0x3  }
0x29: {  	(v2sf) =	vpush v0, $0x1;
	_ =	sdelay $0x3  }
0x2a: {  	(v2sf) =	vpush v0, $0x2;
	_ =	sdelay $0x3  }
0x2b: {  	(v2sf) =	vpush v0, $0x3;
	_ =	sdelay $0x2  }
0x2c: {  	v1 =	vld [tilespmem:s5+$0x4810];
	s5 =	spop (v2sf)  }
0x2d: {  	(v2sf) =	vpush v0, $0x4;
	v2 =	vld [tilespmem:s5+$0x5800]  }
0x2e: {  	v3 =	vld [tilespmem:s5+$0x5810]  }
0x2f: {  	v4 =	vld [tilespmem:s5+$0x5820]  }
0x30: {  	v5 =	vld [tilespmem:s5+$0x5830];
	s5 =	spop (v2sf)  }
0x31: {  	(v2sf) =	vpush v0, $0x5;
	v6 =	vld [tilespmem:s5+$0x5800]  }
0x32: {  	v7 =	vld [tilespmem:s5+$0x5810]  }
0x33: {  	v8 =	vld [tilespmem:s5+$0x5820]  }
0x34: {  	v9 =	vld [tilespmem:s5+$0x5830];
	s5 =	spop (v2sf)  }
0x35: {  	(v2sf) =	vpush v0, $0x6;
	v10 =	vld [tilespmem:s5+$0x5800]  }
0x36: {  	v11 =	vld [tilespmem:s5+$0x5810]  }
0x37: {  	v12 =	vld [tilespmem:s5+$0x5820]  }
0x38: {  	v13 =	vld [tilespmem:s5+$0x5830];
	s5 =	spop (v2sf)  }
0x39: {  	(v2sf) =	vpush v0, $0x7;
	v14 =	vld [tilespmem:s5+$0x5800]  }
0x3a: {  	v15 =	vld [tilespmem:s5+$0x5810]  }
0x3b: {  	v16 =	vld [tilespmem:s5+$0x5820]  }
0x3c: {  	v17 =	vld [tilespmem:s5+$0x5830];
	s5 =	spop (v2sf)  }
0x3d: {  	(v2sf) =	vpush v0, $0x8;
	v18 =	vld [tilespmem:s5+$0x5800]  }
0x3e: {  	v19 =	vld [tilespmem:s5+$0x5810]  }
0x3f: {  	v20 =	vld [tilespmem:s5+$0x5820]  }
0x40: {  	v21 =	vld [tilespmem:s5+$0x5830];
	s5 =	spop (v2sf)  }
0x41: {  	(v2sf) =	vpush v0, $0x9;
	v22 =	vld [tilespmem:s5+$0x5800]  }
0x42: {  	v23 =	vld [tilespmem:s5+$0x5810]  }
0x43: {  	v24 =	vld [tilespmem:s5+$0x5820]  }
0x44: {  	v25 =	vld [tilespmem:s5+$0x5830];
	s5 =	spop (v2sf)  }
0x45: {  	(v2sf) =	vpush v0, $0xA;
	v26 =	vld [tilespmem:s5+$0x5800]  }
0x46: {  	v27 =	vld [tilespmem:s5+$0x5810]  }
0x47: {  	v28 =	vld [tilespmem:s5+$0x5820]  }
0x48: {  	v29 =	vld [tilespmem:s5+$0x5830];
	s5 =	spop (v2sf)  }
0x49: {  	(v2sf) =	vpush v0, $0xB;
	v30 =	vld [tilespmem:s5+$0x5800]  }
0x4a: {  	v31 =	vld [tilespmem:s5+$0x5810]  }
0x4b: {  	v32 =	vld [tilespmem:s5+$0x5820]  }
0x4c: {  	v33 =	vld [tilespmem:s5+$0x5830];
	s5 =	spop (v2sf)  }
0x4d: {  	(v2sf) =	vpush v0, $0xC;
	v34 =	vld [tilespmem:s5+$0x5800]  }
0x4e: {  	v35 =	vld [tilespmem:s5+$0x5810]  }
0x4f: {  	v36 =	vld [tilespmem:s5+$0x5820]  }
0x50: {  	v37 =	vld [tilespmem:s5+$0x5830];
	s5 =	spop (v2sf)  }
0x51: {  	(v2sf) =	vpush v0, $0xD;
	v38 =	vld [tilespmem:s5+$0x5800]  }
0x52: {  	v39 =	vld [tilespmem:s5+$0x5810]  }
0x53: {  	v40 =	vld [tilespmem:s5+$0x5820]  }
0x54: {  	v41 =	vld [tilespmem:s5+$0x5830];
	s5 =	spop (v2sf)  }
0x55: {  	v2 =	vadd.f32 $0.0e+00, v2;
	(v2sf) =	vpush v0, $0xE;
	v42 =	vld [tilespmem:s5+$0x5800]  }
0x56: {  	v43 =	vld [tilespmem:s5+$0x5810]  }
0x57: {  	v2 =	vadd.f32 v6, v2;
	v44 =	vld [tilespmem:s5+$0x5820]  }
0x58: {  	v45 =	vld [tilespmem:s5+$0x5830];
	s5 =	spop (v2sf)  }
0x59: {  	v2 =	vadd.f32 v10, v2;
	(v2sf) =	vpush v0, $0xF;
	v46 =	vld [tilespmem:s5+$0x5800]  }
0x5a: {  	v47 =	vld [tilespmem:s5+$0x5810]  }
0x5b: {  	v2 =	vadd.f32 v14, v2;
	v48 =	vld [tilespmem:s5+$0x5820]  }
0x5c: {  	v55 =	vld [tilespmem:s5+$0x5830];
	s5 =	spop (v2sf)  }
0x5d: {  	v2 =	vadd.f32 v18, v2;
	v49 =	vld [tilespmem:s5+$0x5800]  }
0x5e: {  	v62 =	vshll.u32 v1, $0x8;
	v50 =	vld [tilespmem:s5+$0x5810]  }
0x5f: {  	v2 =	vadd.f32 v22, v2;
	v0 =	vshra.s32 v62, $0x2;
	v51 =	vld [tilespmem:s5+$0x5820]  }
0x60: {  	(v2sf) =	vpush v0, $0x0;
	v52 =	vld [tilespmem:s5+$0x5830];
	s5 =	spop (v2sf)  }
0x61: {  	v2 =	vadd.f32 v26, v2;
	v53 =	vld [tilespmem:s5+$0x5800]  }
0x62: {  	v54 =	vld [tilespmem:s5+$0x5810]  }
0x63: {  	v2 =	vadd.f32 v30, v2;
	v61 =	vld [tilespmem:s5+$0x5820]  }
0x64: {  	(v2sf) =	vpush v0, $0x1;
	v56 =	vld [tilespmem:s5+$0x5830];
	s5 =	spop (v2sf)  }
0x65: {  	v2 =	vadd.f32 v34, v2;
	v57 =	vld [tilespmem:s5+$0x5800]  }
0x66: {  	v58 =	vld [tilespmem:s5+$0x5810]  }
0x67: {  	v2 =	vadd.f32 v38, v2;
	v59 =	vld [tilespmem:s5+$0x5820]  }
0x68: {  	(v2sf) =	vpush v0, $0x2;
	v60 =	vld [tilespmem:s5+$0x5830];
	s5 =	spop (v2sf)  }
0x69: {  	v2 =	vadd.f32 v42, v2;
	v63 =	vld [tilespmem:s5+$0x5800];
	_ =	sdelay $0x1  }
0x6a: {  	v2 =	vadd.f32 v46, v2  }
0x6b: {  	(v2sf) =	vpush v0, $0x3;
	v62 =	vld [tilespmem:s5+$0x5810]  }
0x6c: {  	v6 =	vld [tilespmem:s5+$0x5830];
	v2 =	vadd.f32 v49, v2  }
0x6d: {  	[tilespmem:$0x1FFF0] =	vst v63;
	v63 =	vld [tilespmem:s5+$0x5820]  }
0x6e: {  	v3 =	vadd.f32 $0.0e+00, v3;
	v2 =	vadd.f32 v53, v2;
	v53 =	vld [tilespmem:$0x1FFF0];
	s5 =	spop (v2sf)  }
0x6f: {  	v4 =	vadd.f32 $0.0e+00, v4;
	(v2sf) =	vpush v0, $0x4;
	v1 =	vld [tilespmem:s5+$0x5800]  }
0x70: {  	v5 =	vadd.f32 $0.0e+00, v5;
	v3 =	vadd.f32 v7, v3;
	v7 =	vld [tilespmem:s5+$0x5810]  }
0x71: {  	v4 =	vadd.f32 v8, v4;
	v8 =	vld [tilespmem:s5+$0x5820]  }
0x72: {  	v5 =	vadd.f32 v9, v5;
	v9 =	vld [tilespmem:s5+$0x5830];
	s5 =	spop (v2sf)  }
0x73: {  	(v2sf) =	vpush v0, $0x5;
	v10 =	vld [tilespmem:s5+$0x5800]  }
0x74: {  	v3 =	vadd.f32 v11, v3;
	v11 =	vld [tilespmem:s5+$0x5810]  }
0x75: {  	v4 =	vadd.f32 v12, v4;
	v12 =	vld [tilespmem:s5+$0x5820]  }
0x76: {  	v5 =	vadd.f32 v13, v5;
	v13 =	vld [tilespmem:s5+$0x5830];
	s5 =	spop (v2sf)  }
0x77: {  	v3 =	vadd.f32 v15, v3;
	(v2sf) =	vpush v0, $0x6;
	v14 =	vld [tilespmem:s5+$0x5800]  }
0x78: {  	v4 =	vadd.f32 v16, v4;
	v5 =	vadd.f32 v17, v5;
	v15 =	vld [tilespmem:s5+$0x5810]  }
0x79: {  	v3 =	vadd.f32 v19, v3;
	v16 =	vld [tilespmem:s5+$0x5820]  }
0x7a: {  	v4 =	vadd.f32 v20, v4;
	v5 =	vadd.f32 v21, v5;
	v17 =	vld [tilespmem:s5+$0x5830];
	s5 =	spop (v2sf)  }
0x7b: {  	v3 =	vadd.f32 v23, v3;
	(v2sf) =	vpush v0, $0x7;
	v18 =	vld [tilespmem:s5+$0x5800]  }
0x7c: {  	v4 =	vadd.f32 v24, v4;
	v5 =	vadd.f32 v25, v5;
	v19 =	vld [tilespmem:s5+$0x5810]  }
0x7d: {  	v3 =	vadd.f32 v27, v3;
	v20 =	vld [tilespmem:s5+$0x5820]  }
0x7e: {  	v4 =	vadd.f32 v28, v4;
	v5 =	vadd.f32 v29, v5;
	v21 =	vld [tilespmem:s5+$0x5830];
	s5 =	spop (v2sf)  }
0x7f: {  	v3 =	vadd.f32 v31, v3;
	(v2sf) =	vpush v0, $0x8;
	v22 =	vld [tilespmem:s5+$0x5800]  }
0x80: {  	v4 =	vadd.f32 v32, v4;
	v5 =	vadd.f32 v33, v5;
	v23 =	vld [tilespmem:s5+$0x5810]  }
0x81: {  	v3 =	vadd.f32 v35, v3;
	v24 =	vld [tilespmem:s5+$0x5820]  }
0x82: {  	v4 =	vadd.f32 v36, v4;
	v5 =	vadd.f32 v37, v5;
	v25 =	vld [tilespmem:s5+$0x5830];
	s5 =	spop (v2sf)  }
0x83: {  	v3 =	vadd.f32 v39, v3;
	(v2sf) =	vpush v0, $0x9;
	v26 =	vld [tilespmem:s5+$0x5800]  }
0x84: {  	v4 =	vadd.f32 v40, v4;
	v5 =	vadd.f32 v41, v5;
	v27 =	vld [tilespmem:s5+$0x5810]  }
0x85: {  	v3 =	vadd.f32 v43, v3;
	v28 =	vld [tilespmem:s5+$0x5820]  }
0x86: {  	v4 =	vadd.f32 v44, v4;
	v5 =	vadd.f32 v45, v5;
	v29 =	vld [tilespmem:s5+$0x5830];
	s5 =	spop (v2sf)  }
0x87: {  	v3 =	vadd.f32 v47, v3;
	(v2sf) =	vpush v0, $0xA;
	v45 =	vld [tilespmem:s5+$0x5800]  }
0x88: {  	v4 =	vadd.f32 v48, v4;
	v5 =	vadd.f32 v55, v5;
	v46 =	vld [tilespmem:s5+$0x5810]  }
0x89: {  	v3 =	vadd.f32 v50, v3;
	v47 =	vld [tilespmem:s5+$0x5820]  }
0x8a: {  	v4 =	vadd.f32 v51, v4;
	v5 =	vadd.f32 v52, v5;
	v48 =	vld [tilespmem:s5+$0x5830];
	s5 =	spop (v2sf)  }
0x8b: {  	v3 =	vadd.f32 v54, v3;
	(v2sf) =	vpush v0, $0xB;
	v49 =	vld [tilespmem:s5+$0x5800]  }
0x8c: {  	v4 =	vadd.f32 v61, v4;
	v5 =	vadd.f32 v56, v5;
	v50 =	vld [tilespmem:s5+$0x5810]  }
0x8d: {  	v2 =	vadd.f32 v57, v2;
	v3 =	vadd.f32 v58, v3;
	v51 =	vld [tilespmem:s5+$0x5820]  }
0x8e: {  	v4 =	vadd.f32 v59, v4;
	v5 =	vadd.f32 v60, v5;
	v52 =	vld [tilespmem:s5+$0x5830];
	s5 =	spop (v2sf)  }
0x8f: {  	v2 =	vadd.f32 v53, v2;
	(v2sf) =	vpush v0, $0xC;
	v54 =	vld [tilespmem:s5+$0x5800]  }
0x90: {  	v3 =	vadd.f32 v62, v3;
	v4 =	vadd.f32 v63, v4;
	v55 =	vld [tilespmem:s5+$0x5810]  }
0x91: {  	v5 =	vadd.f32 v6, v5;
	v1 =	vadd.f32 v1, v2;
	v56 =	vld [tilespmem:s5+$0x5820]  }
0x92: {  	v3 =	vadd.f32 v7, v3;
	v4 =	vadd.f32 v8, v4;
	v57 =	vld [tilespmem:s5+$0x5830];
	s5 =	spop (v2sf)  }
0x93: {  	v5 =	vadd.f32 v9, v5;
	(v2sf) =	vpush v0, $0xD;
	v58 =	vld [tilespmem:s5+$0x5800]  }
0x94: {  	v1 =	vadd.f32 v10, v1;
	v3 =	vadd.f32 v11, v3;
	v59 =	vld [tilespmem:s5+$0x5810]  }
0x95: {  	v4 =	vadd.f32 v12, v4;
	v5 =	vadd.f32 v13, v5;
	v60 =	vld [tilespmem:s5+$0x5820]  }
0x96: {  	v1 =	vadd.f32 v14, v1;
	v3 =	vadd.f32 v15, v3;
	v61 =	vld [tilespmem:s5+$0x5830];
	s5 =	spop (v2sf)  }
0x97: {  	v4 =	vadd.f32 v16, v4;
	(v2sf) =	vpush v0, $0xE;
	v62 =	vld [tilespmem:s5+$0x5800]  }
0x98: {  	v5 =	vadd.f32 v17, v5;
	v1 =	vadd.f32 v18, v1;
	v63 =	vld [tilespmem:s5+$0x5810]  }
0x99: {  	v3 =	vadd.f32 v19, v3;
	v4 =	vadd.f32 v20, v4;
	v40 =	vld [tilespmem:s5+$0x5820]  }
0x9a: {  	v5 =	vadd.f32 v21, v5;
	v1 =	vadd.f32 v22, v1;
	v41 =	vld [tilespmem:s5+$0x5830];
	s5 =	spop (v2sf)  }
0x9b: {  	v3 =	vadd.f32 v23, v3;
	(v2sf) =	vpush v0, $0xF;
	v42 =	vld [tilespmem:s5+$0x5800]  }
0x9c: {  	v4 =	vadd.f32 v24, v4;
	v1 =	vadd.f32 v26, v1;
	v43 =	vld [tilespmem:s5+$0x5810]  }
0x9d: {  	v5 =	vadd.f32 v25, v5;
	v3 =	vadd.f32 v27, v3;
	v44 =	vld [tilespmem:s5+$0x5820]  }
0x9e: {  	v4 =	vadd.f32 v28, v4;
	v1 =	vadd.f32 v45, v1;
	v45 =	vld [tilespmem:s5+$0x5830];
	s5 =	spop (v2sf)  }
0x9f: {  	v5 =	vadd.f32 v29, v5;
	v3 =	vadd.f32 v46, v3;
	v46 =	vld [tilespmem:s5+$0x5800]  }
0xa0: {  	v4 =	vadd.f32 v47, v4;
	v1 =	vadd.f32 v49, v1;
	v47 =	vld [tilespmem:s5+$0x5810]  }
0xa1: {  	v5 =	vadd.f32 v48, v5;
	v3 =	vadd.f32 v50, v3;
	v48 =	vld [tilespmem:s5+$0x5820]  }
0xa2: {  	v4 =	vadd.f32 v51, v4;
	v1 =	vadd.f32 v54, v1;
	v49 =	vld [tilespmem:s5+$0x5830];
	s5 =	spop (v2sf)  }
0xa3: {  	v5 =	vadd.f32 v52, v5;
	v3 =	vadd.f32 v55, v3;
	v50 =	vld [tilespmem:s5+$0x5800]  }
0xa4: {  	v2 =	vadd.f32 v56, v4;
	v1 =	vadd.f32 v58, v1;
	v51 =	vld [tilespmem:s5+$0x5810]  }
0xa5: {  	v5 =	vadd.f32 v57, v5;
	v3 =	vadd.f32 v59, v3;
	v52 =	vld [tilespmem:s5+$0x5820]  }
0xa6: {  	v2 =	vadd.f32 v60, v2;
	v1 =	vadd.f32 v62, v1;
	v53 =	vld [tilespmem:s5+$0x5830];
	s5 =	spop (v2sf)  }
0xa7: {  	v5 =	vadd.f32 v61, v5;
	v3 =	vadd.f32 v63, v3;
	v54 =	vld [tilespmem:s5+$0x5800]  }
0xa8: {  	v2 =	vadd.f32 v40, v2;
	v0 =	vadd.f32 v42, v1;
	v55 =	vld [tilespmem:s5+$0x5810]  }
0xa9: {  	v5 =	vadd.f32 v41, v5;
	v3 =	vadd.f32 v43, v3;
	v56 =	vld [tilespmem:s5+$0x5820]  }
0xaa: {  	v2 =	vadd.f32 v44, v2;
	v57 =	vld [tilespmem:s5+$0x5830];
	s5 =	spop (v2sf);
	v0 =	vadd.f32 v46, v0  }
0xab: {  	v5 =	vadd.f32 v45, v5;
	v58 =	vld [tilespmem:s5+$0x5800];
	v3 =	vadd.f32 v47, v3  }
0xac: {  	v59 =	vld [tilespmem:s5+$0x5810];
	v2 =	vadd.f32 v48, v2;
	v0 =	vadd.f32 v50, v0  }
0xad: {  	v60 =	vld [tilespmem:s5+$0x5820];
	v5 =	vadd.f32 v49, v5;
	v3 =	vadd.f32 v51, v3  }
0xae: {  	v61 =	vld [tilespmem:s5+$0x5830];
	v2 =	vadd.f32 v52, v2;
	v0 =	vadd.f32 v54, v0  }
0xaf: {  	v5 =	vadd.f32 v53, v5;
	v1 =	vadd.f32 v55, v3  }
0xb0: {  	p0 =	sne.s32 s4, $0x3F80;
	v2 =	vadd.f32 v56, v2;
	v0 =	vadd.f32 v58, v0  }
.Ltmp0:
0xb1: {  	v62 =	vadd.f32 v57, v5;
	v1 =	vadd.f32 v59, v1;
	(pc) =	sbr.rel @p0 .LBB2_2-.Ltmp0, $4  }
0xb2: {  	v2 =	vadd.f32 v60, v2;
	[tilespmem:s0+$0xFFFFFFE0] =	vst v0  }
0xb3: {  	v63 =	vadd.f32 v61, v62;
	[tilespmem:s0+$0xFFFFFFF0] =	vst v1  }
0xb4: {  	[tilespmem:s0+$0x0] =	vst v2  }
0xb5: {  	s4 =	sadd.s32 $0x80, s4;
	[tilespmem:s0+$0x10] =	vst v63;
	s0 =	sadd.s32 $0x40, s0  }
0xb6: {  	s0 =	simm.s32 $0xE840  }
0xb7: {  	[tilespmem:s0], [sflag:$0x1] =	stream.indirect.gather [hbm4b:s3+s21], $0x40, s22, s21, $0xb8;
	[tilespmem:$0x18840] =	vst v63  }
0xb8: {  	s4 =	simm.s32 $0x0;
	s0 =	simm.s32 $0x200  }
.LBB2_4:
0xb9: {  	[tilespmem:s24], [sflag:$0x2] =	stream.indirect.gather.add.f32 [hbm:s3], $0x40, s4, s21, $0xb8;
	[tilespmem:$0x18840] =	vst v63  }
0xba: {  	s4 =	smov.u32 s0;
	p0 =	sne.s32 s0, $0x7E00  }
.Ltmp1:
0xbb: {  	s0 =	sadd.s32 $0x200, s0;
	(pc) =	sbr.rel @p0 .LBB2_4-.Ltmp1, $2  }
0xbc: {  	_ =	sdelay $0x2  }
0xbd: {  	s4 =	sshra.s32 s4, $0x2  }
0xbe: {  	[tilespmem:s24], [sflag:$0x2] =	stream.indirect.gather.add.f32 [hbm:s3], $0x40, s4, s21, $0xb8;
	[tilespmem:$0x18840] =	vst v63  }
0xbf: {  	s0 =	simm.s32 $0x0  }
0xc0: {  	[tilespmem:s25], [sflag:$0x3] =	stream.linear.gather [hbm4b:s7+s0], $0x2400, $0x38;
	[tilespmem:$0x18840] =	vst v63  }
0xc1: {  	_ =	swait.ge [sflag:s19], $0x2400  }
0xc2: {  	[sflag:s19] =	ssyncset.done $0x0  }
0xc3: {  	[sflag:s19] =	ssyncadd.s32 $0xFFFFDC00  }
0xc4: {  	[tilespmem:s20], [sflag:$0x3] =	stream.linear.gather [hbm4b:s8+s0], $0x1000, $0x38;
	[tilespmem:$0x18840] =	vst v63  }
0xc5: {  	_ =	swait.ge [sflag:s19], $0x1000  }
0xc6: {  	[sflag:s19] =	ssyncset.done $0x0  }
0xc7: {  	s4 =	simm.s32 $0x8870;
	[sflag:s19] =	ssyncadd.s32 $0xFFFFF000  }
.LBB2_6:
0xc8: {  	s5 =	sshra.s32 s0, $0x2  }
0xc9: {  	v0 =	vld [tilespmem:s5+$0x4800];
	_ =	sdelay $0x4  }
0xca: {  	v0 =	vshll.u32 v0, $0x8  }
0xcb: {  	v0 =	vshra.s32 v0, $0x2  }
0xcc: {  	(v2sf) =	vpush v0, $0x0;
	_ =	sdelay $0x3  }
0xcd: {  	(v2sf) =	vpush v0, $0x1;
	_ =	sdelay $0x3  }
0xce: {  	(v2sf) =	vpush v0, $0x2;
	_ =	sdelay $0x3  }
0xcf: {  	(v2sf) =	vpush v0, $0x3;
	_ =	sdelay $0x2  }
0xd0: {  	v1 =	vld [tilespmem:s5+$0x4810];
	s5 =	spop (v2sf)  }
0xd1: {  	(v2sf) =	vpush v0, $0x4;
	v2 =	vld [tilespmem:s5+$0x5800]  }
0xd2: {  	v3 =	vld [tilespmem:s5+$0x5810]  }
0xd3: {  	v4 =	vld [tilespmem:s5+$0x5820]  }
0xd4: {  	v5 =	vld [tilespmem:s5+$0x5830];
	s5 =	spop (v2sf)  }
0xd5: {  	(v2sf) =	vpush v0, $0x5;
	v6 =	vld [tilespmem:s5+$0x5800]  }
0xd6: {  	v7 =	vld [tilespmem:s5+$0x5810]  }
0xd7: {  	v8 =	vld [tilespmem:s5+$0x5820]  }
0xd8: {  	v9 =	vld [tilespmem:s5+$0x5830];
	s5 =	spop (v2sf)  }
0xd9: {  	(v2sf) =	vpush v0, $0x6;
	v10 =	vld [tilespmem:s5+$0x5800]  }
0xda: {  	v11 =	vld [tilespmem:s5+$0x5810]  }
0xdb: {  	v12 =	vld [tilespmem:s5+$0x5820]  }
0xdc: {  	v13 =	vld [tilespmem:s5+$0x5830];
	s5 =	spop (v2sf)  }
0xdd: {  	(v2sf) =	vpush v0, $0x7;
	v14 =	vld [tilespmem:s5+$0x5800]  }
0xde: {  	v15 =	vld [tilespmem:s5+$0x5810]  }
0xdf: {  	v16 =	vld [tilespmem:s5+$0x5820]  }
0xe0: {  	v17 =	vld [tilespmem:s5+$0x5830];
	s5 =	spop (v2sf)  }
0xe1: {  	(v2sf) =	vpush v0, $0x8;
	v18 =	vld [tilespmem:s5+$0x5800]  }
0xe2: {  	v19 =	vld [tilespmem:s5+$0x5810]  }
0xe3: {  	v20 =	vld [tilespmem:s5+$0x5820]  }
0xe4: {  	v21 =	vld [tilespmem:s5+$0x5830];
	s5 =	spop (v2sf)  }
0xe5: {  	(v2sf) =	vpush v0, $0x9;
	v22 =	vld [tilespmem:s5+$0x5800]  }
0xe6: {  	v23 =	vld [tilespmem:s5+$0x5810]  }
0xe7: {  	v24 =	vld [tilespmem:s5+$0x5820]  }
0xe8: {  	v25 =	vld [tilespmem:s5+$0x5830];
	s5 =	spop (v2sf)  }
0xe9: {  	(v2sf) =	vpush v0, $0xA;
	v26 =	vld [tilespmem:s5+$0x5800]  }
0xea: {  	v27 =	vld [tilespmem:s5+$0x5810]  }
0xeb: {  	v28 =	vld [tilespmem:s5+$0x5820]  }
0xec: {  	v29 =	vld [tilespmem:s5+$0x5830];
	s5 =	spop (v2sf)  }
0xed: {  	(v2sf) =	vpush v0, $0xB;
	v30 =	vld [tilespmem:s5+$0x5800]  }
0xee: {  	v31 =	vld [tilespmem:s5+$0x5810]  }
0xef: {  	v32 =	vld [tilespmem:s5+$0x5820]  }
0xf0: {  	v33 =	vld [tilespmem:s5+$0x5830];
	s5 =	spop (v2sf)  }
0xf1: {  	(v2sf) =	vpush v0, $0xC;
	v34 =	vld [tilespmem:s5+$0x5800]  }
0xf2: {  	v35 =	vld [tilespmem:s5+$0x5810]  }
0xf3: {  	v36 =	vld [tilespmem:s5+$0x5820]  }
0xf4: {  	v37 =	vld [tilespmem:s5+$0x5830];
	s5 =	spop (v2sf)  }
0xf5: {  	(v2sf) =	vpush v0, $0xD;
	v38 =	vld [tilespmem:s5+$0x5800]  }
0xf6: {  	v39 =	vld [tilespmem:s5+$0x5810]  }
0xf7: {  	v40 =	vld [tilespmem:s5+$0x5820]  }
0xf8: {  	v41 =	vld [tilespmem:s5+$0x5830];
	s5 =	spop (v2sf)  }
0xf9: {  	v2 =	vadd.f32 $0.0e+00, v2;
	(v2sf) =	vpush v0, $0xE;
	v42 =	vld [tilespmem:s5+$0x5800]  }
0xfa: {  	v43 =	vld [tilespmem:s5+$0x5810]  }
0xfb: {  	v2 =	vadd.f32 v6, v2;
	v44 =	vld [tilespmem:s5+$0x5820]  }
0xfc: {  	v45 =	vld [tilespmem:s5+$0x5830];
	s5 =	spop (v2sf)  }
0xfd: {  	v2 =	vadd.f32 v10, v2;
	(v2sf) =	vpush v0, $0xF;
	v46 =	vld [tilespmem:s5+$0x5800]  }
0xfe: {  	v47 =	vld [tilespmem:s5+$0x5810]  }
0xff: {  	v2 =	vadd.f32 v14, v2;
	v48 =	vld [tilespmem:s5+$0x5820]  }
0x100: {  	v55 =	vld [tilespmem:s5+$0x5830];
	s5 =	spop (v2sf)  }
0x101: {  	v2 =	vadd.f32 v18, v2;
	v49 =	vld [tilespmem:s5+$0x5800]  }
0x102: {  	v62 =	vshll.u32 v1, $0x8;
	v50 =	vld [tilespmem:s5+$0x5810]  }
0x103: {  	v2 =	vadd.f32 v22, v2;
	v0 =	vshra.s32 v62, $0x2;
	v51 =	vld [tilespmem:s5+$0x5820]  }
0x104: {  	(v2sf) =	vpush v0, $0x0;
	v52 =	vld [tilespmem:s5+$0x5830];
	s5 =	spop (v2sf)  }
0x105: {  	v2 =	vadd.f32 v26, v2;
	v53 =	vld [tilespmem:s5+$0x5800]  }
0x106: {  	v54 =	vld [tilespmem:s5+$0x5810]  }
0x107: {  	v2 =	vadd.f32 v30, v2;
	v61 =	vld [tilespmem:s5+$0x5820]  }
0x108: {  	(v2sf) =	vpush v0, $0x1;
	v56 =	vld [tilespmem:s5+$0x5830];
	s5 =	spop (v2sf)  }
0x109: {  	v2 =	vadd.f32 v34, v2;
	v57 =	vld [tilespmem:s5+$0x5800]  }
0x10a: {  	v58 =	vld [tilespmem:s5+$0x5810]  }
0x10b: {  	v2 =	vadd.f32 v38, v2;
	v59 =	vld [tilespmem:s5+$0x5820]  }
0x10c: {  	(v2sf) =	vpush v0, $0x2;
	v60 =	vld [tilespmem:s5+$0x5830];
	s5 =	spop (v2sf)  }
0x10d: {  	v2 =	vadd.f32 v42, v2;
	v63 =	vld [tilespmem:s5+$0x5800];
	_ =	sdelay $0x1  }
0x10e: {  	v2 =	vadd.f32 v46, v2  }
0x10f: {  	(v2sf) =	vpush v0, $0x3;
	v62 =	vld [tilespmem:s5+$0x5810]  }
0x110: {  	v6 =	vld [tilespmem:s5+$0x5830];
	v2 =	vadd.f32 v49, v2  }
0x111: {  	[tilespmem:$0x1FFE0] =	vst v63;
	v63 =	vld [tilespmem:s5+$0x5820]  }
0x112: {  	v3 =	vadd.f32 $0.0e+00, v3;
	v2 =	vadd.f32 v53, v2;
	v53 =	vld [tilespmem:$0x1FFE0];
	s5 =	spop (v2sf)  }
0x113: {  	v4 =	vadd.f32 $0.0e+00, v4;
	(v2sf) =	vpush v0, $0x4;
	v1 =	vld [tilespmem:s5+$0x5800]  }
0x114: {  	v5 =	vadd.f32 $0.0e+00, v5;
	v3 =	vadd.f32 v7, v3;
	v7 =	vld [tilespmem:s5+$0x5810]  }
0x115: {  	v4 =	vadd.f32 v8, v4;
	v8 =	vld [tilespmem:s5+$0x5820]  }
0x116: {  	v5 =	vadd.f32 v9, v5;
	v9 =	vld [tilespmem:s5+$0x5830];
	s5 =	spop (v2sf)  }
0x117: {  	(v2sf) =	vpush v0, $0x5;
	v10 =	vld [tilespmem:s5+$0x5800]  }
0x118: {  	v3 =	vadd.f32 v11, v3;
	v11 =	vld [tilespmem:s5+$0x5810]  }
0x119: {  	v4 =	vadd.f32 v12, v4;
	v12 =	vld [tilespmem:s5+$0x5820]  }
0x11a: {  	v5 =	vadd.f32 v13, v5;
	v13 =	vld [tilespmem:s5+$0x5830];
	s5 =	spop (v2sf)  }
0x11b: {  	v3 =	vadd.f32 v15, v3;
	(v2sf) =	vpush v0, $0x6;
	v14 =	vld [tilespmem:s5+$0x5800]  }
0x11c: {  	v4 =	vadd.f32 v16, v4;
	v5 =	vadd.f32 v17, v5;
	v15 =	vld [tilespmem:s5+$0x5810]  }
0x11d: {  	v3 =	vadd.f32 v19, v3;
	v16 =	vld [tilespmem:s5+$0x5820]  }
0x11e: {  	v4 =	vadd.f32 v20, v4;
	v5 =	vadd.f32 v21, v5;
	v17 =	vld [tilespmem:s5+$0x5830];
	s5 =	spop (v2sf)  }
0x11f: {  	v3 =	vadd.f32 v23, v3;
	(v2sf) =	vpush v0, $0x7;
	v18 =	vld [tilespmem:s5+$0x5800]  }
0x120: {  	v4 =	vadd.f32 v24, v4;
	v5 =	vadd.f32 v25, v5;
	v19 =	vld [tilespmem:s5+$0x5810]  }
0x121: {  	v3 =	vadd.f32 v27, v3;
	v20 =	vld [tilespmem:s5+$0x5820]  }
0x122: {  	v4 =	vadd.f32 v28, v4;
	v5 =	vadd.f32 v29, v5;
	v21 =	vld [tilespmem:s5+$0x5830];
	s5 =	spop (v2sf)  }
0x123: {  	v3 =	vadd.f32 v31, v3;
	(v2sf) =	vpush v0, $0x8;
	v22 =	vld [tilespmem:s5+$0x5800]  }
0x124: {  	v4 =	vadd.f32 v32, v4;
	v5 =	vadd.f32 v33, v5;
	v23 =	vld [tilespmem:s5+$0x5810]  }
0x125: {  	v3 =	vadd.f32 v35, v3;
	v24 =	vld [tilespmem:s5+$0x5820]  }
0x126: {  	v4 =	vadd.f32 v36, v4;
	v5 =	vadd.f32 v37, v5;
	v25 =	vld [tilespmem:s5+$0x5830];
	s5 =	spop (v2sf)  }
0x127: {  	v3 =	vadd.f32 v39, v3;
	(v2sf) =	vpush v0, $0x9;
	v26 =	vld [tilespmem:s5+$0x5800]  }
0x128: {  	v4 =	vadd.f32 v40, v4;
	v5 =	vadd.f32 v41, v5;
	v27 =	vld [tilespmem:s5+$0x5810]  }
0x129: {  	v3 =	vadd.f32 v43, v3;
	v28 =	vld [tilespmem:s5+$0x5820]  }
0x12a: {  	v4 =	vadd.f32 v44, v4;
	v5 =	vadd.f32 v45, v5;
	v29 =	vld [tilespmem:s5+$0x5830];
	s5 =	spop (v2sf)  }
0x12b: {  	v3 =	vadd.f32 v47, v3;
	(v2sf) =	vpush v0, $0xA;
	v45 =	vld [tilespmem:s5+$0x5800]  }
0x12c: {  	v4 =	vadd.f32 v48, v4;
	v5 =	vadd.f32 v55, v5;
	v46 =	vld [tilespmem:s5+$0x5810]  }
0x12d: {  	v3 =	vadd.f32 v50, v3;
	v47 =	vld [tilespmem:s5+$0x5820]  }
0x12e: {  	v4 =	vadd.f32 v51, v4;
	v5 =	vadd.f32 v52, v5;
	v48 =	vld [tilespmem:s5+$0x5830];
	s5 =	spop (v2sf)  }
0x12f: {  	v3 =	vadd.f32 v54, v3;
	(v2sf) =	vpush v0, $0xB;
	v49 =	vld [tilespmem:s5+$0x5800]  }
0x130: {  	v4 =	vadd.f32 v61, v4;
	v5 =	vadd.f32 v56, v5;
	v50 =	vld [tilespmem:s5+$0x5810]  }
0x131: {  	v2 =	vadd.f32 v57, v2;
	v3 =	vadd.f32 v58, v3;
	v51 =	vld [tilespmem:s5+$0x5820]  }
0x132: {  	v4 =	vadd.f32 v59, v4;
	v5 =	vadd.f32 v60, v5;
	v52 =	vld [tilespmem:s5+$0x5830];
	s5 =	spop (v2sf)  }
0x133: {  	v2 =	vadd.f32 v53, v2;
	(v2sf) =	vpush v0, $0xC;
	v54 =	vld [tilespmem:s5+$0x5800]  }
0x134: {  	v3 =	vadd.f32 v62, v3;
	v4 =	vadd.f32 v63, v4;
	v55 =	vld [tilespmem:s5+$0x5810]  }
0x135: {  	v5 =	vadd.f32 v6, v5;
	v1 =	vadd.f32 v1, v2;
	v56 =	vld [tilespmem:s5+$0x5820]  }
0x136: {  	v3 =	vadd.f32 v7, v3;
	v4 =	vadd.f32 v8, v4;
	v57 =	vld [tilespmem:s5+$0x5830];
	s5 =	spop (v2sf)  }
0x137: {  	v5 =	vadd.f32 v9, v5;
	(v2sf) =	vpush v0, $0xD;
	v58 =	vld [tilespmem:s5+$0x5800]  }
0x138: {  	v1 =	vadd.f32 v10, v1;
	v3 =	vadd.f32 v11, v3;
	v59 =	vld [tilespmem:s5+$0x5810]  }
0x139: {  	v4 =	vadd.f32 v12, v4;
	v5 =	vadd.f32 v13, v5;
	v60 =	vld [tilespmem:s5+$0x5820]  }
0x13a: {  	v1 =	vadd.f32 v14, v1;
	v3 =	vadd.f32 v15, v3;
	v61 =	vld [tilespmem:s5+$0x5830];
	s5 =	spop (v2sf)  }
0x13b: {  	v4 =	vadd.f32 v16, v4;
	(v2sf) =	vpush v0, $0xE;
	v62 =	vld [tilespmem:s5+$0x5800]  }
0x13c: {  	v5 =	vadd.f32 v17, v5;
	v1 =	vadd.f32 v18, v1;
	v63 =	vld [tilespmem:s5+$0x5810]  }
0x13d: {  	v3 =	vadd.f32 v19, v3;
	v4 =	vadd.f32 v20, v4;
	v40 =	vld [tilespmem:s5+$0x5820]  }
0x13e: {  	v5 =	vadd.f32 v21, v5;
	v1 =	vadd.f32 v22, v1;
	v41 =	vld [tilespmem:s5+$0x5830];
	s5 =	spop (v2sf)  }
0x13f: {  	v3 =	vadd.f32 v23, v3;
	(v2sf) =	vpush v0, $0xF;
	v42 =	vld [tilespmem:s5+$0x5800]  }
0x140: {  	v4 =	vadd.f32 v24, v4;
	v1 =	vadd.f32 v26, v1;
	v43 =	vld [tilespmem:s5+$0x5810]  }
0x141: {  	v5 =	vadd.f32 v25, v5;
	v3 =	vadd.f32 v27, v3;
	v44 =	vld [tilespmem:s5+$0x5820]  }
0x142: {  	v4 =	vadd.f32 v28, v4;
	v1 =	vadd.f32 v45, v1;
	v45 =	vld [tilespmem:s5+$0x5830];
	s5 =	spop (v2sf)  }
0x143: {  	v5 =	vadd.f32 v29, v5;
	v3 =	vadd.f32 v46, v3;
	v46 =	vld [tilespmem:s5+$0x5800]  }
0x144: {  	v4 =	vadd.f32 v47, v4;
	v1 =	vadd.f32 v49, v1;
	v47 =	vld [tilespmem:s5+$0x5810]  }
0x145: {  	v5 =	vadd.f32 v48, v5;
	v3 =	vadd.f32 v50, v3;
	v48 =	vld [tilespmem:s5+$0x5820]  }
0x146: {  	v4 =	vadd.f32 v51, v4;
	v1 =	vadd.f32 v54, v1;
	v49 =	vld [tilespmem:s5+$0x5830];
	s5 =	spop (v2sf)  }
0x147: {  	v5 =	vadd.f32 v52, v5;
	v3 =	vadd.f32 v55, v3;
	v50 =	vld [tilespmem:s5+$0x5800]  }
0x148: {  	v2 =	vadd.f32 v56, v4;
	v1 =	vadd.f32 v58, v1;
	v51 =	vld [tilespmem:s5+$0x5810]  }
0x149: {  	v5 =	vadd.f32 v57, v5;
	v3 =	vadd.f32 v59, v3;
	v52 =	vld [tilespmem:s5+$0x5820]  }
0x14a: {  	v2 =	vadd.f32 v60, v2;
	v1 =	vadd.f32 v62, v1;
	v53 =	vld [tilespmem:s5+$0x5830];
	s5 =	spop (v2sf)  }
0x14b: {  	v5 =	vadd.f32 v61, v5;
	v3 =	vadd.f32 v63, v3;
	v54 =	vld [tilespmem:s5+$0x5800]  }
0x14c: {  	v2 =	vadd.f32 v40, v2;
	v0 =	vadd.f32 v42, v1;
	v55 =	vld [tilespmem:s5+$0x5810]  }
0x14d: {  	v5 =	vadd.f32 v41, v5;
	v3 =	vadd.f32 v43, v3;
	v56 =	vld [tilespmem:s5+$0x5820]  }
0x14e: {  	v2 =	vadd.f32 v44, v2;
	v57 =	vld [tilespmem:s5+$0x5830];
	s5 =	spop (v2sf);
	v0 =	vadd.f32 v46, v0  }
0x14f: {  	v5 =	vadd.f32 v45, v5;
	v58 =	vld [tilespmem:s5+$0x5800];
	v3 =	vadd.f32 v47, v3  }
0x150: {  	v59 =	vld [tilespmem:s5+$0x5810];
	v2 =	vadd.f32 v48, v2;
	v0 =	vadd.f32 v50, v0  }
0x151: {  	v60 =	vld [tilespmem:s5+$0x5820];
	v5 =	vadd.f32 v49, v5;
	v3 =	vadd.f32 v51, v3  }
0x152: {  	v61 =	vld [tilespmem:s5+$0x5830];
	v2 =	vadd.f32 v52, v2;
	v0 =	vadd.f32 v54, v0  }
0x153: {  	v5 =	vadd.f32 v53, v5;
	v1 =	vadd.f32 v55, v3  }
0x154: {  	p0 =	sne.s32 s0, $0x3F80;
	v2 =	vadd.f32 v56, v2;
	v0 =	vadd.f32 v58, v0  }
.Ltmp2:
0x155: {  	v62 =	vadd.f32 v57, v5;
	v1 =	vadd.f32 v59, v1;
	(pc) =	sbr.rel @p0 .LBB2_6-.Ltmp2, $4  }
0x156: {  	v2 =	vadd.f32 v60, v2;
	[tilespmem:s4+$0xFFFFFFD0] =	vst v0  }
0x157: {  	v63 =	vadd.f32 v61, v62;
	[tilespmem:s4+$0xFFFFFFE0] =	vst v1  }
0x158: {  	[tilespmem:s4+$0xFFFFFFF0] =	vst v2  }
0x159: {  	s0 =	sadd.s32 $0x80, s0;
	[tilespmem:s4+$0x0] =	vst v63;
	s4 =	sadd.s32 $0x40, s4  }
0x15a: {  	s0 =	simm.s32 $0x10840  }
0x15b: {  	[tilespmem:s0], [sflag:$0x1] =	stream.indirect.gather [hbm4b:s3+s21], $0x40, s26, s21, $0xb8;
	[tilespmem:$0x18840] =	vst v63  }
0x15c: {  	s4 =	simm.s32 $0x2400;
	s0 =	simm.s32 $0x200  }
.LBB2_8:
0x15d: {  	[tilespmem:s29], [sflag:$0x2] =	stream.indirect.gather.add.f32 [hbm:s3], $0x40, s4, s21, $0xb8;
	[tilespmem:$0x18840] =	vst v63  }
0x15e: {  	s4 =	smov.u32 s0;
	p0 =	sne.s32 s0, $0x7E00  }
.Ltmp3:
0x15f: {  	s0 =	sadd.s32 $0x200, s0;
	(pc) =	sbr.rel @p0 .LBB2_8-.Ltmp3, $3  }
0x160: {  	_ =	sdelay $0x1  }
0x161: {  	s4 =	sshra.s32 s4, $0x2  }
0x162: {  	s4 =	sadd.s32 $0x2400, s4  }
0x163: {  	[tilespmem:s29], [sflag:$0x2] =	stream.indirect.gather.add.f32 [hbm:s3], $0x40, s4, s21, $0xb8;
	[tilespmem:$0x18840] =	vst v63  }
0x164: {  	s0 =	simm.s32 $0x0  }
0x165: {  	[tilespmem:s0], [sflag:$0x3] =	stream.linear.gather [hbm4b:s9+s0], $0x2400, $0x38;
	[tilespmem:$0x18840] =	vst v63  }
0x166: {  	_ =	swait.ge [sflag:s19], $0x2400  }
0x167: {  	[sflag:s19] =	ssyncset.done $0x0  }
0x168: {  	[sflag:s19] =	ssyncadd.s32 $0xFFFFDC00  }
0x169: {  	[tilespmem:s20], [sflag:$0x3] =	stream.linear.gather [hbm4b:s10+s0], $0x1000, $0x38;
	[tilespmem:$0x18840] =	vst v63  }
0x16a: {  	_ =	swait.ge [sflag:s19], $0x1000  }
0x16b: {  	[sflag:s19] =	ssyncset.done $0x0  }
0x16c: {  	s4 =	simm.s32 $0x4810;
	[sflag:s19] =	ssyncadd.s32 $0xFFFFF000  }
.LBB2_10:
0x16d: {  	v0 =	vld [tilespmem:s4+$0xFFFFFFF0];
	_ =	sdelay $0x4  }
0x16e: {  	v0 =	vshll.u32 v0, $0x8  }
0x16f: {  	v0 =	vshra.s32 v0, $0x2  }
0x170: {  	(v2sf) =	vpush v0, $0x0;
	_ =	sdelay $0x3  }
0x171: {  	(v2sf) =	vpush v0, $0x1;
	_ =	sdelay $0x3  }
0x172: {  	(v2sf) =	vpush v0, $0x2;
	_ =	sdelay $0x3  }
0x173: {  	(v2sf) =	vpush v0, $0x3;
	_ =	sdelay $0x2  }
0x174: {  	v1 =	vld [tilespmem:s4+$0x0];
	s5 =	spop (v2sf)  }
0x175: {  	(v2sf) =	vpush v0, $0x4;
	v2 =	vld [tilespmem:s5+$0x5800]  }
0x176: {  	v3 =	vld [tilespmem:s5+$0x5810]  }
0x177: {  	v4 =	vld [tilespmem:s5+$0x5820]  }
0x178: {  	v5 =	vld [tilespmem:s5+$0x5830];
	s5 =	spop (v2sf)  }
0x179: {  	(v2sf) =	vpush v0, $0x5;
	v6 =	vld [tilespmem:s5+$0x5800]  }
0x17a: {  	v7 =	vld [tilespmem:s5+$0x5810]  }
0x17b: {  	v8 =	vld [tilespmem:s5+$0x5820]  }
0x17c: {  	v9 =	vld [tilespmem:s5+$0x5830];
	s5 =	spop (v2sf)  }
0x17d: {  	(v2sf) =	vpush v0, $0x6;
	v10 =	vld [tilespmem:s5+$0x5800]  }
0x17e: {  	v11 =	vld [tilespmem:s5+$0x5810]  }
0x17f: {  	v12 =	vld [tilespmem:s5+$0x5820]  }
0x180: {  	v13 =	vld [tilespmem:s5+$0x5830];
	s5 =	spop (v2sf)  }
0x181: {  	(v2sf) =	vpush v0, $0x7;
	v14 =	vld [tilespmem:s5+$0x5800]  }
0x182: {  	v15 =	vld [tilespmem:s5+$0x5810]  }
0x183: {  	v16 =	vld [tilespmem:s5+$0x5820]  }
0x184: {  	v17 =	vld [tilespmem:s5+$0x5830];
	s5 =	spop (v2sf)  }
0x185: {  	(v2sf) =	vpush v0, $0x8;
	v18 =	vld [tilespmem:s5+$0x5800]  }
0x186: {  	v19 =	vld [tilespmem:s5+$0x5810]  }
0x187: {  	v20 =	vld [tilespmem:s5+$0x5820]  }
0x188: {  	v21 =	vld [tilespmem:s5+$0x5830];
	s5 =	spop (v2sf)  }
0x189: {  	(v2sf) =	vpush v0, $0x9;
	v22 =	vld [tilespmem:s5+$0x5800]  }
0x18a: {  	v23 =	vld [tilespmem:s5+$0x5810]  }
0x18b: {  	v24 =	vld [tilespmem:s5+$0x5820]  }
0x18c: {  	v25 =	vld [tilespmem:s5+$0x5830];
	s5 =	spop (v2sf)  }
0x18d: {  	(v2sf) =	vpush v0, $0xA;
	v26 =	vld [tilespmem:s5+$0x5800]  }
0x18e: {  	v27 =	vld [tilespmem:s5+$0x5810]  }
0x18f: {  	v28 =	vld [tilespmem:s5+$0x5820]  }
0x190: {  	v29 =	vld [tilespmem:s5+$0x5830];
	s5 =	spop (v2sf)  }
0x191: {  	(v2sf) =	vpush v0, $0xB;
	v30 =	vld [tilespmem:s5+$0x5800]  }
0x192: {  	v31 =	vld [tilespmem:s5+$0x5810]  }
0x193: {  	v32 =	vld [tilespmem:s5+$0x5820]  }
0x194: {  	v33 =	vld [tilespmem:s5+$0x5830];
	s5 =	spop (v2sf)  }
0x195: {  	(v2sf) =	vpush v0, $0xC;
	v34 =	vld [tilespmem:s5+$0x5800]  }
0x196: {  	v35 =	vld [tilespmem:s5+$0x5810]  }
0x197: {  	v36 =	vld [tilespmem:s5+$0x5820]  }
0x198: {  	v37 =	vld [tilespmem:s5+$0x5830];
	s5 =	spop (v2sf)  }
0x199: {  	(v2sf) =	vpush v0, $0xD;
	v38 =	vld [tilespmem:s5+$0x5800]  }
0x19a: {  	v39 =	vld [tilespmem:s5+$0x5810]  }
0x19b: {  	v40 =	vld [tilespmem:s5+$0x5820]  }
0x19c: {  	v41 =	vld [tilespmem:s5+$0x5830];
	s5 =	spop (v2sf)  }
0x19d: {  	v2 =	vadd.f32 $0.0e+00, v2;
	(v2sf) =	vpush v0, $0xE;
	v42 =	vld [tilespmem:s5+$0x5800]  }
0x19e: {  	v43 =	vld [tilespmem:s5+$0x5810]  }
0x19f: {  	v2 =	vadd.f32 v6, v2;
	v44 =	vld [tilespmem:s5+$0x5820]  }
0x1a0: {  	v45 =	vld [tilespmem:s5+$0x5830];
	s5 =	spop (v2sf)  }
0x1a1: {  	v2 =	vadd.f32 v10, v2;
	(v2sf) =	vpush v0, $0xF;
	v46 =	vld [tilespmem:s5+$0x5800]  }
0x1a2: {  	v47 =	vld [tilespmem:s5+$0x5810]  }
0x1a3: {  	v2 =	vadd.f32 v14, v2;
	v48 =	vld [tilespmem:s5+$0x5820]  }
0x1a4: {  	v55 =	vld [tilespmem:s5+$0x5830];
	s5 =	spop (v2sf)  }
0x1a5: {  	v2 =	vadd.f32 v18, v2;
	v49 =	vld [tilespmem:s5+$0x5800]  }
0x1a6: {  	v62 =	vshll.u32 v1, $0x8;
	v50 =	vld [tilespmem:s5+$0x5810]  }
0x1a7: {  	v2 =	vadd.f32 v22, v2;
	v0 =	vshra.s32 v62, $0x2;
	v51 =	vld [tilespmem:s5+$0x5820]  }
0x1a8: {  	(v2sf) =	vpush v0, $0x0;
	v52 =	vld [tilespmem:s5+$0x5830];
	s5 =	spop (v2sf)  }
0x1a9: {  	v2 =	vadd.f32 v26, v2;
	v53 =	vld [tilespmem:s5+$0x5800]  }
0x1aa: {  	v54 =	vld [tilespmem:s5+$0x5810]  }
0x1ab: {  	v2 =	vadd.f32 v30, v2;
	v61 =	vld [tilespmem:s5+$0x5820]  }
0x1ac: {  	(v2sf) =	vpush v0, $0x1;
	v56 =	vld [tilespmem:s5+$0x5830];
	s5 =	spop (v2sf)  }
0x1ad: {  	v2 =	vadd.f32 v34, v2;
	v57 =	vld [tilespmem:s5+$0x5800]  }
0x1ae: {  	v58 =	vld [tilespmem:s5+$0x5810]  }
0x1af: {  	v2 =	vadd.f32 v38, v2;
	v59 =	vld [tilespmem:s5+$0x5820]  }
0x1b0: {  	(v2sf) =	vpush v0, $0x2;
	v60 =	vld [tilespmem:s5+$0x5830];
	s5 =	spop (v2sf)  }
0x1b1: {  	v2 =	vadd.f32 v42, v2;
	v63 =	vld [tilespmem:s5+$0x5800];
	_ =	sdelay $0x1  }
0x1b2: {  	v2 =	vadd.f32 v46, v2  }
0x1b3: {  	(v2sf) =	vpush v0, $0x3;
	v62 =	vld [tilespmem:s5+$0x5810]  }
0x1b4: {  	v6 =	vld [tilespmem:s5+$0x5830];
	v2 =	vadd.f32 v49, v2  }
0x1b5: {  	[tilespmem:$0x1FFD0] =	vst v63;
	v63 =	vld [tilespmem:s5+$0x5820]  }
0x1b6: {  	v3 =	vadd.f32 $0.0e+00, v3;
	v2 =	vadd.f32 v53, v2;
	v53 =	vld [tilespmem:$0x1FFD0];
	s5 =	spop (v2sf)  }
0x1b7: {  	v4 =	vadd.f32 $0.0e+00, v4;
	(v2sf) =	vpush v0, $0x4;
	v1 =	vld [tilespmem:s5+$0x5800]  }
0x1b8: {  	v5 =	vadd.f32 $0.0e+00, v5;
	v3 =	vadd.f32 v7, v3;
	v7 =	vld [tilespmem:s5+$0x5810]  }
0x1b9: {  	v4 =	vadd.f32 v8, v4;
	v8 =	vld [tilespmem:s5+$0x5820]  }
0x1ba: {  	v5 =	vadd.f32 v9, v5;
	v9 =	vld [tilespmem:s5+$0x5830];
	s5 =	spop (v2sf)  }
0x1bb: {  	(v2sf) =	vpush v0, $0x5;
	v10 =	vld [tilespmem:s5+$0x5800]  }
0x1bc: {  	v3 =	vadd.f32 v11, v3;
	v11 =	vld [tilespmem:s5+$0x5810]  }
0x1bd: {  	v4 =	vadd.f32 v12, v4;
	v12 =	vld [tilespmem:s5+$0x5820]  }
0x1be: {  	v5 =	vadd.f32 v13, v5;
	v13 =	vld [tilespmem:s5+$0x5830];
	s5 =	spop (v2sf)  }
0x1bf: {  	v3 =	vadd.f32 v15, v3;
	(v2sf) =	vpush v0, $0x6;
	v14 =	vld [tilespmem:s5+$0x5800]  }
0x1c0: {  	v4 =	vadd.f32 v16, v4;
	v5 =	vadd.f32 v17, v5;
	v15 =	vld [tilespmem:s5+$0x5810]  }
0x1c1: {  	v3 =	vadd.f32 v19, v3;
	v16 =	vld [tilespmem:s5+$0x5820]  }
0x1c2: {  	v4 =	vadd.f32 v20, v4;
	v5 =	vadd.f32 v21, v5;
	v17 =	vld [tilespmem:s5+$0x5830];
	s5 =	spop (v2sf)  }
0x1c3: {  	v3 =	vadd.f32 v23, v3;
	(v2sf) =	vpush v0, $0x7;
	v18 =	vld [tilespmem:s5+$0x5800]  }
0x1c4: {  	v4 =	vadd.f32 v24, v4;
	v5 =	vadd.f32 v25, v5;
	v19 =	vld [tilespmem:s5+$0x5810]  }
0x1c5: {  	v3 =	vadd.f32 v27, v3;
	v20 =	vld [tilespmem:s5+$0x5820]  }
0x1c6: {  	v4 =	vadd.f32 v28, v4;
	v5 =	vadd.f32 v29, v5;
	v21 =	vld [tilespmem:s5+$0x5830];
	s5 =	spop (v2sf)  }
0x1c7: {  	v3 =	vadd.f32 v31, v3;
	(v2sf) =	vpush v0, $0x8;
	v22 =	vld [tilespmem:s5+$0x5800]  }
0x1c8: {  	v4 =	vadd.f32 v32, v4;
	v5 =	vadd.f32 v33, v5;
	v23 =	vld [tilespmem:s5+$0x5810]  }
0x1c9: {  	v3 =	vadd.f32 v35, v3;
	v24 =	vld [tilespmem:s5+$0x5820]  }
0x1ca: {  	v4 =	vadd.f32 v36, v4;
	v5 =	vadd.f32 v37, v5;
	v25 =	vld [tilespmem:s5+$0x5830];
	s5 =	spop (v2sf)  }
0x1cb: {  	v3 =	vadd.f32 v39, v3;
	(v2sf) =	vpush v0, $0x9;
	v26 =	vld [tilespmem:s5+$0x5800]  }
0x1cc: {  	v4 =	vadd.f32 v40, v4;
	v5 =	vadd.f32 v41, v5;
	v27 =	vld [tilespmem:s5+$0x5810]  }
0x1cd: {  	v3 =	vadd.f32 v43, v3;
	v28 =	vld [tilespmem:s5+$0x5820]  }
0x1ce: {  	v4 =	vadd.f32 v44, v4;
	v5 =	vadd.f32 v45, v5;
	v29 =	vld [tilespmem:s5+$0x5830];
	s5 =	spop (v2sf)  }
0x1cf: {  	v3 =	vadd.f32 v47, v3;
	(v2sf) =	vpush v0, $0xA;
	v45 =	vld [tilespmem:s5+$0x5800]  }
0x1d0: {  	v4 =	vadd.f32 v48, v4;
	v5 =	vadd.f32 v55, v5;
	v46 =	vld [tilespmem:s5+$0x5810]  }
0x1d1: {  	v3 =	vadd.f32 v50, v3;
	v47 =	vld [tilespmem:s5+$0x5820]  }
0x1d2: {  	v4 =	vadd.f32 v51, v4;
	v5 =	vadd.f32 v52, v5;
	v48 =	vld [tilespmem:s5+$0x5830];
	s5 =	spop (v2sf)  }
0x1d3: {  	v3 =	vadd.f32 v54, v3;
	(v2sf) =	vpush v0, $0xB;
	v49 =	vld [tilespmem:s5+$0x5800]  }
0x1d4: {  	v4 =	vadd.f32 v61, v4;
	v5 =	vadd.f32 v56, v5;
	v50 =	vld [tilespmem:s5+$0x5810]  }
0x1d5: {  	v2 =	vadd.f32 v57, v2;
	v3 =	vadd.f32 v58, v3;
	v51 =	vld [tilespmem:s5+$0x5820]  }
0x1d6: {  	v4 =	vadd.f32 v59, v4;
	v5 =	vadd.f32 v60, v5;
	v52 =	vld [tilespmem:s5+$0x5830];
	s5 =	spop (v2sf)  }
0x1d7: {  	v2 =	vadd.f32 v53, v2;
	(v2sf) =	vpush v0, $0xC;
	v54 =	vld [tilespmem:s5+$0x5800]  }
0x1d8: {  	v3 =	vadd.f32 v62, v3;
	v4 =	vadd.f32 v63, v4;
	v55 =	vld [tilespmem:s5+$0x5810]  }
0x1d9: {  	v5 =	vadd.f32 v6, v5;
	v1 =	vadd.f32 v1, v2;
	v56 =	vld [tilespmem:s5+$0x5820]  }
0x1da: {  	v3 =	vadd.f32 v7, v3;
	v4 =	vadd.f32 v8, v4;
	v57 =	vld [tilespmem:s5+$0x5830];
	s5 =	spop (v2sf)  }
0x1db: {  	v5 =	vadd.f32 v9, v5;
	(v2sf) =	vpush v0, $0xD;
	v58 =	vld [tilespmem:s5+$0x5800]  }
0x1dc: {  	v1 =	vadd.f32 v10, v1;
	v3 =	vadd.f32 v11, v3;
	v59 =	vld [tilespmem:s5+$0x5810]  }
0x1dd: {  	v4 =	vadd.f32 v12, v4;
	v5 =	vadd.f32 v13, v5;
	v60 =	vld [tilespmem:s5+$0x5820]  }
0x1de: {  	v1 =	vadd.f32 v14, v1;
	v3 =	vadd.f32 v15, v3;
	v61 =	vld [tilespmem:s5+$0x5830];
	s5 =	spop (v2sf)  }
0x1df: {  	v4 =	vadd.f32 v16, v4;
	(v2sf) =	vpush v0, $0xE;
	v62 =	vld [tilespmem:s5+$0x5800]  }
0x1e0: {  	v5 =	vadd.f32 v17, v5;
	v1 =	vadd.f32 v18, v1;
	v63 =	vld [tilespmem:s5+$0x5810]  }
0x1e1: {  	v3 =	vadd.f32 v19, v3;
	v4 =	vadd.f32 v20, v4;
	v40 =	vld [tilespmem:s5+$0x5820]  }
0x1e2: {  	v5 =	vadd.f32 v21, v5;
	v1 =	vadd.f32 v22, v1;
	v41 =	vld [tilespmem:s5+$0x5830];
	s5 =	spop (v2sf)  }
0x1e3: {  	v3 =	vadd.f32 v23, v3;
	(v2sf) =	vpush v0, $0xF;
	v42 =	vld [tilespmem:s5+$0x5800]  }
0x1e4: {  	v4 =	vadd.f32 v24, v4;
	v1 =	vadd.f32 v26, v1;
	v43 =	vld [tilespmem:s5+$0x5810]  }
0x1e5: {  	v5 =	vadd.f32 v25, v5;
	v3 =	vadd.f32 v27, v3;
	v44 =	vld [tilespmem:s5+$0x5820]  }
0x1e6: {  	v4 =	vadd.f32 v28, v4;
	v1 =	vadd.f32 v45, v1;
	v45 =	vld [tilespmem:s5+$0x5830];
	s5 =	spop (v2sf)  }
0x1e7: {  	v5 =	vadd.f32 v29, v5;
	v3 =	vadd.f32 v46, v3;
	v46 =	vld [tilespmem:s5+$0x5800]  }
0x1e8: {  	v4 =	vadd.f32 v47, v4;
	v1 =	vadd.f32 v49, v1;
	v47 =	vld [tilespmem:s5+$0x5810]  }
0x1e9: {  	v5 =	vadd.f32 v48, v5;
	v3 =	vadd.f32 v50, v3;
	v48 =	vld [tilespmem:s5+$0x5820]  }
0x1ea: {  	v4 =	vadd.f32 v51, v4;
	v1 =	vadd.f32 v54, v1;
	v49 =	vld [tilespmem:s5+$0x5830];
	s5 =	spop (v2sf)  }
0x1eb: {  	v5 =	vadd.f32 v52, v5;
	v3 =	vadd.f32 v55, v3;
	v50 =	vld [tilespmem:s5+$0x5800]  }
0x1ec: {  	v2 =	vadd.f32 v56, v4;
	v1 =	vadd.f32 v58, v1;
	v51 =	vld [tilespmem:s5+$0x5810]  }
0x1ed: {  	v5 =	vadd.f32 v57, v5;
	v3 =	vadd.f32 v59, v3;
	v52 =	vld [tilespmem:s5+$0x5820]  }
0x1ee: {  	v2 =	vadd.f32 v60, v2;
	v1 =	vadd.f32 v62, v1;
	v53 =	vld [tilespmem:s5+$0x5830];
	s5 =	spop (v2sf)  }
0x1ef: {  	v5 =	vadd.f32 v61, v5;
	v3 =	vadd.f32 v63, v3;
	v54 =	vld [tilespmem:s5+$0x5800]  }
0x1f0: {  	v2 =	vadd.f32 v40, v2;
	v0 =	vadd.f32 v42, v1;
	v55 =	vld [tilespmem:s5+$0x5810]  }
0x1f1: {  	v5 =	vadd.f32 v41, v5;
	v3 =	vadd.f32 v43, v3;
	v56 =	vld [tilespmem:s5+$0x5820]  }
0x1f2: {  	v2 =	vadd.f32 v44, v2;
	v57 =	vld [tilespmem:s5+$0x5830];
	s5 =	spop (v2sf);
	v0 =	vadd.f32 v46, v0  }
0x1f3: {  	v5 =	vadd.f32 v45, v5;
	v58 =	vld [tilespmem:s5+$0x5800];
	v3 =	vadd.f32 v47, v3  }
0x1f4: {  	v59 =	vld [tilespmem:s5+$0x5810];
	v2 =	vadd.f32 v48, v2;
	v0 =	vadd.f32 v50, v0  }
0x1f5: {  	v60 =	vld [tilespmem:s5+$0x5820];
	v5 =	vadd.f32 v49, v5;
	v3 =	vadd.f32 v51, v3  }
0x1f6: {  	v61 =	vld [tilespmem:s5+$0x5830];
	v2 =	vadd.f32 v52, v2;
	v0 =	vadd.f32 v54, v0  }
0x1f7: {  	v5 =	vadd.f32 v53, v5;
	v1 =	vadd.f32 v55, v3  }
0x1f8: {  	p0 =	sne.s32 s0, $0x7F00;
	v2 =	vadd.f32 v56, v2;
	v0 =	vadd.f32 v58, v0  }
.Ltmp4:
0x1f9: {  	s5 =	sshra.s32 s0, $0x2;
	v62 =	vadd.f32 v57, v5;
	v1 =	vadd.f32 v59, v1;
	(pc) =	sbr.rel @p0 .LBB2_10-.Ltmp4, $4  }
0x1fa: {  	v2 =	vadd.f32 v60, v2;
	[tilespmem:s5+$0xA840] =	vst v0  }
0x1fb: {  	v63 =	vadd.f32 v61, v62;
	[tilespmem:s5+$0xA850] =	vst v1  }
0x1fc: {  	[tilespmem:s5+$0xA860] =	vst v2  }
0x1fd: {  	s4 =	sadd.s32 $0x20, s4;
	s0 =	sadd.s32 $0x100, s0;
	[tilespmem:s5+$0xA870] =	vst v63  }
0x1fe: {  	s0 =	simm.s32 $0x12840  }
0x1ff: {  	[tilespmem:s0], [sflag:$0x1] =	stream.indirect.gather [hbm4b:s3+s21], $0x40, s22, s21, $0xb8;
	[tilespmem:$0x18840] =	vst v63  }
0x200: {  	s4 =	simm.s32 $0x0;
	s0 =	simm.s32 $0x200  }
.LBB2_12:
0x201: {  	[tilespmem:s31], [sflag:$0x2] =	stream.indirect.gather.add.f32 [hbm:s3], $0x40, s4, s21, $0xb8;
	[tilespmem:$0x18840] =	vst v63  }
0x202: {  	s4 =	smov.u32 s0;
	p0 =	sne.s32 s0, $0x7E00  }
.Ltmp5:
0x203: {  	s0 =	sadd.s32 $0x200, s0;
	(pc) =	sbr.rel @p0 .LBB2_12-.Ltmp5, $2  }
0x204: {  	_ =	sdelay $0x2  }
0x205: {  	s4 =	sshra.s32 s4, $0x2  }
0x206: {  	[tilespmem:s31], [sflag:$0x2] =	stream.indirect.gather.add.f32 [hbm:s3], $0x40, s4, s21, $0xb8;
	[tilespmem:$0x18840] =	vst v63  }
0x207: {  	s0 =	simm.s32 $0x0  }
0x208: {  	[tilespmem:s25], [sflag:$0x3] =	stream.linear.gather [hbm4b:s11+s0], $0x2400, $0x38;
	[tilespmem:$0x18840] =	vst v63  }
0x209: {  	_ =	swait.ge [sflag:s19], $0x2400  }
0x20a: {  	[sflag:s19] =	ssyncset.done $0x0  }
0x20b: {  	[sflag:s19] =	ssyncadd.s32 $0xFFFFDC00  }
0x20c: {  	[tilespmem:s20], [sflag:$0x3] =	stream.linear.gather [hbm4b:s12+s0], $0x1000, $0x38;
	[tilespmem:$0x18840] =	vst v63  }
0x20d: {  	_ =	swait.ge [sflag:s19], $0x1000  }
0x20e: {  	[sflag:s19] =	ssyncset.done $0x0  }
0x20f: {  	s4 =	simm.s32 $0x4810;
	[sflag:s19] =	ssyncadd.s32 $0xFFFFF000  }
.LBB2_14:
0x210: {  	v0 =	vld [tilespmem:s4+$0xFFFFFFF0];
	_ =	sdelay $0x4  }
0x211: {  	v0 =	vshll.u32 v0, $0x8  }
0x212: {  	v0 =	vshra.s32 v0, $0x2  }
0x213: {  	(v2sf) =	vpush v0, $0x0;
	_ =	sdelay $0x2  }
0x214: {  	(v2sf) =	vpush v0, $0x1;
	_ =	sdelay $0x3  }
0x215: {  	(v2sf) =	vpush v0, $0x2;
	_ =	sdelay $0x3  }
0x216: {  	(v2sf) =	vpush v0, $0x3;
	_ =	sdelay $0x3  }
0x217: {  	s5 =	spop (v2sf);
	(v2sf) =	vpush v0, $0x4  }
0x218: {  	v1 =	vld [tilespmem:s4+$0x0]  }
0x219: {  	v2 =	vld [tilespmem:s5+$0x5800]  }
0x21a: {  	v3 =	vld [tilespmem:s5+$0x5810];
	s22 =	spop (v2sf)  }
0x21b: {  	(v2sf) =	vpush v0, $0x5;
	v6 =	vld [tilespmem:s22+$0x5800]  }
0x21c: {  	v7 =	vld [tilespmem:s22+$0x5810]  }
0x21d: {  	v8 =	vld [tilespmem:s22+$0x5820]  }
0x21e: {  	v9 =	vld [tilespmem:s22+$0x5830];
	s22 =	spop (v2sf)  }
0x21f: {  	(v2sf) =	vpush v0, $0x6;
	v10 =	vld [tilespmem:s22+$0x5800]  }
0x220: {  	v11 =	vld [tilespmem:s22+$0x5810]  }
0x221: {  	v12 =	vld [tilespmem:s22+$0x5820]  }
0x222: {  	v13 =	vld [tilespmem:s22+$0x5830];
	s22 =	spop (v2sf)  }
0x223: {  	(v2sf) =	vpush v0, $0x7;
	v14 =	vld [tilespmem:s22+$0x5800]  }
0x224: {  	v15 =	vld [tilespmem:s22+$0x5810]  }
0x225: {  	v16 =	vld [tilespmem:s22+$0x5820]  }
0x226: {  	v17 =	vld [tilespmem:s22+$0x5830];
	s22 =	spop (v2sf)  }
0x227: {  	(v2sf) =	vpush v0, $0x8;
	v18 =	vld [tilespmem:s22+$0x5800]  }
0x228: {  	v19 =	vld [tilespmem:s22+$0x5810]  }
0x229: {  	v20 =	vld [tilespmem:s22+$0x5820]  }
0x22a: {  	v21 =	vld [tilespmem:s22+$0x5830];
	s22 =	spop (v2sf)  }
0x22b: {  	(v2sf) =	vpush v0, $0x9;
	v22 =	vld [tilespmem:s22+$0x5800]  }
0x22c: {  	v23 =	vld [tilespmem:s22+$0x5810]  }
0x22d: {  	v24 =	vld [tilespmem:s22+$0x5820]  }
0x22e: {  	v25 =	vld [tilespmem:s22+$0x5830];
	s22 =	spop (v2sf)  }
0x22f: {  	(v2sf) =	vpush v0, $0xA;
	v26 =	vld [tilespmem:s22+$0x5800]  }
0x230: {  	v27 =	vld [tilespmem:s22+$0x5810]  }
0x231: {  	v28 =	vld [tilespmem:s22+$0x5820]  }
0x232: {  	v29 =	vld [tilespmem:s22+$0x5830];
	s22 =	spop (v2sf)  }
0x233: {  	(v2sf) =	vpush v0, $0xB;
	v30 =	vld [tilespmem:s22+$0x5800]  }
0x234: {  	v31 =	vld [tilespmem:s22+$0x5810]  }
0x235: {  	v32 =	vld [tilespmem:s22+$0x5820]  }
0x236: {  	v33 =	vld [tilespmem:s22+$0x5830];
	s22 =	spop (v2sf)  }
0x237: {  	(v2sf) =	vpush v0, $0xC;
	v34 =	vld [tilespmem:s22+$0x5800]  }
0x238: {  	v35 =	vld [tilespmem:s22+$0x5810]  }
0x239: {  	v36 =	vld [tilespmem:s22+$0x5820]  }
0x23a: {  	v37 =	vld [tilespmem:s22+$0x5830];
	s22 =	spop (v2sf)  }
0x23b: {  	(v2sf) =	vpush v0, $0xD;
	v38 =	vld [tilespmem:s22+$0x5800]  }
0x23c: {  	v39 =	vld [tilespmem:s22+$0x5810]  }
0x23d: {  	v40 =	vld [tilespmem:s22+$0x5820]  }
0x23e: {  	v41 =	vld [tilespmem:s22+$0x5830];
	s22 =	spop (v2sf)  }
0x23f: {  	v2 =	vadd.f32 $0.0e+00, v2;
	(v2sf) =	vpush v0, $0xE;
	v42 =	vld [tilespmem:s22+$0x5800]  }
0x240: {  	v43 =	vld [tilespmem:s22+$0x5810]  }
0x241: {  	v2 =	vadd.f32 v6, v2;
	v44 =	vld [tilespmem:s22+$0x5820]  }
0x242: {  	v45 =	vld [tilespmem:s22+$0x5830];
	s22 =	spop (v2sf)  }
0x243: {  	v2 =	vadd.f32 v10, v2;
	(v2sf) =	vpush v0, $0xF;
	v46 =	vld [tilespmem:s22+$0x5800]  }
0x244: {  	v47 =	vld [tilespmem:s22+$0x5810]  }
0x245: {  	v2 =	vadd.f32 v14, v2;
	v48 =	vld [tilespmem:s22+$0x5820]  }
0x246: {  	v55 =	vld [tilespmem:s22+$0x5830];
	s22 =	spop (v2sf)  }
0x247: {  	v2 =	vadd.f32 v18, v2;
	v49 =	vld [tilespmem:s22+$0x5800]  }
0x248: {  	v62 =	vshll.u32 v1, $0x8;
	v50 =	vld [tilespmem:s22+$0x5810]  }
0x249: {  	v2 =	vadd.f32 v22, v2;
	v0 =	vshra.s32 v62, $0x2;
	v51 =	vld [tilespmem:s22+$0x5820]  }
0x24a: {  	(v2sf) =	vpush v0, $0x0;
	v52 =	vld [tilespmem:s22+$0x5830];
	s22 =	spop (v2sf)  }
0x24b: {  	v2 =	vadd.f32 v26, v2;
	v53 =	vld [tilespmem:s22+$0x5800]  }
0x24c: {  	v54 =	vld [tilespmem:s22+$0x5810]  }
0x24d: {  	v2 =	vadd.f32 v30, v2;
	v61 =	vld [tilespmem:s22+$0x5820]  }
0x24e: {  	(v2sf) =	vpush v0, $0x1;
	v56 =	vld [tilespmem:s22+$0x5830];
	s22 =	spop (v2sf)  }
0x24f: {  	v2 =	vadd.f32 v34, v2;
	v57 =	vld [tilespmem:s22+$0x5800]  }
0x250: {  	v58 =	vld [tilespmem:s22+$0x5810]  }
0x251: {  	v2 =	vadd.f32 v38, v2;
	v59 =	vld [tilespmem:s22+$0x5820]  }
0x252: {  	(v2sf) =	vpush v0, $0x2;
	v60 =	vld [tilespmem:s22+$0x5830];
	s22 =	spop (v2sf)  }
0x253: {  	v2 =	vadd.f32 v42, v2;
	v63 =	vld [tilespmem:s22+$0x5800]  }
0x254: {  	v4 =	vld [tilespmem:s5+$0x5820]  }
0x255: {  	v5 =	vld [tilespmem:s5+$0x5830];
	v2 =	vadd.f32 v46, v2  }
0x256: {  	(v2sf) =	vpush v0, $0x3;
	v62 =	vld [tilespmem:s22+$0x5810]  }
0x257: {  	v6 =	vld [tilespmem:s22+$0x5830];
	v2 =	vadd.f32 v49, v2  }
0x258: {  	[tilespmem:$0x1FFC0] =	vst v63;
	v63 =	vld [tilespmem:s22+$0x5820]  }
0x259: {  	v3 =	vadd.f32 $0.0e+00, v3;
	v2 =	vadd.f32 v53, v2;
	v53 =	vld [tilespmem:$0x1FFC0];
	s22 =	spop (v2sf)  }
0x25a: {  	v4 =	vadd.f32 $0.0e+00, v4;
	(v2sf) =	vpush v0, $0x4;
	v1 =	vld [tilespmem:s22+$0x5800]  }
0x25b: {  	v5 =	vadd.f32 $0.0e+00, v5;
	v3 =	vadd.f32 v7, v3;
	v7 =	vld [tilespmem:s22+$0x5810]  }
0x25c: {  	v4 =	vadd.f32 v8, v4;
	v8 =	vld [tilespmem:s22+$0x5820]  }
0x25d: {  	v5 =	vadd.f32 v9, v5;
	v9 =	vld [tilespmem:s22+$0x5830];
	s22 =	spop (v2sf)  }
0x25e: {  	(v2sf) =	vpush v0, $0x5;
	v10 =	vld [tilespmem:s22+$0x5800]  }
0x25f: {  	v3 =	vadd.f32 v11, v3;
	v11 =	vld [tilespmem:s22+$0x5810]  }
0x260: {  	v4 =	vadd.f32 v12, v4;
	v12 =	vld [tilespmem:s22+$0x5820]  }
0x261: {  	v5 =	vadd.f32 v13, v5;
	v13 =	vld [tilespmem:s22+$0x5830];
	s22 =	spop (v2sf)  }
0x262: {  	v3 =	vadd.f32 v15, v3;
	(v2sf) =	vpush v0, $0x6;
	v14 =	vld [tilespmem:s22+$0x5800]  }
0x263: {  	v4 =	vadd.f32 v16, v4;
	v5 =	vadd.f32 v17, v5;
	v15 =	vld [tilespmem:s22+$0x5810]  }
0x264: {  	v3 =	vadd.f32 v19, v3;
	v16 =	vld [tilespmem:s22+$0x5820]  }
0x265: {  	v4 =	vadd.f32 v20, v4;
	v5 =	vadd.f32 v21, v5;
	v17 =	vld [tilespmem:s22+$0x5830];
	s22 =	spop (v2sf)  }
0x266: {  	v3 =	vadd.f32 v23, v3;
	(v2sf) =	vpush v0, $0x7;
	v18 =	vld [tilespmem:s22+$0x5800]  }
0x267: {  	v4 =	vadd.f32 v24, v4;
	v5 =	vadd.f32 v25, v5;
	v19 =	vld [tilespmem:s22+$0x5810]  }
0x268: {  	v3 =	vadd.f32 v27, v3;
	v20 =	vld [tilespmem:s22+$0x5820]  }
0x269: {  	v4 =	vadd.f32 v28, v4;
	v5 =	vadd.f32 v29, v5;
	v21 =	vld [tilespmem:s22+$0x5830];
	s22 =	spop (v2sf)  }
0x26a: {  	v3 =	vadd.f32 v31, v3;
	(v2sf) =	vpush v0, $0x8;
	v22 =	vld [tilespmem:s22+$0x5800]  }
0x26b: {  	v4 =	vadd.f32 v32, v4;
	v5 =	vadd.f32 v33, v5;
	v23 =	vld [tilespmem:s22+$0x5810]  }
0x26c: {  	v3 =	vadd.f32 v35, v3;
	v24 =	vld [tilespmem:s22+$0x5820]  }
0x26d: {  	v4 =	vadd.f32 v36, v4;
	v5 =	vadd.f32 v37, v5;
	v25 =	vld [tilespmem:s22+$0x5830];
	s22 =	spop (v2sf)  }
0x26e: {  	v3 =	vadd.f32 v39, v3;
	(v2sf) =	vpush v0, $0x9;
	v26 =	vld [tilespmem:s22+$0x5800]  }
0x26f: {  	v4 =	vadd.f32 v40, v4;
	v5 =	vadd.f32 v41, v5;
	v27 =	vld [tilespmem:s22+$0x5810]  }
0x270: {  	v3 =	vadd.f32 v43, v3;
	v28 =	vld [tilespmem:s22+$0x5820]  }
0x271: {  	v4 =	vadd.f32 v44, v4;
	v5 =	vadd.f32 v45, v5;
	v29 =	vld [tilespmem:s22+$0x5830];
	s22 =	spop (v2sf)  }
0x272: {  	v3 =	vadd.f32 v47, v3;
	(v2sf) =	vpush v0, $0xA;
	v45 =	vld [tilespmem:s22+$0x5800]  }
0x273: {  	v4 =	vadd.f32 v48, v4;
	v5 =	vadd.f32 v55, v5;
	v46 =	vld [tilespmem:s22+$0x5810]  }
0x274: {  	v3 =	vadd.f32 v50, v3;
	v47 =	vld [tilespmem:s22+$0x5820]  }
0x275: {  	v4 =	vadd.f32 v51, v4;
	v5 =	vadd.f32 v52, v5;
	v48 =	vld [tilespmem:s22+$0x5830];
	s22 =	spop (v2sf)  }
0x276: {  	v3 =	vadd.f32 v54, v3;
	(v2sf) =	vpush v0, $0xB;
	v49 =	vld [tilespmem:s22+$0x5800]  }
0x277: {  	v4 =	vadd.f32 v61, v4;
	v5 =	vadd.f32 v56, v5;
	v50 =	vld [tilespmem:s22+$0x5810]  }
0x278: {  	v2 =	vadd.f32 v57, v2;
	v3 =	vadd.f32 v58, v3;
	v51 =	vld [tilespmem:s22+$0x5820]  }
0x279: {  	v4 =	vadd.f32 v59, v4;
	v5 =	vadd.f32 v60, v5;
	v52 =	vld [tilespmem:s22+$0x5830];
	s22 =	spop (v2sf)  }
0x27a: {  	v2 =	vadd.f32 v53, v2;
	(v2sf) =	vpush v0, $0xC;
	v54 =	vld [tilespmem:s22+$0x5800]  }
0x27b: {  	v3 =	vadd.f32 v62, v3;
	v4 =	vadd.f32 v63, v4;
	v55 =	vld [tilespmem:s22+$0x5810]  }
0x27c: {  	v5 =	vadd.f32 v6, v5;
	v1 =	vadd.f32 v1, v2;
	v56 =	vld [tilespmem:s22+$0x5820]  }
0x27d: {  	v3 =	vadd.f32 v7, v3;
	v4 =	vadd.f32 v8, v4;
	v57 =	vld [tilespmem:s22+$0x5830];
	s22 =	spop (v2sf)  }
0x27e: {  	v5 =	vadd.f32 v9, v5;
	(v2sf) =	vpush v0, $0xD;
	v58 =	vld [tilespmem:s22+$0x5800]  }
0x27f: {  	v1 =	vadd.f32 v10, v1;
	v3 =	vadd.f32 v11, v3;
	v59 =	vld [tilespmem:s22+$0x5810]  }
0x280: {  	v4 =	vadd.f32 v12, v4;
	v5 =	vadd.f32 v13, v5;
	v60 =	vld [tilespmem:s22+$0x5820]  }
0x281: {  	v1 =	vadd.f32 v14, v1;
	v3 =	vadd.f32 v15, v3;
	v61 =	vld [tilespmem:s22+$0x5830];
	s22 =	spop (v2sf)  }
0x282: {  	v4 =	vadd.f32 v16, v4;
	(v2sf) =	vpush v0, $0xE;
	v62 =	vld [tilespmem:s22+$0x5800]  }
0x283: {  	v5 =	vadd.f32 v17, v5;
	v1 =	vadd.f32 v18, v1;
	v63 =	vld [tilespmem:s22+$0x5810]  }
0x284: {  	v3 =	vadd.f32 v19, v3;
	v4 =	vadd.f32 v20, v4;
	v40 =	vld [tilespmem:s22+$0x5820]  }
0x285: {  	v5 =	vadd.f32 v21, v5;
	v1 =	vadd.f32 v22, v1;
	v41 =	vld [tilespmem:s22+$0x5830];
	s22 =	spop (v2sf)  }
0x286: {  	v3 =	vadd.f32 v23, v3;
	(v2sf) =	vpush v0, $0xF;
	v42 =	vld [tilespmem:s22+$0x5800]  }
0x287: {  	v4 =	vadd.f32 v24, v4;
	v1 =	vadd.f32 v26, v1;
	v43 =	vld [tilespmem:s22+$0x5810]  }
0x288: {  	v5 =	vadd.f32 v25, v5;
	v3 =	vadd.f32 v27, v3;
	v44 =	vld [tilespmem:s22+$0x5820]  }
0x289: {  	v4 =	vadd.f32 v28, v4;
	v1 =	vadd.f32 v45, v1;
	v45 =	vld [tilespmem:s22+$0x5830];
	s22 =	spop (v2sf)  }
0x28a: {  	v5 =	vadd.f32 v29, v5;
	v3 =	vadd.f32 v46, v3;
	v46 =	vld [tilespmem:s22+$0x5800]  }
0x28b: {  	v4 =	vadd.f32 v47, v4;
	v1 =	vadd.f32 v49, v1;
	v47 =	vld [tilespmem:s22+$0x5810]  }
0x28c: {  	v5 =	vadd.f32 v48, v5;
	v3 =	vadd.f32 v50, v3;
	v48 =	vld [tilespmem:s22+$0x5820]  }
0x28d: {  	v4 =	vadd.f32 v51, v4;
	v1 =	vadd.f32 v54, v1;
	v49 =	vld [tilespmem:s22+$0x5830];
	s22 =	spop (v2sf)  }
0x28e: {  	v5 =	vadd.f32 v52, v5;
	v3 =	vadd.f32 v55, v3;
	v50 =	vld [tilespmem:s22+$0x5800]  }
0x28f: {  	v2 =	vadd.f32 v56, v4;
	v1 =	vadd.f32 v58, v1;
	v51 =	vld [tilespmem:s22+$0x5810]  }
0x290: {  	v5 =	vadd.f32 v57, v5;
	v3 =	vadd.f32 v59, v3;
	v52 =	vld [tilespmem:s22+$0x5820]  }
0x291: {  	v2 =	vadd.f32 v60, v2;
	v1 =	vadd.f32 v62, v1;
	v53 =	vld [tilespmem:s22+$0x5830];
	s22 =	spop (v2sf)  }
0x292: {  	v5 =	vadd.f32 v61, v5;
	v3 =	vadd.f32 v63, v3;
	v54 =	vld [tilespmem:s22+$0x5800]  }
0x293: {  	v2 =	vadd.f32 v40, v2;
	v0 =	vadd.f32 v42, v1;
	v55 =	vld [tilespmem:s22+$0x5810]  }
0x294: {  	v5 =	vadd.f32 v41, v5;
	v3 =	vadd.f32 v43, v3;
	v56 =	vld [tilespmem:s22+$0x5820]  }
0x295: {  	v2 =	vadd.f32 v44, v2;
	v57 =	vld [tilespmem:s22+$0x5830];
	s22 =	spop (v2sf);
	v0 =	vadd.f32 v46, v0  }
0x296: {  	v5 =	vadd.f32 v45, v5;
	v58 =	vld [tilespmem:s22+$0x5800];
	v3 =	vadd.f32 v47, v3  }
0x297: {  	v59 =	vld [tilespmem:s22+$0x5810];
	v2 =	vadd.f32 v48, v2;
	v0 =	vadd.f32 v50, v0  }
0x298: {  	v60 =	vld [tilespmem:s22+$0x5820];
	v5 =	vadd.f32 v49, v5;
	v3 =	vadd.f32 v51, v3  }
0x299: {  	v61 =	vld [tilespmem:s22+$0x5830];
	v2 =	vadd.f32 v52, v2;
	v0 =	vadd.f32 v54, v0  }
0x29a: {  	v5 =	vadd.f32 v53, v5;
	v1 =	vadd.f32 v55, v3  }
0x29b: {  	p0 =	sne.s32 s0, $0x7F00;
	v2 =	vadd.f32 v56, v2;
	v0 =	vadd.f32 v58, v0  }
.Ltmp6:
0x29c: {  	s22 =	sshra.s32 s0, $0x2;
	v62 =	vadd.f32 v57, v5;
	v1 =	vadd.f32 v59, v1;
	(pc) =	sbr.rel @p0 .LBB2_14-.Ltmp6, $4  }
0x29d: {  	v2 =	vadd.f32 v60, v2;
	[tilespmem:s22+$0xC840] =	vst v0  }
0x29e: {  	v63 =	vadd.f32 v61, v62;
	[tilespmem:s22+$0xC850] =	vst v1  }
0x29f: {  	[tilespmem:s22+$0xC860] =	vst v2  }
0x2a0: {  	s4 =	sadd.s32 $0x20, s4;
	s0 =	sadd.s32 $0x100, s0;
	[tilespmem:s22+$0xC870] =	vst v63  }
0x2a1: {  	s0 =	simm.s32 $0x14840  }
0x2a2: {  	[tilespmem:s0], [sflag:$0x1] =	stream.indirect.gather [hbm4b:s3+s21], $0x40, s26, s21, $0xb8;
	[tilespmem:$0x18840] =	vst v63  }
0x2a3: {  	s0 =	simm.s32 $0x0  }
.LBB2_16:
0x2a4: {  	p0 =	sne.s32 s0, $0x7E00  }
.Ltmp7:
0x2a5: {  	_ = 	snop;
	(pc) =	sbr.rel @p0 .LBB2_16-.Ltmp7, $4  }
0x2a6: {  	_ = 	snop  }
0x2a7: {  	s4 =	sshra.s32 s0, $0x2  }
0x2a8: {  	s0 =	sadd.s32 $0x200, s0;
	s4 =	sadd.s32 $0x2400, s4  }
0x2a9: {  	[tilespmem:s1], [sflag:$0x2] =	stream.indirect.gather.add.f32 [hbm:s3], $0x40, s4, s21, $0xb8;
	[tilespmem:$0x18840] =	vst v63  }
0x2aa: {  	_ =	swait.ge [sflag:s18], $0x2000  }
0x2ab: {  	s0 =	simm.s32 $0xFF;
	[sflag:s18] =	ssyncset.done $0x0  }
.LBB2_18:
0x2ac: {  	p0 =	sne.s32 s0, $0x1;
	s0 =	sadd.s32 $0xFFFFFFFF, s0;
	[sflag:s18] =	ssyncadd.s32 $0xFFFFE000  }
.Ltmp8:
0x2ad: {  	(pc) =	sbr.rel @p0 .LBB2_18-.Ltmp8, $3  }
0x2ae: {  	_ =	sdelay $0x1  }
0x2af: {  	_ =	swait.ge [sflag:s18], $0x2000  }
0x2b0: {  	[sflag:s18] =	ssyncset.done $0x0  }
0x2b1: {  	[sflag:s18] =	ssyncadd.s32 $0xFFFFE000  }
0x2b2: {  	_ =	swait.ge [sflag:s23], $0x2000  }
0x2b3: {  	[sflag:s23] =	ssyncset.done $0x0  }
0x2b4: {  	[sflag:s23] =	ssyncadd.s32 $0xFFFFE000  }
0x2b5: {  	_ =	swait.ge [sflag:s23], $0x2000  }
0x2b6: {  	[sflag:s23] =	ssyncset.done $0x0  }
0x2b7: {  	[sflag:s23] =	ssyncadd.s32 $0xFFFFE000  }
0x2b8: {  	_ =	swait.ge [sflag:s23], $0x2000  }
0x2b9: {  	[sflag:s23] =	ssyncset.done $0x0  }
0x2ba: {  	[sflag:s23] =	ssyncadd.s32 $0xFFFFE000  }
0x2bb: {  	_ =	swait.ge [sflag:s23], $0x2000  }
0x2bc: {  	[sflag:s23] =	ssyncset.done $0x0  }
0x2bd: {  	s0 =	simm.s32 $0x0;
	[sflag:s23] =	ssyncadd.s32 $0xFFFFE000  }
0x2be: {  	v1 =	vld [tilespmem:s0+$0x6870]  }
0x2bf: {  	v2 =	vld [tilespmem:s0+$0xE870]  }
0x2c0: {  	v5 =	vld [tilespmem:s0+$0x6840]  }
0x2c1: {  	v6 =	vld [tilespmem:s0+$0xE840]  }
0x2c2: {  	v3 =	vld [tilespmem:s0+$0x6850]  }
0x2c3: {  	v4 =	vld [tilespmem:s0+$0xE850]  }
0x2c4: {  	v0 =	vld [tilespmem:s0+$0x6860];
	v7 =	vmul.f32 $7.812500000e-03, v1;
	v8 =	vmul.f32 $2.500000000e-01, v2  }
0x2c5: {  	s4 =	simm.s32 $0x40;
	v2 =	vld [tilespmem:s0+$0xE860]  }
0x2c6: {  	s5 =	simm.s32 $0x200;
	v5 =	vmul.f32 $7.812500000e-03, v5;
	v1 =	vld [tilespmem:s4+$0x6870];
	v6 =	vmul.f32 $2.500000000e-01, v6;
	v7 =	vadd.f32 v8, v7  }
.LBB2_20:
0x2c7: {  	p0 =	sne.s32 s5, $0x7F00;
	v8 =	vld [tilespmem:s4+$0xE870];
	v9 =	vmul.f32 $7.812500000e-03, v3  }
0x2c8: {  	v10 =	vld [tilespmem:s4+$0x6840];
	v5 =	vadd.f32 v6, v5;
	v4 =	vmul.f32 $2.500000000e-01, v4;
	[tilespmem:s0+$0x16870] =	vst v7  }
0x2c9: {  	v6 =	vld [tilespmem:s4+$0xE840];
	v7 =	vmul.f32 $7.812500000e-03, v0  }
.Ltmp9:
0x2ca: {  	v3 =	vld [tilespmem:s4+$0x6850];
	[tilespmem:s0+$0x16840] =	vst v5;
	v5 =	vadd.f32 v4, v9;
	v2 =	vmul.f32 $2.500000000e-01, v2;
	(pc) =	sbr.rel @p0 .LBB2_20-.Ltmp9, $4  }
0x2cb: {  	v4 =	vld [tilespmem:s4+$0xE850]  }
0x2cc: {  	v9 =	vmul.f32 $7.812500000e-03, v1;
	v0 =	vld [tilespmem:s4+$0x6860];
	v8 =	vmul.f32 $2.500000000e-01, v8;
	[tilespmem:s0+$0x16850] =	vst v5;
	v11 =	vadd.f32 v2, v7  }
0x2cd: {  	s22 =	sshra.s32 s5, $0x2;
	v5 =	vmul.f32 $7.812500000e-03, v10;
	v2 =	vld [tilespmem:s4+$0xE860]  }
0x2ce: {  	s5 =	sadd.s32 $0x100, s5;
	v1 =	vld [tilespmem:s22+$0x6870];
	v6 =	vmul.f32 $2.500000000e-01, v6;
	v7 =	vadd.f32 v8, v9;
	[tilespmem:s0+$0x16860] =	vst v11;
	s0 =	smov.u32 s4;
	s4 =	smov.u32 s22  }
0x2cf: {  	v8 =	vld [tilespmem:s4+$0xE870]  }
0x2d0: {  	v9 =	vld [tilespmem:s4+$0x6840];
	v3 =	vmul.f32 $7.812500000e-03, v3;
	[tilespmem:s0+$0x16870] =	vst v7;
	v5 =	vadd.f32 v6, v5;
	v4 =	vmul.f32 $2.500000000e-01, v4  }
0x2d1: {  	v6 =	vld [tilespmem:s4+$0xE840]  }
0x2d2: {  	v7 =	vld [tilespmem:s4+$0x6850];
	[tilespmem:s0+$0x16840] =	vst v5;
	v3 =	vadd.f32 v4, v3  }
0x2d3: {  	v4 =	vld [tilespmem:s4+$0xE850]  }
0x2d4: {  	v5 =	vld [tilespmem:s4+$0x6860];
	[tilespmem:s0+$0x16850] =	vst v3  }
0x2d5: {  	v3 =	vld [tilespmem:s4+$0xE860]  }
0x2d6: {  	v0 =	vmul.f32 $7.812500000e-03, v0;
	v2 =	vmul.f32 $2.500000000e-01, v2  }
0x2d7: {  	v1 =	vmul.f32 $7.812500000e-03, v1;
	v8 =	vmul.f32 $2.500000000e-01, v8  }
0x2d8: {  	v0 =	vadd.f32 v2, v0;
	v2 =	vmul.f32 $7.812500000e-03, v9;
	v6 =	vmul.f32 $2.500000000e-01, v6  }
0x2d9: {  	v1 =	vadd.f32 v8, v1;
	v7 =	vmul.f32 $7.812500000e-03, v7;
	v4 =	vmul.f32 $2.500000000e-01, v4  }
0x2da: {  	[tilespmem:s0+$0x16860] =	vst v0;
	v0 =	vadd.f32 v6, v2;
	v2 =	vmul.f32 $7.812500000e-03, v5;
	v3 =	vmul.f32 $2.500000000e-01, v3  }
0x2db: {  	[tilespmem:s4+$0x16870] =	vst v1;
	v1 =	vadd.f32 v4, v7  }
0x2dc: {  	[tilespmem:s4+$0x16840] =	vst v0;
	v0 =	vadd.f32 v3, v2  }
0x2dd: {  	[tilespmem:s4+$0x16850] =	vst v1  }
0x2de: {  	s22 =	simm.s32 $0x0;
	[tilespmem:s4+$0x16860] =	vst v0  }
0x2df: {  	[hbm4b:s13+s22] =	stream.linear.scatter [tilespmem:s28], [sflag:$0x3], $0x2000, $0x38;
	[tilespmem:$0x18840] =	vst v63  }
0x2e0: {  	_ =	swait.ge [sflag:s19], $0x2000  }
0x2e1: {  	[sflag:s19] =	ssyncset.done $0x0  }
0x2e2: {  	s0 =	simm.s32 $0x0;
	[sflag:s19] =	ssyncadd.s32 $0xFFFFE000  }
0x2e3: {  	v1 =	vld [tilespmem:s0+$0x8870]  }
0x2e4: {  	v2 =	vld [tilespmem:s0+$0x10870]  }
0x2e5: {  	v5 =	vld [tilespmem:s0+$0x8840]  }
0x2e6: {  	v6 =	vld [tilespmem:s0+$0x10840]  }
0x2e7: {  	v3 =	vld [tilespmem:s0+$0x8850]  }
0x2e8: {  	v4 =	vld [tilespmem:s0+$0x10850]  }
0x2e9: {  	v0 =	vld [tilespmem:s0+$0x8860];
	v7 =	vmul.f32 $7.812500000e-03, v1;
	v8 =	vmul.f32 $2.500000000e-01, v2  }
0x2ea: {  	s4 =	simm.s32 $0x40;
	v2 =	vld [tilespmem:s0+$0x10860]  }
0x2eb: {  	s5 =	simm.s32 $0x200;
	v5 =	vmul.f32 $7.812500000e-03, v5;
	v1 =	vld [tilespmem:s4+$0x8870];
	v6 =	vmul.f32 $2.500000000e-01, v6;
	v7 =	vadd.f32 v8, v7  }
.LBB2_22:
0x2ec: {  	p0 =	sne.s32 s5, $0x7F00;
	v8 =	vld [tilespmem:s4+$0x10870];
	v9 =	vmul.f32 $7.812500000e-03, v3  }
0x2ed: {  	v10 =	vld [tilespmem:s4+$0x8840];
	v5 =	vadd.f32 v6, v5;
	v4 =	vmul.f32 $2.500000000e-01, v4;
	[tilespmem:s0+$0x16870] =	vst v7  }
0x2ee: {  	v6 =	vld [tilespmem:s4+$0x10840];
	v7 =	vmul.f32 $7.812500000e-03, v0  }
.Ltmp10:
0x2ef: {  	v3 =	vld [tilespmem:s4+$0x8850];
	[tilespmem:s0+$0x16840] =	vst v5;
	v5 =	vadd.f32 v4, v9;
	v2 =	vmul.f32 $2.500000000e-01, v2;
	(pc) =	sbr.rel @p0 .LBB2_22-.Ltmp10, $4  }
0x2f0: {  	v4 =	vld [tilespmem:s4+$0x10850]  }
0x2f1: {  	v9 =	vmul.f32 $7.812500000e-03, v1;
	v0 =	vld [tilespmem:s4+$0x8860];
	v8 =	vmul.f32 $2.500000000e-01, v8;
	[tilespmem:s0+$0x16850] =	vst v5;
	v11 =	vadd.f32 v2, v7  }
0x2f2: {  	s22 =	sshra.s32 s5, $0x2;
	v5 =	vmul.f32 $7.812500000e-03, v10;
	v2 =	vld [tilespmem:s4+$0x10860]  }
0x2f3: {  	s5 =	sadd.s32 $0x100, s5;
	v1 =	vld [tilespmem:s22+$0x8870];
	v6 =	vmul.f32 $2.500000000e-01, v6;
	v7 =	vadd.f32 v8, v9;
	[tilespmem:s0+$0x16860] =	vst v11;
	s0 =	smov.u32 s4;
	s4 =	smov.u32 s22  }
0x2f4: {  	v8 =	vld [tilespmem:s4+$0x10870]  }
0x2f5: {  	v9 =	vld [tilespmem:s4+$0x8840];
	v3 =	vmul.f32 $7.812500000e-03, v3;
	[tilespmem:s0+$0x16870] =	vst v7;
	v5 =	vadd.f32 v6, v5;
	v4 =	vmul.f32 $2.500000000e-01, v4  }
0x2f6: {  	v6 =	vld [tilespmem:s4+$0x10840]  }
0x2f7: {  	v7 =	vld [tilespmem:s4+$0x8850];
	[tilespmem:s0+$0x16840] =	vst v5;
	v3 =	vadd.f32 v4, v3  }
0x2f8: {  	v4 =	vld [tilespmem:s4+$0x10850]  }
0x2f9: {  	v5 =	vld [tilespmem:s4+$0x8860];
	[tilespmem:s0+$0x16850] =	vst v3  }
0x2fa: {  	v3 =	vld [tilespmem:s4+$0x10860]  }
0x2fb: {  	v0 =	vmul.f32 $7.812500000e-03, v0;
	v2 =	vmul.f32 $2.500000000e-01, v2  }
0x2fc: {  	v1 =	vmul.f32 $7.812500000e-03, v1;
	v8 =	vmul.f32 $2.500000000e-01, v8  }
0x2fd: {  	v0 =	vadd.f32 v2, v0;
	v2 =	vmul.f32 $7.812500000e-03, v9;
	v6 =	vmul.f32 $2.500000000e-01, v6  }
0x2fe: {  	v1 =	vadd.f32 v8, v1;
	v7 =	vmul.f32 $7.812500000e-03, v7;
	v4 =	vmul.f32 $2.500000000e-01, v4  }
0x2ff: {  	[tilespmem:s0+$0x16860] =	vst v0;
	v0 =	vadd.f32 v6, v2;
	v2 =	vmul.f32 $7.812500000e-03, v5;
	v3 =	vmul.f32 $2.500000000e-01, v3  }
0x300: {  	[tilespmem:s4+$0x16870] =	vst v1;
	v1 =	vadd.f32 v4, v7  }
0x301: {  	[tilespmem:s4+$0x16840] =	vst v0;
	v0 =	vadd.f32 v3, v2  }
0x302: {  	[tilespmem:s4+$0x16850] =	vst v1  }
0x303: {  	s22 =	simm.s32 $0x0;
	[tilespmem:s4+$0x16860] =	vst v0  }
0x304: {  	[hbm4b:s14+s22] =	stream.linear.scatter [tilespmem:s28], [sflag:$0x3], $0x2000, $0x38;
	[tilespmem:$0x18840] =	vst v63  }
0x305: {  	_ =	swait.ge [sflag:s19], $0x2000  }
0x306: {  	[sflag:s19] =	ssyncset.done $0x0  }
0x307: {  	s0 =	simm.s32 $0x0;
	[sflag:s19] =	ssyncadd.s32 $0xFFFFE000  }
0x308: {  	v1 =	vld [tilespmem:s0+$0xA870]  }
0x309: {  	v2 =	vld [tilespmem:s0+$0x12870]  }
0x30a: {  	v5 =	vld [tilespmem:s0+$0xA840]  }
0x30b: {  	v6 =	vld [tilespmem:s0+$0x12840]  }
0x30c: {  	v3 =	vld [tilespmem:s0+$0xA850]  }
0x30d: {  	v4 =	vld [tilespmem:s0+$0x12850]  }
0x30e: {  	v0 =	vld [tilespmem:s0+$0xA860];
	v7 =	vmul.f32 $7.812500000e-03, v1;
	v8 =	vmul.f32 $2.500000000e-01, v2  }
0x30f: {  	s4 =	simm.s32 $0x40;
	v2 =	vld [tilespmem:s0+$0x12860]  }
0x310: {  	s5 =	simm.s32 $0x200;
	v5 =	vmul.f32 $7.812500000e-03, v5;
	v1 =	vld [tilespmem:s4+$0xA870];
	v6 =	vmul.f32 $2.500000000e-01, v6;
	v7 =	vadd.f32 v8, v7  }
.LBB2_24:
0x311: {  	p0 =	sne.s32 s5, $0x7F00;
	v8 =	vld [tilespmem:s4+$0x12870];
	v9 =	vmul.f32 $7.812500000e-03, v3  }
0x312: {  	v10 =	vld [tilespmem:s4+$0xA840];
	v5 =	vadd.f32 v6, v5;
	v4 =	vmul.f32 $2.500000000e-01, v4;
	[tilespmem:s0+$0x16870] =	vst v7  }
0x313: {  	v6 =	vld [tilespmem:s4+$0x12840];
	v7 =	vmul.f32 $7.812500000e-03, v0  }
.Ltmp11:
0x314: {  	v3 =	vld [tilespmem:s4+$0xA850];
	[tilespmem:s0+$0x16840] =	vst v5;
	v5 =	vadd.f32 v4, v9;
	v2 =	vmul.f32 $2.500000000e-01, v2;
	(pc) =	sbr.rel @p0 .LBB2_24-.Ltmp11, $4  }
0x315: {  	v4 =	vld [tilespmem:s4+$0x12850]  }
0x316: {  	v9 =	vmul.f32 $7.812500000e-03, v1;
	v0 =	vld [tilespmem:s4+$0xA860];
	v8 =	vmul.f32 $2.500000000e-01, v8;
	[tilespmem:s0+$0x16850] =	vst v5;
	v11 =	vadd.f32 v2, v7  }
0x317: {  	s22 =	sshra.s32 s5, $0x2;
	v5 =	vmul.f32 $7.812500000e-03, v10;
	v2 =	vld [tilespmem:s4+$0x12860]  }
0x318: {  	s5 =	sadd.s32 $0x100, s5;
	v1 =	vld [tilespmem:s22+$0xA870];
	v6 =	vmul.f32 $2.500000000e-01, v6;
	v7 =	vadd.f32 v8, v9;
	[tilespmem:s0+$0x16860] =	vst v11;
	s0 =	smov.u32 s4;
	s4 =	smov.u32 s22  }
0x319: {  	v8 =	vld [tilespmem:s4+$0x12870]  }
0x31a: {  	v9 =	vld [tilespmem:s4+$0xA840];
	v3 =	vmul.f32 $7.812500000e-03, v3;
	[tilespmem:s0+$0x16870] =	vst v7;
	v5 =	vadd.f32 v6, v5;
	v4 =	vmul.f32 $2.500000000e-01, v4  }
0x31b: {  	v6 =	vld [tilespmem:s4+$0x12840]  }
0x31c: {  	v7 =	vld [tilespmem:s4+$0xA850];
	[tilespmem:s0+$0x16840] =	vst v5;
	v3 =	vadd.f32 v4, v3  }
0x31d: {  	v4 =	vld [tilespmem:s4+$0x12850]  }
0x31e: {  	v5 =	vld [tilespmem:s4+$0xA860];
	[tilespmem:s0+$0x16850] =	vst v3  }
0x31f: {  	v3 =	vld [tilespmem:s4+$0x12860]  }
0x320: {  	v0 =	vmul.f32 $7.812500000e-03, v0;
	v2 =	vmul.f32 $2.500000000e-01, v2  }
0x321: {  	v1 =	vmul.f32 $7.812500000e-03, v1;
	v8 =	vmul.f32 $2.500000000e-01, v8  }
0x322: {  	v0 =	vadd.f32 v2, v0;
	v2 =	vmul.f32 $7.812500000e-03, v9;
	v6 =	vmul.f32 $2.500000000e-01, v6  }
0x323: {  	v1 =	vadd.f32 v8, v1;
	v7 =	vmul.f32 $7.812500000e-03, v7;
	v4 =	vmul.f32 $2.500000000e-01, v4  }
0x324: {  	[tilespmem:s0+$0x16860] =	vst v0;
	v0 =	vadd.f32 v6, v2;
	v2 =	vmul.f32 $7.812500000e-03, v5;
	v3 =	vmul.f32 $2.500000000e-01, v3  }
0x325: {  	[tilespmem:s4+$0x16870] =	vst v1;
	v1 =	vadd.f32 v4, v7  }
0x326: {  	[tilespmem:s4+$0x16840] =	vst v0;
	v0 =	vadd.f32 v3, v2  }
0x327: {  	[tilespmem:s4+$0x16850] =	vst v1  }
0x328: {  	s22 =	simm.s32 $0x0;
	[tilespmem:s4+$0x16860] =	vst v0  }
0x329: {  	[hbm4b:s15+s22] =	stream.linear.scatter [tilespmem:s28], [sflag:$0x3], $0x2000, $0x38;
	[tilespmem:$0x18840] =	vst v63  }
0x32a: {  	_ =	swait.ge [sflag:s19], $0x2000  }
0x32b: {  	[sflag:s19] =	ssyncset.done $0x0  }
0x32c: {  	s0 =	simm.s32 $0x0;
	[sflag:s19] =	ssyncadd.s32 $0xFFFFE000  }
0x32d: {  	v1 =	vld [tilespmem:s0+$0xC870]  }
0x32e: {  	v2 =	vld [tilespmem:s0+$0x14870]  }
0x32f: {  	v5 =	vld [tilespmem:s0+$0xC840]  }
0x330: {  	v6 =	vld [tilespmem:s0+$0x14840]  }
0x331: {  	v3 =	vld [tilespmem:s0+$0xC850]  }
0x332: {  	v4 =	vld [tilespmem:s0+$0x14850]  }
0x333: {  	v0 =	vld [tilespmem:s0+$0xC860];
	v7 =	vmul.f32 $7.812500000e-03, v1;
	v8 =	vmul.f32 $2.500000000e-01, v2  }
0x334: {  	s4 =	simm.s32 $0x40;
	v2 =	vld [tilespmem:s0+$0x14860]  }
0x335: {  	s5 =	simm.s32 $0x200;
	v5 =	vmul.f32 $7.812500000e-03, v5;
	v1 =	vld [tilespmem:s4+$0xC870];
	v6 =	vmul.f32 $2.500000000e-01, v6;
	v7 =	vadd.f32 v8, v7  }
.LBB2_26:
0x336: {  	p0 =	sne.s32 s5, $0x7F00;
	v8 =	vld [tilespmem:s4+$0x14870];
	v9 =	vmul.f32 $7.812500000e-03, v3  }
0x337: {  	v10 =	vld [tilespmem:s4+$0xC840];
	v5 =	vadd.f32 v6, v5;
	v4 =	vmul.f32 $2.500000000e-01, v4;
	[tilespmem:s0+$0x16870] =	vst v7  }
0x338: {  	v6 =	vld [tilespmem:s4+$0x14840];
	v7 =	vmul.f32 $7.812500000e-03, v0  }
.Ltmp12:
0x339: {  	v3 =	vld [tilespmem:s4+$0xC850];
	[tilespmem:s0+$0x16840] =	vst v5;
	v5 =	vadd.f32 v4, v9;
	v2 =	vmul.f32 $2.500000000e-01, v2;
	(pc) =	sbr.rel @p0 .LBB2_26-.Ltmp12, $4  }
0x33a: {  	v4 =	vld [tilespmem:s4+$0x14850]  }
0x33b: {  	v9 =	vmul.f32 $7.812500000e-03, v1;
	v0 =	vld [tilespmem:s4+$0xC860];
	v8 =	vmul.f32 $2.500000000e-01, v8;
	[tilespmem:s0+$0x16850] =	vst v5;
	v11 =	vadd.f32 v2, v7  }
0x33c: {  	s22 =	sshra.s32 s5, $0x2;
	v5 =	vmul.f32 $7.812500000e-03, v10;
	v2 =	vld [tilespmem:s4+$0x14860]  }
0x33d: {  	s5 =	sadd.s32 $0x100, s5;
	v1 =	vld [tilespmem:s22+$0xC870];
	v6 =	vmul.f32 $2.500000000e-01, v6;
	v7 =	vadd.f32 v8, v9;
	[tilespmem:s0+$0x16860] =	vst v11;
	s0 =	smov.u32 s4;
	s4 =	smov.u32 s22  }
0x33e: {  	v8 =	vld [tilespmem:s4+$0x14870]  }
0x33f: {  	v9 =	vld [tilespmem:s4+$0xC840];
	v3 =	vmul.f32 $7.812500000e-03, v3;
	[tilespmem:s0+$0x16870] =	vst v7;
	v5 =	vadd.f32 v6, v5;
	v4 =	vmul.f32 $2.500000000e-01, v4  }
0x340: {  	v57 =	vld [tilespmem:s4+$0x14840]  }
0x341: {  	v7 =	vld [tilespmem:s4+$0xC850];
	[tilespmem:s0+$0x16840] =	vst v5;
	v3 =	vadd.f32 v4, v3  }
0x342: {  	v58 =	vld [tilespmem:s4+$0x14850]  }
0x343: {  	v5 =	vld [tilespmem:s4+$0xC860];
	[tilespmem:s0+$0x16850] =	vst v3  }
0x344: {  	v3 =	vld [tilespmem:s4+$0x14860]  }
0x345: {  	v0 =	vmul.f32 $7.812500000e-03, v0;
	v2 =	vmul.f32 $2.500000000e-01, v2  }
0x346: {  	v1 =	vmul.f32 $7.812500000e-03, v1;
	v8 =	vmul.f32 $2.500000000e-01, v8  }
0x347: {  	v0 =	vadd.f32 v2, v0;
	v59 =	vmul.f32 $7.812500000e-03, v9;
	v6 =	vmul.f32 $2.500000000e-01, v57  }
0x348: {  	v1 =	vadd.f32 v8, v1;
	v7 =	vmul.f32 $7.812500000e-03, v7;
	v4 =	vmul.f32 $2.500000000e-01, v58  }
0x349: {  	[tilespmem:s0+$0x16860] =	vst v0;
	v60 =	vadd.f32 v6, v59;
	v61 =	vmul.f32 $7.812500000e-03, v5;
	v3 =	vmul.f32 $2.500000000e-01, v3  }
0x34a: {  	[tilespmem:s4+$0x16870] =	vst v1;
	v62 =	vadd.f32 v4, v7  }
0x34b: {  	s30 =	sadd.s32 $0x1, s30;
	[tilespmem:s4+$0x16840] =	vst v60;
	v63 =	vadd.f32 v3, v61  }
0x34c: {  	p0 =	sne.s32 s30, s17;
	[tilespmem:s4+$0x16850] =	vst v62  }
.Ltmp13:
0x34d: {  	[tilespmem:s4+$0x16860] =	vst v63;
	(pc) =	sbr.rel @p0 .LBB2_1-.Ltmp13, $4  }
0x34e: {  	[hbm4b:s16+s2] =	stream.linear.scatter [tilespmem:s28], [sflag:$0x3], $0x2000, $0x38;
	[tilespmem:$0x18840] =	vst v63  }
0x34f: {  	_ =	swait.ge [sflag:s19], $0x2000  }
0x350: {  	[sflag:s19] =	ssyncset.done $0x0  }
0x351: {  	s22 =	simm.s32 $0x2000;
	[sflag:s19] =	ssyncadd.s32 $0xFFFFE000  }
0x352: {  	_ =	sfence.sel $0x180000  }
0x353: {  	[bflag:$0x0] =	sbarrier.arrive $0xFFFF  }
0x354: {  	_ =	strace $0x90000047  }
0x355: {  	s0 =	stileid.u32;
	[bflag:$0x2] =	sbarrier.arrive $0xFFFF  }
0x356: {  	p0 =	sne.s32 s0, $0x0;
	s0 =	rddreg [dreg:$0x2]  }
0x357: {  	s0 =	sadd.s32 @!p0 $0x100000, s0  }
0x358: {  	[sflag:s0] =	ssyncadd.tile.s32 @!p0 $0x1;
	_ =	shalt  }
.Lfunc_end2:
_tile_overlayer_lowered:
.L_overlay_start_2:
0x359: {  	(tag) =	ssettag $0x2  }
0x35a: {  	s0 =	rddreg [dreg:$0x0];
	s2 =	stileid.u32  }
0x35b: {  	s1 =	rddreg [dreg:$0x1];
	p0 =	sne.s32 s2, $0x0  }
0x35c: {  	s3 =	rddreg [dreg:$0x2];
	[bflag:$0x3] =	sbarrier.arrive $0xFFFF;
	s2 =	simm.s32 @!p0 $0x1C03  }
0x35d: {  	[timem:s3], [sflag:s2] =	dma.local @!p0 [hbm:s0], s1  }
0x35e: {  	s0 =	simm.s32 @!p0 $0x3  }
0x35f: {  	_ =	swait.ge @!p0 [sflag:s0], s1  }
0x360: {  	s1 =	ssub.s32 @!p0 $0x0, s1;
	[sflag:s0] =	ssyncset.done @!p0 $0x0  }
0x361: {  	[sflag:s0] =	ssyncadd.s32 @!p0 s1  }
0x362: {  	[bflag:$0x3] =	sbarrier.arrive $0xFFFF  }
0x363: {  	_ =	shalt  }

</sc_bundles>
